<compile_context>
chip_gen: v7x
topology: tpu7x:2x2x1
jax: 0.10.2.dev20260603
libtpu: 0.0.44.dev20260713+nightly
codegen_flags: <defaults>
</compile_context>

<pallas_src>
import functools

import jax
import jax.numpy as jnp
from jax import lax
from jax.experimental import pallas as pl
from jax.experimental.pallas import tpu as pltpu
from jax.experimental.pallas import tpu_sc as plsc


def _lse_body(w_ref, lse_ref):
    w = w_ref[...]
    m = jnp.max(w, axis=1)
    lse_ref[...] = m + jnp.log(jnp.sum(jnp.exp(w - m[:, None]), axis=1))


def _row_lse(W):
    V = W.shape[0]
    return pl.pallas_call(
        _lse_body,
        out_shape=jax.ShapeDtypeStruct((V,), jnp.float32),
    )(W)


_LANES = 16


_LPAD = 64
_SPAD = 56
_VPAD = 1024


def _sc_gather(idx2, tgt2, Wp, lse, *, B, L, nw):
    V = Wp.shape[0]
    rows = B // nw
    mesh = plsc.VectorSubcoreMesh(core_axis_name="c", subcore_axis_name="s")
    info = plsc.get_sparse_core_info()
    nc = info.num_cores
    groups = (L + _LANES - 1) // _LANES

    @functools.partial(
        pl.kernel,
        mesh=mesh,
        compiler_params=pltpu.CompilerParams(
            use_tc_tiling_on_sc=True, needs_layout_passes=False),
        out_type=[
            jax.ShapeDtypeStruct((B, _SPAD, _VPAD), jnp.float32),
            jax.ShapeDtypeStruct((nw * 1024,), jnp.float32),
            jax.ShapeDtypeStruct((nw * 1024,), jnp.float32),
        ],
        scratch_types=[
            pltpu.VMEM((rows * _LPAD,), jnp.int32),
            pltpu.VMEM((rows * _LPAD,), jnp.int32),
            pltpu.VMEM((_VPAD,), jnp.float32),
            pltpu.VMEM((_SPAD, 8, 128), jnp.float32),
            pltpu.VMEM((_SPAD, 8, 128), jnp.float32),
            pltpu.VMEM((1024,), jnp.float32),
            pltpu.VMEM((1024,), jnp.float32),
            pltpu.SemaphoreType.DMA,
            pltpu.SemaphoreType.DMA,
            pltpu.SemaphoreType.DMA,
            pltpu.SemaphoreType.DMA,
        ],
    )
    def k(idx_hbm, tgt_hbm, w_hbm, lse_hbm, out_hbm, acc_hbm, cnt_hbm,
          idx_v, tgt_v, lse_v, buf0, buf1, acc_s, cnt_s,
          gsem0, gsem1, ssem0, ssem1):
        wid = lax.axis_index("s") * nc + lax.axis_index("c")
        nstg = rows * _LPAD
        bufs = (buf0, buf1)
        gsems = (gsem0, gsem1)
        ssems = (ssem0, ssem1)
        pltpu.sync_copy(idx_hbm.at[pl.ds(wid * nstg, nstg)], idx_v)
        pltpu.sync_copy(tgt_hbm.at[pl.ds(wid * nstg, nstg)], tgt_v)
        pltpu.sync_copy(lse_hbm, lse_v)
        acc_v = jnp.zeros((_LANES,), jnp.float32)
        cnt_v = jnp.zeros((_LANES,), jnp.float32)

        def gather(g, buf, sem):
            ilist = idx_v.at[pl.ds(g * _LPAD, L)]
            return pltpu.make_async_copy(
                w_hbm.at[ilist], buf.at[pl.ds(0, L)], sem)

        def store_one(g, buf, c, sem):
            b = wid * rows + g
            return pltpu.make_async_copy(
                buf.at[:, c], out_hbm.at[b, :, pl.ds(c * 128, 128)], sem)

        def store_all(g, buf, sem):
            for c in range(8):
                store_one(g, buf, c, sem).start()

        def store_wait(g, buf, sem):
            for c in range(8):
                store_one(g, buf, c, sem).wait()

        gather(0, buf0, gsem0).start()
        gather(1, buf1, gsem1).start()

        def step(i, carries):
            acc_c, cnt_c = carries
            for par in range(2):
                g = 2 * i + par
                buf, gsem, ssem = bufs[par], gsems[par], ssems[par]
                gather(g, buf, gsem).wait()
                store_all(g, buf, ssem)
                for j in range(groups):
                    sl = pl.ds(g * _LPAD + j * _LANES, _LANES)
                    lanes = jnp.arange(_LANES, dtype=jnp.int32) + j * _LANES
                    i16 = jnp.clip(idx_v[sl], 0, V - 1)
                    t16 = tgt_v[sl]
                    m = t16 != -1
                    tsafe = jnp.where(m, t16, 0)
                    row16 = jnp.minimum(lanes, L - 1)
                    wit = plsc.load_gather(
                        buf, [row16, tsafe >> 7, tsafe & 127])
                    ls16 = plsc.load_gather(lse_v, [i16])
                    acc_c = acc_c + jnp.where(m, wit - ls16, 0.0)
                    cnt_c = cnt_c + jnp.where(m, 1.0, 0.0)

                @pl.when(g + 2 < rows)
                def _refill():
                    store_wait(g, buf, ssem)
                    gather(g + 2, buf, gsem).start()

            return (acc_c, cnt_c)

        acc_v, cnt_v = lax.fori_loop(0, rows // 2, step, (acc_v, cnt_v))
        store_wait(rows - 2, buf0, ssem0)
        store_wait(rows - 1, buf1, ssem1)
        for j in range(1024 // _LANES):
            z = jnp.zeros((_LANES,), jnp.float32)
            acc_s[pl.ds(j * _LANES, _LANES)] = z
            cnt_s[pl.ds(j * _LANES, _LANES)] = z
        acc_s[pl.ds(0, _LANES)] = acc_v
        cnt_s[pl.ds(0, _LANES)] = cnt_v
        pltpu.sync_copy(acc_s, acc_hbm.at[pl.ds(wid * 1024, 1024)])
        pltpu.sync_copy(cnt_s, cnt_hbm.at[pl.ds(wid * 1024, 1024)])

    return k(idx2, tgt2, Wp, lse)


def _fin_body(acc_ref, cnt_ref, out_ref):
    s = jnp.sum(acc_ref[...])
    c = jnp.sum(cnt_ref[...])
    out_ref[...] = jnp.full((1, 1), -(s / jnp.maximum(c, 1.0)), jnp.float32)


def _finalize(acc, cnt):
    return pl.pallas_call(
        _fin_body,
        out_shape=jax.ShapeDtypeStruct((1, 1), jnp.float32),
    )(acc, cnt)


def kernel(idx, targets, W):
    B, L = idx.shape
    V = W.shape[0]
    info = plsc.get_sparse_core_info()
    nw = info.num_cores * info.num_subcores
    assert B % (2 * nw) == 0 and L <= _SPAD and V <= _VPAD

    rows = B // nw
    idx2 = jnp.pad(idx.astype(jnp.int32), ((0, 0), (0, _LPAD - L))
                   ).reshape(nw * rows * _LPAD)
    tgt2 = jnp.pad(targets.astype(jnp.int32), ((0, 0), (0, _LPAD - L)),
                   constant_values=-1).reshape(nw * rows * _LPAD)
    Wp = jnp.pad(W, ((0, 0), (0, _VPAD - V))).reshape(V, 8, 128)
    lse = jnp.pad(_row_lse(W), (0, _VPAD - V))
    raw, acc, cnt = _sc_gather(idx2, tgt2, Wp, lse, B=B, L=L, nw=nw)
    logits = raw[:, :L, :V]
    loss = _finalize(acc, cnt)[0, 0]
    return logits, loss

# --- scband reference (transcript-rebuilt; emitter-appended) ---
"""Pipeline reference for scband-bigram-naive-24618752540962 (READ-ONLY COPY).

The authoritative reference and input builder live on the scoring server;
editing this copy changes nothing except your own understanding.
"""

import jax, jax.numpy as jnp
import numpy as np

VOCAB = 1000
B, L = 1024, 50

def setup_inputs(seed: int = 0) -> dict:
    key = jax.random.key(seed)
    k1, k2, k3 = jax.random.split(key, 3)
    idx = jax.random.randint(k1, (B, L), 0, VOCAB)
    targets = jax.random.randint(k2, (B, L), 0, VOCAB)
    W = jax.random.normal(k3, (VOCAB, VOCAB), dtype=jnp.float32)
    return {"idx": idx, "targets": targets, "W": W}

def reference(idx, targets, W):
    V = W.shape[0]
    # logits = self.w[idx] : embedding-style row gather from [V, V] table
    logits = jnp.take(W, idx, axis=0)
    p = jax.nn.softmax(logits, axis=-1)
    p = p.reshape(-1, V)
    t = targets.reshape(-1)
    # boolean mask targets != -1 (data-dependent filter in torch; here expressed as masked mean)
    mask = (t != -1)
    t_safe = jnp.where(mask, t, 0)
    gathered = p[jnp.arange(t.shape[0]), t_safe]
    logp = jnp.log(gathered)
    loss = -(jnp.sum(jnp.where(mask, logp, 0.0)) / jnp.maximum(jnp.sum(mask), 1))
    return (logits, loss)

if __name__ == "__main__":
    import jax
    _d = setup_inputs()
    print(jax.jit(kernel)(*tuple(_d.values())))

</pallas_src>

<mosaic_0001>
#map = affine_map<(d0, d1) -> (0)>
#map1 = affine_map<(d0, d1) -> (0, 0, 0)>
module attributes {stable_mosaic.version = 14 : i64} {
  func.func @k(%arg0: i32, %arg1: i32, %arg2: memref<65536xi32, #tpu.memory_space<hbm>>, %arg3: memref<65536xi32, #tpu.memory_space<hbm>>, %arg4: memref<1000x8x128xf32, #tpu.memory_space<hbm>>, %arg5: memref<1024xf32, #tpu.memory_space<hbm>>, %arg6: memref<1024x56x1024xf32, #tpu.memory_space<hbm>>, %arg7: memref<32768xf32, #tpu.memory_space<hbm>>, %arg8: memref<32768xf32, #tpu.memory_space<hbm>>, %arg9: memref<2048xi32, #tpu.memory_space<vmem>>, %arg10: memref<2048xi32, #tpu.memory_space<vmem>>, %arg11: memref<1024xf32, #tpu.memory_space<vmem>>, %arg12: memref<56x8x128xf32, #tpu.memory_space<vmem>>, %arg13: memref<56x8x128xf32, #tpu.memory_space<vmem>>, %arg14: memref<1024xf32, #tpu.memory_space<vmem>>, %arg15: memref<1024xf32, #tpu.memory_space<vmem>>, %arg16: memref<!tpu.dma_semaphore, #tpu.memory_space<semaphore_mem>>, %arg17: memref<!tpu.dma_semaphore, #tpu.memory_space<semaphore_mem>>, %arg18: memref<!tpu.dma_semaphore, #tpu.memory_space<semaphore_mem>>, %arg19: memref<!tpu.dma_semaphore, #tpu.memory_space<semaphore_mem>>) attributes {dimension_semantics = [#tpu.dimension_semantics<core_parallel>, #tpu.dimension_semantics<subcore_parallel>], iteration_bounds = array<i64: 2, 16>, scalar_prefetch = 0 : i64, scratch_operands = 11 : i64, tpu.core_type = #tpu.core_type<sc_vector_subcore>, window_params = [{transform_indices = #map}, {transform_indices = #map}, {transform_indices = #map1}, {transform_indices = #map}, {transform_indices = #map1}, {transform_indices = #map}, {transform_indices = #map}]} {
    %mul3A = arith.constant 2 : i32
    %mul3A_0 = arith.muli %arg1, %mul3A : i32
    %add3A = arith.addi %mul3A_0, %arg0 : i32
    %mul3A_1 = arith.constant 2048 : i32
    %mul3A_2 = arith.muli %add3A, %mul3A_1 : i32
    "tpu.region"() ({
      %run_scoped3A = tpu.sem_alloc : memref<!tpu.dma_semaphore, #tpu.memory_space<semaphore_mem>>
      %dma_start3A_758 = tpu.memref_slice %arg2[%mul3A_2] : memref<65536xi32, #tpu.memory_space<hbm>> -> memref<2048xi32, #tpu.memory_space<hbm>>
      %dma_start3A_759 = tpu.memref_slice %arg2[%mul3A_2] : memref<65536xi32, #tpu.memory_space<hbm>> -> memref<2048xi32, #tpu.memory_space<hbm>>
      tpu.enqueue_dma source(%dma_start3A_759 : memref<2048xi32, #tpu.memory_space<hbm>>) target(%arg9 : memref<2048xi32, #tpu.memory_space<vmem>>) target_semaphore(%run_scoped3A : memref<!tpu.dma_semaphore, #tpu.memory_space<semaphore_mem>>)
      %dma_wait3A_760 = tpu.memref_slice %arg2[%mul3A_2] : memref<65536xi32, #tpu.memory_space<hbm>> -> memref<2048xi32, #tpu.memory_space<hbm>>
      %dma_wait3A_761 = tpu.memref_slice %arg2[%mul3A_2] : memref<65536xi32, #tpu.memory_space<hbm>> -> memref<2048xi32, #tpu.memory_space<hbm>>
      tpu.wait_dma2 semaphore(%run_scoped3A : memref<!tpu.dma_semaphore, #tpu.memory_space<semaphore_mem>>) src(%dma_wait3A_761 : memref<2048xi32, #tpu.memory_space<hbm>>) dst(%arg9 : memref<2048xi32, #tpu.memory_space<vmem>>)
      tpu.yield
    }) : () -> ()
    %mul3A_3 = arith.constant 2048 : i32
    %mul3A_4 = arith.muli %add3A, %mul3A_3 : i32
    "tpu.region"() ({
      %run_scoped3A = tpu.sem_alloc : memref<!tpu.dma_semaphore, #tpu.memory_space<semaphore_mem>>
      %dma_start3A_758 = tpu.memref_slice %arg3[%mul3A_4] : memref<65536xi32, #tpu.memory_space<hbm>> -> memref<2048xi32, #tpu.memory_space<hbm>>
      %dma_start3A_759 = tpu.memref_slice %arg3[%mul3A_4] : memref<65536xi32, #tpu.memory_space<hbm>> -> memref<2048xi32, #tpu.memory_space<hbm>>
      tpu.enqueue_dma source(%dma_start3A_759 : memref<2048xi32, #tpu.memory_space<hbm>>) target(%arg10 : memref<2048xi32, #tpu.memory_space<vmem>>) target_semaphore(%run_scoped3A : memref<!tpu.dma_semaphore, #tpu.memory_space<semaphore_mem>>)
      %dma_wait3A_760 = tpu.memref_slice %arg3[%mul3A_4] : memref<65536xi32, #tpu.memory_space<hbm>> -> memref<2048xi32, #tpu.memory_space<hbm>>
      %dma_wait3A_761 = tpu.memref_slice %arg3[%mul3A_4] : memref<65536xi32, #tpu.memory_space<hbm>> -> memref<2048xi32, #tpu.memory_space<hbm>>
      tpu.wait_dma2 semaphore(%run_scoped3A : memref<!tpu.dma_semaphore, #tpu.memory_space<semaphore_mem>>) src(%dma_wait3A_761 : memref<2048xi32, #tpu.memory_space<hbm>>) dst(%arg10 : memref<2048xi32, #tpu.memory_space<vmem>>)
      tpu.yield
    }) : () -> ()
    "tpu.region"() ({
      %run_scoped3A = tpu.sem_alloc : memref<!tpu.dma_semaphore, #tpu.memory_space<semaphore_mem>>
      tpu.enqueue_dma source(%arg5 : memref<1024xf32, #tpu.memory_space<hbm>>) target(%arg11 : memref<1024xf32, #tpu.memory_space<vmem>>) target_semaphore(%run_scoped3A : memref<!tpu.dma_semaphore, #tpu.memory_space<semaphore_mem>>)
      tpu.wait_dma2 semaphore(%run_scoped3A : memref<!tpu.dma_semaphore, #tpu.memory_space<semaphore_mem>>) src(%arg5 : memref<1024xf32, #tpu.memory_space<hbm>>) dst(%arg11 : memref<1024xf32, #tpu.memory_space<vmem>>)
      tpu.yield
    }) : () -> ()
    %broadcast_in_dim3A = arith.constant 0.000000e+00 : f32
    %broadcast_in_dim3A_5 = vector.broadcast %broadcast_in_dim3A : f32 to vector<16xf32>
    %broadcast_in_dim3A_6 = arith.constant 0.000000e+00 : f32
    %broadcast_in_dim3A_7 = vector.broadcast %broadcast_in_dim3A_6 : f32 to vector<16xf32>
    %dma_start3A = arith.constant 0 : i32
    %dma_start3A_8 = arith.constant 0 : i32
    %dma_start3A_9 = arith.constant 0 : i32
    %dma_start3A_10 = tpu.memref_slice %arg12[%dma_start3A, %dma_start3A_8, %dma_start3A_9] : memref<56x8x128xf32, #tpu.memory_space<vmem>> -> memref<50x8x128xf32, #tpu.memory_space<vmem>>
    %dma_start3A_11 = arith.constant 0 : i32
    %dma_start3A_12 = tpu.memref_slice %arg9[%dma_start3A_11] : memref<2048xi32, #tpu.memory_space<vmem>> -> memref<50xi32, #tpu.memory_space<vmem>>
    %dma_start3A_13 = arith.constant 0 : i32
    %dma_start3A_14 = arith.constant 0 : i32
    %dma_start3A_15 = arith.constant 0 : i32
    %dma_start3A_16 = tpu.memref_slice %arg4[%dma_start3A_13, %dma_start3A_14, %dma_start3A_15] : memref<1000x8x128xf32, #tpu.memory_space<hbm>> -> memref<1000x8x128xf32, #tpu.memory_space<hbm>>
    tpu.enqueue_indirect_dma source(%dma_start3A_16 : memref<1000x8x128xf32, #tpu.memory_space<hbm>>) target(%dma_start3A_10 : memref<50x8x128xf32, #tpu.memory_space<vmem>>) offsets(%dma_start3A_12 : memref<50xi32, #tpu.memory_space<vmem>>) semaphore(%arg16 : memref<!tpu.dma_semaphore, #tpu.memory_space<semaphore_mem>>)
    %dma_start3A_17 = arith.constant 0 : i32
    %dma_start3A_18 = arith.constant 0 : i32
    %dma_start3A_19 = arith.constant 0 : i32
    %dma_start3A_20 = tpu.memref_slice %arg13[%dma_start3A_17, %dma_start3A_18, %dma_start3A_19] : memref<56x8x128xf32, #tpu.memory_space<vmem>> -> memref<50x8x128xf32, #tpu.memory_space<vmem>>
    %dma_start3A_21 = arith.constant 64 : i32
    %dma_start3A_22 = tpu.memref_slice %arg9[%dma_start3A_21] : memref<2048xi32, #tpu.memory_space<vmem>> -> memref<50xi32, #tpu.memory_space<vmem>>
    %dma_start3A_23 = arith.constant 0 : i32
    %dma_start3A_24 = arith.constant 0 : i32
    %dma_start3A_25 = arith.constant 0 : i32
    %dma_start3A_26 = tpu.memref_slice %arg4[%dma_start3A_23, %dma_start3A_24, %dma_start3A_25] : memref<1000x8x128xf32, #tpu.memory_space<hbm>> -> memref<1000x8x128xf32, #tpu.memory_space<hbm>>
    tpu.enqueue_indirect_dma source(%dma_start3A_26 : memref<1000x8x128xf32, #tpu.memory_space<hbm>>) target(%dma_start3A_20 : memref<50x8x128xf32, #tpu.memory_space<vmem>>) offsets(%dma_start3A_22 : memref<50xi32, #tpu.memory_space<vmem>>) semaphore(%arg17 : memref<!tpu.dma_semaphore, #tpu.memory_space<semaphore_mem>>)
    %scan3A = arith.constant 0 : i32
    %scan3A_27 = arith.constant 16 : i32
    %scan3A_28 = arith.addi %scan3A, %scan3A_27 : i32
    %scan3A_29 = arith.constant 1 : i32
    %scan3A_30:2 = scf.for %scan3A_758 = %scan3A to %scan3A_28 step %scan3A_29 iter_args(%scan3A_759 = %broadcast_in_dim3A_5, %scan3A_760 = %broadcast_in_dim3A_7) -> (vector<16xf32>, vector<16xf32>)  : i32 {
      %mul3A_761 = arith.constant 2 : i32
      %mul3A_762 = arith.muli %mul3A_761, %scan3A_758 : i32
      %add3A_763 = arith.constant 0 : i32
      %add3A_764 = arith.addi %mul3A_762, %add3A_763 : i32
      %mul3A_765 = arith.constant 64 : i32
      %mul3A_766 = arith.muli %add3A_764, %mul3A_765 : i32
      %dma_wait3A_767 = arith.constant 0 : i32
      %dma_wait3A_768 = arith.constant 0 : i32
      %dma_wait3A_769 = arith.constant 0 : i32
      %dma_wait3A_770 = tpu.memref_slice %arg12[%dma_wait3A_767, %dma_wait3A_768, %dma_wait3A_769] : memref<56x8x128xf32, #tpu.memory_space<vmem>> -> memref<50x8x128xf32, #tpu.memory_space<vmem>>
      %dma_wait3A_771 = tpu.memref_slice %arg9[%mul3A_766] : memref<2048xi32, #tpu.memory_space<vmem>> -> memref<50xi32, #tpu.memory_space<vmem>>
      %dma_wait3A_772 = arith.constant 0 : i32
      %dma_wait3A_773 = arith.constant 0 : i32
      %dma_wait3A_774 = arith.constant 0 : i32
      %dma_wait3A_775 = tpu.memref_slice %arg4[%dma_wait3A_772, %dma_wait3A_773, %dma_wait3A_774] : memref<1000x8x128xf32, #tpu.memory_space<hbm>> -> memref<1000x8x128xf32, #tpu.memory_space<hbm>>
      tpu.wait_indirect_dma semaphore(%arg16 : memref<!tpu.dma_semaphore, #tpu.memory_space<semaphore_mem>>) src(%dma_wait3A_775 : memref<1000x8x128xf32, #tpu.memory_space<hbm>>) dst(%dma_wait3A_770 : memref<50x8x128xf32, #tpu.memory_space<vmem>>)
      %mul3A_776 = arith.constant 32 : i32
      %mul3A_777 = arith.muli %add3A, %mul3A_776 : i32
      %add3A_778 = arith.addi %mul3A_777, %add3A_764 : i32
      %dma_start3A_779 = arith.constant 0 : i32
      %dma_start3A_780 = arith.constant 0 : i32
      %dma_start3A_781 = arith.constant 0 : i32
      %dma_start3A_782 = tpu.memref_slice %arg12[%dma_start3A_780, %dma_start3A_779, %dma_start3A_781] : memref<56x8x128xf32, #tpu.memory_space<vmem>> -> memref<56x1x128xf32, #tpu.memory_space<vmem>>
      %dma_start3A_783 = tpu.memref_squeeze %dma_start3A_782 : memref<56x1x128xf32, #tpu.memory_space<vmem>> -> memref<56x128xf32, #tpu.memory_space<vmem>>
      %dma_start3A_784 = arith.constant 0 : i32
      %dma_start3A_785 = arith.constant 0 : i32
      %dma_start3A_786 = tpu.memref_slice %arg6[%add3A_778, %dma_start3A_784, %dma_start3A_785] : memref<1024x56x1024xf32, #tpu.memory_space<hbm>> -> memref<1x56x128xf32, #tpu.memory_space<hbm>>
      %dma_start3A_787 = tpu.memref_squeeze %dma_start3A_786 : memref<1x56x128xf32, #tpu.memory_space<hbm>> -> memref<56x128xf32, #tpu.memory_space<hbm>>
      %dma_start3A_788 = arith.constant 0 : i32
      %dma_start3A_789 = arith.constant 0 : i32
      %dma_start3A_790 = tpu.memref_slice %arg6[%add3A_778, %dma_start3A_788, %dma_start3A_789] : memref<1024x56x1024xf32, #tpu.memory_space<hbm>> -> memref<1x56x128xf32, #tpu.memory_space<hbm>>
      %dma_start3A_791 = tpu.memref_squeeze %dma_start3A_790 : memref<1x56x128xf32, #tpu.memory_space<hbm>> -> memref<56x128xf32, #tpu.memory_space<hbm>>
      %dma_start3A_792 = arith.constant 0 : i32
      %dma_start3A_793 = arith.constant 0 : i32
      %dma_start3A_794 = tpu.memref_slice %arg12[%dma_start3A_792, %dma_start3A_779, %dma_start3A_793] : memref<56x8x128xf32, #tpu.memory_space<vmem>> -> memref<56x1x128xf32, #tpu.memory_space<vmem>>
      %dma_start3A_795 = tpu.memref_squeeze %dma_start3A_794 : memref<56x1x128xf32, #tpu.memory_space<vmem>> -> memref<56x128xf32, #tpu.memory_space<vmem>>
      tpu.enqueue_dma source(%dma_start3A_795 : memref<56x128xf32, #tpu.memory_space<vmem>>) target(%dma_start3A_791 : memref<56x128xf32, #tpu.memory_space<hbm>>) target_semaphore(%arg18 : memref<!tpu.dma_semaphore, #tpu.memory_space<semaphore_mem>>)
      %mul3A_796 = arith.constant 32 : i32
      %mul3A_797 = arith.muli %add3A, %mul3A_796 : i32
      %add3A_798 = arith.addi %mul3A_797, %add3A_764 : i32
      %dma_start3A_799 = arith.constant 1 : i32
      %dma_start3A_800 = arith.constant 0 : i32
      %dma_start3A_801 = arith.constant 0 : i32
      %dma_start3A_802 = tpu.memref_slice %arg12[%dma_start3A_800, %dma_start3A_799, %dma_start3A_801] : memref<56x8x128xf32, #tpu.memory_space<vmem>> -> memref<56x1x128xf32, #tpu.memory_space<vmem>>
      %dma_start3A_803 = tpu.memref_squeeze %dma_start3A_802 : memref<56x1x128xf32, #tpu.memory_space<vmem>> -> memref<56x128xf32, #tpu.memory_space<vmem>>
      %dma_start3A_804 = arith.constant 0 : i32
      %dma_start3A_805 = arith.constant 128 : i32
      %dma_start3A_806 = tpu.memref_slice %arg6[%add3A_798, %dma_start3A_804, %dma_start3A_805] : memref<1024x56x1024xf32, #tpu.memory_space<hbm>> -> memref<1x56x128xf32, #tpu.memory_space<hbm>>
      %dma_start3A_807 = tpu.memref_squeeze %dma_start3A_806 : memref<1x56x128xf32, #tpu.memory_space<hbm>> -> memref<56x128xf32, #tpu.memory_space<hbm>>
      %dma_start3A_808 = arith.constant 0 : i32
      %dma_start3A_809 = arith.constant 128 : i32
      %dma_start3A_810 = tpu.memref_slice %arg6[%add3A_798, %dma_start3A_808, %dma_start3A_809] : memref<1024x56x1024xf32, #tpu.memory_space<hbm>> -> memref<1x56x128xf32, #tpu.memory_space<hbm>>
      %dma_start3A_811 = tpu.memref_squeeze %dma_start3A_810 : memref<1x56x128xf32, #tpu.memory_space<hbm>> -> memref<56x128xf32, #tpu.memory_space<hbm>>
      %dma_start3A_812 = arith.constant 0 : i32
      %dma_start3A_813 = arith.constant 0 : i32
      %dma_start3A_814 = tpu.memref_slice %arg12[%dma_start3A_812, %dma_start3A_799, %dma_start3A_813] : memref<56x8x128xf32, #tpu.memory_space<vmem>> -> memref<56x1x128xf32, #tpu.memory_space<vmem>>
      %dma_start3A_815 = tpu.memref_squeeze %dma_start3A_814 : memref<56x1x128xf32, #tpu.memory_space<vmem>> -> memref<56x128xf32, #tpu.memory_space<vmem>>
      tpu.enqueue_dma source(%dma_start3A_815 : memref<56x128xf32, #tpu.memory_space<vmem>>) target(%dma_start3A_811 : memref<56x128xf32, #tpu.memory_space<hbm>>) target_semaphore(%arg18 : memref<!tpu.dma_semaphore, #tpu.memory_space<semaphore_mem>>)
      %mul3A_816 = arith.constant 32 : i32
      %mul3A_817 = arith.muli %add3A, %mul3A_816 : i32
      %add3A_818 = arith.addi %mul3A_817, %add3A_764 : i32
      %dma_start3A_819 = arith.constant 2 : i32
      %dma_start3A_820 = arith.constant 0 : i32
      %dma_start3A_821 = arith.constant 0 : i32
      %dma_start3A_822 = tpu.memref_slice %arg12[%dma_start3A_820, %dma_start3A_819, %dma_start3A_821] : memref<56x8x128xf32, #tpu.memory_space<vmem>> -> memref<56x1x128xf32, #tpu.memory_space<vmem>>
      %dma_start3A_823 = tpu.memref_squeeze %dma_start3A_822 : memref<56x1x128xf32, #tpu.memory_space<vmem>> -> memref<56x128xf32, #tpu.memory_space<vmem>>
      %dma_start3A_824 = arith.constant 0 : i32
      %dma_start3A_825 = arith.constant 256 : i32
      %dma_start3A_826 = tpu.memref_slice %arg6[%add3A_818, %dma_start3A_824, %dma_start3A_825] : memref<1024x56x1024xf32, #tpu.memory_space<hbm>> -> memref<1x56x128xf32, #tpu.memory_space<hbm>>
      %dma_start3A_827 = tpu.memref_squeeze %dma_start3A_826 : memref<1x56x128xf32, #tpu.memory_space<hbm>> -> memref<56x128xf32, #tpu.memory_space<hbm>>
      %dma_start3A_828 = arith.constant 0 : i32
      %dma_start3A_829 = arith.constant 256 : i32
      %dma_start3A_830 = tpu.memref_slice %arg6[%add3A_818, %dma_start3A_828, %dma_start3A_829] : memref<1024x56x1024xf32, #tpu.memory_space<hbm>> -> memref<1x56x128xf32, #tpu.memory_space<hbm>>
      %dma_start3A_831 = tpu.memref_squeeze %dma_start3A_830 : memref<1x56x128xf32, #tpu.memory_space<hbm>> -> memref<56x128xf32, #tpu.memory_space<hbm>>
      %dma_start3A_832 = arith.constant 0 : i32
      %dma_start3A_833 = arith.constant 0 : i32
      %dma_start3A_834 = tpu.memref_slice %arg12[%dma_start3A_832, %dma_start3A_819, %dma_start3A_833] : memref<56x8x128xf32, #tpu.memory_space<vmem>> -> memref<56x1x128xf32, #tpu.memory_space<vmem>>
      %dma_start3A_835 = tpu.memref_squeeze %dma_start3A_834 : memref<56x1x128xf32, #tpu.memory_space<vmem>> -> memref<56x128xf32, #tpu.memory_space<vmem>>
      tpu.enqueue_dma source(%dma_start3A_835 : memref<56x128xf32, #tpu.memory_space<vmem>>) target(%dma_start3A_831 : memref<56x128xf32, #tpu.memory_space<hbm>>) target_semaphore(%arg18 : memref<!tpu.dma_semaphore, #tpu.memory_space<semaphore_mem>>)
      %mul3A_836 = arith.constant 32 : i32
      %mul3A_837 = arith.muli %add3A, %mul3A_836 : i32
      %add3A_838 = arith.addi %mul3A_837, %add3A_764 : i32
      %dma_start3A_839 = arith.constant 3 : i32
      %dma_start3A_840 = arith.constant 0 : i32
      %dma_start3A_841 = arith.constant 0 : i32
      %dma_start3A_842 = tpu.memref_slice %arg12[%dma_start3A_840, %dma_start3A_839, %dma_start3A_841] : memref<56x8x128xf32, #tpu.memory_space<vmem>> -> memref<56x1x128xf32, #tpu.memory_space<vmem>>
      %dma_start3A_843 = tpu.memref_squeeze %dma_start3A_842 : memref<56x1x128xf32, #tpu.memory_space<vmem>> -> memref<56x128xf32, #tpu.memory_space<vmem>>
      %dma_start3A_844 = arith.constant 0 : i32
      %dma_start3A_845 = arith.constant 384 : i32
      %dma_start3A_846 = tpu.memref_slice %arg6[%add3A_838, %dma_start3A_844, %dma_start3A_845] : memref<1024x56x1024xf32, #tpu.memory_space<hbm>> -> memref<1x56x128xf32, #tpu.memory_space<hbm>>
      %dma_start3A_847 = tpu.memref_squeeze %dma_start3A_846 : memref<1x56x128xf32, #tpu.memory_space<hbm>> -> memref<56x128xf32, #tpu.memory_space<hbm>>
      %dma_start3A_848 = arith.constant 0 : i32
      %dma_start3A_849 = arith.constant 384 : i32
      %dma_start3A_850 = tpu.memref_slice %arg6[%add3A_838, %dma_start3A_848, %dma_start3A_849] : memref<1024x56x1024xf32, #tpu.memory_space<hbm>> -> memref<1x56x128xf32, #tpu.memory_space<hbm>>
      %dma_start3A_851 = tpu.memref_squeeze %dma_start3A_850 : memref<1x56x128xf32, #tpu.memory_space<hbm>> -> memref<56x128xf32, #tpu.memory_space<hbm>>
      %dma_start3A_852 = arith.constant 0 : i32
      %dma_start3A_853 = arith.constant 0 : i32
      %dma_start3A_854 = tpu.memref_slice %arg12[%dma_start3A_852, %dma_start3A_839, %dma_start3A_853] : memref<56x8x128xf32, #tpu.memory_space<vmem>> -> memref<56x1x128xf32, #tpu.memory_space<vmem>>
      %dma_start3A_855 = tpu.memref_squeeze %dma_start3A_854 : memref<56x1x128xf32, #tpu.memory_space<vmem>> -> memref<56x128xf32, #tpu.memory_space<vmem>>
      tpu.enqueue_dma source(%dma_start3A_855 : memref<56x128xf32, #tpu.memory_space<vmem>>) target(%dma_start3A_851 : memref<56x128xf32, #tpu.memory_space<hbm>>) target_semaphore(%arg18 : memref<!tpu.dma_semaphore, #tpu.memory_space<semaphore_mem>>)
      %mul3A_856 = arith.constant 32 : i32
      %mul3A_857 = arith.muli %add3A, %mul3A_856 : i32
      %add3A_858 = arith.addi %mul3A_857, %add3A_764 : i32
      %dma_start3A_859 = arith.constant 4 : i32
      %dma_start3A_860 = arith.constant 0 : i32
      %dma_start3A_861 = arith.constant 0 : i32
      %dma_start3A_862 = tpu.memref_slice %arg12[%dma_start3A_860, %dma_start3A_859, %dma_start3A_861] : memref<56x8x128xf32, #tpu.memory_space<vmem>> -> memref<56x1x128xf32, #tpu.memory_space<vmem>>
      %dma_start3A_863 = tpu.memref_squeeze %dma_start3A_862 : memref<56x1x128xf32, #tpu.memory_space<vmem>> -> memref<56x128xf32, #tpu.memory_space<vmem>>
      %dma_start3A_864 = arith.constant 0 : i32
      %dma_start3A_865 = arith.constant 512 : i32
      %dma_start3A_866 = tpu.memref_slice %arg6[%add3A_858, %dma_start3A_864, %dma_start3A_865] : memref<1024x56x1024xf32, #tpu.memory_space<hbm>> -> memref<1x56x128xf32, #tpu.memory_space<hbm>>
      %dma_start3A_867 = tpu.memref_squeeze %dma_start3A_866 : memref<1x56x128xf32, #tpu.memory_space<hbm>> -> memref<56x128xf32, #tpu.memory_space<hbm>>
      %dma_start3A_868 = arith.constant 0 : i32
      %dma_start3A_869 = arith.constant 512 : i32
      %dma_start3A_870 = tpu.memref_slice %arg6[%add3A_858, %dma_start3A_868, %dma_start3A_869] : memref<1024x56x1024xf32, #tpu.memory_space<hbm>> -> memref<1x56x128xf32, #tpu.memory_space<hbm>>
      %dma_start3A_871 = tpu.memref_squeeze %dma_start3A_870 : memref<1x56x128xf32, #tpu.memory_space<hbm>> -> memref<56x128xf32, #tpu.memory_space<hbm>>
      %dma_start3A_872 = arith.constant 0 : i32
      %dma_start3A_873 = arith.constant 0 : i32
      %dma_start3A_874 = tpu.memref_slice %arg12[%dma_start3A_872, %dma_start3A_859, %dma_start3A_873] : memref<56x8x128xf32, #tpu.memory_space<vmem>> -> memref<56x1x128xf32, #tpu.memory_space<vmem>>
      %dma_start3A_875 = tpu.memref_squeeze %dma_start3A_874 : memref<56x1x128xf32, #tpu.memory_space<vmem>> -> memref<56x128xf32, #tpu.memory_space<vmem>>
      tpu.enqueue_dma source(%dma_start3A_875 : memref<56x128xf32, #tpu.memory_space<vmem>>) target(%dma_start3A_871 : memref<56x128xf32, #tpu.memory_space<hbm>>) target_semaphore(%arg18 : memref<!tpu.dma_semaphore, #tpu.memory_space<semaphore_mem>>)
      %mul3A_876 = arith.constant 32 : i32
      %mul3A_877 = arith.muli %add3A, %mul3A_876 : i32
      %add3A_878 = arith.addi %mul3A_877, %add3A_764 : i32
      %dma_start3A_879 = arith.constant 5 : i32
      %dma_start3A_880 = arith.constant 0 : i32
      %dma_start3A_881 = arith.constant 0 : i32
      %dma_start3A_882 = tpu.memref_slice %arg12[%dma_start3A_880, %dma_start3A_879, %dma_start3A_881] : memref<56x8x128xf32, #tpu.memory_space<vmem>> -> memref<56x1x128xf32, #tpu.memory_space<vmem>>
      %dma_start3A_883 = tpu.memref_squeeze %dma_start3A_882 : memref<56x1x128xf32, #tpu.memory_space<vmem>> -> memref<56x128xf32, #tpu.memory_space<vmem>>
      %dma_start3A_884 = arith.constant 0 : i32
      %dma_start3A_885 = arith.constant 640 : i32
      %dma_start3A_886 = tpu.memref_slice %arg6[%add3A_878, %dma_start3A_884, %dma_start3A_885] : memref<1024x56x1024xf32, #tpu.memory_space<hbm>> -> memref<1x56x128xf32, #tpu.memory_space<hbm>>
      %dma_start3A_887 = tpu.memref_squeeze %dma_start3A_886 : memref<1x56x128xf32, #tpu.memory_space<hbm>> -> memref<56x128xf32, #tpu.memory_space<hbm>>
      %dma_start3A_888 = arith.constant 0 : i32
      %dma_start3A_889 = arith.constant 640 : i32
      %dma_start3A_890 = tpu.memref_slice %arg6[%add3A_878, %dma_start3A_888, %dma_start3A_889] : memref<1024x56x1024xf32, #tpu.memory_space<hbm>> -> memref<1x56x128xf32, #tpu.memory_space<hbm>>
      %dma_start3A_891 = tpu.memref_squeeze %dma_start3A_890 : memref<1x56x128xf32, #tpu.memory_space<hbm>> -> memref<56x128xf32, #tpu.memory_space<hbm>>
      %dma_start3A_892 = arith.constant 0 : i32
      %dma_start3A_893 = arith.constant 0 : i32
      %dma_start3A_894 = tpu.memref_slice %arg12[%dma_start3A_892, %dma_start3A_879, %dma_start3A_893] : memref<56x8x128xf32, #tpu.memory_space<vmem>> -> memref<56x1x128xf32, #tpu.memory_space<vmem>>
      %dma_start3A_895 = tpu.memref_squeeze %dma_start3A_894 : memref<56x1x128xf32, #tpu.memory_space<vmem>> -> memref<56x128xf32, #tpu.memory_space<vmem>>
      tpu.enqueue_dma source(%dma_start3A_895 : memref<56x128xf32, #tpu.memory_space<vmem>>) target(%dma_start3A_891 : memref<56x128xf32, #tpu.memory_space<hbm>>) target_semaphore(%arg18 : memref<!tpu.dma_semaphore, #tpu.memory_space<semaphore_mem>>)
      %mul3A_896 = arith.constant 32 : i32
      %mul3A_897 = arith.muli %add3A, %mul3A_896 : i32
      %add3A_898 = arith.addi %mul3A_897, %add3A_764 : i32
      %dma_start3A_899 = arith.constant 6 : i32
      %dma_start3A_900 = arith.constant 0 : i32
      %dma_start3A_901 = arith.constant 0 : i32
      %dma_start3A_902 = tpu.memref_slice %arg12[%dma_start3A_900, %dma_start3A_899, %dma_start3A_901] : memref<56x8x128xf32, #tpu.memory_space<vmem>> -> memref<56x1x128xf32, #tpu.memory_space<vmem>>
      %dma_start3A_903 = tpu.memref_squeeze %dma_start3A_902 : memref<56x1x128xf32, #tpu.memory_space<vmem>> -> memref<56x128xf32, #tpu.memory_space<vmem>>
      %dma_start3A_904 = arith.constant 0 : i32
      %dma_start3A_905 = arith.constant 768 : i32
      %dma_start3A_906 = tpu.memref_slice %arg6[%add3A_898, %dma_start3A_904, %dma_start3A_905] : memref<1024x56x1024xf32, #tpu.memory_space<hbm>> -> memref<1x56x128xf32, #tpu.memory_space<hbm>>
      %dma_start3A_907 = tpu.memref_squeeze %dma_start3A_906 : memref<1x56x128xf32, #tpu.memory_space<hbm>> -> memref<56x128xf32, #tpu.memory_space<hbm>>
      %dma_start3A_908 = arith.constant 0 : i32
      %dma_start3A_909 = arith.constant 768 : i32
      %dma_start3A_910 = tpu.memref_slice %arg6[%add3A_898, %dma_start3A_908, %dma_start3A_909] : memref<1024x56x1024xf32, #tpu.memory_space<hbm>> -> memref<1x56x128xf32, #tpu.memory_space<hbm>>
      %dma_start3A_911 = tpu.memref_squeeze %dma_start3A_910 : memref<1x56x128xf32, #tpu.memory_space<hbm>> -> memref<56x128xf32, #tpu.memory_space<hbm>>
      %dma_start3A_912 = arith.constant 0 : i32
      %dma_start3A_913 = arith.constant 0 : i32
      %dma_start3A_914 = tpu.memref_slice %arg12[%dma_start3A_912, %dma_start3A_899, %dma_start3A_913] : memref<56x8x128xf32, #tpu.memory_space<vmem>> -> memref<56x1x128xf32, #tpu.memory_space<vmem>>
      %dma_start3A_915 = tpu.memref_squeeze %dma_start3A_914 : memref<56x1x128xf32, #tpu.memory_space<vmem>> -> memref<56x128xf32, #tpu.memory_space<vmem>>
      tpu.enqueue_dma source(%dma_start3A_915 : memref<56x128xf32, #tpu.memory_space<vmem>>) target(%dma_start3A_911 : memref<56x128xf32, #tpu.memory_space<hbm>>) target_semaphore(%arg18 : memref<!tpu.dma_semaphore, #tpu.memory_space<semaphore_mem>>)
      %mul3A_916 = arith.constant 32 : i32
      %mul3A_917 = arith.muli %add3A, %mul3A_916 : i32
      %add3A_918 = arith.addi %mul3A_917, %add3A_764 : i32
      %dma_start3A_919 = arith.constant 7 : i32
      %dma_start3A_920 = arith.constant 0 : i32
      %dma_start3A_921 = arith.constant 0 : i32
      %dma_start3A_922 = tpu.memref_slice %arg12[%dma_start3A_920, %dma_start3A_919, %dma_start3A_921] : memref<56x8x128xf32, #tpu.memory_space<vmem>> -> memref<56x1x128xf32, #tpu.memory_space<vmem>>
      %dma_start3A_923 = tpu.memref_squeeze %dma_start3A_922 : memref<56x1x128xf32, #tpu.memory_space<vmem>> -> memref<56x128xf32, #tpu.memory_space<vmem>>
      %dma_start3A_924 = arith.constant 0 : i32
      %dma_start3A_925 = arith.constant 896 : i32
      %dma_start3A_926 = tpu.memref_slice %arg6[%add3A_918, %dma_start3A_924, %dma_start3A_925] : memref<1024x56x1024xf32, #tpu.memory_space<hbm>> -> memref<1x56x128xf32, #tpu.memory_space<hbm>>
      %dma_start3A_927 = tpu.memref_squeeze %dma_start3A_926 : memref<1x56x128xf32, #tpu.memory_space<hbm>> -> memref<56x128xf32, #tpu.memory_space<hbm>>
      %dma_start3A_928 = arith.constant 0 : i32
      %dma_start3A_929 = arith.constant 896 : i32
      %dma_start3A_930 = tpu.memref_slice %arg6[%add3A_918, %dma_start3A_928, %dma_start3A_929] : memref<1024x56x1024xf32, #tpu.memory_space<hbm>> -> memref<1x56x128xf32, #tpu.memory_space<hbm>>
      %dma_start3A_931 = tpu.memref_squeeze %dma_start3A_930 : memref<1x56x128xf32, #tpu.memory_space<hbm>> -> memref<56x128xf32, #tpu.memory_space<hbm>>
      %dma_start3A_932 = arith.constant 0 : i32
      %dma_start3A_933 = arith.constant 0 : i32
      %dma_start3A_934 = tpu.memref_slice %arg12[%dma_start3A_932, %dma_start3A_919, %dma_start3A_933] : memref<56x8x128xf32, #tpu.memory_space<vmem>> -> memref<56x1x128xf32, #tpu.memory_space<vmem>>
      %dma_start3A_935 = tpu.memref_squeeze %dma_start3A_934 : memref<56x1x128xf32, #tpu.memory_space<vmem>> -> memref<56x128xf32, #tpu.memory_space<vmem>>
      tpu.enqueue_dma source(%dma_start3A_935 : memref<56x128xf32, #tpu.memory_space<vmem>>) target(%dma_start3A_931 : memref<56x128xf32, #tpu.memory_space<hbm>>) target_semaphore(%arg18 : memref<!tpu.dma_semaphore, #tpu.memory_space<semaphore_mem>>)
      %mul3A_936 = arith.constant 64 : i32
      %mul3A_937 = arith.muli %add3A_764, %mul3A_936 : i32
      %add3A_938 = arith.constant 0 : i32
      %add3A_939 = arith.addi %mul3A_937, %add3A_938 : i32
      %iota3A = tpu.iota {dimensions = array<i32: 0>} : vector<16xi32>
      %add3A_940 = arith.constant 0 : i32
      %add3A_941 = vector.broadcast %add3A_940 : i32 to vector<16xi32>
      %add3A_942 = arith.addi %iota3A, %add3A_941 : vector<16xi32>
      %get3A = arith.index_cast %add3A_939 : i32 to index
      %get3A_943 = tpu.vector_load %arg9[%get3A] {strides = array<i32>} : memref<2048xi32, #tpu.memory_space<vmem>>, vector<16xi32>,
      %jit3A = arith.constant 0 : i32
      %jit3A_944 = arith.constant 999 : i32
      %max3A = vector.broadcast %jit3A : i32 to vector<16xi32>
      %max3A_945 = arith.maxsi %max3A, %get3A_943 : vector<16xi32>
      %min3A = vector.broadcast %jit3A_944 : i32 to vector<16xi32>
      %min3A_946 = arith.minsi %min3A, %max3A_945 : vector<16xi32>
      %get3A_947 = arith.index_cast %add3A_939 : i32 to index
      %get3A_948 = tpu.vector_load %arg10[%get3A_947] {strides = array<i32>} : memref<2048xi32, #tpu.memory_space<vmem>>, vector<16xi32>,
      %ne3A = arith.constant -1 : i32
      %ne3A_949 = vector.broadcast %ne3A : i32 to vector<16xi32>
      %ne3A_950 = arith.cmpi ne, %get3A_948, %ne3A_949 : vector<16xi32>
      %jit3A_951 = arith.constant 0 : i32
      %broadcast_in_dim3A_952 = vector.broadcast %jit3A_951 : i32 to vector<16xi32>
      %select_n3A = arith.select %ne3A_950, %get3A_948, %broadcast_in_dim3A_952 : vector<16xi1>, vector<16xi32>
      %min3A_953 = arith.constant 49 : i32
      %min3A_954 = vector.broadcast %min3A_953 : i32 to vector<16xi32>
      %min3A_955 = arith.minsi %add3A_942, %min3A_954 : vector<16xi32>
      %shift_right_arithmetic3A = arith.constant 7 : i32
      %shift_right_arithmetic3A_956 = vector.broadcast %shift_right_arithmetic3A : i32 to vector<16xi32>
      %shift_right_arithmetic3A_957 = arith.shrsi %select_n3A, %shift_right_arithmetic3A_956 : vector<16xi32>
      %and3A = arith.constant 127 : i32
      %and3A_958 = vector.broadcast %and3A : i32 to vector<16xi32>
      %and3A_959 = arith.andi %select_n3A, %and3A_958 : vector<16xi32>
      %gather3A = tpu.vector_load_idx %arg12[%min3A_955, %shift_right_arithmetic3A_957, %and3A_959] : memref<56x8x128xf32, #tpu.memory_space<vmem>>[vector<16xi32>, vector<16xi32>, vector<16xi32>], vector<16xf32>,
      %gather3A_960 = tpu.vector_load_idx %arg11[%min3A_946] : memref<1024xf32, #tpu.memory_space<vmem>>[vector<16xi32>], vector<16xf32>,
      %sub3A = arith.subf %gather3A, %gather3A_960 : vector<16xf32>
      %jit3A_961 = arith.constant 0.000000e+00 : f32
      %broadcast_in_dim3A_962 = vector.broadcast %jit3A_961 : f32 to vector<16xf32>
      %select_n3A_963 = arith.select %ne3A_950, %sub3A, %broadcast_in_dim3A_962 : vector<16xi1>, vector<16xf32>
      %add3A_964 = arith.addf %scan3A_759, %select_n3A_963 : vector<16xf32>
      %jit3A_965 = arith.constant 1.000000e+00 : f32
      %jit3A_966 = arith.constant 0.000000e+00 : f32
      %broadcast_in_dim3A_967 = vector.broadcast %jit3A_965 : f32 to vector<16xf32>
      %broadcast_in_dim3A_968 = vector.broadcast %jit3A_966 : f32 to vector<16xf32>
      %select_n3A_969 = arith.select %ne3A_950, %broadcast_in_dim3A_967, %broadcast_in_dim3A_968 : vector<16xi1>, vector<16xf32>
      %add3A_970 = arith.addf %scan3A_760, %select_n3A_969 : vector<16xf32>
      %mul3A_971 = arith.constant 64 : i32
      %mul3A_972 = arith.muli %add3A_764, %mul3A_971 : i32
      %add3A_973 = arith.constant 16 : i32
      %add3A_974 = arith.addi %mul3A_972, %add3A_973 : i32
      %iota3A_975 = tpu.iota {dimensions = array<i32: 0>} : vector<16xi32>
      %add3A_976 = arith.constant 16 : i32
      %add3A_977 = vector.broadcast %add3A_976 : i32 to vector<16xi32>
      %add3A_978 = arith.addi %iota3A_975, %add3A_977 : vector<16xi32>
      %get3A_979 = arith.index_cast %add3A_974 : i32 to index
      %get3A_980 = tpu.vector_load %arg9[%get3A_979] {strides = array<i32>} : memref<2048xi32, #tpu.memory_space<vmem>>, vector<16xi32>,
      %jit3A_981 = arith.constant 0 : i32
      %jit3A_982 = arith.constant 999 : i32
      %max3A_983 = vector.broadcast %jit3A_981 : i32 to vector<16xi32>
      %max3A_984 = arith.maxsi %max3A_983, %get3A_980 : vector<16xi32>
      %min3A_985 = vector.broadcast %jit3A_982 : i32 to vector<16xi32>
      %min3A_986 = arith.minsi %min3A_985, %max3A_984 : vector<16xi32>
      %get3A_987 = arith.index_cast %add3A_974 : i32 to index
      %get3A_988 = tpu.vector_load %arg10[%get3A_987] {strides = array<i32>} : memref<2048xi32, #tpu.memory_space<vmem>>, vector<16xi32>,
      %ne3A_989 = arith.constant -1 : i32
      %ne3A_990 = vector.broadcast %ne3A_989 : i32 to vector<16xi32>
      %ne3A_991 = arith.cmpi ne, %get3A_988, %ne3A_990 : vector<16xi32>
      %jit3A_992 = arith.constant 0 : i32
      %broadcast_in_dim3A_993 = vector.broadcast %jit3A_992 : i32 to vector<16xi32>
      %select_n3A_994 = arith.select %ne3A_991, %get3A_988, %broadcast_in_dim3A_993 : vector<16xi1>, vector<16xi32>
      %min3A_995 = arith.constant 49 : i32
      %min3A_996 = vector.broadcast %min3A_995 : i32 to vector<16xi32>
      %min3A_997 = arith.minsi %add3A_978, %min3A_996 : vector<16xi32>
      %shift_right_arithmetic3A_998 = arith.constant 7 : i32
      %shift_right_arithmetic3A_999 = vector.broadcast %shift_right_arithmetic3A_998 : i32 to vector<16xi32>
      %shift_right_arithmetic3A_1000 = arith.shrsi %select_n3A_994, %shift_right_arithmetic3A_999 : vector<16xi32>
      %and3A_1001 = arith.constant 127 : i32
      %and3A_1002 = vector.broadcast %and3A_1001 : i32 to vector<16xi32>
      %and3A_1003 = arith.andi %select_n3A_994, %and3A_1002 : vector<16xi32>
      %gather3A_1004 = tpu.vector_load_idx %arg12[%min3A_997, %shift_right_arithmetic3A_1000, %and3A_1003] : memref<56x8x128xf32, #tpu.memory_space<vmem>>[vector<16xi32>, vector<16xi32>, vector<16xi32>], vector<16xf32>,
      %gather3A_1005 = tpu.vector_load_idx %arg11[%min3A_986] : memref<1024xf32, #tpu.memory_space<vmem>>[vector<16xi32>], vector<16xf32>,
      %sub3A_1006 = arith.subf %gather3A_1004, %gather3A_1005 : vector<16xf32>
      %jit3A_1007 = arith.constant 0.000000e+00 : f32
      %broadcast_in_dim3A_1008 = vector.broadcast %jit3A_1007 : f32 to vector<16xf32>
      %select_n3A_1009 = arith.select %ne3A_991, %sub3A_1006, %broadcast_in_dim3A_1008 : vector<16xi1>, vector<16xf32>
      %add3A_1010 = arith.addf %add3A_964, %select_n3A_1009 : vector<16xf32>
      %jit3A_1011 = arith.constant 1.000000e+00 : f32
      %jit3A_1012 = arith.constant 0.000000e+00 : f32
      %broadcast_in_dim3A_1013 = vector.broadcast %jit3A_1011 : f32 to vector<16xf32>
      %broadcast_in_dim3A_1014 = vector.broadcast %jit3A_1012 : f32 to vector<16xf32>
      %select_n3A_1015 = arith.select %ne3A_991, %broadcast_in_dim3A_1013, %broadcast_in_dim3A_1014 : vector<16xi1>, vector<16xf32>
      %add3A_1016 = arith.addf %add3A_970, %select_n3A_1015 : vector<16xf32>
      %mul3A_1017 = arith.constant 64 : i32
      %mul3A_1018 = arith.muli %add3A_764, %mul3A_1017 : i32
      %add3A_1019 = arith.constant 32 : i32
      %add3A_1020 = arith.addi %mul3A_1018, %add3A_1019 : i32
      %iota3A_1021 = tpu.iota {dimensions = array<i32: 0>} : vector<16xi32>
      %add3A_1022 = arith.constant 32 : i32
      %add3A_1023 = vector.broadcast %add3A_1022 : i32 to vector<16xi32>
      %add3A_1024 = arith.addi %iota3A_1021, %add3A_1023 : vector<16xi32>
      %get3A_1025 = arith.index_cast %add3A_1020 : i32 to index
      %get3A_1026 = tpu.vector_load %arg9[%get3A_1025] {strides = array<i32>} : memref<2048xi32, #tpu.memory_space<vmem>>, vector<16xi32>,
      %jit3A_1027 = arith.constant 0 : i32
      %jit3A_1028 = arith.constant 999 : i32
      %max3A_1029 = vector.broadcast %jit3A_1027 : i32 to vector<16xi32>
      %max3A_1030 = arith.maxsi %max3A_1029, %get3A_1026 : vector<16xi32>
      %min3A_1031 = vector.broadcast %jit3A_1028 : i32 to vector<16xi32>
      %min3A_1032 = arith.minsi %min3A_1031, %max3A_1030 : vector<16xi32>
      %get3A_1033 = arith.index_cast %add3A_1020 : i32 to index
      %get3A_1034 = tpu.vector_load %arg10[%get3A_1033] {strides = array<i32>} : memref<2048xi32, #tpu.memory_space<vmem>>, vector<16xi32>,
      %ne3A_1035 = arith.constant -1 : i32
      %ne3A_1036 = vector.broadcast %ne3A_1035 : i32 to vector<16xi32>
      %ne3A_1037 = arith.cmpi ne, %get3A_1034, %ne3A_1036 : vector<16xi32>
      %jit3A_1038 = arith.constant 0 : i32
      %broadcast_in_dim3A_1039 = vector.broadcast %jit3A_1038 : i32 to vector<16xi32>
      %select_n3A_1040 = arith.select %ne3A_1037, %get3A_1034, %broadcast_in_dim3A_1039 : vector<16xi1>, vector<16xi32>
      %min3A_1041 = arith.constant 49 : i32
      %min3A_1042 = vector.broadcast %min3A_1041 : i32 to vector<16xi32>
      %min3A_1043 = arith.minsi %add3A_1024, %min3A_1042 : vector<16xi32>
      %shift_right_arithmetic3A_1044 = arith.constant 7 : i32
      %shift_right_arithmetic3A_1045 = vector.broadcast %shift_right_arithmetic3A_1044 : i32 to vector<16xi32>
      %shift_right_arithmetic3A_1046 = arith.shrsi %select_n3A_1040, %shift_right_arithmetic3A_1045 : vector<16xi32>
      %and3A_1047 = arith.constant 127 : i32
      %and3A_1048 = vector.broadcast %and3A_1047 : i32 to vector<16xi32>
      %and3A_1049 = arith.andi %select_n3A_1040, %and3A_1048 : vector<16xi32>
      %gather3A_1050 = tpu.vector_load_idx %arg12[%min3A_1043, %shift_right_arithmetic3A_1046, %and3A_1049] : memref<56x8x128xf32, #tpu.memory_space<vmem>>[vector<16xi32>, vector<16xi32>, vector<16xi32>], vector<16xf32>,
      %gather3A_1051 = tpu.vector_load_idx %arg11[%min3A_1032] : memref<1024xf32, #tpu.memory_space<vmem>>[vector<16xi32>], vector<16xf32>,
      %sub3A_1052 = arith.subf %gather3A_1050, %gather3A_1051 : vector<16xf32>
      %jit3A_1053 = arith.constant 0.000000e+00 : f32
      %broadcast_in_dim3A_1054 = vector.broadcast %jit3A_1053 : f32 to vector<16xf32>
      %select_n3A_1055 = arith.select %ne3A_1037, %sub3A_1052, %broadcast_in_dim3A_1054 : vector<16xi1>, vector<16xf32>
      %add3A_1056 = arith.addf %add3A_1010, %select_n3A_1055 : vector<16xf32>
      %jit3A_1057 = arith.constant 1.000000e+00 : f32
      %jit3A_1058 = arith.constant 0.000000e+00 : f32
      %broadcast_in_dim3A_1059 = vector.broadcast %jit3A_1057 : f32 to vector<16xf32>
      %broadcast_in_dim3A_1060 = vector.broadcast %jit3A_1058 : f32 to vector<16xf32>
      %select_n3A_1061 = arith.select %ne3A_1037, %broadcast_in_dim3A_1059, %broadcast_in_dim3A_1060 : vector<16xi1>, vector<16xf32>
      %add3A_1062 = arith.addf %add3A_1016, %select_n3A_1061 : vector<16xf32>
      %mul3A_1063 = arith.constant 64 : i32
      %mul3A_1064 = arith.muli %add3A_764, %mul3A_1063 : i32
      %add3A_1065 = arith.constant 48 : i32
      %add3A_1066 = arith.addi %mul3A_1064, %add3A_1065 : i32
      %iota3A_1067 = tpu.iota {dimensions = array<i32: 0>} : vector<16xi32>
      %add3A_1068 = arith.constant 48 : i32
      %add3A_1069 = vector.broadcast %add3A_1068 : i32 to vector<16xi32>
      %add3A_1070 = arith.addi %iota3A_1067, %add3A_1069 : vector<16xi32>
      %get3A_1071 = arith.index_cast %add3A_1066 : i32 to index
      %get3A_1072 = tpu.vector_load %arg9[%get3A_1071] {strides = array<i32>} : memref<2048xi32, #tpu.memory_space<vmem>>, vector<16xi32>,
      %jit3A_1073 = arith.constant 0 : i32
      %jit3A_1074 = arith.constant 999 : i32
      %max3A_1075 = vector.broadcast %jit3A_1073 : i32 to vector<16xi32>
      %max3A_1076 = arith.maxsi %max3A_1075, %get3A_1072 : vector<16xi32>
      %min3A_1077 = vector.broadcast %jit3A_1074 : i32 to vector<16xi32>
      %min3A_1078 = arith.minsi %min3A_1077, %max3A_1076 : vector<16xi32>
      %get3A_1079 = arith.index_cast %add3A_1066 : i32 to index
      %get3A_1080 = tpu.vector_load %arg10[%get3A_1079] {strides = array<i32>} : memref<2048xi32, #tpu.memory_space<vmem>>, vector<16xi32>,
      %ne3A_1081 = arith.constant -1 : i32
      %ne3A_1082 = vector.broadcast %ne3A_1081 : i32 to vector<16xi32>
      %ne3A_1083 = arith.cmpi ne, %get3A_1080, %ne3A_1082 : vector<16xi32>
      %jit3A_1084 = arith.constant 0 : i32
      %broadcast_in_dim3A_1085 = vector.broadcast %jit3A_1084 : i32 to vector<16xi32>
      %select_n3A_1086 = arith.select %ne3A_1083, %get3A_1080, %broadcast_in_dim3A_1085 : vector<16xi1>, vector<16xi32>
      %min3A_1087 = arith.constant 49 : i32
      %min3A_1088 = vector.broadcast %min3A_1087 : i32 to vector<16xi32>
      %min3A_1089 = arith.minsi %add3A_1070, %min3A_1088 : vector<16xi32>
      %shift_right_arithmetic3A_1090 = arith.constant 7 : i32
      %shift_right_arithmetic3A_1091 = vector.broadcast %shift_right_arithmetic3A_1090 : i32 to vector<16xi32>
      %shift_right_arithmetic3A_1092 = arith.shrsi %select_n3A_1086, %shift_right_arithmetic3A_1091 : vector<16xi32>
      %and3A_1093 = arith.constant 127 : i32
      %and3A_1094 = vector.broadcast %and3A_1093 : i32 to vector<16xi32>
      %and3A_1095 = arith.andi %select_n3A_1086, %and3A_1094 : vector<16xi32>
      %gather3A_1096 = tpu.vector_load_idx %arg12[%min3A_1089, %shift_right_arithmetic3A_1092, %and3A_1095] : memref<56x8x128xf32, #tpu.memory_space<vmem>>[vector<16xi32>, vector<16xi32>, vector<16xi32>], vector<16xf32>,
      %gather3A_1097 = tpu.vector_load_idx %arg11[%min3A_1078] : memref<1024xf32, #tpu.memory_space<vmem>>[vector<16xi32>], vector<16xf32>,
      %sub3A_1098 = arith.subf %gather3A_1096, %gather3A_1097 : vector<16xf32>
      %jit3A_1099 = arith.constant 0.000000e+00 : f32
      %broadcast_in_dim3A_1100 = vector.broadcast %jit3A_1099 : f32 to vector<16xf32>
      %select_n3A_1101 = arith.select %ne3A_1083, %sub3A_1098, %broadcast_in_dim3A_1100 : vector<16xi1>, vector<16xf32>
      %add3A_1102 = arith.addf %add3A_1056, %select_n3A_1101 : vector<16xf32>
      %jit3A_1103 = arith.constant 1.000000e+00 : f32
      %jit3A_1104 = arith.constant 0.000000e+00 : f32
      %broadcast_in_dim3A_1105 = vector.broadcast %jit3A_1103 : f32 to vector<16xf32>
      %broadcast_in_dim3A_1106 = vector.broadcast %jit3A_1104 : f32 to vector<16xf32>
      %select_n3A_1107 = arith.select %ne3A_1083, %broadcast_in_dim3A_1105, %broadcast_in_dim3A_1106 : vector<16xi1>, vector<16xf32>
      %add3A_1108 = arith.addf %add3A_1062, %select_n3A_1107 : vector<16xf32>
      %add3A_1109 = arith.constant 2 : i32
      %add3A_1110 = arith.addi %add3A_764, %add3A_1109 : i32
      %lt3A = arith.constant 32 : i32
      %lt3A_1111 = arith.cmpi slt, %add3A_1110, %lt3A : i32
      %convert_element_type3A = arith.extui %lt3A_1111 : i1 to i32
      %cond3A = arith.constant 0 : i32
      %cond3A_1112 = arith.cmpi ne, %convert_element_type3A, %cond3A : i32
      scf.if %cond3A_1112 {
        %mul3A_1479 = arith.constant 32 : i32
        %mul3A_1480 = arith.muli %add3A, %mul3A_1479 : i32
        %add3A_1481 = arith.addi %mul3A_1480, %add3A_764 : i32
        %dma_wait3A_1482 = arith.constant 0 : i32
        %dma_wait3A_1483 = arith.constant 0 : i32
        %dma_wait3A_1484 = arith.constant 0 : i32
        %dma_wait3A_1485 = tpu.memref_slice %arg12[%dma_wait3A_1483, %dma_wait3A_1482, %dma_wait3A_1484] : memref<56x8x128xf32, #tpu.memory_space<vmem>> -> memref<56x1x128xf32, #tpu.memory_space<vmem>>
        %dma_wait3A_1486 = tpu.memref_squeeze %dma_wait3A_1485 : memref<56x1x128xf32, #tpu.memory_space<vmem>> -> memref<56x128xf32, #tpu.memory_space<vmem>>
        %dma_wait3A_1487 = arith.constant 0 : i32
        %dma_wait3A_1488 = arith.constant 0 : i32
        %dma_wait3A_1489 = tpu.memref_slice %arg6[%add3A_1481, %dma_wait3A_1487, %dma_wait3A_1488] : memref<1024x56x1024xf32, #tpu.memory_space<hbm>> -> memref<1x56x128xf32, #tpu.memory_space<hbm>>
        %dma_wait3A_1490 = tpu.memref_squeeze %dma_wait3A_1489 : memref<1x56x128xf32, #tpu.memory_space<hbm>> -> memref<56x128xf32, #tpu.memory_space<hbm>>
        %dma_wait3A_1491 = arith.constant 0 : i32
        %dma_wait3A_1492 = arith.constant 0 : i32
        %dma_wait3A_1493 = tpu.memref_slice %arg6[%add3A_1481, %dma_wait3A_1491, %dma_wait3A_1492] : memref<1024x56x1024xf32, #tpu.memory_space<hbm>> -> memref<1x56x128xf32, #tpu.memory_space<hbm>>
        %dma_wait3A_1494 = tpu.memref_squeeze %dma_wait3A_1493 : memref<1x56x128xf32, #tpu.memory_space<hbm>> -> memref<56x128xf32, #tpu.memory_space<hbm>>
        %dma_wait3A_1495 = arith.constant 0 : i32
        %dma_wait3A_1496 = arith.constant 0 : i32
        %dma_wait3A_1497 = tpu.memref_slice %arg12[%dma_wait3A_1495, %dma_wait3A_1482, %dma_wait3A_1496] : memref<56x8x128xf32, #tpu.memory_space<vmem>> -> memref<56x1x128xf32, #tpu.memory_space<vmem>>
        %dma_wait3A_1498 = tpu.memref_squeeze %dma_wait3A_1497 : memref<56x1x128xf32, #tpu.memory_space<vmem>> -> memref<56x128xf32, #tpu.memory_space<vmem>>
        tpu.wait_dma2 semaphore(%arg18 : memref<!tpu.dma_semaphore, #tpu.memory_space<semaphore_mem>>) src(%dma_wait3A_1498 : memref<56x128xf32, #tpu.memory_space<vmem>>) dst(%dma_wait3A_1494 : memref<56x128xf32, #tpu.memory_space<hbm>>)
        %mul3A_1499 = arith.constant 32 : i32
        %mul3A_1500 = arith.muli %add3A, %mul3A_1499 : i32
        %add3A_1501 = arith.addi %mul3A_1500, %add3A_764 : i32
        %dma_wait3A_1502 = arith.constant 1 : i32
        %dma_wait3A_1503 = arith.constant 0 : i32
        %dma_wait3A_1504 = arith.constant 0 : i32
        %dma_wait3A_1505 = tpu.memref_slice %arg12[%dma_wait3A_1503, %dma_wait3A_1502, %dma_wait3A_1504] : memref<56x8x128xf32, #tpu.memory_space<vmem>> -> memref<56x1x128xf32, #tpu.memory_space<vmem>>
        %dma_wait3A_1506 = tpu.memref_squeeze %dma_wait3A_1505 : memref<56x1x128xf32, #tpu.memory_space<vmem>> -> memref<56x128xf32, #tpu.memory_space<vmem>>
        %dma_wait3A_1507 = arith.constant 0 : i32
        %dma_wait3A_1508 = arith.constant 128 : i32
        %dma_wait3A_1509 = tpu.memref_slice %arg6[%add3A_1501, %dma_wait3A_1507, %dma_wait3A_1508] : memref<1024x56x1024xf32, #tpu.memory_space<hbm>> -> memref<1x56x128xf32, #tpu.memory_space<hbm>>
        %dma_wait3A_1510 = tpu.memref_squeeze %dma_wait3A_1509 : memref<1x56x128xf32, #tpu.memory_space<hbm>> -> memref<56x128xf32, #tpu.memory_space<hbm>>
        %dma_wait3A_1511 = arith.constant 0 : i32
        %dma_wait3A_1512 = arith.constant 128 : i32
        %dma_wait3A_1513 = tpu.memref_slice %arg6[%add3A_1501, %dma_wait3A_1511, %dma_wait3A_1512] : memref<1024x56x1024xf32, #tpu.memory_space<hbm>> -> memref<1x56x128xf32, #tpu.memory_space<hbm>>
        %dma_wait3A_1514 = tpu.memref_squeeze %dma_wait3A_1513 : memref<1x56x128xf32, #tpu.memory_space<hbm>> -> memref<56x128xf32, #tpu.memory_space<hbm>>
        %dma_wait3A_1515 = arith.constant 0 : i32
        %dma_wait3A_1516 = arith.constant 0 : i32
        %dma_wait3A_1517 = tpu.memref_slice %arg12[%dma_wait3A_1515, %dma_wait3A_1502, %dma_wait3A_1516] : memref<56x8x128xf32, #tpu.memory_space<vmem>> -> memref<56x1x128xf32, #tpu.memory_space<vmem>>
        %dma_wait3A_1518 = tpu.memref_squeeze %dma_wait3A_1517 : memref<56x1x128xf32, #tpu.memory_space<vmem>> -> memref<56x128xf32, #tpu.memory_space<vmem>>
        tpu.wait_dma2 semaphore(%arg18 : memref<!tpu.dma_semaphore, #tpu.memory_space<semaphore_mem>>) src(%dma_wait3A_1518 : memref<56x128xf32, #tpu.memory_space<vmem>>) dst(%dma_wait3A_1514 : memref<56x128xf32, #tpu.memory_space<hbm>>)
        %mul3A_1519 = arith.constant 32 : i32
        %mul3A_1520 = arith.muli %add3A, %mul3A_1519 : i32
        %add3A_1521 = arith.addi %mul3A_1520, %add3A_764 : i32
        %dma_wait3A_1522 = arith.constant 2 : i32
        %dma_wait3A_1523 = arith.constant 0 : i32
        %dma_wait3A_1524 = arith.constant 0 : i32
        %dma_wait3A_1525 = tpu.memref_slice %arg12[%dma_wait3A_1523, %dma_wait3A_1522, %dma_wait3A_1524] : memref<56x8x128xf32, #tpu.memory_space<vmem>> -> memref<56x1x128xf32, #tpu.memory_space<vmem>>
        %dma_wait3A_1526 = tpu.memref_squeeze %dma_wait3A_1525 : memref<56x1x128xf32, #tpu.memory_space<vmem>> -> memref<56x128xf32, #tpu.memory_space<vmem>>
        %dma_wait3A_1527 = arith.constant 0 : i32
        %dma_wait3A_1528 = arith.constant 256 : i32
        %dma_wait3A_1529 = tpu.memref_slice %arg6[%add3A_1521, %dma_wait3A_1527, %dma_wait3A_1528] : memref<1024x56x1024xf32, #tpu.memory_space<hbm>> -> memref<1x56x128xf32, #tpu.memory_space<hbm>>
        %dma_wait3A_1530 = tpu.memref_squeeze %dma_wait3A_1529 : memref<1x56x128xf32, #tpu.memory_space<hbm>> -> memref<56x128xf32, #tpu.memory_space<hbm>>
        %dma_wait3A_1531 = arith.constant 0 : i32
        %dma_wait3A_1532 = arith.constant 256 : i32
        %dma_wait3A_1533 = tpu.memref_slice %arg6[%add3A_1521, %dma_wait3A_1531, %dma_wait3A_1532] : memref<1024x56x1024xf32, #tpu.memory_space<hbm>> -> memref<1x56x128xf32, #tpu.memory_space<hbm>>
        %dma_wait3A_1534 = tpu.memref_squeeze %dma_wait3A_1533 : memref<1x56x128xf32, #tpu.memory_space<hbm>> -> memref<56x128xf32, #tpu.memory_space<hbm>>
        %dma_wait3A_1535 = arith.constant 0 : i32
        %dma_wait3A_1536 = arith.constant 0 : i32
        %dma_wait3A_1537 = tpu.memref_slice %arg12[%dma_wait3A_1535, %dma_wait3A_1522, %dma_wait3A_1536] : memref<56x8x128xf32, #tpu.memory_space<vmem>> -> memref<56x1x128xf32, #tpu.memory_space<vmem>>
        %dma_wait3A_1538 = tpu.memref_squeeze %dma_wait3A_1537 : memref<56x1x128xf32, #tpu.memory_space<vmem>> -> memref<56x128xf32, #tpu.memory_space<vmem>>
        tpu.wait_dma2 semaphore(%arg18 : memref<!tpu.dma_semaphore, #tpu.memory_space<semaphore_mem>>) src(%dma_wait3A_1538 : memref<56x128xf32, #tpu.memory_space<vmem>>) dst(%dma_wait3A_1534 : memref<56x128xf32, #tpu.memory_space<hbm>>)
        %mul3A_1539 = arith.constant 32 : i32
        %mul3A_1540 = arith.muli %add3A, %mul3A_1539 : i32
        %add3A_1541 = arith.addi %mul3A_1540, %add3A_764 : i32
        %dma_wait3A_1542 = arith.constant 3 : i32
        %dma_wait3A_1543 = arith.constant 0 : i32
        %dma_wait3A_1544 = arith.constant 0 : i32
        %dma_wait3A_1545 = tpu.memref_slice %arg12[%dma_wait3A_1543, %dma_wait3A_1542, %dma_wait3A_1544] : memref<56x8x128xf32, #tpu.memory_space<vmem>> -> memref<56x1x128xf32, #tpu.memory_space<vmem>>
        %dma_wait3A_1546 = tpu.memref_squeeze %dma_wait3A_1545 : memref<56x1x128xf32, #tpu.memory_space<vmem>> -> memref<56x128xf32, #tpu.memory_space<vmem>>
        %dma_wait3A_1547 = arith.constant 0 : i32
        %dma_wait3A_1548 = arith.constant 384 : i32
        %dma_wait3A_1549 = tpu.memref_slice %arg6[%add3A_1541, %dma_wait3A_1547, %dma_wait3A_1548] : memref<1024x56x1024xf32, #tpu.memory_space<hbm>> -> memref<1x56x128xf32, #tpu.memory_space<hbm>>
        %dma_wait3A_1550 = tpu.memref_squeeze %dma_wait3A_1549 : memref<1x56x128xf32, #tpu.memory_space<hbm>> -> memref<56x128xf32, #tpu.memory_space<hbm>>
        %dma_wait3A_1551 = arith.constant 0 : i32
        %dma_wait3A_1552 = arith.constant 384 : i32
        %dma_wait3A_1553 = tpu.memref_slice %arg6[%add3A_1541, %dma_wait3A_1551, %dma_wait3A_1552] : memref<1024x56x1024xf32, #tpu.memory_space<hbm>> -> memref<1x56x128xf32, #tpu.memory_space<hbm>>
        %dma_wait3A_1554 = tpu.memref_squeeze %dma_wait3A_1553 : memref<1x56x128xf32, #tpu.memory_space<hbm>> -> memref<56x128xf32, #tpu.memory_space<hbm>>
        %dma_wait3A_1555 = arith.constant 0 : i32
        %dma_wait3A_1556 = arith.constant 0 : i32
        %dma_wait3A_1557 = tpu.memref_slice %arg12[%dma_wait3A_1555, %dma_wait3A_1542, %dma_wait3A_1556] : memref<56x8x128xf32, #tpu.memory_space<vmem>> -> memref<56x1x128xf32, #tpu.memory_space<vmem>>
        %dma_wait3A_1558 = tpu.memref_squeeze %dma_wait3A_1557 : memref<56x1x128xf32, #tpu.memory_space<vmem>> -> memref<56x128xf32, #tpu.memory_space<vmem>>
        tpu.wait_dma2 semaphore(%arg18 : memref<!tpu.dma_semaphore, #tpu.memory_space<semaphore_mem>>) src(%dma_wait3A_1558 : memref<56x128xf32, #tpu.memory_space<vmem>>) dst(%dma_wait3A_1554 : memref<56x128xf32, #tpu.memory_space<hbm>>)
        %mul3A_1559 = arith.constant 32 : i32
        %mul3A_1560 = arith.muli %add3A, %mul3A_1559 : i32
        %add3A_1561 = arith.addi %mul3A_1560, %add3A_764 : i32
        %dma_wait3A_1562 = arith.constant 4 : i32
        %dma_wait3A_1563 = arith.constant 0 : i32
        %dma_wait3A_1564 = arith.constant 0 : i32
        %dma_wait3A_1565 = tpu.memref_slice %arg12[%dma_wait3A_1563, %dma_wait3A_1562, %dma_wait3A_1564] : memref<56x8x128xf32, #tpu.memory_space<vmem>> -> memref<56x1x128xf32, #tpu.memory_space<vmem>>
        %dma_wait3A_1566 = tpu.memref_squeeze %dma_wait3A_1565 : memref<56x1x128xf32, #tpu.memory_space<vmem>> -> memref<56x128xf32, #tpu.memory_space<vmem>>
        %dma_wait3A_1567 = arith.constant 0 : i32
        %dma_wait3A_1568 = arith.constant 512 : i32
        %dma_wait3A_1569 = tpu.memref_slice %arg6[%add3A_1561, %dma_wait3A_1567, %dma_wait3A_1568] : memref<1024x56x1024xf32, #tpu.memory_space<hbm>> -> memref<1x56x128xf32, #tpu.memory_space<hbm>>
        %dma_wait3A_1570 = tpu.memref_squeeze %dma_wait3A_1569 : memref<1x56x128xf32, #tpu.memory_space<hbm>> -> memref<56x128xf32, #tpu.memory_space<hbm>>
        %dma_wait3A_1571 = arith.constant 0 : i32
        %dma_wait3A_1572 = arith.constant 512 : i32
        %dma_wait3A_1573 = tpu.memref_slice %arg6[%add3A_1561, %dma_wait3A_1571, %dma_wait3A_1572] : memref<1024x56x1024xf32, #tpu.memory_space<hbm>> -> memref<1x56x128xf32, #tpu.memory_space<hbm>>
        %dma_wait3A_1574 = tpu.memref_squeeze %dma_wait3A_1573 : memref<1x56x128xf32, #tpu.memory_space<hbm>> -> memref<56x128xf32, #tpu.memory_space<hbm>>
        %dma_wait3A_1575 = arith.constant 0 : i32
        %dma_wait3A_1576 = arith.constant 0 : i32
        %dma_wait3A_1577 = tpu.memref_slice %arg12[%dma_wait3A_1575, %dma_wait3A_1562, %dma_wait3A_1576] : memref<56x8x128xf32, #tpu.memory_space<vmem>> -> memref<56x1x128xf32, #tpu.memory_space<vmem>>
        %dma_wait3A_1578 = tpu.memref_squeeze %dma_wait3A_1577 : memref<56x1x128xf32, #tpu.memory_space<vmem>> -> memref<56x128xf32, #tpu.memory_space<vmem>>
        tpu.wait_dma2 semaphore(%arg18 : memref<!tpu.dma_semaphore, #tpu.memory_space<semaphore_mem>>) src(%dma_wait3A_1578 : memref<56x128xf32, #tpu.memory_space<vmem>>) dst(%dma_wait3A_1574 : memref<56x128xf32, #tpu.memory_space<hbm>>)
        %mul3A_1579 = arith.constant 32 : i32
        %mul3A_1580 = arith.muli %add3A, %mul3A_1579 : i32
        %add3A_1581 = arith.addi %mul3A_1580, %add3A_764 : i32
        %dma_wait3A_1582 = arith.constant 5 : i32
        %dma_wait3A_1583 = arith.constant 0 : i32
        %dma_wait3A_1584 = arith.constant 0 : i32
        %dma_wait3A_1585 = tpu.memref_slice %arg12[%dma_wait3A_1583, %dma_wait3A_1582, %dma_wait3A_1584] : memref<56x8x128xf32, #tpu.memory_space<vmem>> -> memref<56x1x128xf32, #tpu.memory_space<vmem>>
        %dma_wait3A_1586 = tpu.memref_squeeze %dma_wait3A_1585 : memref<56x1x128xf32, #tpu.memory_space<vmem>> -> memref<56x128xf32, #tpu.memory_space<vmem>>
        %dma_wait3A_1587 = arith.constant 0 : i32
        %dma_wait3A_1588 = arith.constant 640 : i32
        %dma_wait3A_1589 = tpu.memref_slice %arg6[%add3A_1581, %dma_wait3A_1587, %dma_wait3A_1588] : memref<1024x56x1024xf32, #tpu.memory_space<hbm>> -> memref<1x56x128xf32, #tpu.memory_space<hbm>>
        %dma_wait3A_1590 = tpu.memref_squeeze %dma_wait3A_1589 : memref<1x56x128xf32, #tpu.memory_space<hbm>> -> memref<56x128xf32, #tpu.memory_space<hbm>>
        %dma_wait3A_1591 = arith.constant 0 : i32
        %dma_wait3A_1592 = arith.constant 640 : i32
        %dma_wait3A_1593 = tpu.memref_slice %arg6[%add3A_1581, %dma_wait3A_1591, %dma_wait3A_1592] : memref<1024x56x1024xf32, #tpu.memory_space<hbm>> -> memref<1x56x128xf32, #tpu.memory_space<hbm>>
        %dma_wait3A_1594 = tpu.memref_squeeze %dma_wait3A_1593 : memref<1x56x128xf32, #tpu.memory_space<hbm>> -> memref<56x128xf32, #tpu.memory_space<hbm>>
        %dma_wait3A_1595 = arith.constant 0 : i32
        %dma_wait3A_1596 = arith.constant 0 : i32
        %dma_wait3A_1597 = tpu.memref_slice %arg12[%dma_wait3A_1595, %dma_wait3A_1582, %dma_wait3A_1596] : memref<56x8x128xf32, #tpu.memory_space<vmem>> -> memref<56x1x128xf32, #tpu.memory_space<vmem>>
        %dma_wait3A_1598 = tpu.memref_squeeze %dma_wait3A_1597 : memref<56x1x128xf32, #tpu.memory_space<vmem>> -> memref<56x128xf32, #tpu.memory_space<vmem>>
        tpu.wait_dma2 semaphore(%arg18 : memref<!tpu.dma_semaphore, #tpu.memory_space<semaphore_mem>>) src(%dma_wait3A_1598 : memref<56x128xf32, #tpu.memory_space<vmem>>) dst(%dma_wait3A_1594 : memref<56x128xf32, #tpu.memory_space<hbm>>)
        %mul3A_1599 = arith.constant 32 : i32
        %mul3A_1600 = arith.muli %add3A, %mul3A_1599 : i32
        %add3A_1601 = arith.addi %mul3A_1600, %add3A_764 : i32
        %dma_wait3A_1602 = arith.constant 6 : i32
        %dma_wait3A_1603 = arith.constant 0 : i32
        %dma_wait3A_1604 = arith.constant 0 : i32
        %dma_wait3A_1605 = tpu.memref_slice %arg12[%dma_wait3A_1603, %dma_wait3A_1602, %dma_wait3A_1604] : memref<56x8x128xf32, #tpu.memory_space<vmem>> -> memref<56x1x128xf32, #tpu.memory_space<vmem>>
        %dma_wait3A_1606 = tpu.memref_squeeze %dma_wait3A_1605 : memref<56x1x128xf32, #tpu.memory_space<vmem>> -> memref<56x128xf32, #tpu.memory_space<vmem>>
        %dma_wait3A_1607 = arith.constant 0 : i32
        %dma_wait3A_1608 = arith.constant 768 : i32
        %dma_wait3A_1609 = tpu.memref_slice %arg6[%add3A_1601, %dma_wait3A_1607, %dma_wait3A_1608] : memref<1024x56x1024xf32, #tpu.memory_space<hbm>> -> memref<1x56x128xf32, #tpu.memory_space<hbm>>
        %dma_wait3A_1610 = tpu.memref_squeeze %dma_wait3A_1609 : memref<1x56x128xf32, #tpu.memory_space<hbm>> -> memref<56x128xf32, #tpu.memory_space<hbm>>
        %dma_wait3A_1611 = arith.constant 0 : i32
        %dma_wait3A_1612 = arith.constant 768 : i32
        %dma_wait3A_1613 = tpu.memref_slice %arg6[%add3A_1601, %dma_wait3A_1611, %dma_wait3A_1612] : memref<1024x56x1024xf32, #tpu.memory_space<hbm>> -> memref<1x56x128xf32, #tpu.memory_space<hbm>>
        %dma_wait3A_1614 = tpu.memref_squeeze %dma_wait3A_1613 : memref<1x56x128xf32, #tpu.memory_space<hbm>> -> memref<56x128xf32, #tpu.memory_space<hbm>>
        %dma_wait3A_1615 = arith.constant 0 : i32
        %dma_wait3A_1616 = arith.constant 0 : i32
        %dma_wait3A_1617 = tpu.memref_slice %arg12[%dma_wait3A_1615, %dma_wait3A_1602, %dma_wait3A_1616] : memref<56x8x128xf32, #tpu.memory_space<vmem>> -> memref<56x1x128xf32, #tpu.memory_space<vmem>>
        %dma_wait3A_1618 = tpu.memref_squeeze %dma_wait3A_1617 : memref<56x1x128xf32, #tpu.memory_space<vmem>> -> memref<56x128xf32, #tpu.memory_space<vmem>>
        tpu.wait_dma2 semaphore(%arg18 : memref<!tpu.dma_semaphore, #tpu.memory_space<semaphore_mem>>) src(%dma_wait3A_1618 : memref<56x128xf32, #tpu.memory_space<vmem>>) dst(%dma_wait3A_1614 : memref<56x128xf32, #tpu.memory_space<hbm>>)
        %mul3A_1619 = arith.constant 32 : i32
        %mul3A_1620 = arith.muli %add3A, %mul3A_1619 : i32
        %add3A_1621 = arith.addi %mul3A_1620, %add3A_764 : i32
        %dma_wait3A_1622 = arith.constant 7 : i32
        %dma_wait3A_1623 = arith.constant 0 : i32
        %dma_wait3A_1624 = arith.constant 0 : i32
        %dma_wait3A_1625 = tpu.memref_slice %arg12[%dma_wait3A_1623, %dma_wait3A_1622, %dma_wait3A_1624] : memref<56x8x128xf32, #tpu.memory_space<vmem>> -> memref<56x1x128xf32, #tpu.memory_space<vmem>>
        %dma_wait3A_1626 = tpu.memref_squeeze %dma_wait3A_1625 : memref<56x1x128xf32, #tpu.memory_space<vmem>> -> memref<56x128xf32, #tpu.memory_space<vmem>>
        %dma_wait3A_1627 = arith.constant 0 : i32
        %dma_wait3A_1628 = arith.constant 896 : i32
        %dma_wait3A_1629 = tpu.memref_slice %arg6[%add3A_1621, %dma_wait3A_1627, %dma_wait3A_1628] : memref<1024x56x1024xf32, #tpu.memory_space<hbm>> -> memref<1x56x128xf32, #tpu.memory_space<hbm>>
        %dma_wait3A_1630 = tpu.memref_squeeze %dma_wait3A_1629 : memref<1x56x128xf32, #tpu.memory_space<hbm>> -> memref<56x128xf32, #tpu.memory_space<hbm>>
        %dma_wait3A_1631 = arith.constant 0 : i32
        %dma_wait3A_1632 = arith.constant 896 : i32
        %dma_wait3A_1633 = tpu.memref_slice %arg6[%add3A_1621, %dma_wait3A_1631, %dma_wait3A_1632] : memref<1024x56x1024xf32, #tpu.memory_space<hbm>> -> memref<1x56x128xf32, #tpu.memory_space<hbm>>
        %dma_wait3A_1634 = tpu.memref_squeeze %dma_wait3A_1633 : memref<1x56x128xf32, #tpu.memory_space<hbm>> -> memref<56x128xf32, #tpu.memory_space<hbm>>
        %dma_wait3A_1635 = arith.constant 0 : i32
        %dma_wait3A_1636 = arith.constant 0 : i32
        %dma_wait3A_1637 = tpu.memref_slice %arg12[%dma_wait3A_1635, %dma_wait3A_1622, %dma_wait3A_1636] : memref<56x8x128xf32, #tpu.memory_space<vmem>> -> memref<56x1x128xf32, #tpu.memory_space<vmem>>
        %dma_wait3A_1638 = tpu.memref_squeeze %dma_wait3A_1637 : memref<56x1x128xf32, #tpu.memory_space<vmem>> -> memref<56x128xf32, #tpu.memory_space<vmem>>
        tpu.wait_dma2 semaphore(%arg18 : memref<!tpu.dma_semaphore, #tpu.memory_space<semaphore_mem>>) src(%dma_wait3A_1638 : memref<56x128xf32, #tpu.memory_space<vmem>>) dst(%dma_wait3A_1634 : memref<56x128xf32, #tpu.memory_space<hbm>>)
        %add3A_1639 = arith.constant 2 : i32
        %add3A_1640 = arith.addi %add3A_764, %add3A_1639 : i32
        %mul3A_1641 = arith.constant 64 : i32
        %mul3A_1642 = arith.muli %add3A_1640, %mul3A_1641 : i32
        %dma_start3A_1643 = arith.constant 0 : i32
        %dma_start3A_1644 = arith.constant 0 : i32
        %dma_start3A_1645 = arith.constant 0 : i32
        %dma_start3A_1646 = tpu.memref_slice %arg12[%dma_start3A_1643, %dma_start3A_1644, %dma_start3A_1645] : memref<56x8x128xf32, #tpu.memory_space<vmem>> -> memref<50x8x128xf32, #tpu.memory_space<vmem>>
        %dma_start3A_1647 = tpu.memref_slice %arg9[%mul3A_1642] : memref<2048xi32, #tpu.memory_space<vmem>> -> memref<50xi32, #tpu.memory_space<vmem>>
        %dma_start3A_1648 = arith.constant 0 : i32
        %dma_start3A_1649 = arith.constant 0 : i32
        %dma_start3A_1650 = arith.constant 0 : i32
        %dma_start3A_1651 = tpu.memref_slice %arg4[%dma_start3A_1648, %dma_start3A_1649, %dma_start3A_1650] : memref<1000x8x128xf32, #tpu.memory_space<hbm>> -> memref<1000x8x128xf32, #tpu.memory_space<hbm>>
        tpu.enqueue_indirect_dma source(%dma_start3A_1651 : memref<1000x8x128xf32, #tpu.memory_space<hbm>>) target(%dma_start3A_1646 : memref<50x8x128xf32, #tpu.memory_space<vmem>>) offsets(%dma_start3A_1647 : memref<50xi32, #tpu.memory_space<vmem>>) semaphore(%arg16 : memref<!tpu.dma_semaphore, #tpu.memory_space<semaphore_mem>>)
      } else {
      }
      %mul3A_1113 = arith.constant 2 : i32
      %mul3A_1114 = arith.muli %mul3A_1113, %scan3A_758 : i32
      %add3A_1115 = arith.constant 1 : i32
      %add3A_1116 = arith.addi %mul3A_1114, %add3A_1115 : i32
      %mul3A_1117 = arith.constant 64 : i32
      %mul3A_1118 = arith.muli %add3A_1116, %mul3A_1117 : i32
      %dma_wait3A_1119 = arith.constant 0 : i32
      %dma_wait3A_1120 = arith.constant 0 : i32
      %dma_wait3A_1121 = arith.constant 0 : i32
      %dma_wait3A_1122 = tpu.memref_slice %arg13[%dma_wait3A_1119, %dma_wait3A_1120, %dma_wait3A_1121] : memref<56x8x128xf32, #tpu.memory_space<vmem>> -> memref<50x8x128xf32, #tpu.memory_space<vmem>>
      %dma_wait3A_1123 = tpu.memref_slice %arg9[%mul3A_1118] : memref<2048xi32, #tpu.memory_space<vmem>> -> memref<50xi32, #tpu.memory_space<vmem>>
      %dma_wait3A_1124 = arith.constant 0 : i32
      %dma_wait3A_1125 = arith.constant 0 : i32
      %dma_wait3A_1126 = arith.constant 0 : i32
      %dma_wait3A_1127 = tpu.memref_slice %arg4[%dma_wait3A_1124, %dma_wait3A_1125, %dma_wait3A_1126] : memref<1000x8x128xf32, #tpu.memory_space<hbm>> -> memref<1000x8x128xf32, #tpu.memory_space<hbm>>
      tpu.wait_indirect_dma semaphore(%arg17 : memref<!tpu.dma_semaphore, #tpu.memory_space<semaphore_mem>>) src(%dma_wait3A_1127 : memref<1000x8x128xf32, #tpu.memory_space<hbm>>) dst(%dma_wait3A_1122 : memref<50x8x128xf32, #tpu.memory_space<vmem>>)
      %mul3A_1128 = arith.constant 32 : i32
      %mul3A_1129 = arith.muli %add3A, %mul3A_1128 : i32
      %add3A_1130 = arith.addi %mul3A_1129, %add3A_1116 : i32
      %dma_start3A_1131 = arith.constant 0 : i32
      %dma_start3A_1132 = arith.constant 0 : i32
      %dma_start3A_1133 = arith.constant 0 : i32
      %dma_start3A_1134 = tpu.memref_slice %arg13[%dma_start3A_1132, %dma_start3A_1131, %dma_start3A_1133] : memref<56x8x128xf32, #tpu.memory_space<vmem>> -> memref<56x1x128xf32, #tpu.memory_space<vmem>>
      %dma_start3A_1135 = tpu.memref_squeeze %dma_start3A_1134 : memref<56x1x128xf32, #tpu.memory_space<vmem>> -> memref<56x128xf32, #tpu.memory_space<vmem>>
      %dma_start3A_1136 = arith.constant 0 : i32
      %dma_start3A_1137 = arith.constant 0 : i32
      %dma_start3A_1138 = tpu.memref_slice %arg6[%add3A_1130, %dma_start3A_1136, %dma_start3A_1137] : memref<1024x56x1024xf32, #tpu.memory_space<hbm>> -> memref<1x56x128xf32, #tpu.memory_space<hbm>>
      %dma_start3A_1139 = tpu.memref_squeeze %dma_start3A_1138 : memref<1x56x128xf32, #tpu.memory_space<hbm>> -> memref<56x128xf32, #tpu.memory_space<hbm>>
      %dma_start3A_1140 = arith.constant 0 : i32
      %dma_start3A_1141 = arith.constant 0 : i32
      %dma_start3A_1142 = tpu.memref_slice %arg6[%add3A_1130, %dma_start3A_1140, %dma_start3A_1141] : memref<1024x56x1024xf32, #tpu.memory_space<hbm>> -> memref<1x56x128xf32, #tpu.memory_space<hbm>>
      %dma_start3A_1143 = tpu.memref_squeeze %dma_start3A_1142 : memref<1x56x128xf32, #tpu.memory_space<hbm>> -> memref<56x128xf32, #tpu.memory_space<hbm>>
      %dma_start3A_1144 = arith.constant 0 : i32
      %dma_start3A_1145 = arith.constant 0 : i32
      %dma_start3A_1146 = tpu.memref_slice %arg13[%dma_start3A_1144, %dma_start3A_1131, %dma_start3A_1145] : memref<56x8x128xf32, #tpu.memory_space<vmem>> -> memref<56x1x128xf32, #tpu.memory_space<vmem>>
      %dma_start3A_1147 = tpu.memref_squeeze %dma_start3A_1146 : memref<56x1x128xf32, #tpu.memory_space<vmem>> -> memref<56x128xf32, #tpu.memory_space<vmem>>
      tpu.enqueue_dma source(%dma_start3A_1147 : memref<56x128xf32, #tpu.memory_space<vmem>>) target(%dma_start3A_1143 : memref<56x128xf32, #tpu.memory_space<hbm>>) target_semaphore(%arg19 : memref<!tpu.dma_semaphore, #tpu.memory_space<semaphore_mem>>)
      %mul3A_1148 = arith.constant 32 : i32
      %mul3A_1149 = arith.muli %add3A, %mul3A_1148 : i32
      %add3A_1150 = arith.addi %mul3A_1149, %add3A_1116 : i32
      %dma_start3A_1151 = arith.constant 1 : i32
      %dma_start3A_1152 = arith.constant 0 : i32
      %dma_start3A_1153 = arith.constant 0 : i32
      %dma_start3A_1154 = tpu.memref_slice %arg13[%dma_start3A_1152, %dma_start3A_1151, %dma_start3A_1153] : memref<56x8x128xf32, #tpu.memory_space<vmem>> -> memref<56x1x128xf32, #tpu.memory_space<vmem>>
      %dma_start3A_1155 = tpu.memref_squeeze %dma_start3A_1154 : memref<56x1x128xf32, #tpu.memory_space<vmem>> -> memref<56x128xf32, #tpu.memory_space<vmem>>
      %dma_start3A_1156 = arith.constant 0 : i32
      %dma_start3A_1157 = arith.constant 128 : i32
      %dma_start3A_1158 = tpu.memref_slice %arg6[%add3A_1150, %dma_start3A_1156, %dma_start3A_1157] : memref<1024x56x1024xf32, #tpu.memory_space<hbm>> -> memref<1x56x128xf32, #tpu.memory_space<hbm>>
      %dma_start3A_1159 = tpu.memref_squeeze %dma_start3A_1158 : memref<1x56x128xf32, #tpu.memory_space<hbm>> -> memref<56x128xf32, #tpu.memory_space<hbm>>
      %dma_start3A_1160 = arith.constant 0 : i32
      %dma_start3A_1161 = arith.constant 128 : i32
      %dma_start3A_1162 = tpu.memref_slice %arg6[%add3A_1150, %dma_start3A_1160, %dma_start3A_1161] : memref<1024x56x1024xf32, #tpu.memory_space<hbm>> -> memref<1x56x128xf32, #tpu.memory_space<hbm>>
      %dma_start3A_1163 = tpu.memref_squeeze %dma_start3A_1162 : memref<1x56x128xf32, #tpu.memory_space<hbm>> -> memref<56x128xf32, #tpu.memory_space<hbm>>
      %dma_start3A_1164 = arith.constant 0 : i32
      %dma_start3A_1165 = arith.constant 0 : i32
      %dma_start3A_1166 = tpu.memref_slice %arg13[%dma_start3A_1164, %dma_start3A_1151, %dma_start3A_1165] : memref<56x8x128xf32, #tpu.memory_space<vmem>> -> memref<56x1x128xf32, #tpu.memory_space<vmem>>
      %dma_start3A_1167 = tpu.memref_squeeze %dma_start3A_1166 : memref<56x1x128xf32, #tpu.memory_space<vmem>> -> memref<56x128xf32, #tpu.memory_space<vmem>>
      tpu.enqueue_dma source(%dma_start3A_1167 : memref<56x128xf32, #tpu.memory_space<vmem>>) target(%dma_start3A_1163 : memref<56x128xf32, #tpu.memory_space<hbm>>) target_semaphore(%arg19 : memref<!tpu.dma_semaphore, #tpu.memory_space<semaphore_mem>>)
      %mul3A_1168 = arith.constant 32 : i32
      %mul3A_1169 = arith.muli %add3A, %mul3A_1168 : i32
      %add3A_1170 = arith.addi %mul3A_1169, %add3A_1116 : i32
      %dma_start3A_1171 = arith.constant 2 : i32
      %dma_start3A_1172 = arith.constant 0 : i32
      %dma_start3A_1173 = arith.constant 0 : i32
      %dma_start3A_1174 = tpu.memref_slice %arg13[%dma_start3A_1172, %dma_start3A_1171, %dma_start3A_1173] : memref<56x8x128xf32, #tpu.memory_space<vmem>> -> memref<56x1x128xf32, #tpu.memory_space<vmem>>
      %dma_start3A_1175 = tpu.memref_squeeze %dma_start3A_1174 : memref<56x1x128xf32, #tpu.memory_space<vmem>> -> memref<56x128xf32, #tpu.memory_space<vmem>>
      %dma_start3A_1176 = arith.constant 0 : i32
      %dma_start3A_1177 = arith.constant 256 : i32
      %dma_start3A_1178 = tpu.memref_slice %arg6[%add3A_1170, %dma_start3A_1176, %dma_start3A_1177] : memref<1024x56x1024xf32, #tpu.memory_space<hbm>> -> memref<1x56x128xf32, #tpu.memory_space<hbm>>
      %dma_start3A_1179 = tpu.memref_squeeze %dma_start3A_1178 : memref<1x56x128xf32, #tpu.memory_space<hbm>> -> memref<56x128xf32, #tpu.memory_space<hbm>>
      %dma_start3A_1180 = arith.constant 0 : i32
      %dma_start3A_1181 = arith.constant 256 : i32
      %dma_start3A_1182 = tpu.memref_slice %arg6[%add3A_1170, %dma_start3A_1180, %dma_start3A_1181] : memref<1024x56x1024xf32, #tpu.memory_space<hbm>> -> memref<1x56x128xf32, #tpu.memory_space<hbm>>
      %dma_start3A_1183 = tpu.memref_squeeze %dma_start3A_1182 : memref<1x56x128xf32, #tpu.memory_space<hbm>> -> memref<56x128xf32, #tpu.memory_space<hbm>>
      %dma_start3A_1184 = arith.constant 0 : i32
      %dma_start3A_1185 = arith.constant 0 : i32
      %dma_start3A_1186 = tpu.memref_slice %arg13[%dma_start3A_1184, %dma_start3A_1171, %dma_start3A_1185] : memref<56x8x128xf32, #tpu.memory_space<vmem>> -> memref<56x1x128xf32, #tpu.memory_space<vmem>>
      %dma_start3A_1187 = tpu.memref_squeeze %dma_start3A_1186 : memref<56x1x128xf32, #tpu.memory_space<vmem>> -> memref<56x128xf32, #tpu.memory_space<vmem>>
      tpu.enqueue_dma source(%dma_start3A_1187 : memref<56x128xf32, #tpu.memory_space<vmem>>) target(%dma_start3A_1183 : memref<56x128xf32, #tpu.memory_space<hbm>>) target_semaphore(%arg19 : memref<!tpu.dma_semaphore, #tpu.memory_space<semaphore_mem>>)
      %mul3A_1188 = arith.constant 32 : i32
      %mul3A_1189 = arith.muli %add3A, %mul3A_1188 : i32
      %add3A_1190 = arith.addi %mul3A_1189, %add3A_1116 : i32
      %dma_start3A_1191 = arith.constant 3 : i32
      %dma_start3A_1192 = arith.constant 0 : i32
      %dma_start3A_1193 = arith.constant 0 : i32
      %dma_start3A_1194 = tpu.memref_slice %arg13[%dma_start3A_1192, %dma_start3A_1191, %dma_start3A_1193] : memref<56x8x128xf32, #tpu.memory_space<vmem>> -> memref<56x1x128xf32, #tpu.memory_space<vmem>>
      %dma_start3A_1195 = tpu.memref_squeeze %dma_start3A_1194 : memref<56x1x128xf32, #tpu.memory_space<vmem>> -> memref<56x128xf32, #tpu.memory_space<vmem>>
      %dma_start3A_1196 = arith.constant 0 : i32
      %dma_start3A_1197 = arith.constant 384 : i32
      %dma_start3A_1198 = tpu.memref_slice %arg6[%add3A_1190, %dma_start3A_1196, %dma_start3A_1197] : memref<1024x56x1024xf32, #tpu.memory_space<hbm>> -> memref<1x56x128xf32, #tpu.memory_space<hbm>>
      %dma_start3A_1199 = tpu.memref_squeeze %dma_start3A_1198 : memref<1x56x128xf32, #tpu.memory_space<hbm>> -> memref<56x128xf32, #tpu.memory_space<hbm>>
      %dma_start3A_1200 = arith.constant 0 : i32
      %dma_start3A_1201 = arith.constant 384 : i32
      %dma_start3A_1202 = tpu.memref_slice %arg6[%add3A_1190, %dma_start3A_1200, %dma_start3A_1201] : memref<1024x56x1024xf32, #tpu.memory_space<hbm>> -> memref<1x56x128xf32, #tpu.memory_space<hbm>>
      %dma_start3A_1203 = tpu.memref_squeeze %dma_start3A_1202 : memref<1x56x128xf32, #tpu.memory_space<hbm>> -> memref<56x128xf32, #tpu.memory_space<hbm>>
      %dma_start3A_1204 = arith.constant 0 : i32
      %dma_start3A_1205 = arith.constant 0 : i32
      %dma_start3A_1206 = tpu.memref_slice %arg13[%dma_start3A_1204, %dma_start3A_1191, %dma_start3A_1205] : memref<56x8x128xf32, #tpu.memory_space<vmem>> -> memref<56x1x128xf32, #tpu.memory_space<vmem>>
      %dma_start3A_1207 = tpu.memref_squeeze %dma_start3A_1206 : memref<56x1x128xf32, #tpu.memory_space<vmem>> -> memref<56x128xf32, #tpu.memory_space<vmem>>
      tpu.enqueue_dma source(%dma_start3A_1207 : memref<56x128xf32, #tpu.memory_space<vmem>>) target(%dma_start3A_1203 : memref<56x128xf32, #tpu.memory_space<hbm>>) target_semaphore(%arg19 : memref<!tpu.dma_semaphore, #tpu.memory_space<semaphore_mem>>)
      %mul3A_1208 = arith.constant 32 : i32
      %mul3A_1209 = arith.muli %add3A, %mul3A_1208 : i32
      %add3A_1210 = arith.addi %mul3A_1209, %add3A_1116 : i32
      %dma_start3A_1211 = arith.constant 4 : i32
      %dma_start3A_1212 = arith.constant 0 : i32
      %dma_start3A_1213 = arith.constant 0 : i32
      %dma_start3A_1214 = tpu.memref_slice %arg13[%dma_start3A_1212, %dma_start3A_1211, %dma_start3A_1213] : memref<56x8x128xf32, #tpu.memory_space<vmem>> -> memref<56x1x128xf32, #tpu.memory_space<vmem>>
      %dma_start3A_1215 = tpu.memref_squeeze %dma_start3A_1214 : memref<56x1x128xf32, #tpu.memory_space<vmem>> -> memref<56x128xf32, #tpu.memory_space<vmem>>
      %dma_start3A_1216 = arith.constant 0 : i32
      %dma_start3A_1217 = arith.constant 512 : i32
      %dma_start3A_1218 = tpu.memref_slice %arg6[%add3A_1210, %dma_start3A_1216, %dma_start3A_1217] : memref<1024x56x1024xf32, #tpu.memory_space<hbm>> -> memref<1x56x128xf32, #tpu.memory_space<hbm>>
      %dma_start3A_1219 = tpu.memref_squeeze %dma_start3A_1218 : memref<1x56x128xf32, #tpu.memory_space<hbm>> -> memref<56x128xf32, #tpu.memory_space<hbm>>
      %dma_start3A_1220 = arith.constant 0 : i32
      %dma_start3A_1221 = arith.constant 512 : i32
      %dma_start3A_1222 = tpu.memref_slice %arg6[%add3A_1210, %dma_start3A_1220, %dma_start3A_1221] : memref<1024x56x1024xf32, #tpu.memory_space<hbm>> -> memref<1x56x128xf32, #tpu.memory_space<hbm>>
      %dma_start3A_1223 = tpu.memref_squeeze %dma_start3A_1222 : memref<1x56x128xf32, #tpu.memory_space<hbm>> -> memref<56x128xf32, #tpu.memory_space<hbm>>
      %dma_start3A_1224 = arith.constant 0 : i32
      %dma_start3A_1225 = arith.constant 0 : i32
      %dma_start3A_1226 = tpu.memref_slice %arg13[%dma_start3A_1224, %dma_start3A_1211, %dma_start3A_1225] : memref<56x8x128xf32, #tpu.memory_space<vmem>> -> memref<56x1x128xf32, #tpu.memory_space<vmem>>
      %dma_start3A_1227 = tpu.memref_squeeze %dma_start3A_1226 : memref<56x1x128xf32, #tpu.memory_space<vmem>> -> memref<56x128xf32, #tpu.memory_space<vmem>>
      tpu.enqueue_dma source(%dma_start3A_1227 : memref<56x128xf32, #tpu.memory_space<vmem>>) target(%dma_start3A_1223 : memref<56x128xf32, #tpu.memory_space<hbm>>) target_semaphore(%arg19 : memref<!tpu.dma_semaphore, #tpu.memory_space<semaphore_mem>>)
      %mul3A_1228 = arith.constant 32 : i32
      %mul3A_1229 = arith.muli %add3A, %mul3A_1228 : i32
      %add3A_1230 = arith.addi %mul3A_1229, %add3A_1116 : i32
      %dma_start3A_1231 = arith.constant 5 : i32
      %dma_start3A_1232 = arith.constant 0 : i32
      %dma_start3A_1233 = arith.constant 0 : i32
      %dma_start3A_1234 = tpu.memref_slice %arg13[%dma_start3A_1232, %dma_start3A_1231, %dma_start3A_1233] : memref<56x8x128xf32, #tpu.memory_space<vmem>> -> memref<56x1x128xf32, #tpu.memory_space<vmem>>
      %dma_start3A_1235 = tpu.memref_squeeze %dma_start3A_1234 : memref<56x1x128xf32, #tpu.memory_space<vmem>> -> memref<56x128xf32, #tpu.memory_space<vmem>>
      %dma_start3A_1236 = arith.constant 0 : i32
      %dma_start3A_1237 = arith.constant 640 : i32
      %dma_start3A_1238 = tpu.memref_slice %arg6[%add3A_1230, %dma_start3A_1236, %dma_start3A_1237] : memref<1024x56x1024xf32, #tpu.memory_space<hbm>> -> memref<1x56x128xf32, #tpu.memory_space<hbm>>
      %dma_start3A_1239 = tpu.memref_squeeze %dma_start3A_1238 : memref<1x56x128xf32, #tpu.memory_space<hbm>> -> memref<56x128xf32, #tpu.memory_space<hbm>>
      %dma_start3A_1240 = arith.constant 0 : i32
      %dma_start3A_1241 = arith.constant 640 : i32
      %dma_start3A_1242 = tpu.memref_slice %arg6[%add3A_1230, %dma_start3A_1240, %dma_start3A_1241] : memref<1024x56x1024xf32, #tpu.memory_space<hbm>> -> memref<1x56x128xf32, #tpu.memory_space<hbm>>
      %dma_start3A_1243 = tpu.memref_squeeze %dma_start3A_1242 : memref<1x56x128xf32, #tpu.memory_space<hbm>> -> memref<56x128xf32, #tpu.memory_space<hbm>>
      %dma_start3A_1244 = arith.constant 0 : i32
      %dma_start3A_1245 = arith.constant 0 : i32
      %dma_start3A_1246 = tpu.memref_slice %arg13[%dma_start3A_1244, %dma_start3A_1231, %dma_start3A_1245] : memref<56x8x128xf32, #tpu.memory_space<vmem>> -> memref<56x1x128xf32, #tpu.memory_space<vmem>>
      %dma_start3A_1247 = tpu.memref_squeeze %dma_start3A_1246 : memref<56x1x128xf32, #tpu.memory_space<vmem>> -> memref<56x128xf32, #tpu.memory_space<vmem>>
      tpu.enqueue_dma source(%dma_start3A_1247 : memref<56x128xf32, #tpu.memory_space<vmem>>) target(%dma_start3A_1243 : memref<56x128xf32, #tpu.memory_space<hbm>>) target_semaphore(%arg19 : memref<!tpu.dma_semaphore, #tpu.memory_space<semaphore_mem>>)
      %mul3A_1248 = arith.constant 32 : i32
      %mul3A_1249 = arith.muli %add3A, %mul3A_1248 : i32
      %add3A_1250 = arith.addi %mul3A_1249, %add3A_1116 : i32
      %dma_start3A_1251 = arith.constant 6 : i32
      %dma_start3A_1252 = arith.constant 0 : i32
      %dma_start3A_1253 = arith.constant 0 : i32
      %dma_start3A_1254 = tpu.memref_slice %arg13[%dma_start3A_1252, %dma_start3A_1251, %dma_start3A_1253] : memref<56x8x128xf32, #tpu.memory_space<vmem>> -> memref<56x1x128xf32, #tpu.memory_space<vmem>>
      %dma_start3A_1255 = tpu.memref_squeeze %dma_start3A_1254 : memref<56x1x128xf32, #tpu.memory_space<vmem>> -> memref<56x128xf32, #tpu.memory_space<vmem>>
      %dma_start3A_1256 = arith.constant 0 : i32
      %dma_start3A_1257 = arith.constant 768 : i32
      %dma_start3A_1258 = tpu.memref_slice %arg6[%add3A_1250, %dma_start3A_1256, %dma_start3A_1257] : memref<1024x56x1024xf32, #tpu.memory_space<hbm>> -> memref<1x56x128xf32, #tpu.memory_space<hbm>>
      %dma_start3A_1259 = tpu.memref_squeeze %dma_start3A_1258 : memref<1x56x128xf32, #tpu.memory_space<hbm>> -> memref<56x128xf32, #tpu.memory_space<hbm>>
      %dma_start3A_1260 = arith.constant 0 : i32
      %dma_start3A_1261 = arith.constant 768 : i32
      %dma_start3A_1262 = tpu.memref_slice %arg6[%add3A_1250, %dma_start3A_1260, %dma_start3A_1261] : memref<1024x56x1024xf32, #tpu.memory_space<hbm>> -> memref<1x56x128xf32, #tpu.memory_space<hbm>>
      %dma_start3A_1263 = tpu.memref_squeeze %dma_start3A_1262 : memref<1x56x128xf32, #tpu.memory_space<hbm>> -> memref<56x128xf32, #tpu.memory_space<hbm>>
      %dma_start3A_1264 = arith.constant 0 : i32
      %dma_start3A_1265 = arith.constant 0 : i32
      %dma_start3A_1266 = tpu.memref_slice %arg13[%dma_start3A_1264, %dma_start3A_1251, %dma_start3A_1265] : memref<56x8x128xf32, #tpu.memory_space<vmem>> -> memref<56x1x128xf32, #tpu.memory_space<vmem>>
      %dma_start3A_1267 = tpu.memref_squeeze %dma_start3A_1266 : memref<56x1x128xf32, #tpu.memory_space<vmem>> -> memref<56x128xf32, #tpu.memory_space<vmem>>
      tpu.enqueue_dma source(%dma_start3A_1267 : memref<56x128xf32, #tpu.memory_space<vmem>>) target(%dma_start3A_1263 : memref<56x128xf32, #tpu.memory_space<hbm>>) target_semaphore(%arg19 : memref<!tpu.dma_semaphore, #tpu.memory_space<semaphore_mem>>)
      %mul3A_1268 = arith.constant 32 : i32
      %mul3A_1269 = arith.muli %add3A, %mul3A_1268 : i32
      %add3A_1270 = arith.addi %mul3A_1269, %add3A_1116 : i32
      %dma_start3A_1271 = arith.constant 7 : i32
      %dma_start3A_1272 = arith.constant 0 : i32
      %dma_start3A_1273 = arith.constant 0 : i32
      %dma_start3A_1274 = tpu.memref_slice %arg13[%dma_start3A_1272, %dma_start3A_1271, %dma_start3A_1273] : memref<56x8x128xf32, #tpu.memory_space<vmem>> -> memref<56x1x128xf32, #tpu.memory_space<vmem>>
      %dma_start3A_1275 = tpu.memref_squeeze %dma_start3A_1274 : memref<56x1x128xf32, #tpu.memory_space<vmem>> -> memref<56x128xf32, #tpu.memory_space<vmem>>
      %dma_start3A_1276 = arith.constant 0 : i32
      %dma_start3A_1277 = arith.constant 896 : i32
      %dma_start3A_1278 = tpu.memref_slice %arg6[%add3A_1270, %dma_start3A_1276, %dma_start3A_1277] : memref<1024x56x1024xf32, #tpu.memory_space<hbm>> -> memref<1x56x128xf32, #tpu.memory_space<hbm>>
      %dma_start3A_1279 = tpu.memref_squeeze %dma_start3A_1278 : memref<1x56x128xf32, #tpu.memory_space<hbm>> -> memref<56x128xf32, #tpu.memory_space<hbm>>
      %dma_start3A_1280 = arith.constant 0 : i32
      %dma_start3A_1281 = arith.constant 896 : i32
      %dma_start3A_1282 = tpu.memref_slice %arg6[%add3A_1270, %dma_start3A_1280, %dma_start3A_1281] : memref<1024x56x1024xf32, #tpu.memory_space<hbm>> -> memref<1x56x128xf32, #tpu.memory_space<hbm>>
      %dma_start3A_1283 = tpu.memref_squeeze %dma_start3A_1282 : memref<1x56x128xf32, #tpu.memory_space<hbm>> -> memref<56x128xf32, #tpu.memory_space<hbm>>
      %dma_start3A_1284 = arith.constant 0 : i32
      %dma_start3A_1285 = arith.constant 0 : i32
      %dma_start3A_1286 = tpu.memref_slice %arg13[%dma_start3A_1284, %dma_start3A_1271, %dma_start3A_1285] : memref<56x8x128xf32, #tpu.memory_space<vmem>> -> memref<56x1x128xf32, #tpu.memory_space<vmem>>
      %dma_start3A_1287 = tpu.memref_squeeze %dma_start3A_1286 : memref<56x1x128xf32, #tpu.memory_space<vmem>> -> memref<56x128xf32, #tpu.memory_space<vmem>>
      tpu.enqueue_dma source(%dma_start3A_1287 : memref<56x128xf32, #tpu.memory_space<vmem>>) target(%dma_start3A_1283 : memref<56x128xf32, #tpu.memory_space<hbm>>) target_semaphore(%arg19 : memref<!tpu.dma_semaphore, #tpu.memory_space<semaphore_mem>>)
      %mul3A_1288 = arith.constant 64 : i32
      %mul3A_1289 = arith.muli %add3A_1116, %mul3A_1288 : i32
      %add3A_1290 = arith.constant 0 : i32
      %add3A_1291 = arith.addi %mul3A_1289, %add3A_1290 : i32
      %iota3A_1292 = tpu.iota {dimensions = array<i32: 0>} : vector<16xi32>
      %add3A_1293 = arith.constant 0 : i32
      %add3A_1294 = vector.broadcast %add3A_1293 : i32 to vector<16xi32>
      %add3A_1295 = arith.addi %iota3A_1292, %add3A_1294 : vector<16xi32>
      %get3A_1296 = arith.index_cast %add3A_1291 : i32 to index
      %get3A_1297 = tpu.vector_load %arg9[%get3A_1296] {strides = array<i32>} : memref<2048xi32, #tpu.memory_space<vmem>>, vector<16xi32>,
      %jit3A_1298 = arith.constant 0 : i32
      %jit3A_1299 = arith.constant 999 : i32
      %max3A_1300 = vector.broadcast %jit3A_1298 : i32 to vector<16xi32>
      %max3A_1301 = arith.maxsi %max3A_1300, %get3A_1297 : vector<16xi32>
      %min3A_1302 = vector.broadcast %jit3A_1299 : i32 to vector<16xi32>
      %min3A_1303 = arith.minsi %min3A_1302, %max3A_1301 : vector<16xi32>
      %get3A_1304 = arith.index_cast %add3A_1291 : i32 to index
      %get3A_1305 = tpu.vector_load %arg10[%get3A_1304] {strides = array<i32>} : memref<2048xi32, #tpu.memory_space<vmem>>, vector<16xi32>,
      %ne3A_1306 = arith.constant -1 : i32
      %ne3A_1307 = vector.broadcast %ne3A_1306 : i32 to vector<16xi32>
      %ne3A_1308 = arith.cmpi ne, %get3A_1305, %ne3A_1307 : vector<16xi32>
      %jit3A_1309 = arith.constant 0 : i32
      %broadcast_in_dim3A_1310 = vector.broadcast %jit3A_1309 : i32 to vector<16xi32>
      %select_n3A_1311 = arith.select %ne3A_1308, %get3A_1305, %broadcast_in_dim3A_1310 : vector<16xi1>, vector<16xi32>
      %min3A_1312 = arith.constant 49 : i32
      %min3A_1313 = vector.broadcast %min3A_1312 : i32 to vector<16xi32>
      %min3A_1314 = arith.minsi %add3A_1295, %min3A_1313 : vector<16xi32>
      %shift_right_arithmetic3A_1315 = arith.constant 7 : i32
      %shift_right_arithmetic3A_1316 = vector.broadcast %shift_right_arithmetic3A_1315 : i32 to vector<16xi32>
      %shift_right_arithmetic3A_1317 = arith.shrsi %select_n3A_1311, %shift_right_arithmetic3A_1316 : vector<16xi32>
      %and3A_1318 = arith.constant 127 : i32
      %and3A_1319 = vector.broadcast %and3A_1318 : i32 to vector<16xi32>
      %and3A_1320 = arith.andi %select_n3A_1311, %and3A_1319 : vector<16xi32>
      %gather3A_1321 = tpu.vector_load_idx %arg13[%min3A_1314, %shift_right_arithmetic3A_1317, %and3A_1320] : memref<56x8x128xf32, #tpu.memory_space<vmem>>[vector<16xi32>, vector<16xi32>, vector<16xi32>], vector<16xf32>,
      %gather3A_1322 = tpu.vector_load_idx %arg11[%min3A_1303] : memref<1024xf32, #tpu.memory_space<vmem>>[vector<16xi32>], vector<16xf32>,
      %sub3A_1323 = arith.subf %gather3A_1321, %gather3A_1322 : vector<16xf32>
      %jit3A_1324 = arith.constant 0.000000e+00 : f32
      %broadcast_in_dim3A_1325 = vector.broadcast %jit3A_1324 : f32 to vector<16xf32>
      %select_n3A_1326 = arith.select %ne3A_1308, %sub3A_1323, %broadcast_in_dim3A_1325 : vector<16xi1>, vector<16xf32>
      %add3A_1327 = arith.addf %add3A_1102, %select_n3A_1326 : vector<16xf32>
      %jit3A_1328 = arith.constant 1.000000e+00 : f32
      %jit3A_1329 = arith.constant 0.000000e+00 : f32
      %broadcast_in_dim3A_1330 = vector.broadcast %jit3A_1328 : f32 to vector<16xf32>
      %broadcast_in_dim3A_1331 = vector.broadcast %jit3A_1329 : f32 to vector<16xf32>
      %select_n3A_1332 = arith.select %ne3A_1308, %broadcast_in_dim3A_1330, %broadcast_in_dim3A_1331 : vector<16xi1>, vector<16xf32>
      %add3A_1333 = arith.addf %add3A_1108, %select_n3A_1332 : vector<16xf32>
      %mul3A_1334 = arith.constant 64 : i32
      %mul3A_1335 = arith.muli %add3A_1116, %mul3A_1334 : i32
      %add3A_1336 = arith.constant 16 : i32
      %add3A_1337 = arith.addi %mul3A_1335, %add3A_1336 : i32
      %iota3A_1338 = tpu.iota {dimensions = array<i32: 0>} : vector<16xi32>
      %add3A_1339 = arith.constant 16 : i32
      %add3A_1340 = vector.broadcast %add3A_1339 : i32 to vector<16xi32>
      %add3A_1341 = arith.addi %iota3A_1338, %add3A_1340 : vector<16xi32>
      %get3A_1342 = arith.index_cast %add3A_1337 : i32 to index
      %get3A_1343 = tpu.vector_load %arg9[%get3A_1342] {strides = array<i32>} : memref<2048xi32, #tpu.memory_space<vmem>>, vector<16xi32>,
      %jit3A_1344 = arith.constant 0 : i32
      %jit3A_1345 = arith.constant 999 : i32
      %max3A_1346 = vector.broadcast %jit3A_1344 : i32 to vector<16xi32>
      %max3A_1347 = arith.maxsi %max3A_1346, %get3A_1343 : vector<16xi32>
      %min3A_1348 = vector.broadcast %jit3A_1345 : i32 to vector<16xi32>
      %min3A_1349 = arith.minsi %min3A_1348, %max3A_1347 : vector<16xi32>
      %get3A_1350 = arith.index_cast %add3A_1337 : i32 to index
      %get3A_1351 = tpu.vector_load %arg10[%get3A_1350] {strides = array<i32>} : memref<2048xi32, #tpu.memory_space<vmem>>, vector<16xi32>,
      %ne3A_1352 = arith.constant -1 : i32
      %ne3A_1353 = vector.broadcast %ne3A_1352 : i32 to vector<16xi32>
      %ne3A_1354 = arith.cmpi ne, %get3A_1351, %ne3A_1353 : vector<16xi32>
      %jit3A_1355 = arith.constant 0 : i32
      %broadcast_in_dim3A_1356 = vector.broadcast %jit3A_1355 : i32 to vector<16xi32>
      %select_n3A_1357 = arith.select %ne3A_1354, %get3A_1351, %broadcast_in_dim3A_1356 : vector<16xi1>, vector<16xi32>
      %min3A_1358 = arith.constant 49 : i32
      %min3A_1359 = vector.broadcast %min3A_1358 : i32 to vector<16xi32>
      %min3A_1360 = arith.minsi %add3A_1341, %min3A_1359 : vector<16xi32>
      %shift_right_arithmetic3A_1361 = arith.constant 7 : i32
      %shift_right_arithmetic3A_1362 = vector.broadcast %shift_right_arithmetic3A_1361 : i32 to vector<16xi32>
      %shift_right_arithmetic3A_1363 = arith.shrsi %select_n3A_1357, %shift_right_arithmetic3A_1362 : vector<16xi32>
      %and3A_1364 = arith.constant 127 : i32
      %and3A_1365 = vector.broadcast %and3A_1364 : i32 to vector<16xi32>
      %and3A_1366 = arith.andi %select_n3A_1357, %and3A_1365 : vector<16xi32>
      %gather3A_1367 = tpu.vector_load_idx %arg13[%min3A_1360, %shift_right_arithmetic3A_1363, %and3A_1366] : memref<56x8x128xf32, #tpu.memory_space<vmem>>[vector<16xi32>, vector<16xi32>, vector<16xi32>], vector<16xf32>,
      %gather3A_1368 = tpu.vector_load_idx %arg11[%min3A_1349] : memref<1024xf32, #tpu.memory_space<vmem>>[vector<16xi32>], vector<16xf32>,
      %sub3A_1369 = arith.subf %gather3A_1367, %gather3A_1368 : vector<16xf32>
      %jit3A_1370 = arith.constant 0.000000e+00 : f32
      %broadcast_in_dim3A_1371 = vector.broadcast %jit3A_1370 : f32 to vector<16xf32>
      %select_n3A_1372 = arith.select %ne3A_1354, %sub3A_1369, %broadcast_in_dim3A_1371 : vector<16xi1>, vector<16xf32>
      %add3A_1373 = arith.addf %add3A_1327, %select_n3A_1372 : vector<16xf32>
      %jit3A_1374 = arith.constant 1.000000e+00 : f32
      %jit3A_1375 = arith.constant 0.000000e+00 : f32
      %broadcast_in_dim3A_1376 = vector.broadcast %jit3A_1374 : f32 to vector<16xf32>
      %broadcast_in_dim3A_1377 = vector.broadcast %jit3A_1375 : f32 to vector<16xf32>
      %select_n3A_1378 = arith.select %ne3A_1354, %broadcast_in_dim3A_1376, %broadcast_in_dim3A_1377 : vector<16xi1>, vector<16xf32>
      %add3A_1379 = arith.addf %add3A_1333, %select_n3A_1378 : vector<16xf32>
      %mul3A_1380 = arith.constant 64 : i32
      %mul3A_1381 = arith.muli %add3A_1116, %mul3A_1380 : i32
      %add3A_1382 = arith.constant 32 : i32
      %add3A_1383 = arith.addi %mul3A_1381, %add3A_1382 : i32
      %iota3A_1384 = tpu.iota {dimensions = array<i32: 0>} : vector<16xi32>
      %add3A_1385 = arith.constant 32 : i32
      %add3A_1386 = vector.broadcast %add3A_1385 : i32 to vector<16xi32>
      %add3A_1387 = arith.addi %iota3A_1384, %add3A_1386 : vector<16xi32>
      %get3A_1388 = arith.index_cast %add3A_1383 : i32 to index
      %get3A_1389 = tpu.vector_load %arg9[%get3A_1388] {strides = array<i32>} : memref<2048xi32, #tpu.memory_space<vmem>>, vector<16xi32>,
      %jit3A_1390 = arith.constant 0 : i32
      %jit3A_1391 = arith.constant 999 : i32
      %max3A_1392 = vector.broadcast %jit3A_1390 : i32 to vector<16xi32>
      %max3A_1393 = arith.maxsi %max3A_1392, %get3A_1389 : vector<16xi32>
      %min3A_1394 = vector.broadcast %jit3A_1391 : i32 to vector<16xi32>
      %min3A_1395 = arith.minsi %min3A_1394, %max3A_1393 : vector<16xi32>
      %get3A_1396 = arith.index_cast %add3A_1383 : i32 to index
      %get3A_1397 = tpu.vector_load %arg10[%get3A_1396] {strides = array<i32>} : memref<2048xi32, #tpu.memory_space<vmem>>, vector<16xi32>,
      %ne3A_1398 = arith.constant -1 : i32
      %ne3A_1399 = vector.broadcast %ne3A_1398 : i32 to vector<16xi32>
      %ne3A_1400 = arith.cmpi ne, %get3A_1397, %ne3A_1399 : vector<16xi32>
      %jit3A_1401 = arith.constant 0 : i32
      %broadcast_in_dim3A_1402 = vector.broadcast %jit3A_1401 : i32 to vector<16xi32>
      %select_n3A_1403 = arith.select %ne3A_1400, %get3A_1397, %broadcast_in_dim3A_1402 : vector<16xi1>, vector<16xi32>
      %min3A_1404 = arith.constant 49 : i32
      %min3A_1405 = vector.broadcast %min3A_1404 : i32 to vector<16xi32>
      %min3A_1406 = arith.minsi %add3A_1387, %min3A_1405 : vector<16xi32>
      %shift_right_arithmetic3A_1407 = arith.constant 7 : i32
      %shift_right_arithmetic3A_1408 = vector.broadcast %shift_right_arithmetic3A_1407 : i32 to vector<16xi32>
      %shift_right_arithmetic3A_1409 = arith.shrsi %select_n3A_1403, %shift_right_arithmetic3A_1408 : vector<16xi32>
      %and3A_1410 = arith.constant 127 : i32
      %and3A_1411 = vector.broadcast %and3A_1410 : i32 to vector<16xi32>
      %and3A_1412 = arith.andi %select_n3A_1403, %and3A_1411 : vector<16xi32>
      %gather3A_1413 = tpu.vector_load_idx %arg13[%min3A_1406, %shift_right_arithmetic3A_1409, %and3A_1412] : memref<56x8x128xf32, #tpu.memory_space<vmem>>[vector<16xi32>, vector<16xi32>, vector<16xi32>], vector<16xf32>,
      %gather3A_1414 = tpu.vector_load_idx %arg11[%min3A_1395] : memref<1024xf32, #tpu.memory_space<vmem>>[vector<16xi32>], vector<16xf32>,
      %sub3A_1415 = arith.subf %gather3A_1413, %gather3A_1414 : vector<16xf32>
      %jit3A_1416 = arith.constant 0.000000e+00 : f32
      %broadcast_in_dim3A_1417 = vector.broadcast %jit3A_1416 : f32 to vector<16xf32>
      %select_n3A_1418 = arith.select %ne3A_1400, %sub3A_1415, %broadcast_in_dim3A_1417 : vector<16xi1>, vector<16xf32>
      %add3A_1419 = arith.addf %add3A_1373, %select_n3A_1418 : vector<16xf32>
      %jit3A_1420 = arith.constant 1.000000e+00 : f32
      %jit3A_1421 = arith.constant 0.000000e+00 : f32
      %broadcast_in_dim3A_1422 = vector.broadcast %jit3A_1420 : f32 to vector<16xf32>
      %broadcast_in_dim3A_1423 = vector.broadcast %jit3A_1421 : f32 to vector<16xf32>
      %select_n3A_1424 = arith.select %ne3A_1400, %broadcast_in_dim3A_1422, %broadcast_in_dim3A_1423 : vector<16xi1>, vector<16xf32>
      %add3A_1425 = arith.addf %add3A_1379, %select_n3A_1424 : vector<16xf32>
      %mul3A_1426 = arith.constant 64 : i32
      %mul3A_1427 = arith.muli %add3A_1116, %mul3A_1426 : i32
      %add3A_1428 = arith.constant 48 : i32
      %add3A_1429 = arith.addi %mul3A_1427, %add3A_1428 : i32
      %iota3A_1430 = tpu.iota {dimensions = array<i32: 0>} : vector<16xi32>
      %add3A_1431 = arith.constant 48 : i32
      %add3A_1432 = vector.broadcast %add3A_1431 : i32 to vector<16xi32>
      %add3A_1433 = arith.addi %iota3A_1430, %add3A_1432 : vector<16xi32>
      %get3A_1434 = arith.index_cast %add3A_1429 : i32 to index
      %get3A_1435 = tpu.vector_load %arg9[%get3A_1434] {strides = array<i32>} : memref<2048xi32, #tpu.memory_space<vmem>>, vector<16xi32>,
      %jit3A_1436 = arith.constant 0 : i32
      %jit3A_1437 = arith.constant 999 : i32
      %max3A_1438 = vector.broadcast %jit3A_1436 : i32 to vector<16xi32>
      %max3A_1439 = arith.maxsi %max3A_1438, %get3A_1435 : vector<16xi32>
      %min3A_1440 = vector.broadcast %jit3A_1437 : i32 to vector<16xi32>
      %min3A_1441 = arith.minsi %min3A_1440, %max3A_1439 : vector<16xi32>
      %get3A_1442 = arith.index_cast %add3A_1429 : i32 to index
      %get3A_1443 = tpu.vector_load %arg10[%get3A_1442] {strides = array<i32>} : memref<2048xi32, #tpu.memory_space<vmem>>, vector<16xi32>,
      %ne3A_1444 = arith.constant -1 : i32
      %ne3A_1445 = vector.broadcast %ne3A_1444 : i32 to vector<16xi32>
      %ne3A_1446 = arith.cmpi ne, %get3A_1443, %ne3A_1445 : vector<16xi32>
      %jit3A_1447 = arith.constant 0 : i32
      %broadcast_in_dim3A_1448 = vector.broadcast %jit3A_1447 : i32 to vector<16xi32>
      %select_n3A_1449 = arith.select %ne3A_1446, %get3A_1443, %broadcast_in_dim3A_1448 : vector<16xi1>, vector<16xi32>
      %min3A_1450 = arith.constant 49 : i32
      %min3A_1451 = vector.broadcast %min3A_1450 : i32 to vector<16xi32>
      %min3A_1452 = arith.minsi %add3A_1433, %min3A_1451 : vector<16xi32>
      %shift_right_arithmetic3A_1453 = arith.constant 7 : i32
      %shift_right_arithmetic3A_1454 = vector.broadcast %shift_right_arithmetic3A_1453 : i32 to vector<16xi32>
      %shift_right_arithmetic3A_1455 = arith.shrsi %select_n3A_1449, %shift_right_arithmetic3A_1454 : vector<16xi32>
      %and3A_1456 = arith.constant 127 : i32
      %and3A_1457 = vector.broadcast %and3A_1456 : i32 to vector<16xi32>
      %and3A_1458 = arith.andi %select_n3A_1449, %and3A_1457 : vector<16xi32>
      %gather3A_1459 = tpu.vector_load_idx %arg13[%min3A_1452, %shift_right_arithmetic3A_1455, %and3A_1458] : memref<56x8x128xf32, #tpu.memory_space<vmem>>[vector<16xi32>, vector<16xi32>, vector<16xi32>], vector<16xf32>,
      %gather3A_1460 = tpu.vector_load_idx %arg11[%min3A_1441] : memref<1024xf32, #tpu.memory_space<vmem>>[vector<16xi32>], vector<16xf32>,
      %sub3A_1461 = arith.subf %gather3A_1459, %gather3A_1460 : vector<16xf32>
      %jit3A_1462 = arith.constant 0.000000e+00 : f32
      %broadcast_in_dim3A_1463 = vector.broadcast %jit3A_1462 : f32 to vector<16xf32>
      %select_n3A_1464 = arith.select %ne3A_1446, %sub3A_1461, %broadcast_in_dim3A_1463 : vector<16xi1>, vector<16xf32>
      %add3A_1465 = arith.addf %add3A_1419, %select_n3A_1464 : vector<16xf32>
      %jit3A_1466 = arith.constant 1.000000e+00 : f32
      %jit3A_1467 = arith.constant 0.000000e+00 : f32
      %broadcast_in_dim3A_1468 = vector.broadcast %jit3A_1466 : f32 to vector<16xf32>
      %broadcast_in_dim3A_1469 = vector.broadcast %jit3A_1467 : f32 to vector<16xf32>
      %select_n3A_1470 = arith.select %ne3A_1446, %broadcast_in_dim3A_1468, %broadcast_in_dim3A_1469 : vector<16xi1>, vector<16xf32>
      %add3A_1471 = arith.addf %add3A_1425, %select_n3A_1470 : vector<16xf32>
      %add3A_1472 = arith.constant 2 : i32
      %add3A_1473 = arith.addi %add3A_1116, %add3A_1472 : i32
      %lt3A_1474 = arith.constant 32 : i32
      %lt3A_1475 = arith.cmpi slt, %add3A_1473, %lt3A_1474 : i32
      %convert_element_type3A_1476 = arith.extui %lt3A_1475 : i1 to i32
      %cond3A_1477 = arith.constant 0 : i32
      %cond3A_1478 = arith.cmpi ne, %convert_element_type3A_1476, %cond3A_1477 : i32
      scf.if %cond3A_1478 {
        %mul3A_1479 = arith.constant 32 : i32
        %mul3A_1480 = arith.muli %add3A, %mul3A_1479 : i32
        %add3A_1481 = arith.addi %mul3A_1480, %add3A_1116 : i32
        %dma_wait3A_1482 = arith.constant 0 : i32
        %dma_wait3A_1483 = arith.constant 0 : i32
        %dma_wait3A_1484 = arith.constant 0 : i32
        %dma_wait3A_1485 = tpu.memref_slice %arg13[%dma_wait3A_1483, %dma_wait3A_1482, %dma_wait3A_1484] : memref<56x8x128xf32, #tpu.memory_space<vmem>> -> memref<56x1x128xf32, #tpu.memory_space<vmem>>
        %dma_wait3A_1486 = tpu.memref_squeeze %dma_wait3A_1485 : memref<56x1x128xf32, #tpu.memory_space<vmem>> -> memref<56x128xf32, #tpu.memory_space<vmem>>
        %dma_wait3A_1487 = arith.constant 0 : i32
        %dma_wait3A_1488 = arith.constant 0 : i32
        %dma_wait3A_1489 = tpu.memref_slice %arg6[%add3A_1481, %dma_wait3A_1487, %dma_wait3A_1488] : memref<1024x56x1024xf32, #tpu.memory_space<hbm>> -> memref<1x56x128xf32, #tpu.memory_space<hbm>>
        %dma_wait3A_1490 = tpu.memref_squeeze %dma_wait3A_1489 : memref<1x56x128xf32, #tpu.memory_space<hbm>> -> memref<56x128xf32, #tpu.memory_space<hbm>>
        %dma_wait3A_1491 = arith.constant 0 : i32
        %dma_wait3A_1492 = arith.constant 0 : i32
        %dma_wait3A_1493 = tpu.memref_slice %arg6[%add3A_1481, %dma_wait3A_1491, %dma_wait3A_1492] : memref<1024x56x1024xf32, #tpu.memory_space<hbm>> -> memref<1x56x128xf32, #tpu.memory_space<hbm>>
        %dma_wait3A_1494 = tpu.memref_squeeze %dma_wait3A_1493 : memref<1x56x128xf32, #tpu.memory_space<hbm>> -> memref<56x128xf32, #tpu.memory_space<hbm>>
        %dma_wait3A_1495 = arith.constant 0 : i32
        %dma_wait3A_1496 = arith.constant 0 : i32
        %dma_wait3A_1497 = tpu.memref_slice %arg13[%dma_wait3A_1495, %dma_wait3A_1482, %dma_wait3A_1496] : memref<56x8x128xf32, #tpu.memory_space<vmem>> -> memref<56x1x128xf32, #tpu.memory_space<vmem>>
        %dma_wait3A_1498 = tpu.memref_squeeze %dma_wait3A_1497 : memref<56x1x128xf32, #tpu.memory_space<vmem>> -> memref<56x128xf32, #tpu.memory_space<vmem>>
        tpu.wait_dma2 semaphore(%arg19 : memref<!tpu.dma_semaphore, #tpu.memory_space<semaphore_mem>>) src(%dma_wait3A_1498 : memref<56x128xf32, #tpu.memory_space<vmem>>) dst(%dma_wait3A_1494 : memref<56x128xf32, #tpu.memory_space<hbm>>)
        %mul3A_1499 = arith.constant 32 : i32
        %mul3A_1500 = arith.muli %add3A, %mul3A_1499 : i32
        %add3A_1501 = arith.addi %mul3A_1500, %add3A_1116 : i32
        %dma_wait3A_1502 = arith.constant 1 : i32
        %dma_wait3A_1503 = arith.constant 0 : i32
        %dma_wait3A_1504 = arith.constant 0 : i32
        %dma_wait3A_1505 = tpu.memref_slice %arg13[%dma_wait3A_1503, %dma_wait3A_1502, %dma_wait3A_1504] : memref<56x8x128xf32, #tpu.memory_space<vmem>> -> memref<56x1x128xf32, #tpu.memory_space<vmem>>
        %dma_wait3A_1506 = tpu.memref_squeeze %dma_wait3A_1505 : memref<56x1x128xf32, #tpu.memory_space<vmem>> -> memref<56x128xf32, #tpu.memory_space<vmem>>
        %dma_wait3A_1507 = arith.constant 0 : i32
        %dma_wait3A_1508 = arith.constant 128 : i32
        %dma_wait3A_1509 = tpu.memref_slice %arg6[%add3A_1501, %dma_wait3A_1507, %dma_wait3A_1508] : memref<1024x56x1024xf32, #tpu.memory_space<hbm>> -> memref<1x56x128xf32, #tpu.memory_space<hbm>>
        %dma_wait3A_1510 = tpu.memref_squeeze %dma_wait3A_1509 : memref<1x56x128xf32, #tpu.memory_space<hbm>> -> memref<56x128xf32, #tpu.memory_space<hbm>>
        %dma_wait3A_1511 = arith.constant 0 : i32
        %dma_wait3A_1512 = arith.constant 128 : i32
        %dma_wait3A_1513 = tpu.memref_slice %arg6[%add3A_1501, %dma_wait3A_1511, %dma_wait3A_1512] : memref<1024x56x1024xf32, #tpu.memory_space<hbm>> -> memref<1x56x128xf32, #tpu.memory_space<hbm>>
        %dma_wait3A_1514 = tpu.memref_squeeze %dma_wait3A_1513 : memref<1x56x128xf32, #tpu.memory_space<hbm>> -> memref<56x128xf32, #tpu.memory_space<hbm>>
        %dma_wait3A_1515 = arith.constant 0 : i32
        %dma_wait3A_1516 = arith.constant 0 : i32
        %dma_wait3A_1517 = tpu.memref_slice %arg13[%dma_wait3A_1515, %dma_wait3A_1502, %dma_wait3A_1516] : memref<56x8x128xf32, #tpu.memory_space<vmem>> -> memref<56x1x128xf32, #tpu.memory_space<vmem>>
        %dma_wait3A_1518 = tpu.memref_squeeze %dma_wait3A_1517 : memref<56x1x128xf32, #tpu.memory_space<vmem>> -> memref<56x128xf32, #tpu.memory_space<vmem>>
        tpu.wait_dma2 semaphore(%arg19 : memref<!tpu.dma_semaphore, #tpu.memory_space<semaphore_mem>>) src(%dma_wait3A_1518 : memref<56x128xf32, #tpu.memory_space<vmem>>) dst(%dma_wait3A_1514 : memref<56x128xf32, #tpu.memory_space<hbm>>)
        %mul3A_1519 = arith.constant 32 : i32
        %mul3A_1520 = arith.muli %add3A, %mul3A_1519 : i32
        %add3A_1521 = arith.addi %mul3A_1520, %add3A_1116 : i32
        %dma_wait3A_1522 = arith.constant 2 : i32
        %dma_wait3A_1523 = arith.constant 0 : i32
        %dma_wait3A_1524 = arith.constant 0 : i32
        %dma_wait3A_1525 = tpu.memref_slice %arg13[%dma_wait3A_1523, %dma_wait3A_1522, %dma_wait3A_1524] : memref<56x8x128xf32, #tpu.memory_space<vmem>> -> memref<56x1x128xf32, #tpu.memory_space<vmem>>
        %dma_wait3A_1526 = tpu.memref_squeeze %dma_wait3A_1525 : memref<56x1x128xf32, #tpu.memory_space<vmem>> -> memref<56x128xf32, #tpu.memory_space<vmem>>
        %dma_wait3A_1527 = arith.constant 0 : i32
        %dma_wait3A_1528 = arith.constant 256 : i32
        %dma_wait3A_1529 = tpu.memref_slice %arg6[%add3A_1521, %dma_wait3A_1527, %dma_wait3A_1528] : memref<1024x56x1024xf32, #tpu.memory_space<hbm>> -> memref<1x56x128xf32, #tpu.memory_space<hbm>>
        %dma_wait3A_1530 = tpu.memref_squeeze %dma_wait3A_1529 : memref<1x56x128xf32, #tpu.memory_space<hbm>> -> memref<56x128xf32, #tpu.memory_space<hbm>>
        %dma_wait3A_1531 = arith.constant 0 : i32
        %dma_wait3A_1532 = arith.constant 256 : i32
        %dma_wait3A_1533 = tpu.memref_slice %arg6[%add3A_1521, %dma_wait3A_1531, %dma_wait3A_1532] : memref<1024x56x1024xf32, #tpu.memory_space<hbm>> -> memref<1x56x128xf32, #tpu.memory_space<hbm>>
        %dma_wait3A_1534 = tpu.memref_squeeze %dma_wait3A_1533 : memref<1x56x128xf32, #tpu.memory_space<hbm>> -> memref<56x128xf32, #tpu.memory_space<hbm>>
        %dma_wait3A_1535 = arith.constant 0 : i32
        %dma_wait3A_1536 = arith.constant 0 : i32
        %dma_wait3A_1537 = tpu.memref_slice %arg13[%dma_wait3A_1535, %dma_wait3A_1522, %dma_wait3A_1536] : memref<56x8x128xf32, #tpu.memory_space<vmem>> -> memref<56x1x128xf32, #tpu.memory_space<vmem>>
        %dma_wait3A_1538 = tpu.memref_squeeze %dma_wait3A_1537 : memref<56x1x128xf32, #tpu.memory_space<vmem>> -> memref<56x128xf32, #tpu.memory_space<vmem>>
        tpu.wait_dma2 semaphore(%arg19 : memref<!tpu.dma_semaphore, #tpu.memory_space<semaphore_mem>>) src(%dma_wait3A_1538 : memref<56x128xf32, #tpu.memory_space<vmem>>) dst(%dma_wait3A_1534 : memref<56x128xf32, #tpu.memory_space<hbm>>)
        %mul3A_1539 = arith.constant 32 : i32
        %mul3A_1540 = arith.muli %add3A, %mul3A_1539 : i32
        %add3A_1541 = arith.addi %mul3A_1540, %add3A_1116 : i32
        %dma_wait3A_1542 = arith.constant 3 : i32
        %dma_wait3A_1543 = arith.constant 0 : i32
        %dma_wait3A_1544 = arith.constant 0 : i32
        %dma_wait3A_1545 = tpu.memref_slice %arg13[%dma_wait3A_1543, %dma_wait3A_1542, %dma_wait3A_1544] : memref<56x8x128xf32, #tpu.memory_space<vmem>> -> memref<56x1x128xf32, #tpu.memory_space<vmem>>
        %dma_wait3A_1546 = tpu.memref_squeeze %dma_wait3A_1545 : memref<56x1x128xf32, #tpu.memory_space<vmem>> -> memref<56x128xf32, #tpu.memory_space<vmem>>
        %dma_wait3A_1547 = arith.constant 0 : i32
        %dma_wait3A_1548 = arith.constant 384 : i32
        %dma_wait3A_1549 = tpu.memref_slice %arg6[%add3A_1541, %dma_wait3A_1547, %dma_wait3A_1548] : memref<1024x56x1024xf32, #tpu.memory_space<hbm>> -> memref<1x56x128xf32, #tpu.memory_space<hbm>>
        %dma_wait3A_1550 = tpu.memref_squeeze %dma_wait3A_1549 : memref<1x56x128xf32, #tpu.memory_space<hbm>> -> memref<56x128xf32, #tpu.memory_space<hbm>>
        %dma_wait3A_1551 = arith.constant 0 : i32
        %dma_wait3A_1552 = arith.constant 384 : i32
        %dma_wait3A_1553 = tpu.memref_slice %arg6[%add3A_1541, %dma_wait3A_1551, %dma_wait3A_1552] : memref<1024x56x1024xf32, #tpu.memory_space<hbm>> -> memref<1x56x128xf32, #tpu.memory_space<hbm>>
        %dma_wait3A_1554 = tpu.memref_squeeze %dma_wait3A_1553 : memref<1x56x128xf32, #tpu.memory_space<hbm>> -> memref<56x128xf32, #tpu.memory_space<hbm>>
        %dma_wait3A_1555 = arith.constant 0 : i32
        %dma_wait3A_1556 = arith.constant 0 : i32
        %dma_wait3A_1557 = tpu.memref_slice %arg13[%dma_wait3A_1555, %dma_wait3A_1542, %dma_wait3A_1556] : memref<56x8x128xf32, #tpu.memory_space<vmem>> -> memref<56x1x128xf32, #tpu.memory_space<vmem>>
        %dma_wait3A_1558 = tpu.memref_squeeze %dma_wait3A_1557 : memref<56x1x128xf32, #tpu.memory_space<vmem>> -> memref<56x128xf32, #tpu.memory_space<vmem>>
        tpu.wait_dma2 semaphore(%arg19 : memref<!tpu.dma_semaphore, #tpu.memory_space<semaphore_mem>>) src(%dma_wait3A_1558 : memref<56x128xf32, #tpu.memory_space<vmem>>) dst(%dma_wait3A_1554 : memref<56x128xf32, #tpu.memory_space<hbm>>)
        %mul3A_1559 = arith.constant 32 : i32
        %mul3A_1560 = arith.muli %add3A, %mul3A_1559 : i32
        %add3A_1561 = arith.addi %mul3A_1560, %add3A_1116 : i32
        %dma_wait3A_1562 = arith.constant 4 : i32
        %dma_wait3A_1563 = arith.constant 0 : i32
        %dma_wait3A_1564 = arith.constant 0 : i32
        %dma_wait3A_1565 = tpu.memref_slice %arg13[%dma_wait3A_1563, %dma_wait3A_1562, %dma_wait3A_1564] : memref<56x8x128xf32, #tpu.memory_space<vmem>> -> memref<56x1x128xf32, #tpu.memory_space<vmem>>
        %dma_wait3A_1566 = tpu.memref_squeeze %dma_wait3A_1565 : memref<56x1x128xf32, #tpu.memory_space<vmem>> -> memref<56x128xf32, #tpu.memory_space<vmem>>
        %dma_wait3A_1567 = arith.constant 0 : i32
        %dma_wait3A_1568 = arith.constant 512 : i32
        %dma_wait3A_1569 = tpu.memref_slice %arg6[%add3A_1561, %dma_wait3A_1567, %dma_wait3A_1568] : memref<1024x56x1024xf32, #tpu.memory_space<hbm>> -> memref<1x56x128xf32, #tpu.memory_space<hbm>>
        %dma_wait3A_1570 = tpu.memref_squeeze %dma_wait3A_1569 : memref<1x56x128xf32, #tpu.memory_space<hbm>> -> memref<56x128xf32, #tpu.memory_space<hbm>>
        %dma_wait3A_1571 = arith.constant 0 : i32
        %dma_wait3A_1572 = arith.constant 512 : i32
        %dma_wait3A_1573 = tpu.memref_slice %arg6[%add3A_1561, %dma_wait3A_1571, %dma_wait3A_1572] : memref<1024x56x1024xf32, #tpu.memory_space<hbm>> -> memref<1x56x128xf32, #tpu.memory_space<hbm>>
        %dma_wait3A_1574 = tpu.memref_squeeze %dma_wait3A_1573 : memref<1x56x128xf32, #tpu.memory_space<hbm>> -> memref<56x128xf32, #tpu.memory_space<hbm>>
        %dma_wait3A_1575 = arith.constant 0 : i32
        %dma_wait3A_1576 = arith.constant 0 : i32
        %dma_wait3A_1577 = tpu.memref_slice %arg13[%dma_wait3A_1575, %dma_wait3A_1562, %dma_wait3A_1576] : memref<56x8x128xf32, #tpu.memory_space<vmem>> -> memref<56x1x128xf32, #tpu.memory_space<vmem>>
        %dma_wait3A_1578 = tpu.memref_squeeze %dma_wait3A_1577 : memref<56x1x128xf32, #tpu.memory_space<vmem>> -> memref<56x128xf32, #tpu.memory_space<vmem>>
        tpu.wait_dma2 semaphore(%arg19 : memref<!tpu.dma_semaphore, #tpu.memory_space<semaphore_mem>>) src(%dma_wait3A_1578 : memref<56x128xf32, #tpu.memory_space<vmem>>) dst(%dma_wait3A_1574 : memref<56x128xf32, #tpu.memory_space<hbm>>)
        %mul3A_1579 = arith.constant 32 : i32
        %mul3A_1580 = arith.muli %add3A, %mul3A_1579 : i32
        %add3A_1581 = arith.addi %mul3A_1580, %add3A_1116 : i32
        %dma_wait3A_1582 = arith.constant 5 : i32
        %dma_wait3A_1583 = arith.constant 0 : i32
        %dma_wait3A_1584 = arith.constant 0 : i32
        %dma_wait3A_1585 = tpu.memref_slice %arg13[%dma_wait3A_1583, %dma_wait3A_1582, %dma_wait3A_1584] : memref<56x8x128xf32, #tpu.memory_space<vmem>> -> memref<56x1x128xf32, #tpu.memory_space<vmem>>
        %dma_wait3A_1586 = tpu.memref_squeeze %dma_wait3A_1585 : memref<56x1x128xf32, #tpu.memory_space<vmem>> -> memref<56x128xf32, #tpu.memory_space<vmem>>
        %dma_wait3A_1587 = arith.constant 0 : i32
        %dma_wait3A_1588 = arith.constant 640 : i32
        %dma_wait3A_1589 = tpu.memref_slice %arg6[%add3A_1581, %dma_wait3A_1587, %dma_wait3A_1588] : memref<1024x56x1024xf32, #tpu.memory_space<hbm>> -> memref<1x56x128xf32, #tpu.memory_space<hbm>>
        %dma_wait3A_1590 = tpu.memref_squeeze %dma_wait3A_1589 : memref<1x56x128xf32, #tpu.memory_space<hbm>> -> memref<56x128xf32, #tpu.memory_space<hbm>>
        %dma_wait3A_1591 = arith.constant 0 : i32
        %dma_wait3A_1592 = arith.constant 640 : i32
        %dma_wait3A_1593 = tpu.memref_slice %arg6[%add3A_1581, %dma_wait3A_1591, %dma_wait3A_1592] : memref<1024x56x1024xf32, #tpu.memory_space<hbm>> -> memref<1x56x128xf32, #tpu.memory_space<hbm>>
        %dma_wait3A_1594 = tpu.memref_squeeze %dma_wait3A_1593 : memref<1x56x128xf32, #tpu.memory_space<hbm>> -> memref<56x128xf32, #tpu.memory_space<hbm>>
        %dma_wait3A_1595 = arith.constant 0 : i32
        %dma_wait3A_1596 = arith.constant 0 : i32
        %dma_wait3A_1597 = tpu.memref_slice %arg13[%dma_wait3A_1595, %dma_wait3A_1582, %dma_wait3A_1596] : memref<56x8x128xf32, #tpu.memory_space<vmem>> -> memref<56x1x128xf32, #tpu.memory_space<vmem>>
        %dma_wait3A_1598 = tpu.memref_squeeze %dma_wait3A_1597 : memref<56x1x128xf32, #tpu.memory_space<vmem>> -> memref<56x128xf32, #tpu.memory_space<vmem>>
        tpu.wait_dma2 semaphore(%arg19 : memref<!tpu.dma_semaphore, #tpu.memory_space<semaphore_mem>>) src(%dma_wait3A_1598 : memref<56x128xf32, #tpu.memory_space<vmem>>) dst(%dma_wait3A_1594 : memref<56x128xf32, #tpu.memory_space<hbm>>)
        %mul3A_1599 = arith.constant 32 : i32
        %mul3A_1600 = arith.muli %add3A, %mul3A_1599 : i32
        %add3A_1601 = arith.addi %mul3A_1600, %add3A_1116 : i32
        %dma_wait3A_1602 = arith.constant 6 : i32
        %dma_wait3A_1603 = arith.constant 0 : i32
        %dma_wait3A_1604 = arith.constant 0 : i32
        %dma_wait3A_1605 = tpu.memref_slice %arg13[%dma_wait3A_1603, %dma_wait3A_1602, %dma_wait3A_1604] : memref<56x8x128xf32, #tpu.memory_space<vmem>> -> memref<56x1x128xf32, #tpu.memory_space<vmem>>
        %dma_wait3A_1606 = tpu.memref_squeeze %dma_wait3A_1605 : memref<56x1x128xf32, #tpu.memory_space<vmem>> -> memref<56x128xf32, #tpu.memory_space<vmem>>
        %dma_wait3A_1607 = arith.constant 0 : i32
        %dma_wait3A_1608 = arith.constant 768 : i32
        %dma_wait3A_1609 = tpu.memref_slice %arg6[%add3A_1601, %dma_wait3A_1607, %dma_wait3A_1608] : memref<1024x56x1024xf32, #tpu.memory_space<hbm>> -> memref<1x56x128xf32, #tpu.memory_space<hbm>>
        %dma_wait3A_1610 = tpu.memref_squeeze %dma_wait3A_1609 : memref<1x56x128xf32, #tpu.memory_space<hbm>> -> memref<56x128xf32, #tpu.memory_space<hbm>>
        %dma_wait3A_1611 = arith.constant 0 : i32
        %dma_wait3A_1612 = arith.constant 768 : i32
        %dma_wait3A_1613 = tpu.memref_slice %arg6[%add3A_1601, %dma_wait3A_1611, %dma_wait3A_1612] : memref<1024x56x1024xf32, #tpu.memory_space<hbm>> -> memref<1x56x128xf32, #tpu.memory_space<hbm>>
        %dma_wait3A_1614 = tpu.memref_squeeze %dma_wait3A_1613 : memref<1x56x128xf32, #tpu.memory_space<hbm>> -> memref<56x128xf32, #tpu.memory_space<hbm>>
        %dma_wait3A_1615 = arith.constant 0 : i32
        %dma_wait3A_1616 = arith.constant 0 : i32
        %dma_wait3A_1617 = tpu.memref_slice %arg13[%dma_wait3A_1615, %dma_wait3A_1602, %dma_wait3A_1616] : memref<56x8x128xf32, #tpu.memory_space<vmem>> -> memref<56x1x128xf32, #tpu.memory_space<vmem>>
        %dma_wait3A_1618 = tpu.memref_squeeze %dma_wait3A_1617 : memref<56x1x128xf32, #tpu.memory_space<vmem>> -> memref<56x128xf32, #tpu.memory_space<vmem>>
        tpu.wait_dma2 semaphore(%arg19 : memref<!tpu.dma_semaphore, #tpu.memory_space<semaphore_mem>>) src(%dma_wait3A_1618 : memref<56x128xf32, #tpu.memory_space<vmem>>) dst(%dma_wait3A_1614 : memref<56x128xf32, #tpu.memory_space<hbm>>)
        %mul3A_1619 = arith.constant 32 : i32
        %mul3A_1620 = arith.muli %add3A, %mul3A_1619 : i32
        %add3A_1621 = arith.addi %mul3A_1620, %add3A_1116 : i32
        %dma_wait3A_1622 = arith.constant 7 : i32
        %dma_wait3A_1623 = arith.constant 0 : i32
        %dma_wait3A_1624 = arith.constant 0 : i32
        %dma_wait3A_1625 = tpu.memref_slice %arg13[%dma_wait3A_1623, %dma_wait3A_1622, %dma_wait3A_1624] : memref<56x8x128xf32, #tpu.memory_space<vmem>> -> memref<56x1x128xf32, #tpu.memory_space<vmem>>
        %dma_wait3A_1626 = tpu.memref_squeeze %dma_wait3A_1625 : memref<56x1x128xf32, #tpu.memory_space<vmem>> -> memref<56x128xf32, #tpu.memory_space<vmem>>
        %dma_wait3A_1627 = arith.constant 0 : i32
        %dma_wait3A_1628 = arith.constant 896 : i32
        %dma_wait3A_1629 = tpu.memref_slice %arg6[%add3A_1621, %dma_wait3A_1627, %dma_wait3A_1628] : memref<1024x56x1024xf32, #tpu.memory_space<hbm>> -> memref<1x56x128xf32, #tpu.memory_space<hbm>>
        %dma_wait3A_1630 = tpu.memref_squeeze %dma_wait3A_1629 : memref<1x56x128xf32, #tpu.memory_space<hbm>> -> memref<56x128xf32, #tpu.memory_space<hbm>>
        %dma_wait3A_1631 = arith.constant 0 : i32
        %dma_wait3A_1632 = arith.constant 896 : i32
        %dma_wait3A_1633 = tpu.memref_slice %arg6[%add3A_1621, %dma_wait3A_1631, %dma_wait3A_1632] : memref<1024x56x1024xf32, #tpu.memory_space<hbm>> -> memref<1x56x128xf32, #tpu.memory_space<hbm>>
        %dma_wait3A_1634 = tpu.memref_squeeze %dma_wait3A_1633 : memref<1x56x128xf32, #tpu.memory_space<hbm>> -> memref<56x128xf32, #tpu.memory_space<hbm>>
        %dma_wait3A_1635 = arith.constant 0 : i32
        %dma_wait3A_1636 = arith.constant 0 : i32
        %dma_wait3A_1637 = tpu.memref_slice %arg13[%dma_wait3A_1635, %dma_wait3A_1622, %dma_wait3A_1636] : memref<56x8x128xf32, #tpu.memory_space<vmem>> -> memref<56x1x128xf32, #tpu.memory_space<vmem>>
        %dma_wait3A_1638 = tpu.memref_squeeze %dma_wait3A_1637 : memref<56x1x128xf32, #tpu.memory_space<vmem>> -> memref<56x128xf32, #tpu.memory_space<vmem>>
        tpu.wait_dma2 semaphore(%arg19 : memref<!tpu.dma_semaphore, #tpu.memory_space<semaphore_mem>>) src(%dma_wait3A_1638 : memref<56x128xf32, #tpu.memory_space<vmem>>) dst(%dma_wait3A_1634 : memref<56x128xf32, #tpu.memory_space<hbm>>)
        %add3A_1639 = arith.constant 2 : i32
        %add3A_1640 = arith.addi %add3A_1116, %add3A_1639 : i32
        %mul3A_1641 = arith.constant 64 : i32
        %mul3A_1642 = arith.muli %add3A_1640, %mul3A_1641 : i32
        %dma_start3A_1643 = arith.constant 0 : i32
        %dma_start3A_1644 = arith.constant 0 : i32
        %dma_start3A_1645 = arith.constant 0 : i32
        %dma_start3A_1646 = tpu.memref_slice %arg13[%dma_start3A_1643, %dma_start3A_1644, %dma_start3A_1645] : memref<56x8x128xf32, #tpu.memory_space<vmem>> -> memref<50x8x128xf32, #tpu.memory_space<vmem>>
        %dma_start3A_1647 = tpu.memref_slice %arg9[%mul3A_1642] : memref<2048xi32, #tpu.memory_space<vmem>> -> memref<50xi32, #tpu.memory_space<vmem>>
        %dma_start3A_1648 = arith.constant 0 : i32
        %dma_start3A_1649 = arith.constant 0 : i32
        %dma_start3A_1650 = arith.constant 0 : i32
        %dma_start3A_1651 = tpu.memref_slice %arg4[%dma_start3A_1648, %dma_start3A_1649, %dma_start3A_1650] : memref<1000x8x128xf32, #tpu.memory_space<hbm>> -> memref<1000x8x128xf32, #tpu.memory_space<hbm>>
        tpu.enqueue_indirect_dma source(%dma_start3A_1651 : memref<1000x8x128xf32, #tpu.memory_space<hbm>>) target(%dma_start3A_1646 : memref<50x8x128xf32, #tpu.memory_space<vmem>>) offsets(%dma_start3A_1647 : memref<50xi32, #tpu.memory_space<vmem>>) semaphore(%arg17 : memref<!tpu.dma_semaphore, #tpu.memory_space<semaphore_mem>>)
      } else {
      }
      scf.yield %add3A_1465, %add3A_1471 : vector<16xf32>, vector<16xf32>
    }
    %scan3A_31 = arith.constant 16 : i32
    %mul3A_32 = arith.constant 32 : i32
    %mul3A_33 = arith.muli %add3A, %mul3A_32 : i32
    %add3A_34 = arith.constant 30 : i32
    %add3A_35 = arith.addi %mul3A_33, %add3A_34 : i32
    %dma_wait3A = arith.constant 0 : i32
    %dma_wait3A_36 = arith.constant 0 : i32
    %dma_wait3A_37 = arith.constant 0 : i32
    %dma_wait3A_38 = tpu.memref_slice %arg12[%dma_wait3A_36, %dma_wait3A, %dma_wait3A_37] : memref<56x8x128xf32, #tpu.memory_space<vmem>> -> memref<56x1x128xf32, #tpu.memory_space<vmem>>
    %dma_wait3A_39 = tpu.memref_squeeze %dma_wait3A_38 : memref<56x1x128xf32, #tpu.memory_space<vmem>> -> memref<56x128xf32, #tpu.memory_space<vmem>>
    %dma_wait3A_40 = arith.constant 0 : i32
    %dma_wait3A_41 = arith.constant 0 : i32
    %dma_wait3A_42 = tpu.memref_slice %arg6[%add3A_35, %dma_wait3A_40, %dma_wait3A_41] : memref<1024x56x1024xf32, #tpu.memory_space<hbm>> -> memref<1x56x128xf32, #tpu.memory_space<hbm>>
    %dma_wait3A_43 = tpu.memref_squeeze %dma_wait3A_42 : memref<1x56x128xf32, #tpu.memory_space<hbm>> -> memref<56x128xf32, #tpu.memory_space<hbm>>
    %dma_wait3A_44 = arith.constant 0 : i32
    %dma_wait3A_45 = arith.constant 0 : i32
    %dma_wait3A_46 = tpu.memref_slice %arg6[%add3A_35, %dma_wait3A_44, %dma_wait3A_45] : memref<1024x56x1024xf32, #tpu.memory_space<hbm>> -> memref<1x56x128xf32, #tpu.memory_space<hbm>>
    %dma_wait3A_47 = tpu.memref_squeeze %dma_wait3A_46 : memref<1x56x128xf32, #tpu.memory_space<hbm>> -> memref<56x128xf32, #tpu.memory_space<hbm>>
    %dma_wait3A_48 = arith.constant 0 : i32
    %dma_wait3A_49 = arith.constant 0 : i32
    %dma_wait3A_50 = tpu.memref_slice %arg12[%dma_wait3A_48, %dma_wait3A, %dma_wait3A_49] : memref<56x8x128xf32, #tpu.memory_space<vmem>> -> memref<56x1x128xf32, #tpu.memory_space<vmem>>
    %dma_wait3A_51 = tpu.memref_squeeze %dma_wait3A_50 : memref<56x1x128xf32, #tpu.memory_space<vmem>> -> memref<56x128xf32, #tpu.memory_space<vmem>>
    tpu.wait_dma2 semaphore(%arg18 : memref<!tpu.dma_semaphore, #tpu.memory_space<semaphore_mem>>) src(%dma_wait3A_51 : memref<56x128xf32, #tpu.memory_space<vmem>>) dst(%dma_wait3A_47 : memref<56x128xf32, #tpu.memory_space<hbm>>)
    %mul3A_52 = arith.constant 32 : i32
    %mul3A_53 = arith.muli %add3A, %mul3A_52 : i32
    %add3A_54 = arith.constant 30 : i32
    %add3A_55 = arith.addi %mul3A_53, %add3A_54 : i32
    %dma_wait3A_56 = arith.constant 1 : i32
    %dma_wait3A_57 = arith.constant 0 : i32
    %dma_wait3A_58 = arith.constant 0 : i32
    %dma_wait3A_59 = tpu.memref_slice %arg12[%dma_wait3A_57, %dma_wait3A_56, %dma_wait3A_58] : memref<56x8x128xf32, #tpu.memory_space<vmem>> -> memref<56x1x128xf32, #tpu.memory_space<vmem>>
    %dma_wait3A_60 = tpu.memref_squeeze %dma_wait3A_59 : memref<56x1x128xf32, #tpu.memory_space<vmem>> -> memref<56x128xf32, #tpu.memory_space<vmem>>
    %dma_wait3A_61 = arith.constant 0 : i32
    %dma_wait3A_62 = arith.constant 128 : i32
    %dma_wait3A_63 = tpu.memref_slice %arg6[%add3A_55, %dma_wait3A_61, %dma_wait3A_62] : memref<1024x56x1024xf32, #tpu.memory_space<hbm>> -> memref<1x56x128xf32, #tpu.memory_space<hbm>>
    %dma_wait3A_64 = tpu.memref_squeeze %dma_wait3A_63 : memref<1x56x128xf32, #tpu.memory_space<hbm>> -> memref<56x128xf32, #tpu.memory_space<hbm>>
    %dma_wait3A_65 = arith.constant 0 : i32
    %dma_wait3A_66 = arith.constant 128 : i32
    %dma_wait3A_67 = tpu.memref_slice %arg6[%add3A_55, %dma_wait3A_65, %dma_wait3A_66] : memref<1024x56x1024xf32, #tpu.memory_space<hbm>> -> memref<1x56x128xf32, #tpu.memory_space<hbm>>
    %dma_wait3A_68 = tpu.memref_squeeze %dma_wait3A_67 : memref<1x56x128xf32, #tpu.memory_space<hbm>> -> memref<56x128xf32, #tpu.memory_space<hbm>>
    %dma_wait3A_69 = arith.constant 0 : i32
    %dma_wait3A_70 = arith.constant 0 : i32
    %dma_wait3A_71 = tpu.memref_slice %arg12[%dma_wait3A_69, %dma_wait3A_56, %dma_wait3A_70] : memref<56x8x128xf32, #tpu.memory_space<vmem>> -> memref<56x1x128xf32, #tpu.memory_space<vmem>>
    %dma_wait3A_72 = tpu.memref_squeeze %dma_wait3A_71 : memref<56x1x128xf32, #tpu.memory_space<vmem>> -> memref<56x128xf32, #tpu.memory_space<vmem>>
    tpu.wait_dma2 semaphore(%arg18 : memref<!tpu.dma_semaphore, #tpu.memory_space<semaphore_mem>>) src(%dma_wait3A_72 : memref<56x128xf32, #tpu.memory_space<vmem>>) dst(%dma_wait3A_68 : memref<56x128xf32, #tpu.memory_space<hbm>>)
    %mul3A_73 = arith.constant 32 : i32
    %mul3A_74 = arith.muli %add3A, %mul3A_73 : i32
    %add3A_75 = arith.constant 30 : i32
    %add3A_76 = arith.addi %mul3A_74, %add3A_75 : i32
    %dma_wait3A_77 = arith.constant 2 : i32
    %dma_wait3A_78 = arith.constant 0 : i32
    %dma_wait3A_79 = arith.constant 0 : i32
    %dma_wait3A_80 = tpu.memref_slice %arg12[%dma_wait3A_78, %dma_wait3A_77, %dma_wait3A_79] : memref<56x8x128xf32, #tpu.memory_space<vmem>> -> memref<56x1x128xf32, #tpu.memory_space<vmem>>
    %dma_wait3A_81 = tpu.memref_squeeze %dma_wait3A_80 : memref<56x1x128xf32, #tpu.memory_space<vmem>> -> memref<56x128xf32, #tpu.memory_space<vmem>>
    %dma_wait3A_82 = arith.constant 0 : i32
    %dma_wait3A_83 = arith.constant 256 : i32
    %dma_wait3A_84 = tpu.memref_slice %arg6[%add3A_76, %dma_wait3A_82, %dma_wait3A_83] : memref<1024x56x1024xf32, #tpu.memory_space<hbm>> -> memref<1x56x128xf32, #tpu.memory_space<hbm>>
    %dma_wait3A_85 = tpu.memref_squeeze %dma_wait3A_84 : memref<1x56x128xf32, #tpu.memory_space<hbm>> -> memref<56x128xf32, #tpu.memory_space<hbm>>
    %dma_wait3A_86 = arith.constant 0 : i32
    %dma_wait3A_87 = arith.constant 256 : i32
    %dma_wait3A_88 = tpu.memref_slice %arg6[%add3A_76, %dma_wait3A_86, %dma_wait3A_87] : memref<1024x56x1024xf32, #tpu.memory_space<hbm>> -> memref<1x56x128xf32, #tpu.memory_space<hbm>>
    %dma_wait3A_89 = tpu.memref_squeeze %dma_wait3A_88 : memref<1x56x128xf32, #tpu.memory_space<hbm>> -> memref<56x128xf32, #tpu.memory_space<hbm>>
    %dma_wait3A_90 = arith.constant 0 : i32
    %dma_wait3A_91 = arith.constant 0 : i32
    %dma_wait3A_92 = tpu.memref_slice %arg12[%dma_wait3A_90, %dma_wait3A_77, %dma_wait3A_91] : memref<56x8x128xf32, #tpu.memory_space<vmem>> -> memref<56x1x128xf32, #tpu.memory_space<vmem>>
    %dma_wait3A_93 = tpu.memref_squeeze %dma_wait3A_92 : memref<56x1x128xf32, #tpu.memory_space<vmem>> -> memref<56x128xf32, #tpu.memory_space<vmem>>
    tpu.wait_dma2 semaphore(%arg18 : memref<!tpu.dma_semaphore, #tpu.memory_space<semaphore_mem>>) src(%dma_wait3A_93 : memref<56x128xf32, #tpu.memory_space<vmem>>) dst(%dma_wait3A_89 : memref<56x128xf32, #tpu.memory_space<hbm>>)
    %mul3A_94 = arith.constant 32 : i32
    %mul3A_95 = arith.muli %add3A, %mul3A_94 : i32
    %add3A_96 = arith.constant 30 : i32
    %add3A_97 = arith.addi %mul3A_95, %add3A_96 : i32
    %dma_wait3A_98 = arith.constant 3 : i32
    %dma_wait3A_99 = arith.constant 0 : i32
    %dma_wait3A_100 = arith.constant 0 : i32
    %dma_wait3A_101 = tpu.memref_slice %arg12[%dma_wait3A_99, %dma_wait3A_98, %dma_wait3A_100] : memref<56x8x128xf32, #tpu.memory_space<vmem>> -> memref<56x1x128xf32, #tpu.memory_space<vmem>>
    %dma_wait3A_102 = tpu.memref_squeeze %dma_wait3A_101 : memref<56x1x128xf32, #tpu.memory_space<vmem>> -> memref<56x128xf32, #tpu.memory_space<vmem>>
    %dma_wait3A_103 = arith.constant 0 : i32
    %dma_wait3A_104 = arith.constant 384 : i32
    %dma_wait3A_105 = tpu.memref_slice %arg6[%add3A_97, %dma_wait3A_103, %dma_wait3A_104] : memref<1024x56x1024xf32, #tpu.memory_space<hbm>> -> memref<1x56x128xf32, #tpu.memory_space<hbm>>
    %dma_wait3A_106 = tpu.memref_squeeze %dma_wait3A_105 : memref<1x56x128xf32, #tpu.memory_space<hbm>> -> memref<56x128xf32, #tpu.memory_space<hbm>>
    %dma_wait3A_107 = arith.constant 0 : i32
    %dma_wait3A_108 = arith.constant 384 : i32
    %dma_wait3A_109 = tpu.memref_slice %arg6[%add3A_97, %dma_wait3A_107, %dma_wait3A_108] : memref<1024x56x1024xf32, #tpu.memory_space<hbm>> -> memref<1x56x128xf32, #tpu.memory_space<hbm>>
    %dma_wait3A_110 = tpu.memref_squeeze %dma_wait3A_109 : memref<1x56x128xf32, #tpu.memory_space<hbm>> -> memref<56x128xf32, #tpu.memory_space<hbm>>
    %dma_wait3A_111 = arith.constant 0 : i32
    %dma_wait3A_112 = arith.constant 0 : i32
    %dma_wait3A_113 = tpu.memref_slice %arg12[%dma_wait3A_111, %dma_wait3A_98, %dma_wait3A_112] : memref<56x8x128xf32, #tpu.memory_space<vmem>> -> memref<56x1x128xf32, #tpu.memory_space<vmem>>
    %dma_wait3A_114 = tpu.memref_squeeze %dma_wait3A_113 : memref<56x1x128xf32, #tpu.memory_space<vmem>> -> memref<56x128xf32, #tpu.memory_space<vmem>>
    tpu.wait_dma2 semaphore(%arg18 : memref<!tpu.dma_semaphore, #tpu.memory_space<semaphore_mem>>) src(%dma_wait3A_114 : memref<56x128xf32, #tpu.memory_space<vmem>>) dst(%dma_wait3A_110 : memref<56x128xf32, #tpu.memory_space<hbm>>)
    %mul3A_115 = arith.constant 32 : i32
    %mul3A_116 = arith.muli %add3A, %mul3A_115 : i32
    %add3A_117 = arith.constant 30 : i32
    %add3A_118 = arith.addi %mul3A_116, %add3A_117 : i32
    %dma_wait3A_119 = arith.constant 4 : i32
    %dma_wait3A_120 = arith.constant 0 : i32
    %dma_wait3A_121 = arith.constant 0 : i32
    %dma_wait3A_122 = tpu.memref_slice %arg12[%dma_wait3A_120, %dma_wait3A_119, %dma_wait3A_121] : memref<56x8x128xf32, #tpu.memory_space<vmem>> -> memref<56x1x128xf32, #tpu.memory_space<vmem>>
    %dma_wait3A_123 = tpu.memref_squeeze %dma_wait3A_122 : memref<56x1x128xf32, #tpu.memory_space<vmem>> -> memref<56x128xf32, #tpu.memory_space<vmem>>
    %dma_wait3A_124 = arith.constant 0 : i32
    %dma_wait3A_125 = arith.constant 512 : i32
    %dma_wait3A_126 = tpu.memref_slice %arg6[%add3A_118, %dma_wait3A_124, %dma_wait3A_125] : memref<1024x56x1024xf32, #tpu.memory_space<hbm>> -> memref<1x56x128xf32, #tpu.memory_space<hbm>>
    %dma_wait3A_127 = tpu.memref_squeeze %dma_wait3A_126 : memref<1x56x128xf32, #tpu.memory_space<hbm>> -> memref<56x128xf32, #tpu.memory_space<hbm>>
    %dma_wait3A_128 = arith.constant 0 : i32
    %dma_wait3A_129 = arith.constant 512 : i32
    %dma_wait3A_130 = tpu.memref_slice %arg6[%add3A_118, %dma_wait3A_128, %dma_wait3A_129] : memref<1024x56x1024xf32, #tpu.memory_space<hbm>> -> memref<1x56x128xf32, #tpu.memory_space<hbm>>
    %dma_wait3A_131 = tpu.memref_squeeze %dma_wait3A_130 : memref<1x56x128xf32, #tpu.memory_space<hbm>> -> memref<56x128xf32, #tpu.memory_space<hbm>>
    %dma_wait3A_132 = arith.constant 0 : i32
    %dma_wait3A_133 = arith.constant 0 : i32
    %dma_wait3A_134 = tpu.memref_slice %arg12[%dma_wait3A_132, %dma_wait3A_119, %dma_wait3A_133] : memref<56x8x128xf32, #tpu.memory_space<vmem>> -> memref<56x1x128xf32, #tpu.memory_space<vmem>>
    %dma_wait3A_135 = tpu.memref_squeeze %dma_wait3A_134 : memref<56x1x128xf32, #tpu.memory_space<vmem>> -> memref<56x128xf32, #tpu.memory_space<vmem>>
    tpu.wait_dma2 semaphore(%arg18 : memref<!tpu.dma_semaphore, #tpu.memory_space<semaphore_mem>>) src(%dma_wait3A_135 : memref<56x128xf32, #tpu.memory_space<vmem>>) dst(%dma_wait3A_131 : memref<56x128xf32, #tpu.memory_space<hbm>>)
    %mul3A_136 = arith.constant 32 : i32
    %mul3A_137 = arith.muli %add3A, %mul3A_136 : i32
    %add3A_138 = arith.constant 30 : i32
    %add3A_139 = arith.addi %mul3A_137, %add3A_138 : i32
    %dma_wait3A_140 = arith.constant 5 : i32
    %dma_wait3A_141 = arith.constant 0 : i32
    %dma_wait3A_142 = arith.constant 0 : i32
    %dma_wait3A_143 = tpu.memref_slice %arg12[%dma_wait3A_141, %dma_wait3A_140, %dma_wait3A_142] : memref<56x8x128xf32, #tpu.memory_space<vmem>> -> memref<56x1x128xf32, #tpu.memory_space<vmem>>
    %dma_wait3A_144 = tpu.memref_squeeze %dma_wait3A_143 : memref<56x1x128xf32, #tpu.memory_space<vmem>> -> memref<56x128xf32, #tpu.memory_space<vmem>>
    %dma_wait3A_145 = arith.constant 0 : i32
    %dma_wait3A_146 = arith.constant 640 : i32
    %dma_wait3A_147 = tpu.memref_slice %arg6[%add3A_139, %dma_wait3A_145, %dma_wait3A_146] : memref<1024x56x1024xf32, #tpu.memory_space<hbm>> -> memref<1x56x128xf32, #tpu.memory_space<hbm>>
    %dma_wait3A_148 = tpu.memref_squeeze %dma_wait3A_147 : memref<1x56x128xf32, #tpu.memory_space<hbm>> -> memref<56x128xf32, #tpu.memory_space<hbm>>
    %dma_wait3A_149 = arith.constant 0 : i32
    %dma_wait3A_150 = arith.constant 640 : i32
    %dma_wait3A_151 = tpu.memref_slice %arg6[%add3A_139, %dma_wait3A_149, %dma_wait3A_150] : memref<1024x56x1024xf32, #tpu.memory_space<hbm>> -> memref<1x56x128xf32, #tpu.memory_space<hbm>>
    %dma_wait3A_152 = tpu.memref_squeeze %dma_wait3A_151 : memref<1x56x128xf32, #tpu.memory_space<hbm>> -> memref<56x128xf32, #tpu.memory_space<hbm>>
    %dma_wait3A_153 = arith.constant 0 : i32
    %dma_wait3A_154 = arith.constant 0 : i32
    %dma_wait3A_155 = tpu.memref_slice %arg12[%dma_wait3A_153, %dma_wait3A_140, %dma_wait3A_154] : memref<56x8x128xf32, #tpu.memory_space<vmem>> -> memref<56x1x128xf32, #tpu.memory_space<vmem>>
    %dma_wait3A_156 = tpu.memref_squeeze %dma_wait3A_155 : memref<56x1x128xf32, #tpu.memory_space<vmem>> -> memref<56x128xf32, #tpu.memory_space<vmem>>
    tpu.wait_dma2 semaphore(%arg18 : memref<!tpu.dma_semaphore, #tpu.memory_space<semaphore_mem>>) src(%dma_wait3A_156 : memref<56x128xf32, #tpu.memory_space<vmem>>) dst(%dma_wait3A_152 : memref<56x128xf32, #tpu.memory_space<hbm>>)
    %mul3A_157 = arith.constant 32 : i32
    %mul3A_158 = arith.muli %add3A, %mul3A_157 : i32
    %add3A_159 = arith.constant 30 : i32
    %add3A_160 = arith.addi %mul3A_158, %add3A_159 : i32
    %dma_wait3A_161 = arith.constant 6 : i32
    %dma_wait3A_162 = arith.constant 0 : i32
    %dma_wait3A_163 = arith.constant 0 : i32
    %dma_wait3A_164 = tpu.memref_slice %arg12[%dma_wait3A_162, %dma_wait3A_161, %dma_wait3A_163] : memref<56x8x128xf32, #tpu.memory_space<vmem>> -> memref<56x1x128xf32, #tpu.memory_space<vmem>>
    %dma_wait3A_165 = tpu.memref_squeeze %dma_wait3A_164 : memref<56x1x128xf32, #tpu.memory_space<vmem>> -> memref<56x128xf32, #tpu.memory_space<vmem>>
    %dma_wait3A_166 = arith.constant 0 : i32
    %dma_wait3A_167 = arith.constant 768 : i32
    %dma_wait3A_168 = tpu.memref_slice %arg6[%add3A_160, %dma_wait3A_166, %dma_wait3A_167] : memref<1024x56x1024xf32, #tpu.memory_space<hbm>> -> memref<1x56x128xf32, #tpu.memory_space<hbm>>
    %dma_wait3A_169 = tpu.memref_squeeze %dma_wait3A_168 : memref<1x56x128xf32, #tpu.memory_space<hbm>> -> memref<56x128xf32, #tpu.memory_space<hbm>>
    %dma_wait3A_170 = arith.constant 0 : i32
    %dma_wait3A_171 = arith.constant 768 : i32
    %dma_wait3A_172 = tpu.memref_slice %arg6[%add3A_160, %dma_wait3A_170, %dma_wait3A_171] : memref<1024x56x1024xf32, #tpu.memory_space<hbm>> -> memref<1x56x128xf32, #tpu.memory_space<hbm>>
    %dma_wait3A_173 = tpu.memref_squeeze %dma_wait3A_172 : memref<1x56x128xf32, #tpu.memory_space<hbm>> -> memref<56x128xf32, #tpu.memory_space<hbm>>
    %dma_wait3A_174 = arith.constant 0 : i32
    %dma_wait3A_175 = arith.constant 0 : i32
    %dma_wait3A_176 = tpu.memref_slice %arg12[%dma_wait3A_174, %dma_wait3A_161, %dma_wait3A_175] : memref<56x8x128xf32, #tpu.memory_space<vmem>> -> memref<56x1x128xf32, #tpu.memory_space<vmem>>
    %dma_wait3A_177 = tpu.memref_squeeze %dma_wait3A_176 : memref<56x1x128xf32, #tpu.memory_space<vmem>> -> memref<56x128xf32, #tpu.memory_space<vmem>>
    tpu.wait_dma2 semaphore(%arg18 : memref<!tpu.dma_semaphore, #tpu.memory_space<semaphore_mem>>) src(%dma_wait3A_177 : memref<56x128xf32, #tpu.memory_space<vmem>>) dst(%dma_wait3A_173 : memref<56x128xf32, #tpu.memory_space<hbm>>)
    %mul3A_178 = arith.constant 32 : i32
    %mul3A_179 = arith.muli %add3A, %mul3A_178 : i32
    %add3A_180 = arith.constant 30 : i32
    %add3A_181 = arith.addi %mul3A_179, %add3A_180 : i32
    %dma_wait3A_182 = arith.constant 7 : i32
    %dma_wait3A_183 = arith.constant 0 : i32
    %dma_wait3A_184 = arith.constant 0 : i32
    %dma_wait3A_185 = tpu.memref_slice %arg12[%dma_wait3A_183, %dma_wait3A_182, %dma_wait3A_184] : memref<56x8x128xf32, #tpu.memory_space<vmem>> -> memref<56x1x128xf32, #tpu.memory_space<vmem>>
    %dma_wait3A_186 = tpu.memref_squeeze %dma_wait3A_185 : memref<56x1x128xf32, #tpu.memory_space<vmem>> -> memref<56x128xf32, #tpu.memory_space<vmem>>
    %dma_wait3A_187 = arith.constant 0 : i32
    %dma_wait3A_188 = arith.constant 896 : i32
    %dma_wait3A_189 = tpu.memref_slice %arg6[%add3A_181, %dma_wait3A_187, %dma_wait3A_188] : memref<1024x56x1024xf32, #tpu.memory_space<hbm>> -> memref<1x56x128xf32, #tpu.memory_space<hbm>>
    %dma_wait3A_190 = tpu.memref_squeeze %dma_wait3A_189 : memref<1x56x128xf32, #tpu.memory_space<hbm>> -> memref<56x128xf32, #tpu.memory_space<hbm>>
    %dma_wait3A_191 = arith.constant 0 : i32
    %dma_wait3A_192 = arith.constant 896 : i32
    %dma_wait3A_193 = tpu.memref_slice %arg6[%add3A_181, %dma_wait3A_191, %dma_wait3A_192] : memref<1024x56x1024xf32, #tpu.memory_space<hbm>> -> memref<1x56x128xf32, #tpu.memory_space<hbm>>
    %dma_wait3A_194 = tpu.memref_squeeze %dma_wait3A_193 : memref<1x56x128xf32, #tpu.memory_space<hbm>> -> memref<56x128xf32, #tpu.memory_space<hbm>>
    %dma_wait3A_195 = arith.constant 0 : i32
    %dma_wait3A_196 = arith.constant 0 : i32
    %dma_wait3A_197 = tpu.memref_slice %arg12[%dma_wait3A_195, %dma_wait3A_182, %dma_wait3A_196] : memref<56x8x128xf32, #tpu.memory_space<vmem>> -> memref<56x1x128xf32, #tpu.memory_space<vmem>>
    %dma_wait3A_198 = tpu.memref_squeeze %dma_wait3A_197 : memref<56x1x128xf32, #tpu.memory_space<vmem>> -> memref<56x128xf32, #tpu.memory_space<vmem>>
    tpu.wait_dma2 semaphore(%arg18 : memref<!tpu.dma_semaphore, #tpu.memory_space<semaphore_mem>>) src(%dma_wait3A_198 : memref<56x128xf32, #tpu.memory_space<vmem>>) dst(%dma_wait3A_194 : memref<56x128xf32, #tpu.memory_space<hbm>>)
    %mul3A_199 = arith.constant 32 : i32
    %mul3A_200 = arith.muli %add3A, %mul3A_199 : i32
    %add3A_201 = arith.constant 31 : i32
    %add3A_202 = arith.addi %mul3A_200, %add3A_201 : i32
    %dma_wait3A_203 = arith.constant 0 : i32
    %dma_wait3A_204 = arith.constant 0 : i32
    %dma_wait3A_205 = arith.constant 0 : i32
    %dma_wait3A_206 = tpu.memref_slice %arg13[%dma_wait3A_204, %dma_wait3A_203, %dma_wait3A_205] : memref<56x8x128xf32, #tpu.memory_space<vmem>> -> memref<56x1x128xf32, #tpu.memory_space<vmem>>
    %dma_wait3A_207 = tpu.memref_squeeze %dma_wait3A_206 : memref<56x1x128xf32, #tpu.memory_space<vmem>> -> memref<56x128xf32, #tpu.memory_space<vmem>>
    %dma_wait3A_208 = arith.constant 0 : i32
    %dma_wait3A_209 = arith.constant 0 : i32
    %dma_wait3A_210 = tpu.memref_slice %arg6[%add3A_202, %dma_wait3A_208, %dma_wait3A_209] : memref<1024x56x1024xf32, #tpu.memory_space<hbm>> -> memref<1x56x128xf32, #tpu.memory_space<hbm>>
    %dma_wait3A_211 = tpu.memref_squeeze %dma_wait3A_210 : memref<1x56x128xf32, #tpu.memory_space<hbm>> -> memref<56x128xf32, #tpu.memory_space<hbm>>
    %dma_wait3A_212 = arith.constant 0 : i32
    %dma_wait3A_213 = arith.constant 0 : i32
    %dma_wait3A_214 = tpu.memref_slice %arg6[%add3A_202, %dma_wait3A_212, %dma_wait3A_213] : memref<1024x56x1024xf32, #tpu.memory_space<hbm>> -> memref<1x56x128xf32, #tpu.memory_space<hbm>>
    %dma_wait3A_215 = tpu.memref_squeeze %dma_wait3A_214 : memref<1x56x128xf32, #tpu.memory_space<hbm>> -> memref<56x128xf32, #tpu.memory_space<hbm>>
    %dma_wait3A_216 = arith.constant 0 : i32
    %dma_wait3A_217 = arith.constant 0 : i32
    %dma_wait3A_218 = tpu.memref_slice %arg13[%dma_wait3A_216, %dma_wait3A_203, %dma_wait3A_217] : memref<56x8x128xf32, #tpu.memory_space<vmem>> -> memref<56x1x128xf32, #tpu.memory_space<vmem>>
    %dma_wait3A_219 = tpu.memref_squeeze %dma_wait3A_218 : memref<56x1x128xf32, #tpu.memory_space<vmem>> -> memref<56x128xf32, #tpu.memory_space<vmem>>
    tpu.wait_dma2 semaphore(%arg19 : memref<!tpu.dma_semaphore, #tpu.memory_space<semaphore_mem>>) src(%dma_wait3A_219 : memref<56x128xf32, #tpu.memory_space<vmem>>) dst(%dma_wait3A_215 : memref<56x128xf32, #tpu.memory_space<hbm>>)
    %mul3A_220 = arith.constant 32 : i32
    %mul3A_221 = arith.muli %add3A, %mul3A_220 : i32
    %add3A_222 = arith.constant 31 : i32
    %add3A_223 = arith.addi %mul3A_221, %add3A_222 : i32
    %dma_wait3A_224 = arith.constant 1 : i32
    %dma_wait3A_225 = arith.constant 0 : i32
    %dma_wait3A_226 = arith.constant 0 : i32
    %dma_wait3A_227 = tpu.memref_slice %arg13[%dma_wait3A_225, %dma_wait3A_224, %dma_wait3A_226] : memref<56x8x128xf32, #tpu.memory_space<vmem>> -> memref<56x1x128xf32, #tpu.memory_space<vmem>>
    %dma_wait3A_228 = tpu.memref_squeeze %dma_wait3A_227 : memref<56x1x128xf32, #tpu.memory_space<vmem>> -> memref<56x128xf32, #tpu.memory_space<vmem>>
    %dma_wait3A_229 = arith.constant 0 : i32
    %dma_wait3A_230 = arith.constant 128 : i32
    %dma_wait3A_231 = tpu.memref_slice %arg6[%add3A_223, %dma_wait3A_229, %dma_wait3A_230] : memref<1024x56x1024xf32, #tpu.memory_space<hbm>> -> memref<1x56x128xf32, #tpu.memory_space<hbm>>
    %dma_wait3A_232 = tpu.memref_squeeze %dma_wait3A_231 : memref<1x56x128xf32, #tpu.memory_space<hbm>> -> memref<56x128xf32, #tpu.memory_space<hbm>>
    %dma_wait3A_233 = arith.constant 0 : i32
    %dma_wait3A_234 = arith.constant 128 : i32
    %dma_wait3A_235 = tpu.memref_slice %arg6[%add3A_223, %dma_wait3A_233, %dma_wait3A_234] : memref<1024x56x1024xf32, #tpu.memory_space<hbm>> -> memref<1x56x128xf32, #tpu.memory_space<hbm>>
    %dma_wait3A_236 = tpu.memref_squeeze %dma_wait3A_235 : memref<1x56x128xf32, #tpu.memory_space<hbm>> -> memref<56x128xf32, #tpu.memory_space<hbm>>
    %dma_wait3A_237 = arith.constant 0 : i32
    %dma_wait3A_238 = arith.constant 0 : i32
    %dma_wait3A_239 = tpu.memref_slice %arg13[%dma_wait3A_237, %dma_wait3A_224, %dma_wait3A_238] : memref<56x8x128xf32, #tpu.memory_space<vmem>> -> memref<56x1x128xf32, #tpu.memory_space<vmem>>
    %dma_wait3A_240 = tpu.memref_squeeze %dma_wait3A_239 : memref<56x1x128xf32, #tpu.memory_space<vmem>> -> memref<56x128xf32, #tpu.memory_space<vmem>>
    tpu.wait_dma2 semaphore(%arg19 : memref<!tpu.dma_semaphore, #tpu.memory_space<semaphore_mem>>) src(%dma_wait3A_240 : memref<56x128xf32, #tpu.memory_space<vmem>>) dst(%dma_wait3A_236 : memref<56x128xf32, #tpu.memory_space<hbm>>)
    %mul3A_241 = arith.constant 32 : i32
    %mul3A_242 = arith.muli %add3A, %mul3A_241 : i32
    %add3A_243 = arith.constant 31 : i32
    %add3A_244 = arith.addi %mul3A_242, %add3A_243 : i32
    %dma_wait3A_245 = arith.constant 2 : i32
    %dma_wait3A_246 = arith.constant 0 : i32
    %dma_wait3A_247 = arith.constant 0 : i32
    %dma_wait3A_248 = tpu.memref_slice %arg13[%dma_wait3A_246, %dma_wait3A_245, %dma_wait3A_247] : memref<56x8x128xf32, #tpu.memory_space<vmem>> -> memref<56x1x128xf32, #tpu.memory_space<vmem>>
    %dma_wait3A_249 = tpu.memref_squeeze %dma_wait3A_248 : memref<56x1x128xf32, #tpu.memory_space<vmem>> -> memref<56x128xf32, #tpu.memory_space<vmem>>
    %dma_wait3A_250 = arith.constant 0 : i32
    %dma_wait3A_251 = arith.constant 256 : i32
    %dma_wait3A_252 = tpu.memref_slice %arg6[%add3A_244, %dma_wait3A_250, %dma_wait3A_251] : memref<1024x56x1024xf32, #tpu.memory_space<hbm>> -> memref<1x56x128xf32, #tpu.memory_space<hbm>>
    %dma_wait3A_253 = tpu.memref_squeeze %dma_wait3A_252 : memref<1x56x128xf32, #tpu.memory_space<hbm>> -> memref<56x128xf32, #tpu.memory_space<hbm>>
    %dma_wait3A_254 = arith.constant 0 : i32
    %dma_wait3A_255 = arith.constant 256 : i32
    %dma_wait3A_256 = tpu.memref_slice %arg6[%add3A_244, %dma_wait3A_254, %dma_wait3A_255] : memref<1024x56x1024xf32, #tpu.memory_space<hbm>> -> memref<1x56x128xf32, #tpu.memory_space<hbm>>
    %dma_wait3A_257 = tpu.memref_squeeze %dma_wait3A_256 : memref<1x56x128xf32, #tpu.memory_space<hbm>> -> memref<56x128xf32, #tpu.memory_space<hbm>>
    %dma_wait3A_258 = arith.constant 0 : i32
    %dma_wait3A_259 = arith.constant 0 : i32
    %dma_wait3A_260 = tpu.memref_slice %arg13[%dma_wait3A_258, %dma_wait3A_245, %dma_wait3A_259] : memref<56x8x128xf32, #tpu.memory_space<vmem>> -> memref<56x1x128xf32, #tpu.memory_space<vmem>>
    %dma_wait3A_261 = tpu.memref_squeeze %dma_wait3A_260 : memref<56x1x128xf32, #tpu.memory_space<vmem>> -> memref<56x128xf32, #tpu.memory_space<vmem>>
    tpu.wait_dma2 semaphore(%arg19 : memref<!tpu.dma_semaphore, #tpu.memory_space<semaphore_mem>>) src(%dma_wait3A_261 : memref<56x128xf32, #tpu.memory_space<vmem>>) dst(%dma_wait3A_257 : memref<56x128xf32, #tpu.memory_space<hbm>>)
    %mul3A_262 = arith.constant 32 : i32
    %mul3A_263 = arith.muli %add3A, %mul3A_262 : i32
    %add3A_264 = arith.constant 31 : i32
    %add3A_265 = arith.addi %mul3A_263, %add3A_264 : i32
    %dma_wait3A_266 = arith.constant 3 : i32
    %dma_wait3A_267 = arith.constant 0 : i32
    %dma_wait3A_268 = arith.constant 0 : i32
    %dma_wait3A_269 = tpu.memref_slice %arg13[%dma_wait3A_267, %dma_wait3A_266, %dma_wait3A_268] : memref<56x8x128xf32, #tpu.memory_space<vmem>> -> memref<56x1x128xf32, #tpu.memory_space<vmem>>
    %dma_wait3A_270 = tpu.memref_squeeze %dma_wait3A_269 : memref<56x1x128xf32, #tpu.memory_space<vmem>> -> memref<56x128xf32, #tpu.memory_space<vmem>>
    %dma_wait3A_271 = arith.constant 0 : i32
    %dma_wait3A_272 = arith.constant 384 : i32
    %dma_wait3A_273 = tpu.memref_slice %arg6[%add3A_265, %dma_wait3A_271, %dma_wait3A_272] : memref<1024x56x1024xf32, #tpu.memory_space<hbm>> -> memref<1x56x128xf32, #tpu.memory_space<hbm>>
    %dma_wait3A_274 = tpu.memref_squeeze %dma_wait3A_273 : memref<1x56x128xf32, #tpu.memory_space<hbm>> -> memref<56x128xf32, #tpu.memory_space<hbm>>
    %dma_wait3A_275 = arith.constant 0 : i32
    %dma_wait3A_276 = arith.constant 384 : i32
    %dma_wait3A_277 = tpu.memref_slice %arg6[%add3A_265, %dma_wait3A_275, %dma_wait3A_276] : memref<1024x56x1024xf32, #tpu.memory_space<hbm>> -> memref<1x56x128xf32, #tpu.memory_space<hbm>>
    %dma_wait3A_278 = tpu.memref_squeeze %dma_wait3A_277 : memref<1x56x128xf32, #tpu.memory_space<hbm>> -> memref<56x128xf32, #tpu.memory_space<hbm>>
    %dma_wait3A_279 = arith.constant 0 : i32
    %dma_wait3A_280 = arith.constant 0 : i32
    %dma_wait3A_281 = tpu.memref_slice %arg13[%dma_wait3A_279, %dma_wait3A_266, %dma_wait3A_280] : memref<56x8x128xf32, #tpu.memory_space<vmem>> -> memref<56x1x128xf32, #tpu.memory_space<vmem>>
    %dma_wait3A_282 = tpu.memref_squeeze %dma_wait3A_281 : memref<56x1x128xf32, #tpu.memory_space<vmem>> -> memref<56x128xf32, #tpu.memory_space<vmem>>
    tpu.wait_dma2 semaphore(%arg19 : memref<!tpu.dma_semaphore, #tpu.memory_space<semaphore_mem>>) src(%dma_wait3A_282 : memref<56x128xf32, #tpu.memory_space<vmem>>) dst(%dma_wait3A_278 : memref<56x128xf32, #tpu.memory_space<hbm>>)
    %mul3A_283 = arith.constant 32 : i32
    %mul3A_284 = arith.muli %add3A, %mul3A_283 : i32
    %add3A_285 = arith.constant 31 : i32
    %add3A_286 = arith.addi %mul3A_284, %add3A_285 : i32
    %dma_wait3A_287 = arith.constant 4 : i32
    %dma_wait3A_288 = arith.constant 0 : i32
    %dma_wait3A_289 = arith.constant 0 : i32
    %dma_wait3A_290 = tpu.memref_slice %arg13[%dma_wait3A_288, %dma_wait3A_287, %dma_wait3A_289] : memref<56x8x128xf32, #tpu.memory_space<vmem>> -> memref<56x1x128xf32, #tpu.memory_space<vmem>>
    %dma_wait3A_291 = tpu.memref_squeeze %dma_wait3A_290 : memref<56x1x128xf32, #tpu.memory_space<vmem>> -> memref<56x128xf32, #tpu.memory_space<vmem>>
    %dma_wait3A_292 = arith.constant 0 : i32
    %dma_wait3A_293 = arith.constant 512 : i32
    %dma_wait3A_294 = tpu.memref_slice %arg6[%add3A_286, %dma_wait3A_292, %dma_wait3A_293] : memref<1024x56x1024xf32, #tpu.memory_space<hbm>> -> memref<1x56x128xf32, #tpu.memory_space<hbm>>
    %dma_wait3A_295 = tpu.memref_squeeze %dma_wait3A_294 : memref<1x56x128xf32, #tpu.memory_space<hbm>> -> memref<56x128xf32, #tpu.memory_space<hbm>>
    %dma_wait3A_296 = arith.constant 0 : i32
    %dma_wait3A_297 = arith.constant 512 : i32
    %dma_wait3A_298 = tpu.memref_slice %arg6[%add3A_286, %dma_wait3A_296, %dma_wait3A_297] : memref<1024x56x1024xf32, #tpu.memory_space<hbm>> -> memref<1x56x128xf32, #tpu.memory_space<hbm>>
    %dma_wait3A_299 = tpu.memref_squeeze %dma_wait3A_298 : memref<1x56x128xf32, #tpu.memory_space<hbm>> -> memref<56x128xf32, #tpu.memory_space<hbm>>
    %dma_wait3A_300 = arith.constant 0 : i32
    %dma_wait3A_301 = arith.constant 0 : i32
    %dma_wait3A_302 = tpu.memref_slice %arg13[%dma_wait3A_300, %dma_wait3A_287, %dma_wait3A_301] : memref<56x8x128xf32, #tpu.memory_space<vmem>> -> memref<56x1x128xf32, #tpu.memory_space<vmem>>
    %dma_wait3A_303 = tpu.memref_squeeze %dma_wait3A_302 : memref<56x1x128xf32, #tpu.memory_space<vmem>> -> memref<56x128xf32, #tpu.memory_space<vmem>>
    tpu.wait_dma2 semaphore(%arg19 : memref<!tpu.dma_semaphore, #tpu.memory_space<semaphore_mem>>) src(%dma_wait3A_303 : memref<56x128xf32, #tpu.memory_space<vmem>>) dst(%dma_wait3A_299 : memref<56x128xf32, #tpu.memory_space<hbm>>)
    %mul3A_304 = arith.constant 32 : i32
    %mul3A_305 = arith.muli %add3A, %mul3A_304 : i32
    %add3A_306 = arith.constant 31 : i32
    %add3A_307 = arith.addi %mul3A_305, %add3A_306 : i32
    %dma_wait3A_308 = arith.constant 5 : i32
    %dma_wait3A_309 = arith.constant 0 : i32
    %dma_wait3A_310 = arith.constant 0 : i32
    %dma_wait3A_311 = tpu.memref_slice %arg13[%dma_wait3A_309, %dma_wait3A_308, %dma_wait3A_310] : memref<56x8x128xf32, #tpu.memory_space<vmem>> -> memref<56x1x128xf32, #tpu.memory_space<vmem>>
    %dma_wait3A_312 = tpu.memref_squeeze %dma_wait3A_311 : memref<56x1x128xf32, #tpu.memory_space<vmem>> -> memref<56x128xf32, #tpu.memory_space<vmem>>
    %dma_wait3A_313 = arith.constant 0 : i32
    %dma_wait3A_314 = arith.constant 640 : i32
    %dma_wait3A_315 = tpu.memref_slice %arg6[%add3A_307, %dma_wait3A_313, %dma_wait3A_314] : memref<1024x56x1024xf32, #tpu.memory_space<hbm>> -> memref<1x56x128xf32, #tpu.memory_space<hbm>>
    %dma_wait3A_316 = tpu.memref_squeeze %dma_wait3A_315 : memref<1x56x128xf32, #tpu.memory_space<hbm>> -> memref<56x128xf32, #tpu.memory_space<hbm>>
    %dma_wait3A_317 = arith.constant 0 : i32
    %dma_wait3A_318 = arith.constant 640 : i32
    %dma_wait3A_319 = tpu.memref_slice %arg6[%add3A_307, %dma_wait3A_317, %dma_wait3A_318] : memref<1024x56x1024xf32, #tpu.memory_space<hbm>> -> memref<1x56x128xf32, #tpu.memory_space<hbm>>
    %dma_wait3A_320 = tpu.memref_squeeze %dma_wait3A_319 : memref<1x56x128xf32, #tpu.memory_space<hbm>> -> memref<56x128xf32, #tpu.memory_space<hbm>>
    %dma_wait3A_321 = arith.constant 0 : i32
    %dma_wait3A_322 = arith.constant 0 : i32
    %dma_wait3A_323 = tpu.memref_slice %arg13[%dma_wait3A_321, %dma_wait3A_308, %dma_wait3A_322] : memref<56x8x128xf32, #tpu.memory_space<vmem>> -> memref<56x1x128xf32, #tpu.memory_space<vmem>>
    %dma_wait3A_324 = tpu.memref_squeeze %dma_wait3A_323 : memref<56x1x128xf32, #tpu.memory_space<vmem>> -> memref<56x128xf32, #tpu.memory_space<vmem>>
    tpu.wait_dma2 semaphore(%arg19 : memref<!tpu.dma_semaphore, #tpu.memory_space<semaphore_mem>>) src(%dma_wait3A_324 : memref<56x128xf32, #tpu.memory_space<vmem>>) dst(%dma_wait3A_320 : memref<56x128xf32, #tpu.memory_space<hbm>>)
    %mul3A_325 = arith.constant 32 : i32
    %mul3A_326 = arith.muli %add3A, %mul3A_325 : i32
    %add3A_327 = arith.constant 31 : i32
    %add3A_328 = arith.addi %mul3A_326, %add3A_327 : i32
    %dma_wait3A_329 = arith.constant 6 : i32
    %dma_wait3A_330 = arith.constant 0 : i32
    %dma_wait3A_331 = arith.constant 0 : i32
    %dma_wait3A_332 = tpu.memref_slice %arg13[%dma_wait3A_330, %dma_wait3A_329, %dma_wait3A_331] : memref<56x8x128xf32, #tpu.memory_space<vmem>> -> memref<56x1x128xf32, #tpu.memory_space<vmem>>
    %dma_wait3A_333 = tpu.memref_squeeze %dma_wait3A_332 : memref<56x1x128xf32, #tpu.memory_space<vmem>> -> memref<56x128xf32, #tpu.memory_space<vmem>>
    %dma_wait3A_334 = arith.constant 0 : i32
    %dma_wait3A_335 = arith.constant 768 : i32
    %dma_wait3A_336 = tpu.memref_slice %arg6[%add3A_328, %dma_wait3A_334, %dma_wait3A_335] : memref<1024x56x1024xf32, #tpu.memory_space<hbm>> -> memref<1x56x128xf32, #tpu.memory_space<hbm>>
    %dma_wait3A_337 = tpu.memref_squeeze %dma_wait3A_336 : memref<1x56x128xf32, #tpu.memory_space<hbm>> -> memref<56x128xf32, #tpu.memory_space<hbm>>
    %dma_wait3A_338 = arith.constant 0 : i32
    %dma_wait3A_339 = arith.constant 768 : i32
    %dma_wait3A_340 = tpu.memref_slice %arg6[%add3A_328, %dma_wait3A_338, %dma_wait3A_339] : memref<1024x56x1024xf32, #tpu.memory_space<hbm>> -> memref<1x56x128xf32, #tpu.memory_space<hbm>>
    %dma_wait3A_341 = tpu.memref_squeeze %dma_wait3A_340 : memref<1x56x128xf32, #tpu.memory_space<hbm>> -> memref<56x128xf32, #tpu.memory_space<hbm>>
    %dma_wait3A_342 = arith.constant 0 : i32
    %dma_wait3A_343 = arith.constant 0 : i32
    %dma_wait3A_344 = tpu.memref_slice %arg13[%dma_wait3A_342, %dma_wait3A_329, %dma_wait3A_343] : memref<56x8x128xf32, #tpu.memory_space<vmem>> -> memref<56x1x128xf32, #tpu.memory_space<vmem>>
    %dma_wait3A_345 = tpu.memref_squeeze %dma_wait3A_344 : memref<56x1x128xf32, #tpu.memory_space<vmem>> -> memref<56x128xf32, #tpu.memory_space<vmem>>
    tpu.wait_dma2 semaphore(%arg19 : memref<!tpu.dma_semaphore, #tpu.memory_space<semaphore_mem>>) src(%dma_wait3A_345 : memref<56x128xf32, #tpu.memory_space<vmem>>) dst(%dma_wait3A_341 : memref<56x128xf32, #tpu.memory_space<hbm>>)
    %mul3A_346 = arith.constant 32 : i32
    %mul3A_347 = arith.muli %add3A, %mul3A_346 : i32
    %add3A_348 = arith.constant 31 : i32
    %add3A_349 = arith.addi %mul3A_347, %add3A_348 : i32
    %dma_wait3A_350 = arith.constant 7 : i32
    %dma_wait3A_351 = arith.constant 0 : i32
    %dma_wait3A_352 = arith.constant 0 : i32
    %dma_wait3A_353 = tpu.memref_slice %arg13[%dma_wait3A_351, %dma_wait3A_350, %dma_wait3A_352] : memref<56x8x128xf32, #tpu.memory_space<vmem>> -> memref<56x1x128xf32, #tpu.memory_space<vmem>>
    %dma_wait3A_354 = tpu.memref_squeeze %dma_wait3A_353 : memref<56x1x128xf32, #tpu.memory_space<vmem>> -> memref<56x128xf32, #tpu.memory_space<vmem>>
    %dma_wait3A_355 = arith.constant 0 : i32
    %dma_wait3A_356 = arith.constant 896 : i32
    %dma_wait3A_357 = tpu.memref_slice %arg6[%add3A_349, %dma_wait3A_355, %dma_wait3A_356] : memref<1024x56x1024xf32, #tpu.memory_space<hbm>> -> memref<1x56x128xf32, #tpu.memory_space<hbm>>
    %dma_wait3A_358 = tpu.memref_squeeze %dma_wait3A_357 : memref<1x56x128xf32, #tpu.memory_space<hbm>> -> memref<56x128xf32, #tpu.memory_space<hbm>>
    %dma_wait3A_359 = arith.constant 0 : i32
    %dma_wait3A_360 = arith.constant 896 : i32
    %dma_wait3A_361 = tpu.memref_slice %arg6[%add3A_349, %dma_wait3A_359, %dma_wait3A_360] : memref<1024x56x1024xf32, #tpu.memory_space<hbm>> -> memref<1x56x128xf32, #tpu.memory_space<hbm>>
    %dma_wait3A_362 = tpu.memref_squeeze %dma_wait3A_361 : memref<1x56x128xf32, #tpu.memory_space<hbm>> -> memref<56x128xf32, #tpu.memory_space<hbm>>
    %dma_wait3A_363 = arith.constant 0 : i32
    %dma_wait3A_364 = arith.constant 0 : i32
    %dma_wait3A_365 = tpu.memref_slice %arg13[%dma_wait3A_363, %dma_wait3A_350, %dma_wait3A_364] : memref<56x8x128xf32, #tpu.memory_space<vmem>> -> memref<56x1x128xf32, #tpu.memory_space<vmem>>
    %dma_wait3A_366 = tpu.memref_squeeze %dma_wait3A_365 : memref<56x1x128xf32, #tpu.memory_space<vmem>> -> memref<56x128xf32, #tpu.memory_space<vmem>>
    tpu.wait_dma2 semaphore(%arg19 : memref<!tpu.dma_semaphore, #tpu.memory_space<semaphore_mem>>) src(%dma_wait3A_366 : memref<56x128xf32, #tpu.memory_space<vmem>>) dst(%dma_wait3A_362 : memref<56x128xf32, #tpu.memory_space<hbm>>)
    %broadcast_in_dim3A_367 = arith.constant 0.000000e+00 : f32
    %broadcast_in_dim3A_368 = vector.broadcast %broadcast_in_dim3A_367 : f32 to vector<16xf32>
    %swap3A = arith.constant 0 : index
    %swap3A_369 = tpu.vector_load %arg14[%swap3A] {strides = array<i32>} : memref<1024xf32, #tpu.memory_space<vmem>>, vector<16xf32>,
    tpu.vector_store %arg14[%swap3A], %broadcast_in_dim3A_368 {strides = array<i32>} : memref<1024xf32, #tpu.memory_space<vmem>>, vector<16xf32>,
    %swap3A_370 = arith.constant 0 : index
    %swap3A_371 = tpu.vector_load %arg15[%swap3A_370] {strides = array<i32>} : memref<1024xf32, #tpu.memory_space<vmem>>, vector<16xf32>,
    tpu.vector_store %arg15[%swap3A_370], %broadcast_in_dim3A_368 {strides = array<i32>} : memref<1024xf32, #tpu.memory_space<vmem>>, vector<16xf32>,
    %broadcast_in_dim3A_372 = arith.constant 0.000000e+00 : f32
    %broadcast_in_dim3A_373 = vector.broadcast %broadcast_in_dim3A_372 : f32 to vector<16xf32>
    %swap3A_374 = arith.constant 16 : index
    %swap3A_375 = tpu.vector_load %arg14[%swap3A_374] {strides = array<i32>} : memref<1024xf32, #tpu.memory_space<vmem>>, vector<16xf32>,
    tpu.vector_store %arg14[%swap3A_374], %broadcast_in_dim3A_373 {strides = array<i32>} : memref<1024xf32, #tpu.memory_space<vmem>>, vector<16xf32>,
    %swap3A_376 = arith.constant 16 : index
    %swap3A_377 = tpu.vector_load %arg15[%swap3A_376] {strides = array<i32>} : memref<1024xf32, #tpu.memory_space<vmem>>, vector<16xf32>,
    tpu.vector_store %arg15[%swap3A_376], %broadcast_in_dim3A_373 {strides = array<i32>} : memref<1024xf32, #tpu.memory_space<vmem>>, vector<16xf32>,
    %broadcast_in_dim3A_378 = arith.constant 0.000000e+00 : f32
    %broadcast_in_dim3A_379 = vector.broadcast %broadcast_in_dim3A_378 : f32 to vector<16xf32>
    %swap3A_380 = arith.constant 32 : index
    %swap3A_381 = tpu.vector_load %arg14[%swap3A_380] {strides = array<i32>} : memref<1024xf32, #tpu.memory_space<vmem>>, vector<16xf32>,
    tpu.vector_store %arg14[%swap3A_380], %broadcast_in_dim3A_379 {strides = array<i32>} : memref<1024xf32, #tpu.memory_space<vmem>>, vector<16xf32>,
    %swap3A_382 = arith.constant 32 : index
    %swap3A_383 = tpu.vector_load %arg15[%swap3A_382] {strides = array<i32>} : memref<1024xf32, #tpu.memory_space<vmem>>, vector<16xf32>,
    tpu.vector_store %arg15[%swap3A_382], %broadcast_in_dim3A_379 {strides = array<i32>} : memref<1024xf32, #tpu.memory_space<vmem>>, vector<16xf32>,
    %broadcast_in_dim3A_384 = arith.constant 0.000000e+00 : f32
    %broadcast_in_dim3A_385 = vector.broadcast %broadcast_in_dim3A_384 : f32 to vector<16xf32>
    %swap3A_386 = arith.constant 48 : index
    %swap3A_387 = tpu.vector_load %arg14[%swap3A_386] {strides = array<i32>} : memref<1024xf32, #tpu.memory_space<vmem>>, vector<16xf32>,
    tpu.vector_store %arg14[%swap3A_386], %broadcast_in_dim3A_385 {strides = array<i32>} : memref<1024xf32, #tpu.memory_space<vmem>>, vector<16xf32>,
    %swap3A_388 = arith.constant 48 : index
    %swap3A_389 = tpu.vector_load %arg15[%swap3A_388] {strides = array<i32>} : memref<1024xf32, #tpu.memory_space<vmem>>, vector<16xf32>,
    tpu.vector_store %arg15[%swap3A_388], %broadcast_in_dim3A_385 {strides = array<i32>} : memref<1024xf32, #tpu.memory_space<vmem>>, vector<16xf32>,
    %broadcast_in_dim3A_390 = arith.constant 0.000000e+00 : f32
    %broadcast_in_dim3A_391 = vector.broadcast %broadcast_in_dim3A_390 : f32 to vector<16xf32>
    %swap3A_392 = arith.constant 64 : index
    %swap3A_393 = tpu.vector_load %arg14[%swap3A_392] {strides = array<i32>} : memref<1024xf32, #tpu.memory_space<vmem>>, vector<16xf32>,
    tpu.vector_store %arg14[%swap3A_392], %broadcast_in_dim3A_391 {strides = array<i32>} : memref<1024xf32, #tpu.memory_space<vmem>>, vector<16xf32>,
    %swap3A_394 = arith.constant 64 : index
    %swap3A_395 = tpu.vector_load %arg15[%swap3A_394] {strides = array<i32>} : memref<1024xf32, #tpu.memory_space<vmem>>, vector<16xf32>,
    tpu.vector_store %arg15[%swap3A_394], %broadcast_in_dim3A_391 {strides = array<i32>} : memref<1024xf32, #tpu.memory_space<vmem>>, vector<16xf32>,
    %broadcast_in_dim3A_396 = arith.constant 0.000000e+00 : f32
    %broadcast_in_dim3A_397 = vector.broadcast %broadcast_in_dim3A_396 : f32 to vector<16xf32>
    %swap3A_398 = arith.constant 80 : index
    %swap3A_399 = tpu.vector_load %arg14[%swap3A_398] {strides = array<i32>} : memref<1024xf32, #tpu.memory_space<vmem>>, vector<16xf32>,
    tpu.vector_store %arg14[%swap3A_398], %broadcast_in_dim3A_397 {strides = array<i32>} : memref<1024xf32, #tpu.memory_space<vmem>>, vector<16xf32>,
    %swap3A_400 = arith.constant 80 : index
    %swap3A_401 = tpu.vector_load %arg15[%swap3A_400] {strides = array<i32>} : memref<1024xf32, #tpu.memory_space<vmem>>, vector<16xf32>,
    tpu.vector_store %arg15[%swap3A_400], %broadcast_in_dim3A_397 {strides = array<i32>} : memref<1024xf32, #tpu.memory_space<vmem>>, vector<16xf32>,
    %broadcast_in_dim3A_402 = arith.constant 0.000000e+00 : f32
    %broadcast_in_dim3A_403 = vector.broadcast %broadcast_in_dim3A_402 : f32 to vector<16xf32>
    %swap3A_404 = arith.constant 96 : index
    %swap3A_405 = tpu.vector_load %arg14[%swap3A_404] {strides = array<i32>} : memref<1024xf32, #tpu.memory_space<vmem>>, vector<16xf32>,
    tpu.vector_store %arg14[%swap3A_404], %broadcast_in_dim3A_403 {strides = array<i32>} : memref<1024xf32, #tpu.memory_space<vmem>>, vector<16xf32>,
    %swap3A_406 = arith.constant 96 : index
    %swap3A_407 = tpu.vector_load %arg15[%swap3A_406] {strides = array<i32>} : memref<1024xf32, #tpu.memory_space<vmem>>, vector<16xf32>,
    tpu.vector_store %arg15[%swap3A_406], %broadcast_in_dim3A_403 {strides = array<i32>} : memref<1024xf32, #tpu.memory_space<vmem>>, vector<16xf32>,
    %broadcast_in_dim3A_408 = arith.constant 0.000000e+00 : f32
    %broadcast_in_dim3A_409 = vector.broadcast %broadcast_in_dim3A_408 : f32 to vector<16xf32>
    %swap3A_410 = arith.constant 112 : index
    %swap3A_411 = tpu.vector_load %arg14[%swap3A_410] {strides = array<i32>} : memref<1024xf32, #tpu.memory_space<vmem>>, vector<16xf32>,
    tpu.vector_store %arg14[%swap3A_410], %broadcast_in_dim3A_409 {strides = array<i32>} : memref<1024xf32, #tpu.memory_space<vmem>>, vector<16xf32>,
    %swap3A_412 = arith.constant 112 : index
    %swap3A_413 = tpu.vector_load %arg15[%swap3A_412] {strides = array<i32>} : memref<1024xf32, #tpu.memory_space<vmem>>, vector<16xf32>,
    tpu.vector_store %arg15[%swap3A_412], %broadcast_in_dim3A_409 {strides = array<i32>} : memref<1024xf32, #tpu.memory_space<vmem>>, vector<16xf32>,
    %broadcast_in_dim3A_414 = arith.constant 0.000000e+00 : f32
    %broadcast_in_dim3A_415 = vector.broadcast %broadcast_in_dim3A_414 : f32 to vector<16xf32>
    %swap3A_416 = arith.constant 128 : index
    %swap3A_417 = tpu.vector_load %arg14[%swap3A_416] {strides = array<i32>} : memref<1024xf32, #tpu.memory_space<vmem>>, vector<16xf32>,
    tpu.vector_store %arg14[%swap3A_416], %broadcast_in_dim3A_415 {strides = array<i32>} : memref<1024xf32, #tpu.memory_space<vmem>>, vector<16xf32>,
    %swap3A_418 = arith.constant 128 : index
    %swap3A_419 = tpu.vector_load %arg15[%swap3A_418] {strides = array<i32>} : memref<1024xf32, #tpu.memory_space<vmem>>, vector<16xf32>,
    tpu.vector_store %arg15[%swap3A_418], %broadcast_in_dim3A_415 {strides = array<i32>} : memref<1024xf32, #tpu.memory_space<vmem>>, vector<16xf32>,
    %broadcast_in_dim3A_420 = arith.constant 0.000000e+00 : f32
    %broadcast_in_dim3A_421 = vector.broadcast %broadcast_in_dim3A_420 : f32 to vector<16xf32>
    %swap3A_422 = arith.constant 144 : index
    %swap3A_423 = tpu.vector_load %arg14[%swap3A_422] {strides = array<i32>} : memref<1024xf32, #tpu.memory_space<vmem>>, vector<16xf32>,
    tpu.vector_store %arg14[%swap3A_422], %broadcast_in_dim3A_421 {strides = array<i32>} : memref<1024xf32, #tpu.memory_space<vmem>>, vector<16xf32>,
    %swap3A_424 = arith.constant 144 : index
    %swap3A_425 = tpu.vector_load %arg15[%swap3A_424] {strides = array<i32>} : memref<1024xf32, #tpu.memory_space<vmem>>, vector<16xf32>,
    tpu.vector_store %arg15[%swap3A_424], %broadcast_in_dim3A_421 {strides = array<i32>} : memref<1024xf32, #tpu.memory_space<vmem>>, vector<16xf32>,
    %broadcast_in_dim3A_426 = arith.constant 0.000000e+00 : f32
    %broadcast_in_dim3A_427 = vector.broadcast %broadcast_in_dim3A_426 : f32 to vector<16xf32>
    %swap3A_428 = arith.constant 160 : index
    %swap3A_429 = tpu.vector_load %arg14[%swap3A_428] {strides = array<i32>} : memref<1024xf32, #tpu.memory_space<vmem>>, vector<16xf32>,
    tpu.vector_store %arg14[%swap3A_428], %broadcast_in_dim3A_427 {strides = array<i32>} : memref<1024xf32, #tpu.memory_space<vmem>>, vector<16xf32>,
    %swap3A_430 = arith.constant 160 : index
    %swap3A_431 = tpu.vector_load %arg15[%swap3A_430] {strides = array<i32>} : memref<1024xf32, #tpu.memory_space<vmem>>, vector<16xf32>,
    tpu.vector_store %arg15[%swap3A_430], %broadcast_in_dim3A_427 {strides = array<i32>} : memref<1024xf32, #tpu.memory_space<vmem>>, vector<16xf32>,
    %broadcast_in_dim3A_432 = arith.constant 0.000000e+00 : f32
    %broadcast_in_dim3A_433 = vector.broadcast %broadcast_in_dim3A_432 : f32 to vector<16xf32>
    %swap3A_434 = arith.constant 176 : index
    %swap3A_435 = tpu.vector_load %arg14[%swap3A_434] {strides = array<i32>} : memref<1024xf32, #tpu.memory_space<vmem>>, vector<16xf32>,
    tpu.vector_store %arg14[%swap3A_434], %broadcast_in_dim3A_433 {strides = array<i32>} : memref<1024xf32, #tpu.memory_space<vmem>>, vector<16xf32>,
    %swap3A_436 = arith.constant 176 : index
    %swap3A_437 = tpu.vector_load %arg15[%swap3A_436] {strides = array<i32>} : memref<1024xf32, #tpu.memory_space<vmem>>, vector<16xf32>,
    tpu.vector_store %arg15[%swap3A_436], %broadcast_in_dim3A_433 {strides = array<i32>} : memref<1024xf32, #tpu.memory_space<vmem>>, vector<16xf32>,
    %broadcast_in_dim3A_438 = arith.constant 0.000000e+00 : f32
    %broadcast_in_dim3A_439 = vector.broadcast %broadcast_in_dim3A_438 : f32 to vector<16xf32>
    %swap3A_440 = arith.constant 192 : index
    %swap3A_441 = tpu.vector_load %arg14[%swap3A_440] {strides = array<i32>} : memref<1024xf32, #tpu.memory_space<vmem>>, vector<16xf32>,
    tpu.vector_store %arg14[%swap3A_440], %broadcast_in_dim3A_439 {strides = array<i32>} : memref<1024xf32, #tpu.memory_space<vmem>>, vector<16xf32>,
    %swap3A_442 = arith.constant 192 : index
    %swap3A_443 = tpu.vector_load %arg15[%swap3A_442] {strides = array<i32>} : memref<1024xf32, #tpu.memory_space<vmem>>, vector<16xf32>,
    tpu.vector_store %arg15[%swap3A_442], %broadcast_in_dim3A_439 {strides = array<i32>} : memref<1024xf32, #tpu.memory_space<vmem>>, vector<16xf32>,
    %broadcast_in_dim3A_444 = arith.constant 0.000000e+00 : f32
    %broadcast_in_dim3A_445 = vector.broadcast %broadcast_in_dim3A_444 : f32 to vector<16xf32>
    %swap3A_446 = arith.constant 208 : index
    %swap3A_447 = tpu.vector_load %arg14[%swap3A_446] {strides = array<i32>} : memref<1024xf32, #tpu.memory_space<vmem>>, vector<16xf32>,
    tpu.vector_store %arg14[%swap3A_446], %broadcast_in_dim3A_445 {strides = array<i32>} : memref<1024xf32, #tpu.memory_space<vmem>>, vector<16xf32>,
    %swap3A_448 = arith.constant 208 : index
    %swap3A_449 = tpu.vector_load %arg15[%swap3A_448] {strides = array<i32>} : memref<1024xf32, #tpu.memory_space<vmem>>, vector<16xf32>,
    tpu.vector_store %arg15[%swap3A_448], %broadcast_in_dim3A_445 {strides = array<i32>} : memref<1024xf32, #tpu.memory_space<vmem>>, vector<16xf32>,
    %broadcast_in_dim3A_450 = arith.constant 0.000000e+00 : f32
    %broadcast_in_dim3A_451 = vector.broadcast %broadcast_in_dim3A_450 : f32 to vector<16xf32>
    %swap3A_452 = arith.constant 224 : index
    %swap3A_453 = tpu.vector_load %arg14[%swap3A_452] {strides = array<i32>} : memref<1024xf32, #tpu.memory_space<vmem>>, vector<16xf32>,
    tpu.vector_store %arg14[%swap3A_452], %broadcast_in_dim3A_451 {strides = array<i32>} : memref<1024xf32, #tpu.memory_space<vmem>>, vector<16xf32>,
    %swap3A_454 = arith.constant 224 : index
    %swap3A_455 = tpu.vector_load %arg15[%swap3A_454] {strides = array<i32>} : memref<1024xf32, #tpu.memory_space<vmem>>, vector<16xf32>,
    tpu.vector_store %arg15[%swap3A_454], %broadcast_in_dim3A_451 {strides = array<i32>} : memref<1024xf32, #tpu.memory_space<vmem>>, vector<16xf32>,
    %broadcast_in_dim3A_456 = arith.constant 0.000000e+00 : f32
    %broadcast_in_dim3A_457 = vector.broadcast %broadcast_in_dim3A_456 : f32 to vector<16xf32>
    %swap3A_458 = arith.constant 240 : index
    %swap3A_459 = tpu.vector_load %arg14[%swap3A_458] {strides = array<i32>} : memref<1024xf32, #tpu.memory_space<vmem>>, vector<16xf32>,
    tpu.vector_store %arg14[%swap3A_458], %broadcast_in_dim3A_457 {strides = array<i32>} : memref<1024xf32, #tpu.memory_space<vmem>>, vector<16xf32>,
    %swap3A_460 = arith.constant 240 : index
    %swap3A_461 = tpu.vector_load %arg15[%swap3A_460] {strides = array<i32>} : memref<1024xf32, #tpu.memory_space<vmem>>, vector<16xf32>,
    tpu.vector_store %arg15[%swap3A_460], %broadcast_in_dim3A_457 {strides = array<i32>} : memref<1024xf32, #tpu.memory_space<vmem>>, vector<16xf32>,
    %broadcast_in_dim3A_462 = arith.constant 0.000000e+00 : f32
    %broadcast_in_dim3A_463 = vector.broadcast %broadcast_in_dim3A_462 : f32 to vector<16xf32>
    %swap3A_464 = arith.constant 256 : index
    %swap3A_465 = tpu.vector_load %arg14[%swap3A_464] {strides = array<i32>} : memref<1024xf32, #tpu.memory_space<vmem>>, vector<16xf32>,
    tpu.vector_store %arg14[%swap3A_464], %broadcast_in_dim3A_463 {strides = array<i32>} : memref<1024xf32, #tpu.memory_space<vmem>>, vector<16xf32>,
    %swap3A_466 = arith.constant 256 : index
    %swap3A_467 = tpu.vector_load %arg15[%swap3A_466] {strides = array<i32>} : memref<1024xf32, #tpu.memory_space<vmem>>, vector<16xf32>,
    tpu.vector_store %arg15[%swap3A_466], %broadcast_in_dim3A_463 {strides = array<i32>} : memref<1024xf32, #tpu.memory_space<vmem>>, vector<16xf32>,
    %broadcast_in_dim3A_468 = arith.constant 0.000000e+00 : f32
    %broadcast_in_dim3A_469 = vector.broadcast %broadcast_in_dim3A_468 : f32 to vector<16xf32>
    %swap3A_470 = arith.constant 272 : index
    %swap3A_471 = tpu.vector_load %arg14[%swap3A_470] {strides = array<i32>} : memref<1024xf32, #tpu.memory_space<vmem>>, vector<16xf32>,
    tpu.vector_store %arg14[%swap3A_470], %broadcast_in_dim3A_469 {strides = array<i32>} : memref<1024xf32, #tpu.memory_space<vmem>>, vector<16xf32>,
    %swap3A_472 = arith.constant 272 : index
    %swap3A_473 = tpu.vector_load %arg15[%swap3A_472] {strides = array<i32>} : memref<1024xf32, #tpu.memory_space<vmem>>, vector<16xf32>,
    tpu.vector_store %arg15[%swap3A_472], %broadcast_in_dim3A_469 {strides = array<i32>} : memref<1024xf32, #tpu.memory_space<vmem>>, vector<16xf32>,
    %broadcast_in_dim3A_474 = arith.constant 0.000000e+00 : f32
    %broadcast_in_dim3A_475 = vector.broadcast %broadcast_in_dim3A_474 : f32 to vector<16xf32>
    %swap3A_476 = arith.constant 288 : index
    %swap3A_477 = tpu.vector_load %arg14[%swap3A_476] {strides = array<i32>} : memref<1024xf32, #tpu.memory_space<vmem>>, vector<16xf32>,
    tpu.vector_store %arg14[%swap3A_476], %broadcast_in_dim3A_475 {strides = array<i32>} : memref<1024xf32, #tpu.memory_space<vmem>>, vector<16xf32>,
    %swap3A_478 = arith.constant 288 : index
    %swap3A_479 = tpu.vector_load %arg15[%swap3A_478] {strides = array<i32>} : memref<1024xf32, #tpu.memory_space<vmem>>, vector<16xf32>,
    tpu.vector_store %arg15[%swap3A_478], %broadcast_in_dim3A_475 {strides = array<i32>} : memref<1024xf32, #tpu.memory_space<vmem>>, vector<16xf32>,
    %broadcast_in_dim3A_480 = arith.constant 0.000000e+00 : f32
    %broadcast_in_dim3A_481 = vector.broadcast %broadcast_in_dim3A_480 : f32 to vector<16xf32>
    %swap3A_482 = arith.constant 304 : index
    %swap3A_483 = tpu.vector_load %arg14[%swap3A_482] {strides = array<i32>} : memref<1024xf32, #tpu.memory_space<vmem>>, vector<16xf32>,
    tpu.vector_store %arg14[%swap3A_482], %broadcast_in_dim3A_481 {strides = array<i32>} : memref<1024xf32, #tpu.memory_space<vmem>>, vector<16xf32>,
    %swap3A_484 = arith.constant 304 : index
    %swap3A_485 = tpu.vector_load %arg15[%swap3A_484] {strides = array<i32>} : memref<1024xf32, #tpu.memory_space<vmem>>, vector<16xf32>,
    tpu.vector_store %arg15[%swap3A_484], %broadcast_in_dim3A_481 {strides = array<i32>} : memref<1024xf32, #tpu.memory_space<vmem>>, vector<16xf32>,
    %broadcast_in_dim3A_486 = arith.constant 0.000000e+00 : f32
    %broadcast_in_dim3A_487 = vector.broadcast %broadcast_in_dim3A_486 : f32 to vector<16xf32>
    %swap3A_488 = arith.constant 320 : index
    %swap3A_489 = tpu.vector_load %arg14[%swap3A_488] {strides = array<i32>} : memref<1024xf32, #tpu.memory_space<vmem>>, vector<16xf32>,
    tpu.vector_store %arg14[%swap3A_488], %broadcast_in_dim3A_487 {strides = array<i32>} : memref<1024xf32, #tpu.memory_space<vmem>>, vector<16xf32>,
    %swap3A_490 = arith.constant 320 : index
    %swap3A_491 = tpu.vector_load %arg15[%swap3A_490] {strides = array<i32>} : memref<1024xf32, #tpu.memory_space<vmem>>, vector<16xf32>,
    tpu.vector_store %arg15[%swap3A_490], %broadcast_in_dim3A_487 {strides = array<i32>} : memref<1024xf32, #tpu.memory_space<vmem>>, vector<16xf32>,
    %broadcast_in_dim3A_492 = arith.constant 0.000000e+00 : f32
    %broadcast_in_dim3A_493 = vector.broadcast %broadcast_in_dim3A_492 : f32 to vector<16xf32>
    %swap3A_494 = arith.constant 336 : index
    %swap3A_495 = tpu.vector_load %arg14[%swap3A_494] {strides = array<i32>} : memref<1024xf32, #tpu.memory_space<vmem>>, vector<16xf32>,
    tpu.vector_store %arg14[%swap3A_494], %broadcast_in_dim3A_493 {strides = array<i32>} : memref<1024xf32, #tpu.memory_space<vmem>>, vector<16xf32>,
    %swap3A_496 = arith.constant 336 : index
    %swap3A_497 = tpu.vector_load %arg15[%swap3A_496] {strides = array<i32>} : memref<1024xf32, #tpu.memory_space<vmem>>, vector<16xf32>,
    tpu.vector_store %arg15[%swap3A_496], %broadcast_in_dim3A_493 {strides = array<i32>} : memref<1024xf32, #tpu.memory_space<vmem>>, vector<16xf32>,
    %broadcast_in_dim3A_498 = arith.constant 0.000000e+00 : f32
    %broadcast_in_dim3A_499 = vector.broadcast %broadcast_in_dim3A_498 : f32 to vector<16xf32>
    %swap3A_500 = arith.constant 352 : index
    %swap3A_501 = tpu.vector_load %arg14[%swap3A_500] {strides = array<i32>} : memref<1024xf32, #tpu.memory_space<vmem>>, vector<16xf32>,
    tpu.vector_store %arg14[%swap3A_500], %broadcast_in_dim3A_499 {strides = array<i32>} : memref<1024xf32, #tpu.memory_space<vmem>>, vector<16xf32>,
    %swap3A_502 = arith.constant 352 : index
    %swap3A_503 = tpu.vector_load %arg15[%swap3A_502] {strides = array<i32>} : memref<1024xf32, #tpu.memory_space<vmem>>, vector<16xf32>,
    tpu.vector_store %arg15[%swap3A_502], %broadcast_in_dim3A_499 {strides = array<i32>} : memref<1024xf32, #tpu.memory_space<vmem>>, vector<16xf32>,
    %broadcast_in_dim3A_504 = arith.constant 0.000000e+00 : f32
    %broadcast_in_dim3A_505 = vector.broadcast %broadcast_in_dim3A_504 : f32 to vector<16xf32>
    %swap3A_506 = arith.constant 368 : index
    %swap3A_507 = tpu.vector_load %arg14[%swap3A_506] {strides = array<i32>} : memref<1024xf32, #tpu.memory_space<vmem>>, vector<16xf32>,
    tpu.vector_store %arg14[%swap3A_506], %broadcast_in_dim3A_505 {strides = array<i32>} : memref<1024xf32, #tpu.memory_space<vmem>>, vector<16xf32>,
    %swap3A_508 = arith.constant 368 : index
    %swap3A_509 = tpu.vector_load %arg15[%swap3A_508] {strides = array<i32>} : memref<1024xf32, #tpu.memory_space<vmem>>, vector<16xf32>,
    tpu.vector_store %arg15[%swap3A_508], %broadcast_in_dim3A_505 {strides = array<i32>} : memref<1024xf32, #tpu.memory_space<vmem>>, vector<16xf32>,
    %broadcast_in_dim3A_510 = arith.constant 0.000000e+00 : f32
    %broadcast_in_dim3A_511 = vector.broadcast %broadcast_in_dim3A_510 : f32 to vector<16xf32>
    %swap3A_512 = arith.constant 384 : index
    %swap3A_513 = tpu.vector_load %arg14[%swap3A_512] {strides = array<i32>} : memref<1024xf32, #tpu.memory_space<vmem>>, vector<16xf32>,
    tpu.vector_store %arg14[%swap3A_512], %broadcast_in_dim3A_511 {strides = array<i32>} : memref<1024xf32, #tpu.memory_space<vmem>>, vector<16xf32>,
    %swap3A_514 = arith.constant 384 : index
    %swap3A_515 = tpu.vector_load %arg15[%swap3A_514] {strides = array<i32>} : memref<1024xf32, #tpu.memory_space<vmem>>, vector<16xf32>,
    tpu.vector_store %arg15[%swap3A_514], %broadcast_in_dim3A_511 {strides = array<i32>} : memref<1024xf32, #tpu.memory_space<vmem>>, vector<16xf32>,
    %broadcast_in_dim3A_516 = arith.constant 0.000000e+00 : f32
    %broadcast_in_dim3A_517 = vector.broadcast %broadcast_in_dim3A_516 : f32 to vector<16xf32>
    %swap3A_518 = arith.constant 400 : index
    %swap3A_519 = tpu.vector_load %arg14[%swap3A_518] {strides = array<i32>} : memref<1024xf32, #tpu.memory_space<vmem>>, vector<16xf32>,
    tpu.vector_store %arg14[%swap3A_518], %broadcast_in_dim3A_517 {strides = array<i32>} : memref<1024xf32, #tpu.memory_space<vmem>>, vector<16xf32>,
    %swap3A_520 = arith.constant 400 : index
    %swap3A_521 = tpu.vector_load %arg15[%swap3A_520] {strides = array<i32>} : memref<1024xf32, #tpu.memory_space<vmem>>, vector<16xf32>,
    tpu.vector_store %arg15[%swap3A_520], %broadcast_in_dim3A_517 {strides = array<i32>} : memref<1024xf32, #tpu.memory_space<vmem>>, vector<16xf32>,
    %broadcast_in_dim3A_522 = arith.constant 0.000000e+00 : f32
    %broadcast_in_dim3A_523 = vector.broadcast %broadcast_in_dim3A_522 : f32 to vector<16xf32>
    %swap3A_524 = arith.constant 416 : index
    %swap3A_525 = tpu.vector_load %arg14[%swap3A_524] {strides = array<i32>} : memref<1024xf32, #tpu.memory_space<vmem>>, vector<16xf32>,
    tpu.vector_store %arg14[%swap3A_524], %broadcast_in_dim3A_523 {strides = array<i32>} : memref<1024xf32, #tpu.memory_space<vmem>>, vector<16xf32>,
    %swap3A_526 = arith.constant 416 : index
    %swap3A_527 = tpu.vector_load %arg15[%swap3A_526] {strides = array<i32>} : memref<1024xf32, #tpu.memory_space<vmem>>, vector<16xf32>,
    tpu.vector_store %arg15[%swap3A_526], %broadcast_in_dim3A_523 {strides = array<i32>} : memref<1024xf32, #tpu.memory_space<vmem>>, vector<16xf32>,
    %broadcast_in_dim3A_528 = arith.constant 0.000000e+00 : f32
    %broadcast_in_dim3A_529 = vector.broadcast %broadcast_in_dim3A_528 : f32 to vector<16xf32>
    %swap3A_530 = arith.constant 432 : index
    %swap3A_531 = tpu.vector_load %arg14[%swap3A_530] {strides = array<i32>} : memref<1024xf32, #tpu.memory_space<vmem>>, vector<16xf32>,
    tpu.vector_store %arg14[%swap3A_530], %broadcast_in_dim3A_529 {strides = array<i32>} : memref<1024xf32, #tpu.memory_space<vmem>>, vector<16xf32>,
    %swap3A_532 = arith.constant 432 : index
    %swap3A_533 = tpu.vector_load %arg15[%swap3A_532] {strides = array<i32>} : memref<1024xf32, #tpu.memory_space<vmem>>, vector<16xf32>,
    tpu.vector_store %arg15[%swap3A_532], %broadcast_in_dim3A_529 {strides = array<i32>} : memref<1024xf32, #tpu.memory_space<vmem>>, vector<16xf32>,
    %broadcast_in_dim3A_534 = arith.constant 0.000000e+00 : f32
    %broadcast_in_dim3A_535 = vector.broadcast %broadcast_in_dim3A_534 : f32 to vector<16xf32>
    %swap3A_536 = arith.constant 448 : index
    %swap3A_537 = tpu.vector_load %arg14[%swap3A_536] {strides = array<i32>} : memref<1024xf32, #tpu.memory_space<vmem>>, vector<16xf32>,
    tpu.vector_store %arg14[%swap3A_536], %broadcast_in_dim3A_535 {strides = array<i32>} : memref<1024xf32, #tpu.memory_space<vmem>>, vector<16xf32>,
    %swap3A_538 = arith.constant 448 : index
    %swap3A_539 = tpu.vector_load %arg15[%swap3A_538] {strides = array<i32>} : memref<1024xf32, #tpu.memory_space<vmem>>, vector<16xf32>,
    tpu.vector_store %arg15[%swap3A_538], %broadcast_in_dim3A_535 {strides = array<i32>} : memref<1024xf32, #tpu.memory_space<vmem>>, vector<16xf32>,
    %broadcast_in_dim3A_540 = arith.constant 0.000000e+00 : f32
    %broadcast_in_dim3A_541 = vector.broadcast %broadcast_in_dim3A_540 : f32 to vector<16xf32>
    %swap3A_542 = arith.constant 464 : index
    %swap3A_543 = tpu.vector_load %arg14[%swap3A_542] {strides = array<i32>} : memref<1024xf32, #tpu.memory_space<vmem>>, vector<16xf32>,
    tpu.vector_store %arg14[%swap3A_542], %broadcast_in_dim3A_541 {strides = array<i32>} : memref<1024xf32, #tpu.memory_space<vmem>>, vector<16xf32>,
    %swap3A_544 = arith.constant 464 : index
    %swap3A_545 = tpu.vector_load %arg15[%swap3A_544] {strides = array<i32>} : memref<1024xf32, #tpu.memory_space<vmem>>, vector<16xf32>,
    tpu.vector_store %arg15[%swap3A_544], %broadcast_in_dim3A_541 {strides = array<i32>} : memref<1024xf32, #tpu.memory_space<vmem>>, vector<16xf32>,
    %broadcast_in_dim3A_546 = arith.constant 0.000000e+00 : f32
    %broadcast_in_dim3A_547 = vector.broadcast %broadcast_in_dim3A_546 : f32 to vector<16xf32>
    %swap3A_548 = arith.constant 480 : index
    %swap3A_549 = tpu.vector_load %arg14[%swap3A_548] {strides = array<i32>} : memref<1024xf32, #tpu.memory_space<vmem>>, vector<16xf32>,
    tpu.vector_store %arg14[%swap3A_548], %broadcast_in_dim3A_547 {strides = array<i32>} : memref<1024xf32, #tpu.memory_space<vmem>>, vector<16xf32>,
    %swap3A_550 = arith.constant 480 : index
    %swap3A_551 = tpu.vector_load %arg15[%swap3A_550] {strides = array<i32>} : memref<1024xf32, #tpu.memory_space<vmem>>, vector<16xf32>,
    tpu.vector_store %arg15[%swap3A_550], %broadcast_in_dim3A_547 {strides = array<i32>} : memref<1024xf32, #tpu.memory_space<vmem>>, vector<16xf32>,
    %broadcast_in_dim3A_552 = arith.constant 0.000000e+00 : f32
    %broadcast_in_dim3A_553 = vector.broadcast %broadcast_in_dim3A_552 : f32 to vector<16xf32>
    %swap3A_554 = arith.constant 496 : index
    %swap3A_555 = tpu.vector_load %arg14[%swap3A_554] {strides = array<i32>} : memref<1024xf32, #tpu.memory_space<vmem>>, vector<16xf32>,
    tpu.vector_store %arg14[%swap3A_554], %broadcast_in_dim3A_553 {strides = array<i32>} : memref<1024xf32, #tpu.memory_space<vmem>>, vector<16xf32>,
    %swap3A_556 = arith.constant 496 : index
    %swap3A_557 = tpu.vector_load %arg15[%swap3A_556] {strides = array<i32>} : memref<1024xf32, #tpu.memory_space<vmem>>, vector<16xf32>,
    tpu.vector_store %arg15[%swap3A_556], %broadcast_in_dim3A_553 {strides = array<i32>} : memref<1024xf32, #tpu.memory_space<vmem>>, vector<16xf32>,
    %broadcast_in_dim3A_558 = arith.constant 0.000000e+00 : f32
    %broadcast_in_dim3A_559 = vector.broadcast %broadcast_in_dim3A_558 : f32 to vector<16xf32>
    %swap3A_560 = arith.constant 512 : index
    %swap3A_561 = tpu.vector_load %arg14[%swap3A_560] {strides = array<i32>} : memref<1024xf32, #tpu.memory_space<vmem>>, vector<16xf32>,
    tpu.vector_store %arg14[%swap3A_560], %broadcast_in_dim3A_559 {strides = array<i32>} : memref<1024xf32, #tpu.memory_space<vmem>>, vector<16xf32>,
    %swap3A_562 = arith.constant 512 : index
    %swap3A_563 = tpu.vector_load %arg15[%swap3A_562] {strides = array<i32>} : memref<1024xf32, #tpu.memory_space<vmem>>, vector<16xf32>,
    tpu.vector_store %arg15[%swap3A_562], %broadcast_in_dim3A_559 {strides = array<i32>} : memref<1024xf32, #tpu.memory_space<vmem>>, vector<16xf32>,
    %broadcast_in_dim3A_564 = arith.constant 0.000000e+00 : f32
    %broadcast_in_dim3A_565 = vector.broadcast %broadcast_in_dim3A_564 : f32 to vector<16xf32>
    %swap3A_566 = arith.constant 528 : index
    %swap3A_567 = tpu.vector_load %arg14[%swap3A_566] {strides = array<i32>} : memref<1024xf32, #tpu.memory_space<vmem>>, vector<16xf32>,
    tpu.vector_store %arg14[%swap3A_566], %broadcast_in_dim3A_565 {strides = array<i32>} : memref<1024xf32, #tpu.memory_space<vmem>>, vector<16xf32>,
    %swap3A_568 = arith.constant 528 : index
    %swap3A_569 = tpu.vector_load %arg15[%swap3A_568] {strides = array<i32>} : memref<1024xf32, #tpu.memory_space<vmem>>, vector<16xf32>,
    tpu.vector_store %arg15[%swap3A_568], %broadcast_in_dim3A_565 {strides = array<i32>} : memref<1024xf32, #tpu.memory_space<vmem>>, vector<16xf32>,
    %broadcast_in_dim3A_570 = arith.constant 0.000000e+00 : f32
    %broadcast_in_dim3A_571 = vector.broadcast %broadcast_in_dim3A_570 : f32 to vector<16xf32>
    %swap3A_572 = arith.constant 544 : index
    %swap3A_573 = tpu.vector_load %arg14[%swap3A_572] {strides = array<i32>} : memref<1024xf32, #tpu.memory_space<vmem>>, vector<16xf32>,
    tpu.vector_store %arg14[%swap3A_572], %broadcast_in_dim3A_571 {strides = array<i32>} : memref<1024xf32, #tpu.memory_space<vmem>>, vector<16xf32>,
    %swap3A_574 = arith.constant 544 : index
    %swap3A_575 = tpu.vector_load %arg15[%swap3A_574] {strides = array<i32>} : memref<1024xf32, #tpu.memory_space<vmem>>, vector<16xf32>,
    tpu.vector_store %arg15[%swap3A_574], %broadcast_in_dim3A_571 {strides = array<i32>} : memref<1024xf32, #tpu.memory_space<vmem>>, vector<16xf32>,
    %broadcast_in_dim3A_576 = arith.constant 0.000000e+00 : f32
    %broadcast_in_dim3A_577 = vector.broadcast %broadcast_in_dim3A_576 : f32 to vector<16xf32>
    %swap3A_578 = arith.constant 560 : index
    %swap3A_579 = tpu.vector_load %arg14[%swap3A_578] {strides = array<i32>} : memref<1024xf32, #tpu.memory_space<vmem>>, vector<16xf32>,
    tpu.vector_store %arg14[%swap3A_578], %broadcast_in_dim3A_577 {strides = array<i32>} : memref<1024xf32, #tpu.memory_space<vmem>>, vector<16xf32>,
    %swap3A_580 = arith.constant 560 : index
    %swap3A_581 = tpu.vector_load %arg15[%swap3A_580] {strides = array<i32>} : memref<1024xf32, #tpu.memory_space<vmem>>, vector<16xf32>,
    tpu.vector_store %arg15[%swap3A_580], %broadcast_in_dim3A_577 {strides = array<i32>} : memref<1024xf32, #tpu.memory_space<vmem>>, vector<16xf32>,
    %broadcast_in_dim3A_582 = arith.constant 0.000000e+00 : f32
    %broadcast_in_dim3A_583 = vector.broadcast %broadcast_in_dim3A_582 : f32 to vector<16xf32>
    %swap3A_584 = arith.constant 576 : index
    %swap3A_585 = tpu.vector_load %arg14[%swap3A_584] {strides = array<i32>} : memref<1024xf32, #tpu.memory_space<vmem>>, vector<16xf32>,
    tpu.vector_store %arg14[%swap3A_584], %broadcast_in_dim3A_583 {strides = array<i32>} : memref<1024xf32, #tpu.memory_space<vmem>>, vector<16xf32>,
    %swap3A_586 = arith.constant 576 : index
    %swap3A_587 = tpu.vector_load %arg15[%swap3A_586] {strides = array<i32>} : memref<1024xf32, #tpu.memory_space<vmem>>, vector<16xf32>,
    tpu.vector_store %arg15[%swap3A_586], %broadcast_in_dim3A_583 {strides = array<i32>} : memref<1024xf32, #tpu.memory_space<vmem>>, vector<16xf32>,
    %broadcast_in_dim3A_588 = arith.constant 0.000000e+00 : f32
    %broadcast_in_dim3A_589 = vector.broadcast %broadcast_in_dim3A_588 : f32 to vector<16xf32>
    %swap3A_590 = arith.constant 592 : index
    %swap3A_591 = tpu.vector_load %arg14[%swap3A_590] {strides = array<i32>} : memref<1024xf32, #tpu.memory_space<vmem>>, vector<16xf32>,
    tpu.vector_store %arg14[%swap3A_590], %broadcast_in_dim3A_589 {strides = array<i32>} : memref<1024xf32, #tpu.memory_space<vmem>>, vector<16xf32>,
    %swap3A_592 = arith.constant 592 : index
    %swap3A_593 = tpu.vector_load %arg15[%swap3A_592] {strides = array<i32>} : memref<1024xf32, #tpu.memory_space<vmem>>, vector<16xf32>,
    tpu.vector_store %arg15[%swap3A_592], %broadcast_in_dim3A_589 {strides = array<i32>} : memref<1024xf32, #tpu.memory_space<vmem>>, vector<16xf32>,
    %broadcast_in_dim3A_594 = arith.constant 0.000000e+00 : f32
    %broadcast_in_dim3A_595 = vector.broadcast %broadcast_in_dim3A_594 : f32 to vector<16xf32>
    %swap3A_596 = arith.constant 608 : index
    %swap3A_597 = tpu.vector_load %arg14[%swap3A_596] {strides = array<i32>} : memref<1024xf32, #tpu.memory_space<vmem>>, vector<16xf32>,
    tpu.vector_store %arg14[%swap3A_596], %broadcast_in_dim3A_595 {strides = array<i32>} : memref<1024xf32, #tpu.memory_space<vmem>>, vector<16xf32>,
    %swap3A_598 = arith.constant 608 : index
    %swap3A_599 = tpu.vector_load %arg15[%swap3A_598] {strides = array<i32>} : memref<1024xf32, #tpu.memory_space<vmem>>, vector<16xf32>,
    tpu.vector_store %arg15[%swap3A_598], %broadcast_in_dim3A_595 {strides = array<i32>} : memref<1024xf32, #tpu.memory_space<vmem>>, vector<16xf32>,
    %broadcast_in_dim3A_600 = arith.constant 0.000000e+00 : f32
    %broadcast_in_dim3A_601 = vector.broadcast %broadcast_in_dim3A_600 : f32 to vector<16xf32>
    %swap3A_602 = arith.constant 624 : index
    %swap3A_603 = tpu.vector_load %arg14[%swap3A_602] {strides = array<i32>} : memref<1024xf32, #tpu.memory_space<vmem>>, vector<16xf32>,
    tpu.vector_store %arg14[%swap3A_602], %broadcast_in_dim3A_601 {strides = array<i32>} : memref<1024xf32, #tpu.memory_space<vmem>>, vector<16xf32>,
    %swap3A_604 = arith.constant 624 : index
    %swap3A_605 = tpu.vector_load %arg15[%swap3A_604] {strides = array<i32>} : memref<1024xf32, #tpu.memory_space<vmem>>, vector<16xf32>,
    tpu.vector_store %arg15[%swap3A_604], %broadcast_in_dim3A_601 {strides = array<i32>} : memref<1024xf32, #tpu.memory_space<vmem>>, vector<16xf32>,
    %broadcast_in_dim3A_606 = arith.constant 0.000000e+00 : f32
    %broadcast_in_dim3A_607 = vector.broadcast %broadcast_in_dim3A_606 : f32 to vector<16xf32>
    %swap3A_608 = arith.constant 640 : index
    %swap3A_609 = tpu.vector_load %arg14[%swap3A_608] {strides = array<i32>} : memref<1024xf32, #tpu.memory_space<vmem>>, vector<16xf32>,
    tpu.vector_store %arg14[%swap3A_608], %broadcast_in_dim3A_607 {strides = array<i32>} : memref<1024xf32, #tpu.memory_space<vmem>>, vector<16xf32>,
    %swap3A_610 = arith.constant 640 : index
    %swap3A_611 = tpu.vector_load %arg15[%swap3A_610] {strides = array<i32>} : memref<1024xf32, #tpu.memory_space<vmem>>, vector<16xf32>,
    tpu.vector_store %arg15[%swap3A_610], %broadcast_in_dim3A_607 {strides = array<i32>} : memref<1024xf32, #tpu.memory_space<vmem>>, vector<16xf32>,
    %broadcast_in_dim3A_612 = arith.constant 0.000000e+00 : f32
    %broadcast_in_dim3A_613 = vector.broadcast %broadcast_in_dim3A_612 : f32 to vector<16xf32>
    %swap3A_614 = arith.constant 656 : index
    %swap3A_615 = tpu.vector_load %arg14[%swap3A_614] {strides = array<i32>} : memref<1024xf32, #tpu.memory_space<vmem>>, vector<16xf32>,
    tpu.vector_store %arg14[%swap3A_614], %broadcast_in_dim3A_613 {strides = array<i32>} : memref<1024xf32, #tpu.memory_space<vmem>>, vector<16xf32>,
    %swap3A_616 = arith.constant 656 : index
    %swap3A_617 = tpu.vector_load %arg15[%swap3A_616] {strides = array<i32>} : memref<1024xf32, #tpu.memory_space<vmem>>, vector<16xf32>,
    tpu.vector_store %arg15[%swap3A_616], %broadcast_in_dim3A_613 {strides = array<i32>} : memref<1024xf32, #tpu.memory_space<vmem>>, vector<16xf32>,
    %broadcast_in_dim3A_618 = arith.constant 0.000000e+00 : f32
    %broadcast_in_dim3A_619 = vector.broadcast %broadcast_in_dim3A_618 : f32 to vector<16xf32>
    %swap3A_620 = arith.constant 672 : index
    %swap3A_621 = tpu.vector_load %arg14[%swap3A_620] {strides = array<i32>} : memref<1024xf32, #tpu.memory_space<vmem>>, vector<16xf32>,
    tpu.vector_store %arg14[%swap3A_620], %broadcast_in_dim3A_619 {strides = array<i32>} : memref<1024xf32, #tpu.memory_space<vmem>>, vector<16xf32>,
    %swap3A_622 = arith.constant 672 : index
    %swap3A_623 = tpu.vector_load %arg15[%swap3A_622] {strides = array<i32>} : memref<1024xf32, #tpu.memory_space<vmem>>, vector<16xf32>,
    tpu.vector_store %arg15[%swap3A_622], %broadcast_in_dim3A_619 {strides = array<i32>} : memref<1024xf32, #tpu.memory_space<vmem>>, vector<16xf32>,
    %broadcast_in_dim3A_624 = arith.constant 0.000000e+00 : f32
    %broadcast_in_dim3A_625 = vector.broadcast %broadcast_in_dim3A_624 : f32 to vector<16xf32>
    %swap3A_626 = arith.constant 688 : index
    %swap3A_627 = tpu.vector_load %arg14[%swap3A_626] {strides = array<i32>} : memref<1024xf32, #tpu.memory_space<vmem>>, vector<16xf32>,
    tpu.vector_store %arg14[%swap3A_626], %broadcast_in_dim3A_625 {strides = array<i32>} : memref<1024xf32, #tpu.memory_space<vmem>>, vector<16xf32>,
    %swap3A_628 = arith.constant 688 : index
    %swap3A_629 = tpu.vector_load %arg15[%swap3A_628] {strides = array<i32>} : memref<1024xf32, #tpu.memory_space<vmem>>, vector<16xf32>,
    tpu.vector_store %arg15[%swap3A_628], %broadcast_in_dim3A_625 {strides = array<i32>} : memref<1024xf32, #tpu.memory_space<vmem>>, vector<16xf32>,
    %broadcast_in_dim3A_630 = arith.constant 0.000000e+00 : f32
    %broadcast_in_dim3A_631 = vector.broadcast %broadcast_in_dim3A_630 : f32 to vector<16xf32>
    %swap3A_632 = arith.constant 704 : index
    %swap3A_633 = tpu.vector_load %arg14[%swap3A_632] {strides = array<i32>} : memref<1024xf32, #tpu.memory_space<vmem>>, vector<16xf32>,
    tpu.vector_store %arg14[%swap3A_632], %broadcast_in_dim3A_631 {strides = array<i32>} : memref<1024xf32, #tpu.memory_space<vmem>>, vector<16xf32>,
    %swap3A_634 = arith.constant 704 : index
    %swap3A_635 = tpu.vector_load %arg15[%swap3A_634] {strides = array<i32>} : memref<1024xf32, #tpu.memory_space<vmem>>, vector<16xf32>,
    tpu.vector_store %arg15[%swap3A_634], %broadcast_in_dim3A_631 {strides = array<i32>} : memref<1024xf32, #tpu.memory_space<vmem>>, vector<16xf32>,
    %broadcast_in_dim3A_636 = arith.constant 0.000000e+00 : f32
    %broadcast_in_dim3A_637 = vector.broadcast %broadcast_in_dim3A_636 : f32 to vector<16xf32>
    %swap3A_638 = arith.constant 720 : index
    %swap3A_639 = tpu.vector_load %arg14[%swap3A_638] {strides = array<i32>} : memref<1024xf32, #tpu.memory_space<vmem>>, vector<16xf32>,
    tpu.vector_store %arg14[%swap3A_638], %broadcast_in_dim3A_637 {strides = array<i32>} : memref<1024xf32, #tpu.memory_space<vmem>>, vector<16xf32>,
    %swap3A_640 = arith.constant 720 : index
    %swap3A_641 = tpu.vector_load %arg15[%swap3A_640] {strides = array<i32>} : memref<1024xf32, #tpu.memory_space<vmem>>, vector<16xf32>,
    tpu.vector_store %arg15[%swap3A_640], %broadcast_in_dim3A_637 {strides = array<i32>} : memref<1024xf32, #tpu.memory_space<vmem>>, vector<16xf32>,
    %broadcast_in_dim3A_642 = arith.constant 0.000000e+00 : f32
    %broadcast_in_dim3A_643 = vector.broadcast %broadcast_in_dim3A_642 : f32 to vector<16xf32>
    %swap3A_644 = arith.constant 736 : index
    %swap3A_645 = tpu.vector_load %arg14[%swap3A_644] {strides = array<i32>} : memref<1024xf32, #tpu.memory_space<vmem>>, vector<16xf32>,
    tpu.vector_store %arg14[%swap3A_644], %broadcast_in_dim3A_643 {strides = array<i32>} : memref<1024xf32, #tpu.memory_space<vmem>>, vector<16xf32>,
    %swap3A_646 = arith.constant 736 : index
    %swap3A_647 = tpu.vector_load %arg15[%swap3A_646] {strides = array<i32>} : memref<1024xf32, #tpu.memory_space<vmem>>, vector<16xf32>,
    tpu.vector_store %arg15[%swap3A_646], %broadcast_in_dim3A_643 {strides = array<i32>} : memref<1024xf32, #tpu.memory_space<vmem>>, vector<16xf32>,
    %broadcast_in_dim3A_648 = arith.constant 0.000000e+00 : f32
    %broadcast_in_dim3A_649 = vector.broadcast %broadcast_in_dim3A_648 : f32 to vector<16xf32>
    %swap3A_650 = arith.constant 752 : index
    %swap3A_651 = tpu.vector_load %arg14[%swap3A_650] {strides = array<i32>} : memref<1024xf32, #tpu.memory_space<vmem>>, vector<16xf32>,
    tpu.vector_store %arg14[%swap3A_650], %broadcast_in_dim3A_649 {strides = array<i32>} : memref<1024xf32, #tpu.memory_space<vmem>>, vector<16xf32>,
    %swap3A_652 = arith.constant 752 : index
    %swap3A_653 = tpu.vector_load %arg15[%swap3A_652] {strides = array<i32>} : memref<1024xf32, #tpu.memory_space<vmem>>, vector<16xf32>,
    tpu.vector_store %arg15[%swap3A_652], %broadcast_in_dim3A_649 {strides = array<i32>} : memref<1024xf32, #tpu.memory_space<vmem>>, vector<16xf32>,
    %broadcast_in_dim3A_654 = arith.constant 0.000000e+00 : f32
    %broadcast_in_dim3A_655 = vector.broadcast %broadcast_in_dim3A_654 : f32 to vector<16xf32>
    %swap3A_656 = arith.constant 768 : index
    %swap3A_657 = tpu.vector_load %arg14[%swap3A_656] {strides = array<i32>} : memref<1024xf32, #tpu.memory_space<vmem>>, vector<16xf32>,
    tpu.vector_store %arg14[%swap3A_656], %broadcast_in_dim3A_655 {strides = array<i32>} : memref<1024xf32, #tpu.memory_space<vmem>>, vector<16xf32>,
    %swap3A_658 = arith.constant 768 : index
    %swap3A_659 = tpu.vector_load %arg15[%swap3A_658] {strides = array<i32>} : memref<1024xf32, #tpu.memory_space<vmem>>, vector<16xf32>,
    tpu.vector_store %arg15[%swap3A_658], %broadcast_in_dim3A_655 {strides = array<i32>} : memref<1024xf32, #tpu.memory_space<vmem>>, vector<16xf32>,
    %broadcast_in_dim3A_660 = arith.constant 0.000000e+00 : f32
    %broadcast_in_dim3A_661 = vector.broadcast %broadcast_in_dim3A_660 : f32 to vector<16xf32>
    %swap3A_662 = arith.constant 784 : index
    %swap3A_663 = tpu.vector_load %arg14[%swap3A_662] {strides = array<i32>} : memref<1024xf32, #tpu.memory_space<vmem>>, vector<16xf32>,
    tpu.vector_store %arg14[%swap3A_662], %broadcast_in_dim3A_661 {strides = array<i32>} : memref<1024xf32, #tpu.memory_space<vmem>>, vector<16xf32>,
    %swap3A_664 = arith.constant 784 : index
    %swap3A_665 = tpu.vector_load %arg15[%swap3A_664] {strides = array<i32>} : memref<1024xf32, #tpu.memory_space<vmem>>, vector<16xf32>,
    tpu.vector_store %arg15[%swap3A_664], %broadcast_in_dim3A_661 {strides = array<i32>} : memref<1024xf32, #tpu.memory_space<vmem>>, vector<16xf32>,
    %broadcast_in_dim3A_666 = arith.constant 0.000000e+00 : f32
    %broadcast_in_dim3A_667 = vector.broadcast %broadcast_in_dim3A_666 : f32 to vector<16xf32>
    %swap3A_668 = arith.constant 800 : index
    %swap3A_669 = tpu.vector_load %arg14[%swap3A_668] {strides = array<i32>} : memref<1024xf32, #tpu.memory_space<vmem>>, vector<16xf32>,
    tpu.vector_store %arg14[%swap3A_668], %broadcast_in_dim3A_667 {strides = array<i32>} : memref<1024xf32, #tpu.memory_space<vmem>>, vector<16xf32>,
    %swap3A_670 = arith.constant 800 : index
    %swap3A_671 = tpu.vector_load %arg15[%swap3A_670] {strides = array<i32>} : memref<1024xf32, #tpu.memory_space<vmem>>, vector<16xf32>,
    tpu.vector_store %arg15[%swap3A_670], %broadcast_in_dim3A_667 {strides = array<i32>} : memref<1024xf32, #tpu.memory_space<vmem>>, vector<16xf32>,
    %broadcast_in_dim3A_672 = arith.constant 0.000000e+00 : f32
    %broadcast_in_dim3A_673 = vector.broadcast %broadcast_in_dim3A_672 : f32 to vector<16xf32>
    %swap3A_674 = arith.constant 816 : index
    %swap3A_675 = tpu.vector_load %arg14[%swap3A_674] {strides = array<i32>} : memref<1024xf32, #tpu.memory_space<vmem>>, vector<16xf32>,
    tpu.vector_store %arg14[%swap3A_674], %broadcast_in_dim3A_673 {strides = array<i32>} : memref<1024xf32, #tpu.memory_space<vmem>>, vector<16xf32>,
    %swap3A_676 = arith.constant 816 : index
    %swap3A_677 = tpu.vector_load %arg15[%swap3A_676] {strides = array<i32>} : memref<1024xf32, #tpu.memory_space<vmem>>, vector<16xf32>,
    tpu.vector_store %arg15[%swap3A_676], %broadcast_in_dim3A_673 {strides = array<i32>} : memref<1024xf32, #tpu.memory_space<vmem>>, vector<16xf32>,
    %broadcast_in_dim3A_678 = arith.constant 0.000000e+00 : f32
    %broadcast_in_dim3A_679 = vector.broadcast %broadcast_in_dim3A_678 : f32 to vector<16xf32>
    %swap3A_680 = arith.constant 832 : index
    %swap3A_681 = tpu.vector_load %arg14[%swap3A_680] {strides = array<i32>} : memref<1024xf32, #tpu.memory_space<vmem>>, vector<16xf32>,
    tpu.vector_store %arg14[%swap3A_680], %broadcast_in_dim3A_679 {strides = array<i32>} : memref<1024xf32, #tpu.memory_space<vmem>>, vector<16xf32>,
    %swap3A_682 = arith.constant 832 : index
    %swap3A_683 = tpu.vector_load %arg15[%swap3A_682] {strides = array<i32>} : memref<1024xf32, #tpu.memory_space<vmem>>, vector<16xf32>,
    tpu.vector_store %arg15[%swap3A_682], %broadcast_in_dim3A_679 {strides = array<i32>} : memref<1024xf32, #tpu.memory_space<vmem>>, vector<16xf32>,
    %broadcast_in_dim3A_684 = arith.constant 0.000000e+00 : f32
    %broadcast_in_dim3A_685 = vector.broadcast %broadcast_in_dim3A_684 : f32 to vector<16xf32>
    %swap3A_686 = arith.constant 848 : index
    %swap3A_687 = tpu.vector_load %arg14[%swap3A_686] {strides = array<i32>} : memref<1024xf32, #tpu.memory_space<vmem>>, vector<16xf32>,
    tpu.vector_store %arg14[%swap3A_686], %broadcast_in_dim3A_685 {strides = array<i32>} : memref<1024xf32, #tpu.memory_space<vmem>>, vector<16xf32>,
    %swap3A_688 = arith.constant 848 : index
    %swap3A_689 = tpu.vector_load %arg15[%swap3A_688] {strides = array<i32>} : memref<1024xf32, #tpu.memory_space<vmem>>, vector<16xf32>,
    tpu.vector_store %arg15[%swap3A_688], %broadcast_in_dim3A_685 {strides = array<i32>} : memref<1024xf32, #tpu.memory_space<vmem>>, vector<16xf32>,
    %broadcast_in_dim3A_690 = arith.constant 0.000000e+00 : f32
    %broadcast_in_dim3A_691 = vector.broadcast %broadcast_in_dim3A_690 : f32 to vector<16xf32>
    %swap3A_692 = arith.constant 864 : index
    %swap3A_693 = tpu.vector_load %arg14[%swap3A_692] {strides = array<i32>} : memref<1024xf32, #tpu.memory_space<vmem>>, vector<16xf32>,
    tpu.vector_store %arg14[%swap3A_692], %broadcast_in_dim3A_691 {strides = array<i32>} : memref<1024xf32, #tpu.memory_space<vmem>>, vector<16xf32>,
    %swap3A_694 = arith.constant 864 : index
    %swap3A_695 = tpu.vector_load %arg15[%swap3A_694] {strides = array<i32>} : memref<1024xf32, #tpu.memory_space<vmem>>, vector<16xf32>,
    tpu.vector_store %arg15[%swap3A_694], %broadcast_in_dim3A_691 {strides = array<i32>} : memref<1024xf32, #tpu.memory_space<vmem>>, vector<16xf32>,
    %broadcast_in_dim3A_696 = arith.constant 0.000000e+00 : f32
    %broadcast_in_dim3A_697 = vector.broadcast %broadcast_in_dim3A_696 : f32 to vector<16xf32>
    %swap3A_698 = arith.constant 880 : index
    %swap3A_699 = tpu.vector_load %arg14[%swap3A_698] {strides = array<i32>} : memref<1024xf32, #tpu.memory_space<vmem>>, vector<16xf32>,
    tpu.vector_store %arg14[%swap3A_698], %broadcast_in_dim3A_697 {strides = array<i32>} : memref<1024xf32, #tpu.memory_space<vmem>>, vector<16xf32>,
    %swap3A_700 = arith.constant 880 : index
    %swap3A_701 = tpu.vector_load %arg15[%swap3A_700] {strides = array<i32>} : memref<1024xf32, #tpu.memory_space<vmem>>, vector<16xf32>,
    tpu.vector_store %arg15[%swap3A_700], %broadcast_in_dim3A_697 {strides = array<i32>} : memref<1024xf32, #tpu.memory_space<vmem>>, vector<16xf32>,
    %broadcast_in_dim3A_702 = arith.constant 0.000000e+00 : f32
    %broadcast_in_dim3A_703 = vector.broadcast %broadcast_in_dim3A_702 : f32 to vector<16xf32>
    %swap3A_704 = arith.constant 896 : index
    %swap3A_705 = tpu.vector_load %arg14[%swap3A_704] {strides = array<i32>} : memref<1024xf32, #tpu.memory_space<vmem>>, vector<16xf32>,
    tpu.vector_store %arg14[%swap3A_704], %broadcast_in_dim3A_703 {strides = array<i32>} : memref<1024xf32, #tpu.memory_space<vmem>>, vector<16xf32>,
    %swap3A_706 = arith.constant 896 : index
    %swap3A_707 = tpu.vector_load %arg15[%swap3A_706] {strides = array<i32>} : memref<1024xf32, #tpu.memory_space<vmem>>, vector<16xf32>,
    tpu.vector_store %arg15[%swap3A_706], %broadcast_in_dim3A_703 {strides = array<i32>} : memref<1024xf32, #tpu.memory_space<vmem>>, vector<16xf32>,
    %broadcast_in_dim3A_708 = arith.constant 0.000000e+00 : f32
    %broadcast_in_dim3A_709 = vector.broadcast %broadcast_in_dim3A_708 : f32 to vector<16xf32>
    %swap3A_710 = arith.constant 912 : index
    %swap3A_711 = tpu.vector_load %arg14[%swap3A_710] {strides = array<i32>} : memref<1024xf32, #tpu.memory_space<vmem>>, vector<16xf32>,
    tpu.vector_store %arg14[%swap3A_710], %broadcast_in_dim3A_709 {strides = array<i32>} : memref<1024xf32, #tpu.memory_space<vmem>>, vector<16xf32>,
    %swap3A_712 = arith.constant 912 : index
    %swap3A_713 = tpu.vector_load %arg15[%swap3A_712] {strides = array<i32>} : memref<1024xf32, #tpu.memory_space<vmem>>, vector<16xf32>,
    tpu.vector_store %arg15[%swap3A_712], %broadcast_in_dim3A_709 {strides = array<i32>} : memref<1024xf32, #tpu.memory_space<vmem>>, vector<16xf32>,
    %broadcast_in_dim3A_714 = arith.constant 0.000000e+00 : f32
    %broadcast_in_dim3A_715 = vector.broadcast %broadcast_in_dim3A_714 : f32 to vector<16xf32>
    %swap3A_716 = arith.constant 928 : index
    %swap3A_717 = tpu.vector_load %arg14[%swap3A_716] {strides = array<i32>} : memref<1024xf32, #tpu.memory_space<vmem>>, vector<16xf32>,
    tpu.vector_store %arg14[%swap3A_716], %broadcast_in_dim3A_715 {strides = array<i32>} : memref<1024xf32, #tpu.memory_space<vmem>>, vector<16xf32>,
    %swap3A_718 = arith.constant 928 : index
    %swap3A_719 = tpu.vector_load %arg15[%swap3A_718] {strides = array<i32>} : memref<1024xf32, #tpu.memory_space<vmem>>, vector<16xf32>,
    tpu.vector_store %arg15[%swap3A_718], %broadcast_in_dim3A_715 {strides = array<i32>} : memref<1024xf32, #tpu.memory_space<vmem>>, vector<16xf32>,
    %broadcast_in_dim3A_720 = arith.constant 0.000000e+00 : f32
    %broadcast_in_dim3A_721 = vector.broadcast %broadcast_in_dim3A_720 : f32 to vector<16xf32>
    %swap3A_722 = arith.constant 944 : index
    %swap3A_723 = tpu.vector_load %arg14[%swap3A_722] {strides = array<i32>} : memref<1024xf32, #tpu.memory_space<vmem>>, vector<16xf32>,
    tpu.vector_store %arg14[%swap3A_722], %broadcast_in_dim3A_721 {strides = array<i32>} : memref<1024xf32, #tpu.memory_space<vmem>>, vector<16xf32>,
    %swap3A_724 = arith.constant 944 : index
    %swap3A_725 = tpu.vector_load %arg15[%swap3A_724] {strides = array<i32>} : memref<1024xf32, #tpu.memory_space<vmem>>, vector<16xf32>,
    tpu.vector_store %arg15[%swap3A_724], %broadcast_in_dim3A_721 {strides = array<i32>} : memref<1024xf32, #tpu.memory_space<vmem>>, vector<16xf32>,
    %broadcast_in_dim3A_726 = arith.constant 0.000000e+00 : f32
    %broadcast_in_dim3A_727 = vector.broadcast %broadcast_in_dim3A_726 : f32 to vector<16xf32>
    %swap3A_728 = arith.constant 960 : index
    %swap3A_729 = tpu.vector_load %arg14[%swap3A_728] {strides = array<i32>} : memref<1024xf32, #tpu.memory_space<vmem>>, vector<16xf32>,
    tpu.vector_store %arg14[%swap3A_728], %broadcast_in_dim3A_727 {strides = array<i32>} : memref<1024xf32, #tpu.memory_space<vmem>>, vector<16xf32>,
    %swap3A_730 = arith.constant 960 : index
    %swap3A_731 = tpu.vector_load %arg15[%swap3A_730] {strides = array<i32>} : memref<1024xf32, #tpu.memory_space<vmem>>, vector<16xf32>,
    tpu.vector_store %arg15[%swap3A_730], %broadcast_in_dim3A_727 {strides = array<i32>} : memref<1024xf32, #tpu.memory_space<vmem>>, vector<16xf32>,
    %broadcast_in_dim3A_732 = arith.constant 0.000000e+00 : f32
    %broadcast_in_dim3A_733 = vector.broadcast %broadcast_in_dim3A_732 : f32 to vector<16xf32>
    %swap3A_734 = arith.constant 976 : index
    %swap3A_735 = tpu.vector_load %arg14[%swap3A_734] {strides = array<i32>} : memref<1024xf32, #tpu.memory_space<vmem>>, vector<16xf32>,
    tpu.vector_store %arg14[%swap3A_734], %broadcast_in_dim3A_733 {strides = array<i32>} : memref<1024xf32, #tpu.memory_space<vmem>>, vector<16xf32>,
    %swap3A_736 = arith.constant 976 : index
    %swap3A_737 = tpu.vector_load %arg15[%swap3A_736] {strides = array<i32>} : memref<1024xf32, #tpu.memory_space<vmem>>, vector<16xf32>,
    tpu.vector_store %arg15[%swap3A_736], %broadcast_in_dim3A_733 {strides = array<i32>} : memref<1024xf32, #tpu.memory_space<vmem>>, vector<16xf32>,
    %broadcast_in_dim3A_738 = arith.constant 0.000000e+00 : f32
    %broadcast_in_dim3A_739 = vector.broadcast %broadcast_in_dim3A_738 : f32 to vector<16xf32>
    %swap3A_740 = arith.constant 992 : index
    %swap3A_741 = tpu.vector_load %arg14[%swap3A_740] {strides = array<i32>} : memref<1024xf32, #tpu.memory_space<vmem>>, vector<16xf32>,
    tpu.vector_store %arg14[%swap3A_740], %broadcast_in_dim3A_739 {strides = array<i32>} : memref<1024xf32, #tpu.memory_space<vmem>>, vector<16xf32>,
    %swap3A_742 = arith.constant 992 : index
    %swap3A_743 = tpu.vector_load %arg15[%swap3A_742] {strides = array<i32>} : memref<1024xf32, #tpu.memory_space<vmem>>, vector<16xf32>,
    tpu.vector_store %arg15[%swap3A_742], %broadcast_in_dim3A_739 {strides = array<i32>} : memref<1024xf32, #tpu.memory_space<vmem>>, vector<16xf32>,
    %broadcast_in_dim3A_744 = arith.constant 0.000000e+00 : f32
    %broadcast_in_dim3A_745 = vector.broadcast %broadcast_in_dim3A_744 : f32 to vector<16xf32>
    %swap3A_746 = arith.constant 1008 : index
    %swap3A_747 = tpu.vector_load %arg14[%swap3A_746] {strides = array<i32>} : memref<1024xf32, #tpu.memory_space<vmem>>, vector<16xf32>,
    tpu.vector_store %arg14[%swap3A_746], %broadcast_in_dim3A_745 {strides = array<i32>} : memref<1024xf32, #tpu.memory_space<vmem>>, vector<16xf32>,
    %swap3A_748 = arith.constant 1008 : index
    %swap3A_749 = tpu.vector_load %arg15[%swap3A_748] {strides = array<i32>} : memref<1024xf32, #tpu.memory_space<vmem>>, vector<16xf32>,
    tpu.vector_store %arg15[%swap3A_748], %broadcast_in_dim3A_745 {strides = array<i32>} : memref<1024xf32, #tpu.memory_space<vmem>>, vector<16xf32>,
    %swap3A_750 = arith.constant 0 : index
    %swap3A_751 = tpu.vector_load %arg14[%swap3A_750] {strides = array<i32>} : memref<1024xf32, #tpu.memory_space<vmem>>, vector<16xf32>,
    tpu.vector_store %arg14[%swap3A_750], %scan3A_30#0 {strides = array<i32>} : memref<1024xf32, #tpu.memory_space<vmem>>, vector<16xf32>,
    %swap3A_752 = arith.constant 0 : index
    %swap3A_753 = tpu.vector_load %arg15[%swap3A_752] {strides = array<i32>} : memref<1024xf32, #tpu.memory_space<vmem>>, vector<16xf32>,
    tpu.vector_store %arg15[%swap3A_752], %scan3A_30#1 {strides = array<i32>} : memref<1024xf32, #tpu.memory_space<vmem>>, vector<16xf32>,
    %mul3A_754 = arith.constant 1024 : i32
    %mul3A_755 = arith.muli %add3A, %mul3A_754 : i32
    "tpu.region"() ({
      %run_scoped3A = tpu.sem_alloc : memref<!tpu.dma_semaphore, #tpu.memory_space<semaphore_mem>>
      %dma_start3A_758 = tpu.memref_slice %arg7[%mul3A_755] : memref<32768xf32, #tpu.memory_space<hbm>> -> memref<1024xf32, #tpu.memory_space<hbm>>
      %dma_start3A_759 = tpu.memref_slice %arg7[%mul3A_755] : memref<32768xf32, #tpu.memory_space<hbm>> -> memref<1024xf32, #tpu.memory_space<hbm>>
      tpu.enqueue_dma source(%arg14 : memref<1024xf32, #tpu.memory_space<vmem>>) target(%dma_start3A_759 : memref<1024xf32, #tpu.memory_space<hbm>>) target_semaphore(%run_scoped3A : memref<!tpu.dma_semaphore, #tpu.memory_space<semaphore_mem>>)
      %dma_wait3A_760 = tpu.memref_slice %arg7[%mul3A_755] : memref<32768xf32, #tpu.memory_space<hbm>> -> memref<1024xf32, #tpu.memory_space<hbm>>
      %dma_wait3A_761 = tpu.memref_slice %arg7[%mul3A_755] : memref<32768xf32, #tpu.memory_space<hbm>> -> memref<1024xf32, #tpu.memory_space<hbm>>
      tpu.wait_dma2 semaphore(%run_scoped3A : memref<!tpu.dma_semaphore, #tpu.memory_space<semaphore_mem>>) src(%arg14 : memref<1024xf32, #tpu.memory_space<vmem>>) dst(%dma_wait3A_761 : memref<1024xf32, #tpu.memory_space<hbm>>)
      tpu.yield
    }) : () -> ()
    %mul3A_756 = arith.constant 1024 : i32
    %mul3A_757 = arith.muli %add3A, %mul3A_756 : i32
    "tpu.region"() ({
      %run_scoped3A = tpu.sem_alloc : memref<!tpu.dma_semaphore, #tpu.memory_space<semaphore_mem>>
      %dma_start3A_758 = tpu.memref_slice %arg8[%mul3A_757] : memref<32768xf32, #tpu.memory_space<hbm>> -> memref<1024xf32, #tpu.memory_space<hbm>>
      %dma_start3A_759 = tpu.memref_slice %arg8[%mul3A_757] : memref<32768xf32, #tpu.memory_space<hbm>> -> memref<1024xf32, #tpu.memory_space<hbm>>
      tpu.enqueue_dma source(%arg15 : memref<1024xf32, #tpu.memory_space<vmem>>) target(%dma_start3A_759 : memref<1024xf32, #tpu.memory_space<hbm>>) target_semaphore(%run_scoped3A : memref<!tpu.dma_semaphore, #tpu.memory_space<semaphore_mem>>)
      %dma_wait3A_760 = tpu.memref_slice %arg8[%mul3A_757] : memref<32768xf32, #tpu.memory_space<hbm>> -> memref<1024xf32, #tpu.memory_space<hbm>>
      %dma_wait3A_761 = tpu.memref_slice %arg8[%mul3A_757] : memref<32768xf32, #tpu.memory_space<hbm>> -> memref<1024xf32, #tpu.memory_space<hbm>>
      tpu.wait_dma2 semaphore(%run_scoped3A : memref<!tpu.dma_semaphore, #tpu.memory_space<semaphore_mem>>) src(%arg15 : memref<1024xf32, #tpu.memory_space<vmem>>) dst(%dma_wait3A_761 : memref<1024xf32, #tpu.memory_space<hbm>>)
      tpu.yield
    }) : () -> ()
    return
  }
}

module attributes {stable_mosaic.version = 14 : i64} {
  func.func @_lse_body(%arg0: memref<1000x1000xf32, #tpu.memory_space<vmem>>, %arg1: memref<1000xf32, #tpu.memory_space<vmem>>) attributes {dimension_semantics = [], scalar_prefetch = 0 : i64, scratch_operands = 0 : i64, tpu.core_type = #tpu.core_type<tc>} {
    %get3A = arith.constant 0 : index
    %get3A_0 = arith.constant 0 : index
    %get3A_1 = vector.load %arg0[%get3A, %get3A_0] : memref<1000x1000xf32, #tpu.memory_space<vmem>>, vector<1000x1000xf32>
    %reduce_max3A = arith.constant dense<0xFF800000> : vector<1000xf32>
    %reduce_max3A_2 = vector.multi_reduction <maximumf>, %get3A_1, %reduce_max3A [1] : vector<1000x1000xf32> to vector<1000xf32>
    %broadcast_in_dim3A = vector.shape_cast %reduce_max3A_2 : vector<1000xf32> to vector<1000x1xf32>
    %sub3A = vector.broadcast %broadcast_in_dim3A : vector<1000x1xf32> to vector<1000x1000xf32>
    %sub3A_3 = arith.subf %get3A_1, %sub3A : vector<1000x1000xf32>
    %exp3A = math.exp %sub3A_3 : vector<1000x1000xf32>
    %reduce_sum3A = arith.constant dense<0.000000e+00> : vector<1000xf32>
    %reduce_sum3A_4 = vector.multi_reduction <add>, %exp3A, %reduce_sum3A [1] : vector<1000x1000xf32> to vector<1000xf32>
    %log3A = math.log %reduce_sum3A_4 : vector<1000xf32>
    %add3A = arith.addf %reduce_max3A_2, %log3A : vector<1000xf32>
    %swap3A = arith.constant 0 : index
    %swap3A_5 = vector.load %arg1[%swap3A] : memref<1000xf32, #tpu.memory_space<vmem>>, vector<1000xf32>
    tpu.vector_store %arg1[%swap3A], %add3A {strides = array<i32>} : memref<1000xf32, #tpu.memory_space<vmem>>, vector<1000xf32>,
    return
  }
}

module attributes {stable_mosaic.version = 14 : i64} {
  func.func @_fin_body(%arg0: memref<32768xf32, #tpu.memory_space<vmem>>, %arg1: memref<32768xf32, #tpu.memory_space<vmem>>, %arg2: memref<1x1xf32, #tpu.memory_space<vmem>>) attributes {dimension_semantics = [], scalar_prefetch = 0 : i64, scratch_operands = 0 : i64, tpu.core_type = #tpu.core_type<tc>} {
    %get3A = arith.constant 0 : index
    %get3A_0 = vector.load %arg0[%get3A] : memref<32768xf32, #tpu.memory_space<vmem>>, vector<32768xf32>
    %reduce_sum3A = vector.shape_cast %get3A_0 : vector<32768xf32> to vector<1x32768xf32>
    %reduce_sum3A_1 = arith.constant dense<0.000000e+00> : vector<1xf32>
    %reduce_sum3A_2 = vector.multi_reduction <add>, %reduce_sum3A, %reduce_sum3A_1 [1] : vector<1x32768xf32> to vector<1xf32>
    %reduce_sum3A_3 = vector.shape_cast %reduce_sum3A_2 : vector<1xf32> to vector<1x1xf32>
    %reduce_sum3A_4 = vector.extract %reduce_sum3A_3[0, 0] : f32 from vector<1x1xf32>
    %get3A_5 = arith.constant 0 : index
    %get3A_6 = vector.load %arg1[%get3A_5] : memref<32768xf32, #tpu.memory_space<vmem>>, vector<32768xf32>
    %reduce_sum3A_7 = vector.shape_cast %get3A_6 : vector<32768xf32> to vector<1x32768xf32>
    %reduce_sum3A_8 = arith.constant dense<0.000000e+00> : vector<1xf32>
    %reduce_sum3A_9 = vector.multi_reduction <add>, %reduce_sum3A_7, %reduce_sum3A_8 [1] : vector<1x32768xf32> to vector<1xf32>
    %reduce_sum3A_10 = vector.shape_cast %reduce_sum3A_9 : vector<1xf32> to vector<1x1xf32>
    %reduce_sum3A_11 = vector.extract %reduce_sum3A_10[0, 0] : f32 from vector<1x1xf32>
    %max3A = arith.constant 1.000000e+00 : f32
    %max3A_12 = arith.maximumf %reduce_sum3A_11, %max3A : f32
    %div3A = arith.divf %reduce_sum3A_4, %max3A_12 : f32
    %neg3A = arith.constant 0.000000e+00 : f32
    %neg3A_13 = arith.subf %neg3A, %div3A : f32
    %broadcast_in_dim3A = vector.broadcast %neg3A_13 : f32 to vector<1x1xf32>
    %swap3A = arith.constant 0 : index
    %swap3A_14 = arith.constant 0 : index
    %swap3A_15 = vector.load %arg2[%swap3A, %swap3A_14] : memref<1x1xf32, #tpu.memory_space<vmem>>, vector<1x1xf32>
    tpu.vector_store %arg2[%swap3A, %swap3A_14], %broadcast_in_dim3A {strides = array<i32>} : memref<1x1xf32, #tpu.memory_space<vmem>>, vector<1x1xf32>,
    return
  }
}

</mosaic_0001>

<sc_bundles>
// kernel: kernel.5.cloned.1.call-start
scs
__scs_entry_jumppad:
0x0: {  	(pc) =	sbr.rel $0x88, $3  }
0x1: {  	(tag) =	ssettag $0x0;
	lr =	simm.s32 $0x1  }
0x2: {  	[smem:$0x3F9E] =	sst lr;
	_ =	strace $0xD0000000  }
0x3: {  	_ = 	snop  }
0x4: {  	_ = 	snop  }
0x5: {  	_ = 	snop  }
0x6: {  	_ = 	snop  }
0x7: {  	_ = 	snop  }
__scs_overlays_trampoline_lowered:
0x8: {  	[smem:$0x3FAD] =	sst s0  }
0x9: {  	[smem:$0x3FAE] =	sst s1  }
0xa: {  	[smem:$0x3FAF] =	sst s2  }
0xb: {  	[smem:$0x3FB0] =	sst s3  }
0xc: {  	[smem:$0x3FB1] =	sst s4  }
0xd: {  	[smem:$0x3FB2] =	sst s5  }
0xe: {  	[smem:$0x3FB3] =	sst s6  }
0xf: {  	[smem:$0x3FB4] =	sst s7  }
0x10: {  	[smem:$0x3FB5] =	sst s8  }
0x11: {  	[smem:$0x3FB6] =	sst s9;
	s0 =	simm.s32 @!p0 $0x0  }
0x12: {  	s1 =	sld [smem:$0x3F9C];
	s0 =	simm.s32 @p0 $0x1  }
0x13: {  	[smem:$0x3FB7] =	sst s0;
	s0 =	simm.s32 @!p1 $0x0  }
0x14: {  	s2 =	sld [smem:$0x3F9B];
	s0 =	simm.s32 @p1 $0x1  }
0x15: {  	[smem:$0x3FB8] =	sst s0;
	s0 =	simm.s32 @!p2 $0x0  }
0x16: {  	s3 =	sld [smem:$0x3FDB];
	s0 =	simm.s32 @p2 $0x1  }
0x17: {  	s4 =	simm.s32 $0x1BF5;
	[smem:$0x3FBA] =	sst s0  }
0x18: {  	s0 =	sld [smem:$0x3F9D];
	_ =	swait.ge [sflag:s4], $0x0  }
0x19: {  	s7 =	sld [smem:$0x3F9E]  }
0x1a: {  	s8 =	sadd.s32 $0xFFFFE003, lr  }
0x1b: {  	s9 =	sadd.s32 $0xFFFFFEF7, lr;
	s5 =	simm.s32 $0xFFFFFFFF;
	p2 =	slt.u32 s8, $0xFFFFF086  }
0x1c: {  	p1 =	slt.u32 s9, $0xF7A;
	s5 =	simm.s32 @!p2 $0x0  }
0x1d: {  	s5 =	simm.s32 @p1 $0x1;
	p0 =	seq.s32 s7, s2  }
0x1e: {  	s7 =	smul.u32 @!p0 $0xF7A, s2;
	p2 =	seq.s32 @!p0 s5, $0x0  }
0x1f: {  	s9 =	smul.u32 $0xF7A, s1;
	s8 =	simm.s32 @!p0 $0x1BF5;
	p2 =	por !p2, p0  }
0x20: {  	[sflag:s8] =	ssyncset.s32 @!p0 $0xFFFFF086;
	s6 =	sadd.s32 @!p0 s3, s7;
	s7 =	simm.s32 @!p0 $0x108  }
0x21: {  	s3 =	sadd.s32 s3, s9;
	s6 =	sadd.s32 @!p0 $0x88, s6;
	s7 =	simm.s32 @p2 $0x1082  }
0x22: {  	[simem:s7], [sflag:s8] =	dma.local @!p0 [hbm:s6], $0xF7A  }
0x23: {  	s9 =	sor.u32 $0xD0000000, s2;
	s6 =	simm.s32 $0x108;
	_ =	swait.ge @!p0 [sflag:s8], $0x0  }
0x24: {  	s3 =	sadd.s32 $0x88, s3;
	s6 =	simm.s32 @!p1 $0x1082;
	[sflag:s4] =	ssyncset.s32 $0xFFFFF086  }
0x25: {  	[simem:s6], [sflag:s4] =	dma.local [hbm:s3], $0xF7A  }
0x26: {  	[smem:$0x3F9E] =	sst s1;
	(tag) =	ssettag s2;
	_ =	strace s9  }
0x27: {  	s1 =	sld [smem:$0x3FAE]  }
0x28: {  	s2 =	sld [smem:$0x3FAF]  }
0x29: {  	s4 =	sld [smem:$0x3FB1]  }
0x2a: {  	p0 =	seq.s32 s5, $0x0;
	s5 =	sld [smem:$0x3FB2]  }
0x2b: {  	s6 =	sld [smem:$0x3FB3]  }
0x2c: {  	s7 =	sld [smem:$0x3FB4]  }
0x2d: {  	s3 =	simm.s32 $0x108;
	s8 =	sld [smem:$0x3FB5]  }
0x2e: {  	s3 =	simm.s32 @!p0 $0x1082;
	s9 =	sld [smem:$0x3FB6]  }
0x2f: {  	lr =	sadd.s32 s0, s3;
	s0 =	sld [smem:$0x3FAD]  }
0x30: {  	s3 =	sld [smem:$0x3FB0]  }
0x31: {  	[smem:$0x3FB9] =	sst s10  }
0x32: {  	s10 =	sld [smem:$0x3FB7];
	_ =	sdelay $0x3  }
0x33: {  	p0 =	seq.s32 s10, $0x1;
	s10 =	sld [smem:$0x3FB9];
	_ =	sdelay $0x3  }
0x34: {  	[smem:$0x3FB9] =	sst s10  }
0x35: {  	s10 =	sld [smem:$0x3FB8];
	_ =	sdelay $0x3  }
0x36: {  	p1 =	seq.s32 s10, $0x1;
	s10 =	sld [smem:$0x3FB9];
	_ =	sdelay $0x3  }
0x37: {  	[smem:$0x3FB9] =	sst s10  }
0x38: {  	s10 =	sld [smem:$0x3FBA]  }
0x39: {  	_ = 	snop;
	(pc) =	sbr.ind lr, $3  }
0x3a: {  	_ = 	snop  }
0x3b: {  	_ = 	snop  }
0x3c: {  	p2 =	seq.s32 s10, $0x1;
	s10 =	sld [smem:$0x3FB9]  }
0x3d: {  	_ =	shalt  }
0x3e: {  	_ =	shalt  }
0x3f: {  	_ =	shalt  }
0x40: {  	_ =	shalt  }
0x41: {  	_ =	shalt  }
0x42: {  	_ =	shalt  }
0x43: {  	_ =	shalt  }
0x44: {  	_ =	shalt  }
0x45: {  	_ =	shalt  }
0x46: {  	_ =	shalt  }
0x47: {  	_ =	shalt  }
0x48: {  	_ =	shalt  }
0x49: {  	_ =	shalt  }
0x4a: {  	_ =	shalt  }
0x4b: {  	_ =	shalt  }
0x4c: {  	_ =	shalt  }
0x4d: {  	_ =	shalt  }
0x4e: {  	_ =	shalt  }
0x4f: {  	_ =	shalt  }
0x50: {  	_ =	shalt  }
0x51: {  	_ =	shalt  }
0x52: {  	_ =	shalt  }
0x53: {  	_ =	shalt  }
0x54: {  	_ =	shalt  }
0x55: {  	_ =	shalt  }
0x56: {  	_ =	shalt  }
0x57: {  	_ =	shalt  }
0x58: {  	_ =	shalt  }
0x59: {  	_ =	shalt  }
0x5a: {  	_ =	shalt  }
0x5b: {  	_ =	shalt  }
0x5c: {  	_ =	shalt  }
0x5d: {  	_ =	shalt  }
0x5e: {  	_ =	shalt  }
0x5f: {  	_ =	shalt  }
0x60: {  	_ =	shalt  }
0x61: {  	_ =	shalt  }
0x62: {  	_ =	shalt  }
0x63: {  	_ =	shalt  }
0x64: {  	_ =	shalt  }
0x65: {  	_ =	shalt  }
0x66: {  	_ =	shalt  }
0x67: {  	_ =	shalt  }
0x68: {  	_ =	shalt  }
0x69: {  	_ =	shalt  }
0x6a: {  	_ =	shalt  }
0x6b: {  	_ =	shalt  }
0x6c: {  	_ =	shalt  }
0x6d: {  	_ =	shalt  }
0x6e: {  	_ =	shalt  }
0x6f: {  	_ =	shalt  }
0x70: {  	_ =	shalt  }
0x71: {  	_ =	shalt  }
0x72: {  	_ =	shalt  }
0x73: {  	_ =	shalt  }
0x74: {  	_ =	shalt  }
0x75: {  	_ =	shalt  }
0x76: {  	_ =	shalt  }
0x77: {  	_ =	shalt  }
0x78: {  	_ =	shalt  }
0x79: {  	_ =	shalt  }
0x7a: {  	_ =	shalt  }
0x7b: {  	_ =	shalt  }
0x7c: {  	_ =	shalt  }
0x7d: {  	_ =	shalt  }
0x7e: {  	_ =	shalt  }
0x7f: {  	_ =	shalt  }
0x80: {  	_ =	shalt  }
0x81: {  	_ =	shalt  }
0x82: {  	_ =	shalt  }
0x83: {  	_ =	shalt  }
0x84: {  	_ =	shalt  }
0x85: {  	_ =	shalt  }
0x86: {  	_ =	shalt  }
0x87: {  	_ =	shalt  }
.Lfunc_end0:
.L_simem_size_0:
called_computation.1_lowered:
.L_overlay_start_0:
0x88: {  	s2 =	sld [smem:$0x3FD9]  }
0x89: {  	s3 =	sld [smem:$0x3FFE];
	_ =	sdelay $0x1  }
0x8a: {  	s1 =	srdreg.scid  }
0x8b: {  	s0 =	sand.u32 $0x1, s1  }
0x8c: {  	s14 =	sshll.u32 s0, $0xA;
	s2 =	sadd.s32 s3, s2  }
0x8d: {  	s2 =	sadd.s32 s2, s14  }
0x8e: {  	[smem:$0x3FC5] =	sst s2  }
0x8f: {  	_ = 	snop  }
0x90: {  	s2 =	sld [smem:$0x3FD0];
	_ =	sdelay $0x2  }
0x91: {  	s15 =	simm.s32 $0xA;
	s4 =	simm.s32 $0x10  }
0x92: {  	[smem:s4], [sflag:s15] =	dma.local [hbm:s2], $0x1  }
0x93: {  	_ =	swait.eq [sflag:s15], $0x1  }
0x94: {  	[sflag:s15] =	ssyncset.done $0x0  }
0x95: {  	[sflag:s15] =	ssyncadd.s32 $0xFFFFFFFF  }
0x96: {  	s16 =	sld [smem:$0x10];
	(tm) =	ssettm $0x1  }
0x97: {  	s17 =	sld [smem:$0x3FFB];
	_ =	sdelay $0x3  }
0x98: {  	_ =	strace s17  }
0x99: {  	s3 =	sld [smem:$0x3FFC];
	_ =	sdelay $0x3  }
0x9a: {  	_ =	strace s3  }
0x9b: {  	s3 =	sld [smem:$0x3FFD];
	_ =	sdelay $0x3  }
0x9c: {  	_ =	strace s3  }
0x9d: {  	_ =	strace $0x8FFFFFFF  }
0x9e: {  	s18 =	sld [smem:$0x3FDB];
	_ =	sdelay $0x1  }
0x9f: {  	s19 =	simm.s32 $_scs_section_size  }
0xa0: {  	s5 =	simm.s32 $_size__tile_overlayer_lowered;
	s6 =	simm.s32 $_tile_overlayer_lowered  }
0xa1: {  	s22 =	simm.s32 $0x1BFF;
	s21 =	sshll.u32 s6, $0x1;
	s3 =	sadd.s32 s19, s18  }
0xa2: {  	s7 =	simm.s32 $0x0;
	s20 =	sshll.u32 s5, $0x1;
	s5 =	sadd.s32 s21, s3  }
0xa3: {  	[timem:s7], [sflag:s22] =	dma.local [hbm:s5], s20  }
0xa4: {  	_ =	swait.ge [sflag:s22], s20  }
0xa5: {  	s4 =	ssub.s32 $0x0, s20;
	[sflag:s22] =	ssyncset.done $0x0  }
0xa6: {  	[sflag:s22] =	ssyncadd.s32 s4;
	_ =	sdelay $0x1  }
0xa7: {  	s23 =	simm.s32 $0x1B8B  }
0xa8: {  	_ =	swait.ge [sflag:s23], $0x1  }
0xa9: {  	[sflag:s23] =	ssyncset.done $0x0  }
0xaa: {  	s25 =	simm.s32 $0x1B8E;
	s24 =	sld [smem:$0x3FFE];
	[sflag:s23] =	ssyncadd.s32 $0xFFFFFFFF  }
0xab: {  	s26 =	simm.s32 $execute0_lowered;
	[smem:$0x3FD2] =	sst s25  }
0xac: {  	s5 =	sshll.u32 s26, $0x1;
	_ =	strace $0x80000046;
	[dreg:$0x1] =	wrdreg $0xFFFFFFFF  }
0xad: {  	s28 =	simm.s32 $_size_execute0_lowered;
	s3 =	sadd.s32 s3, s5;
	[dreg:$0x0] =	wrdreg $0x0  }
0xae: {  	s5 =	sshll.u32 s28, $0x1;
	[dreg:$0x2] =	wrdreg s3  }
0xaf: {  	[dreg:$0x3] =	wrdreg s5  }
0xb0: {  	[dreg:$0x4] =	wrdreg $0xC0  }
0xb1: {  	_ =	task [dreg:s7], $0x5FFFF  }
0xb2: {  	[dreg:$0x1] =	wrdreg $0xFFFFFFFF  }
0xb3: {  	[dreg:$0x0] =	wrdreg $0x60  }
0xb4: {  	[dreg:$0x2] =	wrdreg s24  }
0xb5: {  	[dreg:$0x3] =	wrdreg s16  }
0xb6: {  	[dreg:$0x4] =	wrdreg $0x9  }
0xb7: {  	_ =	task.clear_ibuf [dreg:s7], $0x5FFFF;
	_ =	strace $0x90000046  }
0xb8: {  	s29 =	simm.s32 $0x9;
	_ =	strace $0x80000048  }
0xb9: {  	_ =	swait.ge [sflag:s29], $0x1  }
0xba: {  	[sflag:s29] =	ssyncadd.s32 $0xFFFFFFFF  }
0xbb: {  	_ =	strace $0x90000048  }
0xbc: {  	_ =	sfence  }
0xbd: {  	s30 =	sld [smem:$0x0];
	_ =	sdelay $0x2  }
0xbe: {  	s31 =	sshll.u32 s1, $0xD;
	s1 =	sshrl.u32 s1, $0x2  }
0xbf: {  	s3 =	sand.u32 $0x4000, s31;
	s1 =	sadd.s32 s1, s30  }
0xc0: {  	s0 =	sor.u32 s3, s0;
	s1 =	sshll.u32 s1, $0x11  }
0xc1: {  	s0 =	sor.u32 s1, s0  }
0xc2: {  	s0 =	sadd.s32 $0x8F2B, s0  }
0xc3: {  	[sflag:s0] =	ssyncadd.remote.s32 $0x1  }
0xc4: {  	_ =	sfence.sel $0xFFFF  }
0xc5: {  	[dreg:$0x0] =	wrdreg $0xFFFFFFFF;
	(pc) =	sbr.abs _section_cstart, $3  }
0xc6: {  	[dreg:$0x1] =	wrdreg $0xFFFFFFFF  }
0xc7: {  	_ =	task.clear_ibuf [dreg:s7], $0x2FFFF;
	_ =	strace $0x9FFFFFFF  }
0xc8: {  	(tm) =	ssettm $0x7FFFFFFF  }
0xc9: {  	_ =	shalt  }
tec
execute0_lowered:
.L_overlay_start_1:
0x0: {  	(tag) =	ssettag $0x1  }
0x1: {  	s0 =	rddreg [dreg:$0x0];
	s1 =	srdreg.scid  }
0x2: {  	s3 =	stileid.u32;
	s2 =	rddreg [dreg:$0x1]  }
0x3: {  	s19 =	simm.s32 $0x5;
	s21 =	simm.s32 $0x1000;
	s22 =	simm.s32 $0x32  }
0x4: {  	s28 =	simm.s32 $0x2;
	s29 =	simm.s32 $0x3;
	s30 =	simm.s32 $0x4  }
0x5: {  	s1 =	sand.u32 $0x1, s1;
	s4 =	sshll.u32 s3, $0x1;
	s3 =	simm.s32 $0x0  }
0x6: {  	s23 =	sadd.s32 $0x5600, s0;
	s9 =	sadd.s32 $0x7880, s0;
	s10 =	sadd.s32 $0x7900, s0  }
0x7: {  	s11 =	sadd.s32 $0x7980, s0;
	s12 =	sadd.s32 $0x7A00, s0;
	s13 =	sadd.s32 $0x7A80, s0  }
0x8: {  	s14 =	sadd.s32 $0x7B00, s0;
	s15 =	sadd.s32 $0x7B80, s0;
	s4 =	sor.u32 s1, s4  }
0x9: {  	[smem:$0x7FF] =	sst s3;
	s1 =	ssub.s32 $0x2, s1;
	s5 =	sshll.u32 s4, $0x8  }
0xa: {  	_ =	strace $0x80000047;
	[dreg:$0x3] =	wrdreg s23;
	s7 =	sshll.u32 s4, $0x7  }
0xb: {  	s8 =	sshrl.u32 s1, $0x1;
	s23 =	simm.s32 $0x1400;
	s6 =	sadd.s32 s5, s0  }
0xc: {  	s5 =	sadd.s32 $0x7800, s0;
	s7 =	sadd.s32 s7, s0;
	s24 =	sadd.s32 $0x1600, s6  }
.Ltmp0:
0xd: {  	s6 =	sadd.s32 $0x3600, s6;
	[dreg:$0x4] =	wrdreg s24;
	(pc) =	sbr.rel .LBB2_1-.Ltmp0, $4  }
0xe: {  	v0 =	vlaneseq.u32;
	s1 =	ssub.s32 s1, s8;
	s25 =	sadd.s32 $0x5800, s7;
	[dreg:$0x5] =	wrdreg s6  }
0xf: {  	v1 =	vimm.f32 $1.000000000e+00;
	v0 =	vmul.u32 $0x400, v0;
	s8 =	sshll.u32 s4, $0x5;
	s26 =	sadd.s32 $0x6800, s7;
	[dreg:$0x6] =	wrdreg s25  }
0x10: {  	v4 =	vimm.s32 $0xC400;
	vm0 =	vcmask $0x300;
	v5 =	vimm.f32 $0.0e+00;
	s0 =	simm.s32 $0x0;
	s31 =	smax.u32 s1, $0x1;
	[dreg:$0x7] =	wrdreg s26  }
0x11: {  	v4 =	vsel vm0, $0xC000, v4;
	v2 =	vor.u32 $0x4000, v0;
	v3 =	vor.u32 $0x8000, v0;
	[dreg:$0x8] =	wrdreg s31;
	s25 =	simm.s32 $0xF400;
	s26 =	simm.s32 $0x1  }
.LBB2_36:
0x12: {  	_ =	swait.ge [sflag:s29], $0x1C00  }
0x13: {  	[sflag:s29] =	ssyncset.done $0x0  }
0x14: {  	[sflag:s29] =	ssyncadd.s32 $0xFFFFE400  }
0x15: {  	_ =	swait.ge [sflag:s29], $0x1C00  }
0x16: {  	[sflag:s29] =	ssyncset.done $0x0  }
0x17: {  	[sflag:s29] =	ssyncadd.s32 $0xFFFFE400  }
0x18: {  	_ =	swait.ge [sflag:s29], $0x1C00  }
0x19: {  	[sflag:s29] =	ssyncset.done $0x0  }
0x1a: {  	[sflag:s29] =	ssyncadd.s32 $0xFFFFE400  }
0x1b: {  	_ =	swait.ge [sflag:s29], $0x1C00  }
0x1c: {  	[sflag:s29] =	ssyncset.done $0x0  }
0x1d: {  	[sflag:s29] =	ssyncadd.s32 $0xFFFFE400  }
0x1e: {  	_ =	swait.ge [sflag:s29], $0x1C00  }
0x1f: {  	[sflag:s29] =	ssyncset.done $0x0  }
0x20: {  	[sflag:s29] =	ssyncadd.s32 $0xFFFFE400  }
0x21: {  	_ =	swait.ge [sflag:s29], $0x1C00  }
0x22: {  	[sflag:s29] =	ssyncset.done $0x0  }
0x23: {  	[sflag:s29] =	ssyncadd.s32 $0xFFFFE400  }
0x24: {  	_ =	swait.ge [sflag:s29], $0x1C00  }
0x25: {  	[sflag:s29] =	ssyncset.done $0x0  }
0x26: {  	[sflag:s29] =	ssyncadd.s32 $0xFFFFE400  }
0x27: {  	_ =	swait.ge [sflag:s29], $0x1C00  }
0x28: {  	[sflag:s29] =	ssyncset.done $0x0  }
0x29: {  	[sflag:s29] =	ssyncadd.s32 $0xFFFFE400  }
0x2a: {  	_ =	swait.ge [sflag:s30], $0x1C00  }
0x2b: {  	[sflag:s30] =	ssyncset.done $0x0  }
0x2c: {  	[sflag:s30] =	ssyncadd.s32 $0xFFFFE400  }
0x2d: {  	_ =	swait.ge [sflag:s30], $0x1C00  }
0x2e: {  	[sflag:s30] =	ssyncset.done $0x0  }
0x2f: {  	[sflag:s30] =	ssyncadd.s32 $0xFFFFE400  }
0x30: {  	_ =	swait.ge [sflag:s30], $0x1C00  }
0x31: {  	[sflag:s30] =	ssyncset.done $0x0  }
0x32: {  	[sflag:s30] =	ssyncadd.s32 $0xFFFFE400  }
0x33: {  	_ =	swait.ge [sflag:s30], $0x1C00  }
0x34: {  	[sflag:s30] =	ssyncset.done $0x0  }
0x35: {  	[sflag:s30] =	ssyncadd.s32 $0xFFFFE400  }
0x36: {  	_ =	swait.ge [sflag:s30], $0x1C00  }
0x37: {  	[sflag:s30] =	ssyncset.done $0x0  }
0x38: {  	[sflag:s30] =	ssyncadd.s32 $0xFFFFE400  }
0x39: {  	_ =	swait.ge [sflag:s30], $0x1C00  }
0x3a: {  	[sflag:s30] =	ssyncset.done $0x0  }
0x3b: {  	[sflag:s30] =	ssyncadd.s32 $0xFFFFE400  }
0x3c: {  	_ =	swait.ge [sflag:s30], $0x1C00  }
0x3d: {  	[sflag:s30] =	ssyncset.done $0x0  }
0x3e: {  	[sflag:s30] =	ssyncadd.s32 $0xFFFFE400  }
0x3f: {  	_ =	swait.ge [sflag:s30], $0x1C00  }
0x40: {  	[sflag:s30] =	ssyncset.done $0x0  }
0x41: {  	[sflag:s30] =	ssyncadd.s32 $0xFFFFE400  }
0x42: {  	[tilespmem:$0x1D400] =	vst v5  }
0x43: {  	[tilespmem:$0x1D800] =	vst v5  }
0x44: {  	[tilespmem:$0x1D410] =	vst v5  }
0x45: {  	[tilespmem:$0x1D810] =	vst v5  }
0x46: {  	[tilespmem:$0x1D420] =	vst v5  }
0x47: {  	[tilespmem:$0x1D820] =	vst v5  }
0x48: {  	[tilespmem:$0x1D430] =	vst v5  }
0x49: {  	[tilespmem:$0x1D830] =	vst v5  }
0x4a: {  	[tilespmem:$0x1D440] =	vst v5  }
0x4b: {  	[tilespmem:$0x1D840] =	vst v5  }
0x4c: {  	[tilespmem:$0x1D450] =	vst v5  }
0x4d: {  	[tilespmem:$0x1D850] =	vst v5  }
0x4e: {  	[tilespmem:$0x1D460] =	vst v5  }
0x4f: {  	[tilespmem:$0x1D860] =	vst v5  }
0x50: {  	[tilespmem:$0x1D470] =	vst v5  }
0x51: {  	[tilespmem:$0x1D870] =	vst v5  }
0x52: {  	[tilespmem:$0x1D480] =	vst v5  }
0x53: {  	[tilespmem:$0x1D880] =	vst v5  }
0x54: {  	[tilespmem:$0x1D490] =	vst v5  }
0x55: {  	[tilespmem:$0x1D890] =	vst v5  }
0x56: {  	[tilespmem:$0x1D4A0] =	vst v5  }
0x57: {  	[tilespmem:$0x1D8A0] =	vst v5  }
0x58: {  	[tilespmem:$0x1D4B0] =	vst v5  }
0x59: {  	[tilespmem:$0x1D8B0] =	vst v5  }
0x5a: {  	[tilespmem:$0x1D4C0] =	vst v5  }
0x5b: {  	[tilespmem:$0x1D8C0] =	vst v5  }
0x5c: {  	[tilespmem:$0x1D4D0] =	vst v5  }
0x5d: {  	[tilespmem:$0x1D8D0] =	vst v5  }
0x5e: {  	[tilespmem:$0x1D4E0] =	vst v5  }
0x5f: {  	[tilespmem:$0x1D8E0] =	vst v5  }
0x60: {  	[tilespmem:$0x1D4F0] =	vst v5  }
0x61: {  	[tilespmem:$0x1D8F0] =	vst v5  }
0x62: {  	[tilespmem:$0x1D500] =	vst v5  }
0x63: {  	[tilespmem:$0x1D900] =	vst v5  }
0x64: {  	[tilespmem:$0x1D510] =	vst v5  }
0x65: {  	[tilespmem:$0x1D910] =	vst v5  }
0x66: {  	[tilespmem:$0x1D520] =	vst v5  }
0x67: {  	[tilespmem:$0x1D920] =	vst v5  }
0x68: {  	[tilespmem:$0x1D530] =	vst v5  }
0x69: {  	[tilespmem:$0x1D930] =	vst v5  }
0x6a: {  	[tilespmem:$0x1D540] =	vst v5  }
0x6b: {  	[tilespmem:$0x1D940] =	vst v5  }
0x6c: {  	[tilespmem:$0x1D550] =	vst v5  }
0x6d: {  	[tilespmem:$0x1D950] =	vst v5  }
0x6e: {  	[tilespmem:$0x1D560] =	vst v5  }
0x6f: {  	[tilespmem:$0x1D960] =	vst v5  }
0x70: {  	[tilespmem:$0x1D570] =	vst v5  }
0x71: {  	[tilespmem:$0x1D970] =	vst v5  }
0x72: {  	[tilespmem:$0x1D580] =	vst v5  }
0x73: {  	[tilespmem:$0x1D980] =	vst v5  }
0x74: {  	[tilespmem:$0x1D590] =	vst v5  }
0x75: {  	[tilespmem:$0x1D990] =	vst v5  }
0x76: {  	[tilespmem:$0x1D5A0] =	vst v5  }
0x77: {  	[tilespmem:$0x1D9A0] =	vst v5  }
0x78: {  	[tilespmem:$0x1D5B0] =	vst v5  }
0x79: {  	[tilespmem:$0x1D9B0] =	vst v5  }
0x7a: {  	[tilespmem:$0x1D5C0] =	vst v5  }
0x7b: {  	[tilespmem:$0x1D9C0] =	vst v5  }
0x7c: {  	[tilespmem:$0x1D5D0] =	vst v5  }
0x7d: {  	[tilespmem:$0x1D9D0] =	vst v5  }
0x7e: {  	[tilespmem:$0x1D5E0] =	vst v5  }
0x7f: {  	[tilespmem:$0x1D9E0] =	vst v5  }
0x80: {  	[tilespmem:$0x1D5F0] =	vst v5  }
0x81: {  	[tilespmem:$0x1D9F0] =	vst v5  }
0x82: {  	[tilespmem:$0x1D600] =	vst v5  }
0x83: {  	[tilespmem:$0x1DA00] =	vst v5  }
0x84: {  	[tilespmem:$0x1D610] =	vst v5  }
0x85: {  	[tilespmem:$0x1DA10] =	vst v5  }
0x86: {  	[tilespmem:$0x1D620] =	vst v5  }
0x87: {  	[tilespmem:$0x1DA20] =	vst v5  }
0x88: {  	[tilespmem:$0x1D630] =	vst v5  }
0x89: {  	[tilespmem:$0x1DA30] =	vst v5  }
0x8a: {  	[tilespmem:$0x1D640] =	vst v5  }
0x8b: {  	[tilespmem:$0x1DA40] =	vst v5  }
0x8c: {  	[tilespmem:$0x1D650] =	vst v5  }
0x8d: {  	[tilespmem:$0x1DA50] =	vst v5  }
0x8e: {  	[tilespmem:$0x1D660] =	vst v5  }
0x8f: {  	[tilespmem:$0x1DA60] =	vst v5  }
0x90: {  	[tilespmem:$0x1D670] =	vst v5  }
0x91: {  	[tilespmem:$0x1DA70] =	vst v5  }
0x92: {  	[tilespmem:$0x1D680] =	vst v5  }
0x93: {  	[tilespmem:$0x1DA80] =	vst v5  }
0x94: {  	[tilespmem:$0x1D690] =	vst v5  }
0x95: {  	[tilespmem:$0x1DA90] =	vst v5  }
0x96: {  	[tilespmem:$0x1D6A0] =	vst v5  }
0x97: {  	[tilespmem:$0x1DAA0] =	vst v5  }
0x98: {  	[tilespmem:$0x1D6B0] =	vst v5  }
0x99: {  	[tilespmem:$0x1DAB0] =	vst v5  }
0x9a: {  	[tilespmem:$0x1D6C0] =	vst v5  }
0x9b: {  	[tilespmem:$0x1DAC0] =	vst v5  }
0x9c: {  	[tilespmem:$0x1D6D0] =	vst v5  }
0x9d: {  	[tilespmem:$0x1DAD0] =	vst v5  }
0x9e: {  	[tilespmem:$0x1D6E0] =	vst v5  }
0x9f: {  	[tilespmem:$0x1DAE0] =	vst v5  }
0xa0: {  	[tilespmem:$0x1D6F0] =	vst v5  }
0xa1: {  	[tilespmem:$0x1DAF0] =	vst v5  }
0xa2: {  	[tilespmem:$0x1D700] =	vst v5  }
0xa3: {  	[tilespmem:$0x1DB00] =	vst v5  }
0xa4: {  	[tilespmem:$0x1D710] =	vst v5  }
0xa5: {  	[tilespmem:$0x1DB10] =	vst v5  }
0xa6: {  	[tilespmem:$0x1D720] =	vst v5  }
0xa7: {  	[tilespmem:$0x1DB20] =	vst v5  }
0xa8: {  	[tilespmem:$0x1D730] =	vst v5  }
0xa9: {  	[tilespmem:$0x1DB30] =	vst v5  }
0xaa: {  	[tilespmem:$0x1D740] =	vst v5  }
0xab: {  	[tilespmem:$0x1DB40] =	vst v5  }
0xac: {  	[tilespmem:$0x1D750] =	vst v5  }
0xad: {  	[tilespmem:$0x1DB50] =	vst v5  }
0xae: {  	[tilespmem:$0x1D760] =	vst v5  }
0xaf: {  	[tilespmem:$0x1DB60] =	vst v5  }
0xb0: {  	[tilespmem:$0x1D770] =	vst v5  }
0xb1: {  	[tilespmem:$0x1DB70] =	vst v5  }
0xb2: {  	[tilespmem:$0x1D780] =	vst v5  }
0xb3: {  	[tilespmem:$0x1DB80] =	vst v5  }
0xb4: {  	[tilespmem:$0x1D790] =	vst v5  }
0xb5: {  	[tilespmem:$0x1DB90] =	vst v5  }
0xb6: {  	[tilespmem:$0x1D7A0] =	vst v5  }
0xb7: {  	[tilespmem:$0x1DBA0] =	vst v5  }
0xb8: {  	[tilespmem:$0x1D7B0] =	vst v5  }
0xb9: {  	[tilespmem:$0x1DBB0] =	vst v5  }
0xba: {  	[tilespmem:$0x1D7C0] =	vst v5  }
0xbb: {  	[tilespmem:$0x1DBC0] =	vst v5  }
0xbc: {  	[tilespmem:$0x1D7D0] =	vst v5  }
0xbd: {  	[tilespmem:$0x1DBD0] =	vst v5  }
0xbe: {  	[tilespmem:$0x1D7E0] =	vst v5  }
0xbf: {  	[tilespmem:$0x1DBE0] =	vst v5  }
0xc0: {  	[tilespmem:$0x1D7F0] =	vst v5  }
0xc1: {  	[tilespmem:$0x1DBF0] =	vst v5  }
0xc2: {  	[tilespmem:$0x1D400] =	vst v7  }
0xc3: {  	s4 =	simm.s32 $0x1D400;
	s1 =	rddreg [dreg:$0x6];
	[tilespmem:$0x1D800] =	vst v6  }
0xc4: {  	[hbm4b:s1+s3] =	stream.linear.scatter [tilespmem:s4], [sflag:$0x5], $0x400, $0x38;
	[tilespmem:$0x1DC00] =	vst v63  }
0xc5: {  	_ =	swait.ge [sflag:s19], $0x400  }
0xc6: {  	[sflag:s19] =	ssyncset.done $0x0  }
0xc7: {  	s24 =	simm.s32 $0x1D800;
	s20 =	rddreg [dreg:$0x7];
	[sflag:s19] =	ssyncadd.s32 $0xFFFFFC00  }
0xc8: {  	[hbm4b:s20+s3] =	stream.linear.scatter [tilespmem:s24], [sflag:$0x5], $0x400, $0x38;
	[tilespmem:$0x1DC00] =	vst v63  }
0xc9: {  	_ =	swait.ge [sflag:s19], $0x400  }
0xca: {  	s0 =	sadd.s32 $0x1, s0;
	s31 =	rddreg [dreg:$0x8]  }
0xcb: {  	p0 =	sne.s32 s0, s31  }
.Ltmp1:
0xcc: {  	_ = 	snop;
	(pc) =	sbr.rel @!p0 .LBB2_37-.Ltmp1, $3  }
0xcd: {  	_ =	sdelay $0x1  }
0xce: {  	[sflag:s19] =	ssyncset.done $0x0  }
0xcf: {  	[sflag:s19] =	ssyncadd.s32 $0xFFFFFC00  }
.LBB2_1:
0xd0: {  	s1 =	rddreg [dreg:$0x4]  }
0xd1: {  	[tilespmem:s3], [sflag:$0x5] =	stream.linear.gather [hbm4b:s1+s3], $0x800, $0x38;
	[tilespmem:$0x1DC00] =	vst v63  }
0xd2: {  	_ =	swait.ge [sflag:s19], $0x800  }
0xd3: {  	[sflag:s19] =	ssyncset.done $0x0  }
0xd4: {  	s4 =	simm.s32 $0x800;
	s20 =	rddreg [dreg:$0x5];
	[sflag:s19] =	ssyncadd.s32 $0xFFFFF800  }
0xd5: {  	[tilespmem:s4], [sflag:$0x5] =	stream.linear.gather [hbm4b:s20+s3], $0x800, $0x38;
	[tilespmem:$0x1DC00] =	vst v63  }
0xd6: {  	_ =	swait.ge [sflag:s19], $0x800  }
0xd7: {  	[sflag:s19] =	ssyncset.done $0x0  }
0xd8: {  	s24 =	rddreg [dreg:$0x3];
	[sflag:s19] =	ssyncadd.s32 $0xFFFFF800  }
0xd9: {  	[tilespmem:s21], [sflag:$0x5] =	stream.linear.gather [hbm4b:s24+s3], $0x400, $0x38;
	[tilespmem:$0x1DC00] =	vst v63  }
0xda: {  	_ =	swait.ge [sflag:s19], $0x400  }
0xdb: {  	[sflag:s19] =	ssyncset.done $0x0  }
0xdc: {  	[sflag:s19] =	ssyncadd.s32 $0xFFFFFC00  }
0xdd: {  	[tilespmem:s23], [sflag:$0x1] =	stream.indirect.gather [hbm4b:s2+s22], $0x400, s3, s22, $0xb8;
	[tilespmem:$0x1DC00] =	vst v63  }
0xde: {  	s31 =	simm.s32 $0x40;
	s20 =	simm.s32 $0x0  }
0xdf: {  	v6 =	vimm.f32 $0.0e+00;
	v7 =	vimm.f32 $0.0e+00;
	[tilespmem:s25], [sflag:$0x2] =	stream.indirect.gather [hbm4b:s2+s22], $0x400, s31, s22, $0xb8;
	[tilespmem:$0x1DC00] =	vst v63  }
.LBB2_2:
0xe0: {  	s31 =	sshll.u32 s20, $0x1  }
0xe1: {  	s1 =	sor.u32 s8, s31  }
0xe2: {  	_ =	swait.ge [sflag:s26], $0xC800;
	s1 =	smul.u32 $0x1C00, s1  }
0xe3: {  	[sflag:s26] =	ssyncset.done $0x0  }
0xe4: {  	s4 =	simm.s32 $0x1400;
	[sflag:s26] =	ssyncadd.s32 $0xFFFF3800;
	s17 =	sadd.s32 s5, s1  }
0xe5: {  	[hbm4b:s17+s3] =	stream.linear.scatter [tilespmem:s4], [sflag:$0x3], $0x80, $0x38;
	[tilespmem:$0x1DC00] =	vst v63  }
0xe6: {  	s16 =	simm.s32 $0x1800;
	s6 =	sadd.s32 $0x10, s17  }
0xe7: {  	[hbm4b:s6+s3] =	stream.linear.scatter [tilespmem:s16], [sflag:$0x3], $0x80, $0x38;
	[tilespmem:$0x1DC00] =	vst v63  }
0xe8: {  	s18 =	simm.s32 $0x1C00;
	s24 =	sadd.s32 $0x20, s17  }
0xe9: {  	[hbm4b:s24+s3] =	stream.linear.scatter [tilespmem:s18], [sflag:$0x3], $0x80, $0x38;
	[tilespmem:$0x1DC00] =	vst v63  }
0xea: {  	s7 =	simm.s32 $0x2000;
	s16 =	sadd.s32 $0x30, s17  }
0xeb: {  	[hbm4b:s16+s3] =	stream.linear.scatter [tilespmem:s7], [sflag:$0x3], $0x80, $0x38;
	[tilespmem:$0x1DC00] =	vst v63  }
0xec: {  	s18 =	simm.s32 $0x2400;
	s24 =	sadd.s32 $0x40, s17  }
0xed: {  	[hbm4b:s24+s3] =	stream.linear.scatter [tilespmem:s18], [sflag:$0x3], $0x80, $0x38;
	[tilespmem:$0x1DC00] =	vst v63  }
0xee: {  	s4 =	simm.s32 $0x2000;
	s7 =	simm.s32 $0x2800;
	s16 =	sadd.s32 $0x50, s17  }
0xef: {  	[hbm4b:s16+s3] =	stream.linear.scatter [tilespmem:s7], [sflag:$0x3], $0x80, $0x38;
	[tilespmem:$0x1DC00] =	vst v63  }
0xf0: {  	s6 =	simm.s32 $0x10000;
	s18 =	simm.s32 $0x2C00;
	s24 =	sadd.s32 $0x60, s17  }
0xf1: {  	[hbm4b:s24+s3] =	stream.linear.scatter [tilespmem:s18], [sflag:$0x3], $0x80, $0x38;
	[tilespmem:$0x1DC00] =	vst v63  }
0xf2: {  	s7 =	simm.s32 $0x3000;
	s16 =	sadd.s32 $0x70, s17;
	s24 =	sadd.s32 $0x400, s17  }
.LBB2_3:
0xf3: {  	[hbm4b:s16+s3] =	stream.linear.scatter [tilespmem:s7], [sflag:$0x3], $0x80, $0x38;
	[tilespmem:$0x1DC00] =	vst v63  }
0xf4: {  	s7 =	smov.u32 s4;
	s4 =	smov.u32 s6  }
0xf5: {  	s17 =	sadd.s32 $0x8000, s6;
	s4 =	sshra.s32 s4, $0x2;
	s16 =	sadd.s32 $0x1400, s7  }
0xf6: {  	[hbm4b:s24+s3] =	stream.linear.scatter [tilespmem:s16], [sflag:$0x3], $0x80, $0x38;
	[tilespmem:$0x1DC00] =	vst v63  }
0xf7: {  	p0 =	sne.s32 s6, $0x30000;
	s6 =	sadd.s32 $0x1800, s7;
	s16 =	sadd.s32 $0x10, s24  }
0xf8: {  	[hbm4b:s16+s3] =	stream.linear.scatter [tilespmem:s6], [sflag:$0x3], $0x80, $0x38;
	[tilespmem:$0x1DC00] =	vst v63  }
0xf9: {  	s6 =	sadd.s32 $0x1C00, s7;
	s16 =	sadd.s32 $0x20, s24  }
0xfa: {  	[hbm4b:s16+s3] =	stream.linear.scatter [tilespmem:s6], [sflag:$0x3], $0x80, $0x38;
	[tilespmem:$0x1DC00] =	vst v63  }
0xfb: {  	s6 =	sadd.s32 $0x2000, s7;
	s16 =	sadd.s32 $0x30, s24  }
0xfc: {  	[hbm4b:s16+s3] =	stream.linear.scatter [tilespmem:s6], [sflag:$0x3], $0x80, $0x38;
	[tilespmem:$0x1DC00] =	vst v63  }
0xfd: {  	s6 =	sadd.s32 $0x2400, s7;
	s16 =	sadd.s32 $0x40, s24  }
0xfe: {  	[hbm4b:s16+s3] =	stream.linear.scatter [tilespmem:s6], [sflag:$0x3], $0x80, $0x38;
	[tilespmem:$0x1DC00] =	vst v63  }
.Ltmp2:
0xff: {  	s6 =	sadd.s32 $0x2800, s7;
	s16 =	sadd.s32 $0x50, s24;
	(pc) =	sbr.rel @p0 .LBB2_3-.Ltmp2, $4  }
0x100: {  	[hbm4b:s16+s3] =	stream.linear.scatter [tilespmem:s6], [sflag:$0x3], $0x80, $0x38;
	[tilespmem:$0x1DC00] =	vst v63  }
0x101: {  	s6 =	sadd.s32 $0x2C00, s7;
	s16 =	sadd.s32 $0x60, s24;
	s7 =	sadd.s32 $0x3000, s7  }
0x102: {  	[hbm4b:s16+s3] =	stream.linear.scatter [tilespmem:s6], [sflag:$0x3], $0x80, $0x38;
	[tilespmem:$0x1DC00] =	vst v63  }
0x103: {  	s16 =	sadd.s32 $0x70, s24;
	s24 =	sadd.s32 $0x400, s24;
	s6 =	smov.u32 s17  }
0x104: {  	[hbm4b:s16+s3] =	stream.linear.scatter [tilespmem:s7], [sflag:$0x3], $0x80, $0x38;
	[tilespmem:$0x1DC00] =	vst v63  }
0x105: {  	s6 =	sadd.s32 $0x1400, s4  }
0x106: {  	[hbm4b:s24+s3] =	stream.linear.scatter [tilespmem:s6], [sflag:$0x3], $0x80, $0x38;
	[tilespmem:$0x1DC00] =	vst v63  }
0x107: {  	s17 =	sadd.s32 $0x1800, s4;
	s18 =	sadd.s32 $0x10, s24  }
0x108: {  	[hbm4b:s18+s3] =	stream.linear.scatter [tilespmem:s17], [sflag:$0x3], $0x80, $0x38;
	[tilespmem:$0x1DC00] =	vst v63  }
0x109: {  	s7 =	sadd.s32 $0x1C00, s4;
	s16 =	sadd.s32 $0x20, s24  }
0x10a: {  	[hbm4b:s16+s3] =	stream.linear.scatter [tilespmem:s7], [sflag:$0x3], $0x80, $0x38;
	[tilespmem:$0x1DC00] =	vst v63  }
0x10b: {  	s17 =	sadd.s32 $0x2000, s4;
	s18 =	sadd.s32 $0x30, s24  }
0x10c: {  	[hbm4b:s18+s3] =	stream.linear.scatter [tilespmem:s17], [sflag:$0x3], $0x80, $0x38;
	[tilespmem:$0x1DC00] =	vst v63  }
0x10d: {  	s7 =	sadd.s32 $0x2400, s4;
	s16 =	sadd.s32 $0x40, s24  }
0x10e: {  	[hbm4b:s16+s3] =	stream.linear.scatter [tilespmem:s7], [sflag:$0x3], $0x80, $0x38;
	[tilespmem:$0x1DC00] =	vst v63  }
0x10f: {  	s17 =	sadd.s32 $0x2800, s4;
	s18 =	sadd.s32 $0x50, s24  }
0x110: {  	[hbm4b:s18+s3] =	stream.linear.scatter [tilespmem:s17], [sflag:$0x3], $0x80, $0x38;
	[tilespmem:$0x1DC00] =	vst v63  }
0x111: {  	s16 =	sadd.s32 $0x2C00, s4;
	s17 =	sadd.s32 $0x60, s24  }
0x112: {  	[hbm4b:s17+s3] =	stream.linear.scatter [tilespmem:s16], [sflag:$0x3], $0x80, $0x38;
	[tilespmem:$0x1DC00] =	vst v63  }
0x113: {  	s18 =	sadd.s32 $0x3000, s4;
	s24 =	sadd.s32 $0x70, s24  }
0x114: {  	[hbm4b:s24+s3] =	stream.linear.scatter [tilespmem:s18], [sflag:$0x3], $0x80, $0x38;
	[tilespmem:$0x1DC00] =	vst v63  }
0x115: {  	s6 =	simm.s32 $0x1480;
	s17 =	sadd.s32 s1, s9  }
0x116: {  	[hbm4b:s17+s3] =	stream.linear.scatter [tilespmem:s6], [sflag:$0x3], $0x80, $0x38;
	[tilespmem:$0x1DC00] =	vst v63  }
0x117: {  	s7 =	simm.s32 $0x1880;
	s16 =	sadd.s32 $0x10, s17  }
0x118: {  	[hbm4b:s16+s3] =	stream.linear.scatter [tilespmem:s7], [sflag:$0x3], $0x80, $0x38;
	[tilespmem:$0x1DC00] =	vst v63  }
0x119: {  	s18 =	simm.s32 $0x1C80;
	s24 =	sadd.s32 $0x20, s17  }
0x11a: {  	[hbm4b:s24+s3] =	stream.linear.scatter [tilespmem:s18], [sflag:$0x3], $0x80, $0x38;
	[tilespmem:$0x1DC00] =	vst v63  }
0x11b: {  	s7 =	simm.s32 $0x2080;
	s16 =	sadd.s32 $0x30, s17  }
0x11c: {  	[hbm4b:s16+s3] =	stream.linear.scatter [tilespmem:s7], [sflag:$0x3], $0x80, $0x38;
	[tilespmem:$0x1DC00] =	vst v63  }
0x11d: {  	s18 =	simm.s32 $0x2480;
	s24 =	sadd.s32 $0x40, s17  }
0x11e: {  	[hbm4b:s24+s3] =	stream.linear.scatter [tilespmem:s18], [sflag:$0x3], $0x80, $0x38;
	[tilespmem:$0x1DC00] =	vst v63  }
0x11f: {  	s4 =	simm.s32 $0x2000;
	s7 =	simm.s32 $0x2880;
	s16 =	sadd.s32 $0x50, s17  }
0x120: {  	[hbm4b:s16+s3] =	stream.linear.scatter [tilespmem:s7], [sflag:$0x3], $0x80, $0x38;
	[tilespmem:$0x1DC00] =	vst v63  }
0x121: {  	s6 =	simm.s32 $0x10000;
	s18 =	simm.s32 $0x2C80;
	s24 =	sadd.s32 $0x60, s17  }
0x122: {  	[hbm4b:s24+s3] =	stream.linear.scatter [tilespmem:s18], [sflag:$0x3], $0x80, $0x38;
	[tilespmem:$0x1DC00] =	vst v63  }
0x123: {  	s7 =	simm.s32 $0x3080;
	s16 =	sadd.s32 $0x70, s17;
	s24 =	sadd.s32 $0x400, s17  }
.LBB2_5:
0x124: {  	[hbm4b:s16+s3] =	stream.linear.scatter [tilespmem:s7], [sflag:$0x3], $0x80, $0x38;
	[tilespmem:$0x1DC00] =	vst v63  }
0x125: {  	s7 =	smov.u32 s4;
	s4 =	smov.u32 s6  }
0x126: {  	s17 =	sadd.s32 $0x8000, s6;
	s4 =	sshra.s32 s4, $0x2;
	s16 =	sadd.s32 $0x1480, s7  }
0x127: {  	[hbm4b:s24+s3] =	stream.linear.scatter [tilespmem:s16], [sflag:$0x3], $0x80, $0x38;
	[tilespmem:$0x1DC00] =	vst v63  }
0x128: {  	p0 =	sne.s32 s6, $0x30000;
	s6 =	sadd.s32 $0x1880, s7;
	s16 =	sadd.s32 $0x10, s24  }
0x129: {  	[hbm4b:s16+s3] =	stream.linear.scatter [tilespmem:s6], [sflag:$0x3], $0x80, $0x38;
	[tilespmem:$0x1DC00] =	vst v63  }
0x12a: {  	s6 =	sadd.s32 $0x1C80, s7;
	s16 =	sadd.s32 $0x20, s24  }
0x12b: {  	[hbm4b:s16+s3] =	stream.linear.scatter [tilespmem:s6], [sflag:$0x3], $0x80, $0x38;
	[tilespmem:$0x1DC00] =	vst v63  }
0x12c: {  	s6 =	sadd.s32 $0x2080, s7;
	s16 =	sadd.s32 $0x30, s24  }
0x12d: {  	[hbm4b:s16+s3] =	stream.linear.scatter [tilespmem:s6], [sflag:$0x3], $0x80, $0x38;
	[tilespmem:$0x1DC00] =	vst v63  }
0x12e: {  	s6 =	sadd.s32 $0x2480, s7;
	s16 =	sadd.s32 $0x40, s24  }
0x12f: {  	[hbm4b:s16+s3] =	stream.linear.scatter [tilespmem:s6], [sflag:$0x3], $0x80, $0x38;
	[tilespmem:$0x1DC00] =	vst v63  }
.Ltmp3:
0x130: {  	s6 =	sadd.s32 $0x2880, s7;
	s16 =	sadd.s32 $0x50, s24;
	(pc) =	sbr.rel @p0 .LBB2_5-.Ltmp3, $4  }
0x131: {  	[hbm4b:s16+s3] =	stream.linear.scatter [tilespmem:s6], [sflag:$0x3], $0x80, $0x38;
	[tilespmem:$0x1DC00] =	vst v63  }
0x132: {  	s6 =	sadd.s32 $0x2C80, s7;
	s16 =	sadd.s32 $0x60, s24;
	s7 =	sadd.s32 $0x3080, s7  }
0x133: {  	[hbm4b:s16+s3] =	stream.linear.scatter [tilespmem:s6], [sflag:$0x3], $0x80, $0x38;
	[tilespmem:$0x1DC00] =	vst v63  }
0x134: {  	s16 =	sadd.s32 $0x70, s24;
	s24 =	sadd.s32 $0x400, s24;
	s6 =	smov.u32 s17  }
0x135: {  	[hbm4b:s16+s3] =	stream.linear.scatter [tilespmem:s7], [sflag:$0x3], $0x80, $0x38;
	[tilespmem:$0x1DC00] =	vst v63  }
0x136: {  	s6 =	sadd.s32 $0x1480, s4  }
0x137: {  	[hbm4b:s24+s3] =	stream.linear.scatter [tilespmem:s6], [sflag:$0x3], $0x80, $0x38;
	[tilespmem:$0x1DC00] =	vst v63  }
0x138: {  	s17 =	sadd.s32 $0x1880, s4;
	s18 =	sadd.s32 $0x10, s24  }
0x139: {  	[hbm4b:s18+s3] =	stream.linear.scatter [tilespmem:s17], [sflag:$0x3], $0x80, $0x38;
	[tilespmem:$0x1DC00] =	vst v63  }
0x13a: {  	s7 =	sadd.s32 $0x1C80, s4;
	s16 =	sadd.s32 $0x20, s24  }
0x13b: {  	[hbm4b:s16+s3] =	stream.linear.scatter [tilespmem:s7], [sflag:$0x3], $0x80, $0x38;
	[tilespmem:$0x1DC00] =	vst v63  }
0x13c: {  	s17 =	sadd.s32 $0x2080, s4;
	s18 =	sadd.s32 $0x30, s24  }
0x13d: {  	[hbm4b:s18+s3] =	stream.linear.scatter [tilespmem:s17], [sflag:$0x3], $0x80, $0x38;
	[tilespmem:$0x1DC00] =	vst v63  }
0x13e: {  	s7 =	sadd.s32 $0x2480, s4;
	s16 =	sadd.s32 $0x40, s24  }
0x13f: {  	[hbm4b:s16+s3] =	stream.linear.scatter [tilespmem:s7], [sflag:$0x3], $0x80, $0x38;
	[tilespmem:$0x1DC00] =	vst v63  }
0x140: {  	s17 =	sadd.s32 $0x2880, s4;
	s18 =	sadd.s32 $0x50, s24  }
0x141: {  	[hbm4b:s18+s3] =	stream.linear.scatter [tilespmem:s17], [sflag:$0x3], $0x80, $0x38;
	[tilespmem:$0x1DC00] =	vst v63  }
0x142: {  	s16 =	sadd.s32 $0x2C80, s4;
	s17 =	sadd.s32 $0x60, s24  }
0x143: {  	[hbm4b:s17+s3] =	stream.linear.scatter [tilespmem:s16], [sflag:$0x3], $0x80, $0x38;
	[tilespmem:$0x1DC00] =	vst v63  }
0x144: {  	s18 =	sadd.s32 $0x3080, s4;
	s24 =	sadd.s32 $0x70, s24  }
0x145: {  	[hbm4b:s24+s3] =	stream.linear.scatter [tilespmem:s18], [sflag:$0x3], $0x80, $0x38;
	[tilespmem:$0x1DC00] =	vst v63  }
0x146: {  	s6 =	simm.s32 $0x1500;
	s17 =	sadd.s32 s1, s10  }
0x147: {  	[hbm4b:s17+s3] =	stream.linear.scatter [tilespmem:s6], [sflag:$0x3], $0x80, $0x38;
	[tilespmem:$0x1DC00] =	vst v63  }
0x148: {  	s7 =	simm.s32 $0x1900;
	s16 =	sadd.s32 $0x10, s17  }
0x149: {  	[hbm4b:s16+s3] =	stream.linear.scatter [tilespmem:s7], [sflag:$0x3], $0x80, $0x38;
	[tilespmem:$0x1DC00] =	vst v63  }
0x14a: {  	s18 =	simm.s32 $0x1D00;
	s24 =	sadd.s32 $0x20, s17  }
0x14b: {  	[hbm4b:s24+s3] =	stream.linear.scatter [tilespmem:s18], [sflag:$0x3], $0x80, $0x38;
	[tilespmem:$0x1DC00] =	vst v63  }
0x14c: {  	s7 =	simm.s32 $0x2100;
	s16 =	sadd.s32 $0x30, s17  }
0x14d: {  	[hbm4b:s16+s3] =	stream.linear.scatter [tilespmem:s7], [sflag:$0x3], $0x80, $0x38;
	[tilespmem:$0x1DC00] =	vst v63  }
0x14e: {  	s18 =	simm.s32 $0x2500;
	s24 =	sadd.s32 $0x40, s17  }
0x14f: {  	[hbm4b:s24+s3] =	stream.linear.scatter [tilespmem:s18], [sflag:$0x3], $0x80, $0x38;
	[tilespmem:$0x1DC00] =	vst v63  }
0x150: {  	s4 =	simm.s32 $0x2000;
	s7 =	simm.s32 $0x2900;
	s16 =	sadd.s32 $0x50, s17  }
0x151: {  	[hbm4b:s16+s3] =	stream.linear.scatter [tilespmem:s7], [sflag:$0x3], $0x80, $0x38;
	[tilespmem:$0x1DC00] =	vst v63  }
0x152: {  	s6 =	simm.s32 $0x10000;
	s18 =	simm.s32 $0x2D00;
	s24 =	sadd.s32 $0x60, s17  }
0x153: {  	[hbm4b:s24+s3] =	stream.linear.scatter [tilespmem:s18], [sflag:$0x3], $0x80, $0x38;
	[tilespmem:$0x1DC00] =	vst v63  }
0x154: {  	s7 =	simm.s32 $0x3100;
	s16 =	sadd.s32 $0x70, s17;
	s24 =	sadd.s32 $0x400, s17  }
.LBB2_7:
0x155: {  	[hbm4b:s16+s3] =	stream.linear.scatter [tilespmem:s7], [sflag:$0x3], $0x80, $0x38;
	[tilespmem:$0x1DC00] =	vst v63  }
0x156: {  	s7 =	smov.u32 s4;
	s4 =	smov.u32 s6  }
0x157: {  	s17 =	sadd.s32 $0x8000, s6;
	s4 =	sshra.s32 s4, $0x2;
	s16 =	sadd.s32 $0x1500, s7  }
0x158: {  	[hbm4b:s24+s3] =	stream.linear.scatter [tilespmem:s16], [sflag:$0x3], $0x80, $0x38;
	[tilespmem:$0x1DC00] =	vst v63  }
0x159: {  	p0 =	sne.s32 s6, $0x30000;
	s6 =	sadd.s32 $0x1900, s7;
	s16 =	sadd.s32 $0x10, s24  }
0x15a: {  	[hbm4b:s16+s3] =	stream.linear.scatter [tilespmem:s6], [sflag:$0x3], $0x80, $0x38;
	[tilespmem:$0x1DC00] =	vst v63  }
0x15b: {  	s6 =	sadd.s32 $0x1D00, s7;
	s16 =	sadd.s32 $0x20, s24  }
0x15c: {  	[hbm4b:s16+s3] =	stream.linear.scatter [tilespmem:s6], [sflag:$0x3], $0x80, $0x38;
	[tilespmem:$0x1DC00] =	vst v63  }
0x15d: {  	s6 =	sadd.s32 $0x2100, s7;
	s16 =	sadd.s32 $0x30, s24  }
0x15e: {  	[hbm4b:s16+s3] =	stream.linear.scatter [tilespmem:s6], [sflag:$0x3], $0x80, $0x38;
	[tilespmem:$0x1DC00] =	vst v63  }
0x15f: {  	s6 =	sadd.s32 $0x2500, s7;
	s16 =	sadd.s32 $0x40, s24  }
0x160: {  	[hbm4b:s16+s3] =	stream.linear.scatter [tilespmem:s6], [sflag:$0x3], $0x80, $0x38;
	[tilespmem:$0x1DC00] =	vst v63  }
.Ltmp4:
0x161: {  	s6 =	sadd.s32 $0x2900, s7;
	s16 =	sadd.s32 $0x50, s24;
	(pc) =	sbr.rel @p0 .LBB2_7-.Ltmp4, $4  }
0x162: {  	[hbm4b:s16+s3] =	stream.linear.scatter [tilespmem:s6], [sflag:$0x3], $0x80, $0x38;
	[tilespmem:$0x1DC00] =	vst v63  }
0x163: {  	s6 =	sadd.s32 $0x2D00, s7;
	s16 =	sadd.s32 $0x60, s24;
	s7 =	sadd.s32 $0x3100, s7  }
0x164: {  	[hbm4b:s16+s3] =	stream.linear.scatter [tilespmem:s6], [sflag:$0x3], $0x80, $0x38;
	[tilespmem:$0x1DC00] =	vst v63  }
0x165: {  	s16 =	sadd.s32 $0x70, s24;
	s24 =	sadd.s32 $0x400, s24;
	s6 =	smov.u32 s17  }
0x166: {  	[hbm4b:s16+s3] =	stream.linear.scatter [tilespmem:s7], [sflag:$0x3], $0x80, $0x38;
	[tilespmem:$0x1DC00] =	vst v63  }
0x167: {  	s6 =	sadd.s32 $0x1500, s4  }
0x168: {  	[hbm4b:s24+s3] =	stream.linear.scatter [tilespmem:s6], [sflag:$0x3], $0x80, $0x38;
	[tilespmem:$0x1DC00] =	vst v63  }
0x169: {  	s17 =	sadd.s32 $0x1900, s4;
	s18 =	sadd.s32 $0x10, s24  }
0x16a: {  	[hbm4b:s18+s3] =	stream.linear.scatter [tilespmem:s17], [sflag:$0x3], $0x80, $0x38;
	[tilespmem:$0x1DC00] =	vst v63  }
0x16b: {  	s7 =	sadd.s32 $0x1D00, s4;
	s16 =	sadd.s32 $0x20, s24  }
0x16c: {  	[hbm4b:s16+s3] =	stream.linear.scatter [tilespmem:s7], [sflag:$0x3], $0x80, $0x38;
	[tilespmem:$0x1DC00] =	vst v63  }
0x16d: {  	s17 =	sadd.s32 $0x2100, s4;
	s18 =	sadd.s32 $0x30, s24  }
0x16e: {  	[hbm4b:s18+s3] =	stream.linear.scatter [tilespmem:s17], [sflag:$0x3], $0x80, $0x38;
	[tilespmem:$0x1DC00] =	vst v63  }
0x16f: {  	s7 =	sadd.s32 $0x2500, s4;
	s16 =	sadd.s32 $0x40, s24  }
0x170: {  	[hbm4b:s16+s3] =	stream.linear.scatter [tilespmem:s7], [sflag:$0x3], $0x80, $0x38;
	[tilespmem:$0x1DC00] =	vst v63  }
0x171: {  	s17 =	sadd.s32 $0x2900, s4;
	s18 =	sadd.s32 $0x50, s24  }
0x172: {  	[hbm4b:s18+s3] =	stream.linear.scatter [tilespmem:s17], [sflag:$0x3], $0x80, $0x38;
	[tilespmem:$0x1DC00] =	vst v63  }
0x173: {  	s16 =	sadd.s32 $0x2D00, s4;
	s17 =	sadd.s32 $0x60, s24  }
0x174: {  	[hbm4b:s17+s3] =	stream.linear.scatter [tilespmem:s16], [sflag:$0x3], $0x80, $0x38;
	[tilespmem:$0x1DC00] =	vst v63  }
0x175: {  	s18 =	sadd.s32 $0x3100, s4;
	s24 =	sadd.s32 $0x70, s24  }
0x176: {  	[hbm4b:s24+s3] =	stream.linear.scatter [tilespmem:s18], [sflag:$0x3], $0x80, $0x38;
	[tilespmem:$0x1DC00] =	vst v63  }
0x177: {  	s6 =	simm.s32 $0x1580;
	s17 =	sadd.s32 s1, s11  }
0x178: {  	[hbm4b:s17+s3] =	stream.linear.scatter [tilespmem:s6], [sflag:$0x3], $0x80, $0x38;
	[tilespmem:$0x1DC00] =	vst v63  }
0x179: {  	s7 =	simm.s32 $0x1980;
	s16 =	sadd.s32 $0x10, s17  }
0x17a: {  	[hbm4b:s16+s3] =	stream.linear.scatter [tilespmem:s7], [sflag:$0x3], $0x80, $0x38;
	[tilespmem:$0x1DC00] =	vst v63  }
0x17b: {  	s18 =	simm.s32 $0x1D80;
	s24 =	sadd.s32 $0x20, s17  }
0x17c: {  	[hbm4b:s24+s3] =	stream.linear.scatter [tilespmem:s18], [sflag:$0x3], $0x80, $0x38;
	[tilespmem:$0x1DC00] =	vst v63  }
0x17d: {  	s7 =	simm.s32 $0x2180;
	s16 =	sadd.s32 $0x30, s17  }
0x17e: {  	[hbm4b:s16+s3] =	stream.linear.scatter [tilespmem:s7], [sflag:$0x3], $0x80, $0x38;
	[tilespmem:$0x1DC00] =	vst v63  }
0x17f: {  	s18 =	simm.s32 $0x2580;
	s24 =	sadd.s32 $0x40, s17  }
0x180: {  	[hbm4b:s24+s3] =	stream.linear.scatter [tilespmem:s18], [sflag:$0x3], $0x80, $0x38;
	[tilespmem:$0x1DC00] =	vst v63  }
0x181: {  	s4 =	simm.s32 $0x2000;
	s7 =	simm.s32 $0x2980;
	s16 =	sadd.s32 $0x50, s17  }
0x182: {  	[hbm4b:s16+s3] =	stream.linear.scatter [tilespmem:s7], [sflag:$0x3], $0x80, $0x38;
	[tilespmem:$0x1DC00] =	vst v63  }
0x183: {  	s6 =	simm.s32 $0x10000;
	s18 =	simm.s32 $0x2D80;
	s24 =	sadd.s32 $0x60, s17  }
0x184: {  	[hbm4b:s24+s3] =	stream.linear.scatter [tilespmem:s18], [sflag:$0x3], $0x80, $0x38;
	[tilespmem:$0x1DC00] =	vst v63  }
0x185: {  	s7 =	simm.s32 $0x3180;
	s16 =	sadd.s32 $0x70, s17;
	s24 =	sadd.s32 $0x400, s17  }
.LBB2_9:
0x186: {  	[hbm4b:s16+s3] =	stream.linear.scatter [tilespmem:s7], [sflag:$0x3], $0x80, $0x38;
	[tilespmem:$0x1DC00] =	vst v63  }
0x187: {  	s7 =	smov.u32 s4;
	s4 =	smov.u32 s6  }
0x188: {  	s17 =	sadd.s32 $0x8000, s6;
	s4 =	sshra.s32 s4, $0x2;
	s16 =	sadd.s32 $0x1580, s7  }
0x189: {  	[hbm4b:s24+s3] =	stream.linear.scatter [tilespmem:s16], [sflag:$0x3], $0x80, $0x38;
	[tilespmem:$0x1DC00] =	vst v63  }
0x18a: {  	p0 =	sne.s32 s6, $0x30000;
	s6 =	sadd.s32 $0x1980, s7;
	s16 =	sadd.s32 $0x10, s24  }
0x18b: {  	[hbm4b:s16+s3] =	stream.linear.scatter [tilespmem:s6], [sflag:$0x3], $0x80, $0x38;
	[tilespmem:$0x1DC00] =	vst v63  }
0x18c: {  	s6 =	sadd.s32 $0x1D80, s7;
	s16 =	sadd.s32 $0x20, s24  }
0x18d: {  	[hbm4b:s16+s3] =	stream.linear.scatter [tilespmem:s6], [sflag:$0x3], $0x80, $0x38;
	[tilespmem:$0x1DC00] =	vst v63  }
0x18e: {  	s6 =	sadd.s32 $0x2180, s7;
	s16 =	sadd.s32 $0x30, s24  }
0x18f: {  	[hbm4b:s16+s3] =	stream.linear.scatter [tilespmem:s6], [sflag:$0x3], $0x80, $0x38;
	[tilespmem:$0x1DC00] =	vst v63  }
0x190: {  	s6 =	sadd.s32 $0x2580, s7;
	s16 =	sadd.s32 $0x40, s24  }
0x191: {  	[hbm4b:s16+s3] =	stream.linear.scatter [tilespmem:s6], [sflag:$0x3], $0x80, $0x38;
	[tilespmem:$0x1DC00] =	vst v63  }
.Ltmp5:
0x192: {  	s6 =	sadd.s32 $0x2980, s7;
	s16 =	sadd.s32 $0x50, s24;
	(pc) =	sbr.rel @p0 .LBB2_9-.Ltmp5, $4  }
0x193: {  	[hbm4b:s16+s3] =	stream.linear.scatter [tilespmem:s6], [sflag:$0x3], $0x80, $0x38;
	[tilespmem:$0x1DC00] =	vst v63  }
0x194: {  	s6 =	sadd.s32 $0x2D80, s7;
	s16 =	sadd.s32 $0x60, s24;
	s7 =	sadd.s32 $0x3180, s7  }
0x195: {  	[hbm4b:s16+s3] =	stream.linear.scatter [tilespmem:s6], [sflag:$0x3], $0x80, $0x38;
	[tilespmem:$0x1DC00] =	vst v63  }
0x196: {  	s16 =	sadd.s32 $0x70, s24;
	s24 =	sadd.s32 $0x400, s24;
	s6 =	smov.u32 s17  }
0x197: {  	[hbm4b:s16+s3] =	stream.linear.scatter [tilespmem:s7], [sflag:$0x3], $0x80, $0x38;
	[tilespmem:$0x1DC00] =	vst v63  }
0x198: {  	s6 =	sadd.s32 $0x1580, s4  }
0x199: {  	[hbm4b:s24+s3] =	stream.linear.scatter [tilespmem:s6], [sflag:$0x3], $0x80, $0x38;
	[tilespmem:$0x1DC00] =	vst v63  }
0x19a: {  	s17 =	sadd.s32 $0x1980, s4;
	s18 =	sadd.s32 $0x10, s24  }
0x19b: {  	[hbm4b:s18+s3] =	stream.linear.scatter [tilespmem:s17], [sflag:$0x3], $0x80, $0x38;
	[tilespmem:$0x1DC00] =	vst v63  }
0x19c: {  	s7 =	sadd.s32 $0x1D80, s4;
	s16 =	sadd.s32 $0x20, s24  }
0x19d: {  	[hbm4b:s16+s3] =	stream.linear.scatter [tilespmem:s7], [sflag:$0x3], $0x80, $0x38;
	[tilespmem:$0x1DC00] =	vst v63  }
0x19e: {  	s17 =	sadd.s32 $0x2180, s4;
	s18 =	sadd.s32 $0x30, s24  }
0x19f: {  	[hbm4b:s18+s3] =	stream.linear.scatter [tilespmem:s17], [sflag:$0x3], $0x80, $0x38;
	[tilespmem:$0x1DC00] =	vst v63  }
0x1a0: {  	s7 =	sadd.s32 $0x2580, s4;
	s16 =	sadd.s32 $0x40, s24  }
0x1a1: {  	[hbm4b:s16+s3] =	stream.linear.scatter [tilespmem:s7], [sflag:$0x3], $0x80, $0x38;
	[tilespmem:$0x1DC00] =	vst v63  }
0x1a2: {  	s17 =	sadd.s32 $0x2980, s4;
	s18 =	sadd.s32 $0x50, s24  }
0x1a3: {  	[hbm4b:s18+s3] =	stream.linear.scatter [tilespmem:s17], [sflag:$0x3], $0x80, $0x38;
	[tilespmem:$0x1DC00] =	vst v63  }
0x1a4: {  	s16 =	sadd.s32 $0x2D80, s4;
	s17 =	sadd.s32 $0x60, s24  }
0x1a5: {  	[hbm4b:s17+s3] =	stream.linear.scatter [tilespmem:s16], [sflag:$0x3], $0x80, $0x38;
	[tilespmem:$0x1DC00] =	vst v63  }
0x1a6: {  	s18 =	sadd.s32 $0x3180, s4;
	s24 =	sadd.s32 $0x70, s24  }
0x1a7: {  	[hbm4b:s24+s3] =	stream.linear.scatter [tilespmem:s18], [sflag:$0x3], $0x80, $0x38;
	[tilespmem:$0x1DC00] =	vst v63  }
0x1a8: {  	s6 =	simm.s32 $0x1600;
	s17 =	sadd.s32 s1, s12  }
0x1a9: {  	[hbm4b:s17+s3] =	stream.linear.scatter [tilespmem:s6], [sflag:$0x3], $0x80, $0x38;
	[tilespmem:$0x1DC00] =	vst v63  }
0x1aa: {  	s7 =	simm.s32 $0x1A00;
	s16 =	sadd.s32 $0x10, s17  }
0x1ab: {  	[hbm4b:s16+s3] =	stream.linear.scatter [tilespmem:s7], [sflag:$0x3], $0x80, $0x38;
	[tilespmem:$0x1DC00] =	vst v63  }
0x1ac: {  	s18 =	simm.s32 $0x1E00;
	s24 =	sadd.s32 $0x20, s17  }
0x1ad: {  	[hbm4b:s24+s3] =	stream.linear.scatter [tilespmem:s18], [sflag:$0x3], $0x80, $0x38;
	[tilespmem:$0x1DC00] =	vst v63  }
0x1ae: {  	s7 =	simm.s32 $0x2200;
	s16 =	sadd.s32 $0x30, s17  }
0x1af: {  	[hbm4b:s16+s3] =	stream.linear.scatter [tilespmem:s7], [sflag:$0x3], $0x80, $0x38;
	[tilespmem:$0x1DC00] =	vst v63  }
0x1b0: {  	s18 =	simm.s32 $0x2600;
	s24 =	sadd.s32 $0x40, s17  }
0x1b1: {  	[hbm4b:s24+s3] =	stream.linear.scatter [tilespmem:s18], [sflag:$0x3], $0x80, $0x38;
	[tilespmem:$0x1DC00] =	vst v63  }
0x1b2: {  	s4 =	simm.s32 $0x2000;
	s7 =	simm.s32 $0x2A00;
	s16 =	sadd.s32 $0x50, s17  }
0x1b3: {  	[hbm4b:s16+s3] =	stream.linear.scatter [tilespmem:s7], [sflag:$0x3], $0x80, $0x38;
	[tilespmem:$0x1DC00] =	vst v63  }
0x1b4: {  	s6 =	simm.s32 $0x10000;
	s18 =	simm.s32 $0x2E00;
	s24 =	sadd.s32 $0x60, s17  }
0x1b5: {  	[hbm4b:s24+s3] =	stream.linear.scatter [tilespmem:s18], [sflag:$0x3], $0x80, $0x38;
	[tilespmem:$0x1DC00] =	vst v63  }
0x1b6: {  	s7 =	simm.s32 $0x3200;
	s16 =	sadd.s32 $0x70, s17;
	s24 =	sadd.s32 $0x400, s17  }
.LBB2_11:
0x1b7: {  	[hbm4b:s16+s3] =	stream.linear.scatter [tilespmem:s7], [sflag:$0x3], $0x80, $0x38;
	[tilespmem:$0x1DC00] =	vst v63  }
0x1b8: {  	s7 =	smov.u32 s4;
	s4 =	smov.u32 s6  }
0x1b9: {  	s17 =	sadd.s32 $0x8000, s6;
	s4 =	sshra.s32 s4, $0x2;
	s16 =	sadd.s32 $0x1600, s7  }
0x1ba: {  	[hbm4b:s24+s3] =	stream.linear.scatter [tilespmem:s16], [sflag:$0x3], $0x80, $0x38;
	[tilespmem:$0x1DC00] =	vst v63  }
0x1bb: {  	p0 =	sne.s32 s6, $0x30000;
	s6 =	sadd.s32 $0x1A00, s7;
	s16 =	sadd.s32 $0x10, s24  }
0x1bc: {  	[hbm4b:s16+s3] =	stream.linear.scatter [tilespmem:s6], [sflag:$0x3], $0x80, $0x38;
	[tilespmem:$0x1DC00] =	vst v63  }
0x1bd: {  	s6 =	sadd.s32 $0x1E00, s7;
	s16 =	sadd.s32 $0x20, s24  }
0x1be: {  	[hbm4b:s16+s3] =	stream.linear.scatter [tilespmem:s6], [sflag:$0x3], $0x80, $0x38;
	[tilespmem:$0x1DC00] =	vst v63  }
0x1bf: {  	s6 =	sadd.s32 $0x2200, s7;
	s16 =	sadd.s32 $0x30, s24  }
0x1c0: {  	[hbm4b:s16+s3] =	stream.linear.scatter [tilespmem:s6], [sflag:$0x3], $0x80, $0x38;
	[tilespmem:$0x1DC00] =	vst v63  }
0x1c1: {  	s6 =	sadd.s32 $0x2600, s7;
	s16 =	sadd.s32 $0x40, s24  }
0x1c2: {  	[hbm4b:s16+s3] =	stream.linear.scatter [tilespmem:s6], [sflag:$0x3], $0x80, $0x38;
	[tilespmem:$0x1DC00] =	vst v63  }
.Ltmp6:
0x1c3: {  	s6 =	sadd.s32 $0x2A00, s7;
	s16 =	sadd.s32 $0x50, s24;
	(pc) =	sbr.rel @p0 .LBB2_11-.Ltmp6, $4  }
0x1c4: {  	[hbm4b:s16+s3] =	stream.linear.scatter [tilespmem:s6], [sflag:$0x3], $0x80, $0x38;
	[tilespmem:$0x1DC00] =	vst v63  }
0x1c5: {  	s6 =	sadd.s32 $0x2E00, s7;
	s16 =	sadd.s32 $0x60, s24;
	s7 =	sadd.s32 $0x3200, s7  }
0x1c6: {  	[hbm4b:s16+s3] =	stream.linear.scatter [tilespmem:s6], [sflag:$0x3], $0x80, $0x38;
	[tilespmem:$0x1DC00] =	vst v63  }
0x1c7: {  	s16 =	sadd.s32 $0x70, s24;
	s24 =	sadd.s32 $0x400, s24;
	s6 =	smov.u32 s17  }
0x1c8: {  	[hbm4b:s16+s3] =	stream.linear.scatter [tilespmem:s7], [sflag:$0x3], $0x80, $0x38;
	[tilespmem:$0x1DC00] =	vst v63  }
0x1c9: {  	s6 =	sadd.s32 $0x1600, s4  }
0x1ca: {  	[hbm4b:s24+s3] =	stream.linear.scatter [tilespmem:s6], [sflag:$0x3], $0x80, $0x38;
	[tilespmem:$0x1DC00] =	vst v63  }
0x1cb: {  	s17 =	sadd.s32 $0x1A00, s4;
	s18 =	sadd.s32 $0x10, s24  }
0x1cc: {  	[hbm4b:s18+s3] =	stream.linear.scatter [tilespmem:s17], [sflag:$0x3], $0x80, $0x38;
	[tilespmem:$0x1DC00] =	vst v63  }
0x1cd: {  	s7 =	sadd.s32 $0x1E00, s4;
	s16 =	sadd.s32 $0x20, s24  }
0x1ce: {  	[hbm4b:s16+s3] =	stream.linear.scatter [tilespmem:s7], [sflag:$0x3], $0x80, $0x38;
	[tilespmem:$0x1DC00] =	vst v63  }
0x1cf: {  	s17 =	sadd.s32 $0x2200, s4;
	s18 =	sadd.s32 $0x30, s24  }
0x1d0: {  	[hbm4b:s18+s3] =	stream.linear.scatter [tilespmem:s17], [sflag:$0x3], $0x80, $0x38;
	[tilespmem:$0x1DC00] =	vst v63  }
0x1d1: {  	s7 =	sadd.s32 $0x2600, s4;
	s16 =	sadd.s32 $0x40, s24  }
0x1d2: {  	[hbm4b:s16+s3] =	stream.linear.scatter [tilespmem:s7], [sflag:$0x3], $0x80, $0x38;
	[tilespmem:$0x1DC00] =	vst v63  }
0x1d3: {  	s17 =	sadd.s32 $0x2A00, s4;
	s18 =	sadd.s32 $0x50, s24  }
0x1d4: {  	[hbm4b:s18+s3] =	stream.linear.scatter [tilespmem:s17], [sflag:$0x3], $0x80, $0x38;
	[tilespmem:$0x1DC00] =	vst v63  }
0x1d5: {  	s16 =	sadd.s32 $0x2E00, s4;
	s17 =	sadd.s32 $0x60, s24  }
0x1d6: {  	[hbm4b:s17+s3] =	stream.linear.scatter [tilespmem:s16], [sflag:$0x3], $0x80, $0x38;
	[tilespmem:$0x1DC00] =	vst v63  }
0x1d7: {  	s18 =	sadd.s32 $0x3200, s4;
	s24 =	sadd.s32 $0x70, s24  }
0x1d8: {  	[hbm4b:s24+s3] =	stream.linear.scatter [tilespmem:s18], [sflag:$0x3], $0x80, $0x38;
	[tilespmem:$0x1DC00] =	vst v63  }
0x1d9: {  	s6 =	simm.s32 $0x1680;
	s17 =	sadd.s32 s1, s13  }
0x1da: {  	[hbm4b:s17+s3] =	stream.linear.scatter [tilespmem:s6], [sflag:$0x3], $0x80, $0x38;
	[tilespmem:$0x1DC00] =	vst v63  }
0x1db: {  	s7 =	simm.s32 $0x1A80;
	s16 =	sadd.s32 $0x10, s17  }
0x1dc: {  	[hbm4b:s16+s3] =	stream.linear.scatter [tilespmem:s7], [sflag:$0x3], $0x80, $0x38;
	[tilespmem:$0x1DC00] =	vst v63  }
0x1dd: {  	s18 =	simm.s32 $0x1E80;
	s24 =	sadd.s32 $0x20, s17  }
0x1de: {  	[hbm4b:s24+s3] =	stream.linear.scatter [tilespmem:s18], [sflag:$0x3], $0x80, $0x38;
	[tilespmem:$0x1DC00] =	vst v63  }
0x1df: {  	s7 =	simm.s32 $0x2280;
	s16 =	sadd.s32 $0x30, s17  }
0x1e0: {  	[hbm4b:s16+s3] =	stream.linear.scatter [tilespmem:s7], [sflag:$0x3], $0x80, $0x38;
	[tilespmem:$0x1DC00] =	vst v63  }
0x1e1: {  	s18 =	simm.s32 $0x2680;
	s24 =	sadd.s32 $0x40, s17  }
0x1e2: {  	[hbm4b:s24+s3] =	stream.linear.scatter [tilespmem:s18], [sflag:$0x3], $0x80, $0x38;
	[tilespmem:$0x1DC00] =	vst v63  }
0x1e3: {  	s4 =	simm.s32 $0x2000;
	s7 =	simm.s32 $0x2A80;
	s16 =	sadd.s32 $0x50, s17  }
0x1e4: {  	[hbm4b:s16+s3] =	stream.linear.scatter [tilespmem:s7], [sflag:$0x3], $0x80, $0x38;
	[tilespmem:$0x1DC00] =	vst v63  }
0x1e5: {  	s6 =	simm.s32 $0x10000;
	s18 =	simm.s32 $0x2E80;
	s24 =	sadd.s32 $0x60, s17  }
0x1e6: {  	[hbm4b:s24+s3] =	stream.linear.scatter [tilespmem:s18], [sflag:$0x3], $0x80, $0x38;
	[tilespmem:$0x1DC00] =	vst v63  }
0x1e7: {  	s7 =	simm.s32 $0x3280;
	s16 =	sadd.s32 $0x70, s17;
	s24 =	sadd.s32 $0x400, s17  }
.LBB2_13:
0x1e8: {  	[hbm4b:s16+s3] =	stream.linear.scatter [tilespmem:s7], [sflag:$0x3], $0x80, $0x38;
	[tilespmem:$0x1DC00] =	vst v63  }
0x1e9: {  	s7 =	smov.u32 s4;
	s4 =	smov.u32 s6  }
0x1ea: {  	s17 =	sadd.s32 $0x8000, s6;
	s4 =	sshra.s32 s4, $0x2;
	s16 =	sadd.s32 $0x1680, s7  }
0x1eb: {  	[hbm4b:s24+s3] =	stream.linear.scatter [tilespmem:s16], [sflag:$0x3], $0x80, $0x38;
	[tilespmem:$0x1DC00] =	vst v63  }
0x1ec: {  	p0 =	sne.s32 s6, $0x30000;
	s6 =	sadd.s32 $0x1A80, s7;
	s16 =	sadd.s32 $0x10, s24  }
0x1ed: {  	[hbm4b:s16+s3] =	stream.linear.scatter [tilespmem:s6], [sflag:$0x3], $0x80, $0x38;
	[tilespmem:$0x1DC00] =	vst v63  }
0x1ee: {  	s6 =	sadd.s32 $0x1E80, s7;
	s16 =	sadd.s32 $0x20, s24  }
0x1ef: {  	[hbm4b:s16+s3] =	stream.linear.scatter [tilespmem:s6], [sflag:$0x3], $0x80, $0x38;
	[tilespmem:$0x1DC00] =	vst v63  }
0x1f0: {  	s6 =	sadd.s32 $0x2280, s7;
	s16 =	sadd.s32 $0x30, s24  }
0x1f1: {  	[hbm4b:s16+s3] =	stream.linear.scatter [tilespmem:s6], [sflag:$0x3], $0x80, $0x38;
	[tilespmem:$0x1DC00] =	vst v63  }
0x1f2: {  	s6 =	sadd.s32 $0x2680, s7;
	s16 =	sadd.s32 $0x40, s24  }
0x1f3: {  	[hbm4b:s16+s3] =	stream.linear.scatter [tilespmem:s6], [sflag:$0x3], $0x80, $0x38;
	[tilespmem:$0x1DC00] =	vst v63  }
.Ltmp7:
0x1f4: {  	s6 =	sadd.s32 $0x2A80, s7;
	s16 =	sadd.s32 $0x50, s24;
	(pc) =	sbr.rel @p0 .LBB2_13-.Ltmp7, $4  }
0x1f5: {  	[hbm4b:s16+s3] =	stream.linear.scatter [tilespmem:s6], [sflag:$0x3], $0x80, $0x38;
	[tilespmem:$0x1DC00] =	vst v63  }
0x1f6: {  	s6 =	sadd.s32 $0x2E80, s7;
	s16 =	sadd.s32 $0x60, s24;
	s7 =	sadd.s32 $0x3280, s7  }
0x1f7: {  	[hbm4b:s16+s3] =	stream.linear.scatter [tilespmem:s6], [sflag:$0x3], $0x80, $0x38;
	[tilespmem:$0x1DC00] =	vst v63  }
0x1f8: {  	s16 =	sadd.s32 $0x70, s24;
	s24 =	sadd.s32 $0x400, s24;
	s6 =	smov.u32 s17  }
0x1f9: {  	[hbm4b:s16+s3] =	stream.linear.scatter [tilespmem:s7], [sflag:$0x3], $0x80, $0x38;
	[tilespmem:$0x1DC00] =	vst v63  }
0x1fa: {  	s6 =	sadd.s32 $0x1680, s4  }
0x1fb: {  	[hbm4b:s24+s3] =	stream.linear.scatter [tilespmem:s6], [sflag:$0x3], $0x80, $0x38;
	[tilespmem:$0x1DC00] =	vst v63  }
0x1fc: {  	s17 =	sadd.s32 $0x1A80, s4;
	s18 =	sadd.s32 $0x10, s24  }
0x1fd: {  	[hbm4b:s18+s3] =	stream.linear.scatter [tilespmem:s17], [sflag:$0x3], $0x80, $0x38;
	[tilespmem:$0x1DC00] =	vst v63  }
0x1fe: {  	s7 =	sadd.s32 $0x1E80, s4;
	s16 =	sadd.s32 $0x20, s24  }
0x1ff: {  	[hbm4b:s16+s3] =	stream.linear.scatter [tilespmem:s7], [sflag:$0x3], $0x80, $0x38;
	[tilespmem:$0x1DC00] =	vst v63  }
0x200: {  	s17 =	sadd.s32 $0x2280, s4;
	s18 =	sadd.s32 $0x30, s24  }
0x201: {  	[hbm4b:s18+s3] =	stream.linear.scatter [tilespmem:s17], [sflag:$0x3], $0x80, $0x38;
	[tilespmem:$0x1DC00] =	vst v63  }
0x202: {  	s7 =	sadd.s32 $0x2680, s4;
	s16 =	sadd.s32 $0x40, s24  }
0x203: {  	[hbm4b:s16+s3] =	stream.linear.scatter [tilespmem:s7], [sflag:$0x3], $0x80, $0x38;
	[tilespmem:$0x1DC00] =	vst v63  }
0x204: {  	s17 =	sadd.s32 $0x2A80, s4;
	s18 =	sadd.s32 $0x50, s24  }
0x205: {  	[hbm4b:s18+s3] =	stream.linear.scatter [tilespmem:s17], [sflag:$0x3], $0x80, $0x38;
	[tilespmem:$0x1DC00] =	vst v63  }
0x206: {  	s16 =	sadd.s32 $0x2E80, s4;
	s17 =	sadd.s32 $0x60, s24  }
0x207: {  	[hbm4b:s17+s3] =	stream.linear.scatter [tilespmem:s16], [sflag:$0x3], $0x80, $0x38;
	[tilespmem:$0x1DC00] =	vst v63  }
0x208: {  	s18 =	sadd.s32 $0x3280, s4;
	s24 =	sadd.s32 $0x70, s24  }
0x209: {  	[hbm4b:s24+s3] =	stream.linear.scatter [tilespmem:s18], [sflag:$0x3], $0x80, $0x38;
	[tilespmem:$0x1DC00] =	vst v63  }
0x20a: {  	s6 =	simm.s32 $0x1700;
	s17 =	sadd.s32 s1, s14  }
0x20b: {  	[hbm4b:s17+s3] =	stream.linear.scatter [tilespmem:s6], [sflag:$0x3], $0x80, $0x38;
	[tilespmem:$0x1DC00] =	vst v63  }
0x20c: {  	s7 =	simm.s32 $0x1B00;
	s16 =	sadd.s32 $0x10, s17  }
0x20d: {  	[hbm4b:s16+s3] =	stream.linear.scatter [tilespmem:s7], [sflag:$0x3], $0x80, $0x38;
	[tilespmem:$0x1DC00] =	vst v63  }
0x20e: {  	s18 =	simm.s32 $0x1F00;
	s24 =	sadd.s32 $0x20, s17  }
0x20f: {  	[hbm4b:s24+s3] =	stream.linear.scatter [tilespmem:s18], [sflag:$0x3], $0x80, $0x38;
	[tilespmem:$0x1DC00] =	vst v63  }
0x210: {  	s7 =	simm.s32 $0x2300;
	s16 =	sadd.s32 $0x30, s17  }
0x211: {  	[hbm4b:s16+s3] =	stream.linear.scatter [tilespmem:s7], [sflag:$0x3], $0x80, $0x38;
	[tilespmem:$0x1DC00] =	vst v63  }
0x212: {  	s18 =	simm.s32 $0x2700;
	s24 =	sadd.s32 $0x40, s17  }
0x213: {  	[hbm4b:s24+s3] =	stream.linear.scatter [tilespmem:s18], [sflag:$0x3], $0x80, $0x38;
	[tilespmem:$0x1DC00] =	vst v63  }
0x214: {  	s4 =	simm.s32 $0x2000;
	s7 =	simm.s32 $0x2B00;
	s16 =	sadd.s32 $0x50, s17  }
0x215: {  	[hbm4b:s16+s3] =	stream.linear.scatter [tilespmem:s7], [sflag:$0x3], $0x80, $0x38;
	[tilespmem:$0x1DC00] =	vst v63  }
0x216: {  	s6 =	simm.s32 $0x10000;
	s18 =	simm.s32 $0x2F00;
	s24 =	sadd.s32 $0x60, s17  }
0x217: {  	[hbm4b:s24+s3] =	stream.linear.scatter [tilespmem:s18], [sflag:$0x3], $0x80, $0x38;
	[tilespmem:$0x1DC00] =	vst v63  }
0x218: {  	s7 =	simm.s32 $0x3300;
	s16 =	sadd.s32 $0x70, s17;
	s24 =	sadd.s32 $0x400, s17  }
.LBB2_15:
0x219: {  	[hbm4b:s16+s3] =	stream.linear.scatter [tilespmem:s7], [sflag:$0x3], $0x80, $0x38;
	[tilespmem:$0x1DC00] =	vst v63  }
0x21a: {  	s7 =	smov.u32 s4;
	s4 =	smov.u32 s6  }
0x21b: {  	s17 =	sadd.s32 $0x8000, s6;
	s4 =	sshra.s32 s4, $0x2;
	s16 =	sadd.s32 $0x1700, s7  }
0x21c: {  	[hbm4b:s24+s3] =	stream.linear.scatter [tilespmem:s16], [sflag:$0x3], $0x80, $0x38;
	[tilespmem:$0x1DC00] =	vst v63  }
0x21d: {  	p0 =	sne.s32 s6, $0x30000;
	s6 =	sadd.s32 $0x1B00, s7;
	s16 =	sadd.s32 $0x10, s24  }
0x21e: {  	[hbm4b:s16+s3] =	stream.linear.scatter [tilespmem:s6], [sflag:$0x3], $0x80, $0x38;
	[tilespmem:$0x1DC00] =	vst v63  }
0x21f: {  	s6 =	sadd.s32 $0x1F00, s7;
	s16 =	sadd.s32 $0x20, s24  }
0x220: {  	[hbm4b:s16+s3] =	stream.linear.scatter [tilespmem:s6], [sflag:$0x3], $0x80, $0x38;
	[tilespmem:$0x1DC00] =	vst v63  }
0x221: {  	s6 =	sadd.s32 $0x2300, s7;
	s16 =	sadd.s32 $0x30, s24  }
0x222: {  	[hbm4b:s16+s3] =	stream.linear.scatter [tilespmem:s6], [sflag:$0x3], $0x80, $0x38;
	[tilespmem:$0x1DC00] =	vst v63  }
0x223: {  	s6 =	sadd.s32 $0x2700, s7;
	s16 =	sadd.s32 $0x40, s24  }
0x224: {  	[hbm4b:s16+s3] =	stream.linear.scatter [tilespmem:s6], [sflag:$0x3], $0x80, $0x38;
	[tilespmem:$0x1DC00] =	vst v63  }
.Ltmp8:
0x225: {  	s6 =	sadd.s32 $0x2B00, s7;
	s16 =	sadd.s32 $0x50, s24;
	(pc) =	sbr.rel @p0 .LBB2_15-.Ltmp8, $4  }
0x226: {  	[hbm4b:s16+s3] =	stream.linear.scatter [tilespmem:s6], [sflag:$0x3], $0x80, $0x38;
	[tilespmem:$0x1DC00] =	vst v63  }
0x227: {  	s6 =	sadd.s32 $0x2F00, s7;
	s16 =	sadd.s32 $0x60, s24;
	s7 =	sadd.s32 $0x3300, s7  }
0x228: {  	[hbm4b:s16+s3] =	stream.linear.scatter [tilespmem:s6], [sflag:$0x3], $0x80, $0x38;
	[tilespmem:$0x1DC00] =	vst v63  }
0x229: {  	s16 =	sadd.s32 $0x70, s24;
	s24 =	sadd.s32 $0x400, s24;
	s6 =	smov.u32 s17  }
0x22a: {  	[hbm4b:s16+s3] =	stream.linear.scatter [tilespmem:s7], [sflag:$0x3], $0x80, $0x38;
	[tilespmem:$0x1DC00] =	vst v63  }
0x22b: {  	s6 =	sadd.s32 $0x1700, s4  }
0x22c: {  	[hbm4b:s24+s3] =	stream.linear.scatter [tilespmem:s6], [sflag:$0x3], $0x80, $0x38;
	[tilespmem:$0x1DC00] =	vst v63  }
0x22d: {  	s17 =	sadd.s32 $0x1B00, s4;
	s18 =	sadd.s32 $0x10, s24  }
0x22e: {  	[hbm4b:s18+s3] =	stream.linear.scatter [tilespmem:s17], [sflag:$0x3], $0x80, $0x38;
	[tilespmem:$0x1DC00] =	vst v63  }
0x22f: {  	s7 =	sadd.s32 $0x1F00, s4;
	s16 =	sadd.s32 $0x20, s24  }
0x230: {  	[hbm4b:s16+s3] =	stream.linear.scatter [tilespmem:s7], [sflag:$0x3], $0x80, $0x38;
	[tilespmem:$0x1DC00] =	vst v63  }
0x231: {  	s17 =	sadd.s32 $0x2300, s4;
	s18 =	sadd.s32 $0x30, s24  }
0x232: {  	[hbm4b:s18+s3] =	stream.linear.scatter [tilespmem:s17], [sflag:$0x3], $0x80, $0x38;
	[tilespmem:$0x1DC00] =	vst v63  }
0x233: {  	s7 =	sadd.s32 $0x2700, s4;
	s16 =	sadd.s32 $0x40, s24  }
0x234: {  	[hbm4b:s16+s3] =	stream.linear.scatter [tilespmem:s7], [sflag:$0x3], $0x80, $0x38;
	[tilespmem:$0x1DC00] =	vst v63  }
0x235: {  	s17 =	sadd.s32 $0x2B00, s4;
	s18 =	sadd.s32 $0x50, s24  }
0x236: {  	[hbm4b:s18+s3] =	stream.linear.scatter [tilespmem:s17], [sflag:$0x3], $0x80, $0x38;
	[tilespmem:$0x1DC00] =	vst v63  }
0x237: {  	s7 =	sadd.s32 $0x2F00, s4;
	s16 =	sadd.s32 $0x60, s24  }
0x238: {  	[hbm4b:s16+s3] =	stream.linear.scatter [tilespmem:s7], [sflag:$0x3], $0x80, $0x38;
	[tilespmem:$0x1DC00] =	vst v63  }
0x239: {  	s17 =	sadd.s32 $0x3300, s4;
	s18 =	sadd.s32 $0x70, s24  }
0x23a: {  	[hbm4b:s18+s3] =	stream.linear.scatter [tilespmem:s17], [sflag:$0x3], $0x80, $0x38;
	[tilespmem:$0x1DC00] =	vst v63  }
0x23b: {  	s4 =	sadd.s32 s1, s15;
	s24 =	simm.s32 $0x1780  }
0x23c: {  	[hbm4b:s4+s3] =	stream.linear.scatter [tilespmem:s24], [sflag:$0x3], $0x80, $0x38;
	[tilespmem:$0x1DC00] =	vst v63  }
0x23d: {  	s6 =	simm.s32 $0x1B80;
	s7 =	sadd.s32 $0x10, s4  }
0x23e: {  	[hbm4b:s7+s3] =	stream.linear.scatter [tilespmem:s6], [sflag:$0x3], $0x80, $0x38;
	[tilespmem:$0x1DC00] =	vst v63  }
0x23f: {  	s1 =	simm.s32 $0x2000;
	s16 =	simm.s32 $0x1F80;
	s17 =	sadd.s32 $0x20, s4  }
0x240: {  	[hbm4b:s17+s3] =	stream.linear.scatter [tilespmem:s16], [sflag:$0x3], $0x80, $0x38;
	[tilespmem:$0x1DC00] =	vst v63  }
0x241: {  	s18 =	simm.s32 $0x2380;
	s24 =	sadd.s32 $0x30, s4;
	s6 =	simm.s32 $0x2780  }
0x242: {  	[hbm4b:s24+s3] =	stream.linear.scatter [tilespmem:s18], [sflag:$0x3], $0x80, $0x38;
	[tilespmem:$0x1DC00] =	vst v63  }
0x243: {  	s7 =	sadd.s32 $0x40, s4;
	s16 =	simm.s32 $0x2B80;
	s17 =	sadd.s32 $0x50, s4  }
0x244: {  	[hbm4b:s7+s3] =	stream.linear.scatter [tilespmem:s6], [sflag:$0x3], $0x80, $0x38;
	[tilespmem:$0x1DC00] =	vst v63  }
0x245: {  	s18 =	simm.s32 $0x2F80;
	s24 =	sadd.s32 $0x60, s4;
	s6 =	simm.s32 $0x10000  }
0x246: {  	[hbm4b:s17+s3] =	stream.linear.scatter [tilespmem:s16], [sflag:$0x3], $0x80, $0x38;
	[tilespmem:$0x1DC00] =	vst v63  }
0x247: {  	s7 =	simm.s32 $0x3380;
	s16 =	sadd.s32 $0x70, s4;
	s4 =	sadd.s32 $0x400, s4  }
0x248: {  	[hbm4b:s24+s3] =	stream.linear.scatter [tilespmem:s18], [sflag:$0x3], $0x80, $0x38;
	[tilespmem:$0x1DC00] =	vst v63  }
.LBB2_17:
0x249: {  	[hbm4b:s16+s3] =	stream.linear.scatter [tilespmem:s7], [sflag:$0x3], $0x80, $0x38;
	[tilespmem:$0x1DC00] =	vst v63  }
0x24a: {  	s7 =	smov.u32 s1;
	s1 =	smov.u32 s6  }
0x24b: {  	s17 =	sadd.s32 $0x8000, s6;
	s1 =	sshra.s32 s1, $0x2;
	s16 =	sadd.s32 $0x1780, s7  }
0x24c: {  	[hbm4b:s4+s3] =	stream.linear.scatter [tilespmem:s16], [sflag:$0x3], $0x80, $0x38;
	[tilespmem:$0x1DC00] =	vst v63  }
0x24d: {  	p0 =	sne.s32 s6, $0x30000;
	s6 =	sadd.s32 $0x1B80, s7;
	s16 =	sadd.s32 $0x10, s4  }
0x24e: {  	[hbm4b:s16+s3] =	stream.linear.scatter [tilespmem:s6], [sflag:$0x3], $0x80, $0x38;
	[tilespmem:$0x1DC00] =	vst v63  }
0x24f: {  	s6 =	sadd.s32 $0x1F80, s7;
	s16 =	sadd.s32 $0x20, s4  }
0x250: {  	[hbm4b:s16+s3] =	stream.linear.scatter [tilespmem:s6], [sflag:$0x3], $0x80, $0x38;
	[tilespmem:$0x1DC00] =	vst v63  }
0x251: {  	s6 =	sadd.s32 $0x2380, s7;
	s16 =	sadd.s32 $0x30, s4  }
0x252: {  	[hbm4b:s16+s3] =	stream.linear.scatter [tilespmem:s6], [sflag:$0x3], $0x80, $0x38;
	[tilespmem:$0x1DC00] =	vst v63  }
0x253: {  	s6 =	sadd.s32 $0x2780, s7;
	s16 =	sadd.s32 $0x40, s4  }
0x254: {  	[hbm4b:s16+s3] =	stream.linear.scatter [tilespmem:s6], [sflag:$0x3], $0x80, $0x38;
	[tilespmem:$0x1DC00] =	vst v63  }
.Ltmp9:
0x255: {  	s6 =	sadd.s32 $0x2B80, s7;
	s16 =	sadd.s32 $0x50, s4;
	(pc) =	sbr.rel @p0 .LBB2_17-.Ltmp9, $4  }
0x256: {  	[hbm4b:s16+s3] =	stream.linear.scatter [tilespmem:s6], [sflag:$0x3], $0x80, $0x38;
	[tilespmem:$0x1DC00] =	vst v63  }
0x257: {  	s6 =	sadd.s32 $0x2F80, s7;
	s16 =	sadd.s32 $0x60, s4;
	s7 =	sadd.s32 $0x3380, s7  }
0x258: {  	[hbm4b:s16+s3] =	stream.linear.scatter [tilespmem:s6], [sflag:$0x3], $0x80, $0x38;
	[tilespmem:$0x1DC00] =	vst v63  }
0x259: {  	s16 =	sadd.s32 $0x70, s4;
	s4 =	sadd.s32 $0x400, s4;
	s6 =	smov.u32 s17  }
0x25a: {  	[hbm4b:s16+s3] =	stream.linear.scatter [tilespmem:s7], [sflag:$0x3], $0x80, $0x38;
	[tilespmem:$0x1DC00] =	vst v63  }
0x25b: {  	s6 =	sadd.s32 $0x1780, s1  }
0x25c: {  	[hbm4b:s4+s3] =	stream.linear.scatter [tilespmem:s6], [sflag:$0x3], $0x80, $0x38;
	[tilespmem:$0x1DC00] =	vst v63  }
0x25d: {  	s16 =	sadd.s32 $0x1B80, s1;
	s17 =	sadd.s32 $0x10, s4  }
0x25e: {  	[hbm4b:s17+s3] =	stream.linear.scatter [tilespmem:s16], [sflag:$0x3], $0x80, $0x38;
	[tilespmem:$0x1DC00] =	vst v63  }
0x25f: {  	s18 =	sadd.s32 $0x1F80, s1;
	s24 =	sadd.s32 $0x20, s4  }
0x260: {  	[hbm4b:s24+s3] =	stream.linear.scatter [tilespmem:s18], [sflag:$0x3], $0x80, $0x38;
	[tilespmem:$0x1DC00] =	vst v63  }
0x261: {  	s16 =	sadd.s32 $0x2380, s1;
	s17 =	sadd.s32 $0x30, s4  }
0x262: {  	[hbm4b:s17+s3] =	stream.linear.scatter [tilespmem:s16], [sflag:$0x3], $0x80, $0x38;
	[tilespmem:$0x1DC00] =	vst v63  }
0x263: {  	s18 =	sadd.s32 $0x2780, s1;
	s24 =	sadd.s32 $0x40, s4  }
0x264: {  	[hbm4b:s24+s3] =	stream.linear.scatter [tilespmem:s18], [sflag:$0x3], $0x80, $0x38;
	[tilespmem:$0x1DC00] =	vst v63  }
0x265: {  	s16 =	sadd.s32 $0x2B80, s1;
	s17 =	sadd.s32 $0x50, s4  }
0x266: {  	[hbm4b:s17+s3] =	stream.linear.scatter [tilespmem:s16], [sflag:$0x3], $0x80, $0x38;
	[tilespmem:$0x1DC00] =	vst v63  }
0x267: {  	s18 =	sadd.s32 $0x2F80, s1;
	s24 =	sadd.s32 $0x60, s4  }
0x268: {  	[hbm4b:s24+s3] =	stream.linear.scatter [tilespmem:s18], [sflag:$0x3], $0x80, $0x38;
	[tilespmem:$0x1DC00] =	vst v63  }
0x269: {  	s7 =	sadd.s32 $0x3380, s1;
	s16 =	sadd.s32 $0x70, s4;
	s24 =	sshll.u32 s20, $0x7  }
0x26a: {  	[hbm4b:s16+s3] =	stream.linear.scatter [tilespmem:s7], [sflag:$0x3], $0x80, $0x38;
	[tilespmem:$0x1DC00] =	vst v63  }
0x26b: {  	v8 =	vld [tilespmem:s24+$0x800]  }
0x26c: {  	v9 =	vld [tilespmem:s24+$0x0]  }
0x26d: {  	v10 =	vld [tilespmem:s24+$0x810]  }
0x26e: {  	v11 =	vld [tilespmem:s24+$0x10]  }
0x26f: {  	v12 =	vld [tilespmem:s24+$0x820]  }
0x270: {  	v13 =	vld [tilespmem:s24+$0x20];
	vm3 =	veq.s32 v8, $0xFFFFFFFF  }
0x271: {  	v14 =	vld [tilespmem:s24+$0x830];
	vm0 =	vgt.s32 v9, $0x0;
	v8 =	vsel vm3, $0x0, v8  }
0x272: {  	v15 =	vld [tilespmem:s24+$0x30];
	vm2 =	veq.s32 v10, $0xFFFFFFFF;
	v9 =	vnsel vm0, $0x0, v9;
	v8 =	vadd.s32 v0, v8  }
0x273: {  	vm13 =	vgt.s32 v11, $0x0;
	v10 =	vsel vm2, $0x0, v10;
	v9 =	vmin.u32 v9, $0x3E7  }
0x274: {  	vm1 =	veq.s32 v12, $0xFFFFFFFF;
	v11 =	vnsel vm13, $0x0, v11;
	v10 =	vadd.s32 v2, v10  }
0x275: {  	vm14 =	vgt.s32 v13, $0x0;
	v12 =	vsel vm1, $0x0, v12;
	v11 =	vmin.u32 v11, $0x3E7  }
0x276: {  	vm15 =	veq.s32 v14, $0xFFFFFFFF;
	v13 =	vnsel vm14, $0x0, v13;
	v12 =	vadd.s32 v3, v12  }
0x277: {  	vm4 =	vgt.s32 v15, $0x0;
	v14 =	vsel vm15, $0x0, v14;
	v13 =	vmin.u32 v13, $0x3E7;
	v8 =	vld.idx.msk [tilespmem:v8+s23+$0x0], $0xffff  }
0x278: {  	v15 =	vnsel vm4, $0x0, v15;
	v14 =	vadd.s32 v4, v14;
	v9 =	vld.idx.msk [tilespmem:v9+s21+$0x0], $0xffff  }
0x279: {  	v15 =	vmin.u32 v15, $0x3E7;
	v10 =	vld.idx.msk [tilespmem:v10+s23+$0x0], $0xffff  }
0x27a: {  	v11 =	vld.idx.msk [tilespmem:v11+s21+$0x0], $0xffff  }
0x27b: {  	v12 =	vld.idx.msk [tilespmem:v12+s23+$0x0], $0xffff  }
0x27c: {  	p0 =	seq.s32 s20, $0xF;
	v13 =	vld.idx.msk [tilespmem:v13+s21+$0x0], $0xffff  }
0x27d: {  	s1 =	simm.s32 @!p0 $0x3;
	v14 =	vld.idx.msk [tilespmem:v14+s23+$0x0], $0xffff  }
0x27e: {  	v15 =	vld.idx.msk [tilespmem:v15+s21+$0x0], $0xffff;
	_ =	swait.ge @!p0 [sflag:s1], $0x1C00  }
0x27f: {  	[sflag:s1] =	ssyncset.done @!p0 $0x0  }
0x280: {  	[sflag:s1] =	ssyncadd.s32 @!p0 $0xFFFFE400  }
0x281: {  	_ =	swait.ge @!p0 [sflag:s1], $0x1C00  }
0x282: {  	[sflag:s1] =	ssyncset.done @!p0 $0x0  }
0x283: {  	[sflag:s1] =	ssyncadd.s32 @!p0 $0xFFFFE400  }
0x284: {  	_ =	swait.ge @!p0 [sflag:s1], $0x1C00  }
0x285: {  	[sflag:s1] =	ssyncset.done @!p0 $0x0  }
0x286: {  	[sflag:s1] =	ssyncadd.s32 @!p0 $0xFFFFE400  }
0x287: {  	_ =	swait.ge @!p0 [sflag:s1], $0x1C00  }
0x288: {  	[sflag:s1] =	ssyncset.done @!p0 $0x0  }
0x289: {  	[sflag:s1] =	ssyncadd.s32 @!p0 $0xFFFFE400  }
0x28a: {  	_ =	swait.ge @!p0 [sflag:s1], $0x1C00  }
0x28b: {  	[sflag:s1] =	ssyncset.done @!p0 $0x0  }
0x28c: {  	[sflag:s1] =	ssyncadd.s32 @!p0 $0xFFFFE400  }
0x28d: {  	_ =	swait.ge @!p0 [sflag:s1], $0x1C00  }
0x28e: {  	[sflag:s1] =	ssyncset.done @!p0 $0x0  }
0x28f: {  	[sflag:s1] =	ssyncadd.s32 @!p0 $0xFFFFE400  }
0x290: {  	_ =	swait.ge @!p0 [sflag:s1], $0x1C00  }
0x291: {  	[sflag:s1] =	ssyncset.done @!p0 $0x0  }
0x292: {  	[sflag:s1] =	ssyncadd.s32 @!p0 $0xFFFFE400  }
0x293: {  	_ =	swait.ge @!p0 [sflag:s1], $0x1C00  }
0x294: {  	s31 =	sor.u32 $0x1, s31;
	s4 =	sshll.u32 @!p0 s20, $0x7;
	[sflag:s1] =	ssyncset.done @!p0 $0x0  }
0x295: {  	s6 =	simm.s32 @!p0 $0x1400;
	[sflag:s1] =	ssyncadd.s32 @!p0 $0xFFFFE400;
	s1 =	sand.u32 @!p0 $0x3FFFFF80, s4  }
0x296: {  	s17 =	sor.u32 s8, s31;
	s4 =	simm.s32 @!p0 $0x32;
	s1 =	sadd.s32 @!p0 $0x80, s1  }
0x297: {  	[tilespmem:s6], [sflag:$0x1] =	stream.indirect.gather @!p0 [hbm4b:s2+s4], $0x400, s1, s4, $0xb8;
	[tilespmem:$0x1DC00] =	vst v63  }
0x298: {  	s1 =	smul.u32 $0x1C00, s17;
	_ =	swait.ge [sflag:s28], $0xC800  }
0x299: {  	[sflag:s28] =	ssyncset.done $0x0  }
0x29a: {  	s18 =	simm.s32 $0xF400;
	s6 =	sadd.s32 s5, s1;
	[sflag:s28] =	ssyncadd.s32 $0xFFFF3800  }
0x29b: {  	[hbm4b:s6+s3] =	stream.linear.scatter [tilespmem:s18], [sflag:$0x4], $0x80, $0x38;
	[tilespmem:$0x1DC00] =	vst v63  }
0x29c: {  	s7 =	simm.s32 $0xF800;
	s16 =	sadd.s32 $0x10, s6  }
0x29d: {  	[hbm4b:s16+s3] =	stream.linear.scatter [tilespmem:s7], [sflag:$0x4], $0x80, $0x38;
	[tilespmem:$0x1DC00] =	vst v63  }
0x29e: {  	s17 =	simm.s32 $0xFC00;
	s18 =	sadd.s32 $0x20, s6  }
0x29f: {  	v8 =	vsub.f32 v8, v9;
	[hbm4b:s18+s3] =	stream.linear.scatter [tilespmem:s17], [sflag:$0x4], $0x80, $0x38;
	[tilespmem:$0x1DC00] =	vst v63  }
0x2a0: {  	s7 =	simm.s32 $0x10000;
	s16 =	sadd.s32 $0x30, s6  }
0x2a1: {  	v58 =	vsel vm3, $0x0, v1;
	v10 =	vsub.f32 v10, v11;
	v8 =	vsel vm3, $0x0, v8;
	[hbm4b:s16+s3] =	stream.linear.scatter [tilespmem:s7], [sflag:$0x4], $0x80, $0x38;
	[tilespmem:$0x1DC00] =	vst v63  }
0x2a2: {  	v6 =	vadd.f32 v58, v6;
	v7 =	vadd.f32 v8, v7;
	s17 =	simm.s32 $0x10400;
	s18 =	sadd.s32 $0x40, s6  }
0x2a3: {  	v59 =	vsel vm2, $0x0, v1;
	v60 =	vsub.f32 v12, v13;
	v8 =	vsel vm2, $0x0, v10;
	[hbm4b:s18+s3] =	stream.linear.scatter [tilespmem:s17], [sflag:$0x4], $0x80, $0x38;
	[tilespmem:$0x1DC00] =	vst v63  }
0x2a4: {  	v6 =	vadd.f32 v59, v6;
	v7 =	vadd.f32 v8, v7;
	s4 =	simm.s32 $0x2000;
	s7 =	simm.s32 $0x10800;
	s16 =	sadd.s32 $0x50, s6  }
0x2a5: {  	v61 =	vsel vm1, $0x0, v1;
	v62 =	vsub.f32 v14, v15;
	v8 =	vsel vm1, $0x0, v60;
	[hbm4b:s16+s3] =	stream.linear.scatter [tilespmem:s7], [sflag:$0x4], $0x80, $0x38;
	[tilespmem:$0x1DC00] =	vst v63  }
0x2a6: {  	v7 =	vadd.f32 v8, v7;
	v8 =	vadd.f32 v61, v6;
	s17 =	simm.s32 $0x10C00;
	s18 =	sadd.s32 $0x60, s6;
	s7 =	simm.s32 $0x10000  }
0x2a7: {  	v63 =	vsel vm15, $0x0, v1;
	v6 =	vsel vm15, $0x0, v62;
	[hbm4b:s18+s3] =	stream.linear.scatter [tilespmem:s17], [sflag:$0x4], $0x80, $0x38;
	[tilespmem:$0x1DC00] =	vst v63  }
0x2a8: {  	v6 =	vadd.f32 v6, v7;
	v7 =	vadd.f32 v63, v8;
	s16 =	simm.s32 $0x11000;
	s17 =	sadd.s32 $0x70, s6;
	s6 =	sadd.s32 $0x400, s6  }
.LBB2_19:
0x2a9: {  	[hbm4b:s17+s3] =	stream.linear.scatter [tilespmem:s16], [sflag:$0x4], $0x80, $0x38;
	[tilespmem:$0x1DC00] =	vst v63  }
0x2aa: {  	s16 =	smov.u32 s4;
	s4 =	smov.u32 s7  }
0x2ab: {  	s18 =	sadd.s32 $0x8000, s7;
	s4 =	sshra.s32 s4, $0x2;
	s17 =	sadd.s32 $0xF400, s16  }
0x2ac: {  	[hbm4b:s6+s3] =	stream.linear.scatter [tilespmem:s17], [sflag:$0x4], $0x80, $0x38;
	[tilespmem:$0x1DC00] =	vst v63  }
0x2ad: {  	p1 =	sne.s32 s7, $0x30000;
	s7 =	sadd.s32 $0xF800, s16;
	s17 =	sadd.s32 $0x10, s6  }
0x2ae: {  	[hbm4b:s17+s3] =	stream.linear.scatter [tilespmem:s7], [sflag:$0x4], $0x80, $0x38;
	[tilespmem:$0x1DC00] =	vst v63  }
0x2af: {  	s7 =	sadd.s32 $0xFC00, s16;
	s17 =	sadd.s32 $0x20, s6  }
0x2b0: {  	[hbm4b:s17+s3] =	stream.linear.scatter [tilespmem:s7], [sflag:$0x4], $0x80, $0x38;
	[tilespmem:$0x1DC00] =	vst v63  }
0x2b1: {  	s7 =	sadd.s32 $0x10000, s16;
	s17 =	sadd.s32 $0x30, s6  }
0x2b2: {  	[hbm4b:s17+s3] =	stream.linear.scatter [tilespmem:s7], [sflag:$0x4], $0x80, $0x38;
	[tilespmem:$0x1DC00] =	vst v63  }
0x2b3: {  	s7 =	sadd.s32 $0x10400, s16;
	s17 =	sadd.s32 $0x40, s6  }
0x2b4: {  	[hbm4b:s17+s3] =	stream.linear.scatter [tilespmem:s7], [sflag:$0x4], $0x80, $0x38;
	[tilespmem:$0x1DC00] =	vst v63  }
.Ltmp10:
0x2b5: {  	s7 =	sadd.s32 $0x10800, s16;
	s17 =	sadd.s32 $0x50, s6;
	(pc) =	sbr.rel @p1 .LBB2_19-.Ltmp10, $4  }
0x2b6: {  	[hbm4b:s17+s3] =	stream.linear.scatter [tilespmem:s7], [sflag:$0x4], $0x80, $0x38;
	[tilespmem:$0x1DC00] =	vst v63  }
0x2b7: {  	s7 =	sadd.s32 $0x10C00, s16;
	s17 =	sadd.s32 $0x60, s6;
	s16 =	sadd.s32 $0x11000, s16  }
0x2b8: {  	[hbm4b:s17+s3] =	stream.linear.scatter [tilespmem:s7], [sflag:$0x4], $0x80, $0x38;
	[tilespmem:$0x1DC00] =	vst v63  }
0x2b9: {  	s17 =	sadd.s32 $0x70, s6;
	s6 =	sadd.s32 $0x400, s6;
	s7 =	smov.u32 s18  }
0x2ba: {  	[hbm4b:s17+s3] =	stream.linear.scatter [tilespmem:s16], [sflag:$0x4], $0x80, $0x38;
	[tilespmem:$0x1DC00] =	vst v63  }
0x2bb: {  	s7 =	sadd.s32 $0xF400, s4  }
0x2bc: {  	[hbm4b:s6+s3] =	stream.linear.scatter [tilespmem:s7], [sflag:$0x4], $0x80, $0x38;
	[tilespmem:$0x1DC00] =	vst v63  }
0x2bd: {  	s17 =	sadd.s32 $0xF800, s4;
	s18 =	sadd.s32 $0x10, s6  }
0x2be: {  	[hbm4b:s18+s3] =	stream.linear.scatter [tilespmem:s17], [sflag:$0x4], $0x80, $0x38;
	[tilespmem:$0x1DC00] =	vst v63  }
0x2bf: {  	s17 =	sadd.s32 $0xFC00, s4;
	s18 =	sadd.s32 $0x20, s6  }
0x2c0: {  	[hbm4b:s18+s3] =	stream.linear.scatter [tilespmem:s17], [sflag:$0x4], $0x80, $0x38;
	[tilespmem:$0x1DC00] =	vst v63  }
0x2c1: {  	s17 =	sadd.s32 $0x10000, s4;
	s18 =	sadd.s32 $0x30, s6  }
0x2c2: {  	[hbm4b:s18+s3] =	stream.linear.scatter [tilespmem:s17], [sflag:$0x4], $0x80, $0x38;
	[tilespmem:$0x1DC00] =	vst v63  }
0x2c3: {  	s17 =	sadd.s32 $0x10400, s4;
	s18 =	sadd.s32 $0x40, s6  }
0x2c4: {  	[hbm4b:s18+s3] =	stream.linear.scatter [tilespmem:s17], [sflag:$0x4], $0x80, $0x38;
	[tilespmem:$0x1DC00] =	vst v63  }
0x2c5: {  	s17 =	sadd.s32 $0x10800, s4;
	s18 =	sadd.s32 $0x50, s6  }
0x2c6: {  	[hbm4b:s18+s3] =	stream.linear.scatter [tilespmem:s17], [sflag:$0x4], $0x80, $0x38;
	[tilespmem:$0x1DC00] =	vst v63  }
0x2c7: {  	s17 =	sadd.s32 $0x10C00, s4;
	s18 =	sadd.s32 $0x60, s6  }
0x2c8: {  	[hbm4b:s18+s3] =	stream.linear.scatter [tilespmem:s17], [sflag:$0x4], $0x80, $0x38;
	[tilespmem:$0x1DC00] =	vst v63  }
0x2c9: {  	s16 =	sadd.s32 $0x11000, s4;
	s17 =	sadd.s32 $0x70, s6  }
0x2ca: {  	[hbm4b:s17+s3] =	stream.linear.scatter [tilespmem:s16], [sflag:$0x4], $0x80, $0x38;
	[tilespmem:$0x1DC00] =	vst v63  }
0x2cb: {  	s6 =	sadd.s32 s1, s9;
	s18 =	simm.s32 $0xF480  }
0x2cc: {  	[hbm4b:s6+s3] =	stream.linear.scatter [tilespmem:s18], [sflag:$0x4], $0x80, $0x38;
	[tilespmem:$0x1DC00] =	vst v63  }
0x2cd: {  	s7 =	simm.s32 $0xF880;
	s16 =	sadd.s32 $0x10, s6  }
0x2ce: {  	[hbm4b:s16+s3] =	stream.linear.scatter [tilespmem:s7], [sflag:$0x4], $0x80, $0x38;
	[tilespmem:$0x1DC00] =	vst v63  }
0x2cf: {  	s17 =	simm.s32 $0xFC80;
	s18 =	sadd.s32 $0x20, s6  }
0x2d0: {  	[hbm4b:s18+s3] =	stream.linear.scatter [tilespmem:s17], [sflag:$0x4], $0x80, $0x38;
	[tilespmem:$0x1DC00] =	vst v63  }
0x2d1: {  	s7 =	simm.s32 $0x10080;
	s16 =	sadd.s32 $0x30, s6  }
0x2d2: {  	[hbm4b:s16+s3] =	stream.linear.scatter [tilespmem:s7], [sflag:$0x4], $0x80, $0x38;
	[tilespmem:$0x1DC00] =	vst v63  }
0x2d3: {  	s17 =	simm.s32 $0x10480;
	s18 =	sadd.s32 $0x40, s6  }
0x2d4: {  	[hbm4b:s18+s3] =	stream.linear.scatter [tilespmem:s17], [sflag:$0x4], $0x80, $0x38;
	[tilespmem:$0x1DC00] =	vst v63  }
0x2d5: {  	s4 =	simm.s32 $0x2000;
	s7 =	simm.s32 $0x10880;
	s16 =	sadd.s32 $0x50, s6  }
0x2d6: {  	[hbm4b:s16+s3] =	stream.linear.scatter [tilespmem:s7], [sflag:$0x4], $0x80, $0x38;
	[tilespmem:$0x1DC00] =	vst v63  }
0x2d7: {  	s17 =	simm.s32 $0x10C80;
	s18 =	sadd.s32 $0x60, s6;
	s7 =	simm.s32 $0x10000  }
0x2d8: {  	[hbm4b:s18+s3] =	stream.linear.scatter [tilespmem:s17], [sflag:$0x4], $0x80, $0x38;
	[tilespmem:$0x1DC00] =	vst v63  }
0x2d9: {  	s16 =	simm.s32 $0x11080;
	s17 =	sadd.s32 $0x70, s6;
	s6 =	sadd.s32 $0x400, s6  }
.LBB2_21:
0x2da: {  	[hbm4b:s17+s3] =	stream.linear.scatter [tilespmem:s16], [sflag:$0x4], $0x80, $0x38;
	[tilespmem:$0x1DC00] =	vst v63  }
0x2db: {  	s16 =	smov.u32 s4;
	s4 =	smov.u32 s7  }
0x2dc: {  	s18 =	sadd.s32 $0x8000, s7;
	s4 =	sshra.s32 s4, $0x2;
	s17 =	sadd.s32 $0xF480, s16  }
0x2dd: {  	[hbm4b:s6+s3] =	stream.linear.scatter [tilespmem:s17], [sflag:$0x4], $0x80, $0x38;
	[tilespmem:$0x1DC00] =	vst v63  }
0x2de: {  	p1 =	sne.s32 s7, $0x30000;
	s7 =	sadd.s32 $0xF880, s16;
	s17 =	sadd.s32 $0x10, s6  }
0x2df: {  	[hbm4b:s17+s3] =	stream.linear.scatter [tilespmem:s7], [sflag:$0x4], $0x80, $0x38;
	[tilespmem:$0x1DC00] =	vst v63  }
0x2e0: {  	s7 =	sadd.s32 $0xFC80, s16;
	s17 =	sadd.s32 $0x20, s6  }
0x2e1: {  	[hbm4b:s17+s3] =	stream.linear.scatter [tilespmem:s7], [sflag:$0x4], $0x80, $0x38;
	[tilespmem:$0x1DC00] =	vst v63  }
0x2e2: {  	s7 =	sadd.s32 $0x10080, s16;
	s17 =	sadd.s32 $0x30, s6  }
0x2e3: {  	[hbm4b:s17+s3] =	stream.linear.scatter [tilespmem:s7], [sflag:$0x4], $0x80, $0x38;
	[tilespmem:$0x1DC00] =	vst v63  }
0x2e4: {  	s7 =	sadd.s32 $0x10480, s16;
	s17 =	sadd.s32 $0x40, s6  }
0x2e5: {  	[hbm4b:s17+s3] =	stream.linear.scatter [tilespmem:s7], [sflag:$0x4], $0x80, $0x38;
	[tilespmem:$0x1DC00] =	vst v63  }
.Ltmp11:
0x2e6: {  	s7 =	sadd.s32 $0x10880, s16;
	s17 =	sadd.s32 $0x50, s6;
	(pc) =	sbr.rel @p1 .LBB2_21-.Ltmp11, $4  }
0x2e7: {  	[hbm4b:s17+s3] =	stream.linear.scatter [tilespmem:s7], [sflag:$0x4], $0x80, $0x38;
	[tilespmem:$0x1DC00] =	vst v63  }
0x2e8: {  	s7 =	sadd.s32 $0x10C80, s16;
	s17 =	sadd.s32 $0x60, s6;
	s16 =	sadd.s32 $0x11080, s16  }
0x2e9: {  	[hbm4b:s17+s3] =	stream.linear.scatter [tilespmem:s7], [sflag:$0x4], $0x80, $0x38;
	[tilespmem:$0x1DC00] =	vst v63  }
0x2ea: {  	s17 =	sadd.s32 $0x70, s6;
	s6 =	sadd.s32 $0x400, s6;
	s7 =	smov.u32 s18  }
0x2eb: {  	[hbm4b:s17+s3] =	stream.linear.scatter [tilespmem:s16], [sflag:$0x4], $0x80, $0x38;
	[tilespmem:$0x1DC00] =	vst v63  }
0x2ec: {  	s7 =	sadd.s32 $0xF480, s4  }
0x2ed: {  	[hbm4b:s6+s3] =	stream.linear.scatter [tilespmem:s7], [sflag:$0x4], $0x80, $0x38;
	[tilespmem:$0x1DC00] =	vst v63  }
0x2ee: {  	s17 =	sadd.s32 $0xF880, s4;
	s18 =	sadd.s32 $0x10, s6  }
0x2ef: {  	[hbm4b:s18+s3] =	stream.linear.scatter [tilespmem:s17], [sflag:$0x4], $0x80, $0x38;
	[tilespmem:$0x1DC00] =	vst v63  }
0x2f0: {  	s17 =	sadd.s32 $0xFC80, s4;
	s18 =	sadd.s32 $0x20, s6  }
0x2f1: {  	[hbm4b:s18+s3] =	stream.linear.scatter [tilespmem:s17], [sflag:$0x4], $0x80, $0x38;
	[tilespmem:$0x1DC00] =	vst v63  }
0x2f2: {  	s17 =	sadd.s32 $0x10080, s4;
	s18 =	sadd.s32 $0x30, s6  }
0x2f3: {  	[hbm4b:s18+s3] =	stream.linear.scatter [tilespmem:s17], [sflag:$0x4], $0x80, $0x38;
	[tilespmem:$0x1DC00] =	vst v63  }
0x2f4: {  	s17 =	sadd.s32 $0x10480, s4;
	s18 =	sadd.s32 $0x40, s6  }
0x2f5: {  	[hbm4b:s18+s3] =	stream.linear.scatter [tilespmem:s17], [sflag:$0x4], $0x80, $0x38;
	[tilespmem:$0x1DC00] =	vst v63  }
0x2f6: {  	s17 =	sadd.s32 $0x10880, s4;
	s18 =	sadd.s32 $0x50, s6  }
0x2f7: {  	[hbm4b:s18+s3] =	stream.linear.scatter [tilespmem:s17], [sflag:$0x4], $0x80, $0x38;
	[tilespmem:$0x1DC00] =	vst v63  }
0x2f8: {  	s17 =	sadd.s32 $0x10C80, s4;
	s18 =	sadd.s32 $0x60, s6  }
0x2f9: {  	[hbm4b:s18+s3] =	stream.linear.scatter [tilespmem:s17], [sflag:$0x4], $0x80, $0x38;
	[tilespmem:$0x1DC00] =	vst v63  }
0x2fa: {  	s16 =	sadd.s32 $0x11080, s4;
	s17 =	sadd.s32 $0x70, s6  }
0x2fb: {  	[hbm4b:s17+s3] =	stream.linear.scatter [tilespmem:s16], [sflag:$0x4], $0x80, $0x38;
	[tilespmem:$0x1DC00] =	vst v63  }
0x2fc: {  	s6 =	sadd.s32 s1, s10;
	s18 =	simm.s32 $0xF500  }
0x2fd: {  	[hbm4b:s6+s3] =	stream.linear.scatter [tilespmem:s18], [sflag:$0x4], $0x80, $0x38;
	[tilespmem:$0x1DC00] =	vst v63  }
0x2fe: {  	s7 =	simm.s32 $0xF900;
	s16 =	sadd.s32 $0x10, s6  }
0x2ff: {  	[hbm4b:s16+s3] =	stream.linear.scatter [tilespmem:s7], [sflag:$0x4], $0x80, $0x38;
	[tilespmem:$0x1DC00] =	vst v63  }
0x300: {  	s17 =	simm.s32 $0xFD00;
	s18 =	sadd.s32 $0x20, s6  }
0x301: {  	[hbm4b:s18+s3] =	stream.linear.scatter [tilespmem:s17], [sflag:$0x4], $0x80, $0x38;
	[tilespmem:$0x1DC00] =	vst v63  }
0x302: {  	s7 =	simm.s32 $0x10100;
	s16 =	sadd.s32 $0x30, s6  }
0x303: {  	[hbm4b:s16+s3] =	stream.linear.scatter [tilespmem:s7], [sflag:$0x4], $0x80, $0x38;
	[tilespmem:$0x1DC00] =	vst v63  }
0x304: {  	s17 =	simm.s32 $0x10500;
	s18 =	sadd.s32 $0x40, s6  }
0x305: {  	[hbm4b:s18+s3] =	stream.linear.scatter [tilespmem:s17], [sflag:$0x4], $0x80, $0x38;
	[tilespmem:$0x1DC00] =	vst v63  }
0x306: {  	s4 =	simm.s32 $0x2000;
	s7 =	simm.s32 $0x10900;
	s16 =	sadd.s32 $0x50, s6  }
0x307: {  	[hbm4b:s16+s3] =	stream.linear.scatter [tilespmem:s7], [sflag:$0x4], $0x80, $0x38;
	[tilespmem:$0x1DC00] =	vst v63  }
0x308: {  	s17 =	simm.s32 $0x10D00;
	s18 =	sadd.s32 $0x60, s6;
	s7 =	simm.s32 $0x10000  }
0x309: {  	[hbm4b:s18+s3] =	stream.linear.scatter [tilespmem:s17], [sflag:$0x4], $0x80, $0x38;
	[tilespmem:$0x1DC00] =	vst v63  }
0x30a: {  	s16 =	simm.s32 $0x11100;
	s17 =	sadd.s32 $0x70, s6;
	s6 =	sadd.s32 $0x400, s6  }
.LBB2_23:
0x30b: {  	[hbm4b:s17+s3] =	stream.linear.scatter [tilespmem:s16], [sflag:$0x4], $0x80, $0x38;
	[tilespmem:$0x1DC00] =	vst v63  }
0x30c: {  	s16 =	smov.u32 s4;
	s4 =	smov.u32 s7  }
0x30d: {  	s18 =	sadd.s32 $0x8000, s7;
	s4 =	sshra.s32 s4, $0x2;
	s17 =	sadd.s32 $0xF500, s16  }
0x30e: {  	[hbm4b:s6+s3] =	stream.linear.scatter [tilespmem:s17], [sflag:$0x4], $0x80, $0x38;
	[tilespmem:$0x1DC00] =	vst v63  }
0x30f: {  	p1 =	sne.s32 s7, $0x30000;
	s7 =	sadd.s32 $0xF900, s16;
	s17 =	sadd.s32 $0x10, s6  }
0x310: {  	[hbm4b:s17+s3] =	stream.linear.scatter [tilespmem:s7], [sflag:$0x4], $0x80, $0x38;
	[tilespmem:$0x1DC00] =	vst v63  }
0x311: {  	s7 =	sadd.s32 $0xFD00, s16;
	s17 =	sadd.s32 $0x20, s6  }
0x312: {  	[hbm4b:s17+s3] =	stream.linear.scatter [tilespmem:s7], [sflag:$0x4], $0x80, $0x38;
	[tilespmem:$0x1DC00] =	vst v63  }
0x313: {  	s7 =	sadd.s32 $0x10100, s16;
	s17 =	sadd.s32 $0x30, s6  }
0x314: {  	[hbm4b:s17+s3] =	stream.linear.scatter [tilespmem:s7], [sflag:$0x4], $0x80, $0x38;
	[tilespmem:$0x1DC00] =	vst v63  }
0x315: {  	s7 =	sadd.s32 $0x10500, s16;
	s17 =	sadd.s32 $0x40, s6  }
0x316: {  	[hbm4b:s17+s3] =	stream.linear.scatter [tilespmem:s7], [sflag:$0x4], $0x80, $0x38;
	[tilespmem:$0x1DC00] =	vst v63  }
.Ltmp12:
0x317: {  	s7 =	sadd.s32 $0x10900, s16;
	s17 =	sadd.s32 $0x50, s6;
	(pc) =	sbr.rel @p1 .LBB2_23-.Ltmp12, $4  }
0x318: {  	[hbm4b:s17+s3] =	stream.linear.scatter [tilespmem:s7], [sflag:$0x4], $0x80, $0x38;
	[tilespmem:$0x1DC00] =	vst v63  }
0x319: {  	s7 =	sadd.s32 $0x10D00, s16;
	s17 =	sadd.s32 $0x60, s6;
	s16 =	sadd.s32 $0x11100, s16  }
0x31a: {  	[hbm4b:s17+s3] =	stream.linear.scatter [tilespmem:s7], [sflag:$0x4], $0x80, $0x38;
	[tilespmem:$0x1DC00] =	vst v63  }
0x31b: {  	s17 =	sadd.s32 $0x70, s6;
	s6 =	sadd.s32 $0x400, s6;
	s7 =	smov.u32 s18  }
0x31c: {  	[hbm4b:s17+s3] =	stream.linear.scatter [tilespmem:s16], [sflag:$0x4], $0x80, $0x38;
	[tilespmem:$0x1DC00] =	vst v63  }
0x31d: {  	s7 =	sadd.s32 $0xF500, s4  }
0x31e: {  	[hbm4b:s6+s3] =	stream.linear.scatter [tilespmem:s7], [sflag:$0x4], $0x80, $0x38;
	[tilespmem:$0x1DC00] =	vst v63  }
0x31f: {  	s17 =	sadd.s32 $0xF900, s4;
	s18 =	sadd.s32 $0x10, s6  }
0x320: {  	[hbm4b:s18+s3] =	stream.linear.scatter [tilespmem:s17], [sflag:$0x4], $0x80, $0x38;
	[tilespmem:$0x1DC00] =	vst v63  }
0x321: {  	s17 =	sadd.s32 $0xFD00, s4;
	s18 =	sadd.s32 $0x20, s6  }
0x322: {  	[hbm4b:s18+s3] =	stream.linear.scatter [tilespmem:s17], [sflag:$0x4], $0x80, $0x38;
	[tilespmem:$0x1DC00] =	vst v63  }
0x323: {  	s17 =	sadd.s32 $0x10100, s4;
	s18 =	sadd.s32 $0x30, s6  }
0x324: {  	[hbm4b:s18+s3] =	stream.linear.scatter [tilespmem:s17], [sflag:$0x4], $0x80, $0x38;
	[tilespmem:$0x1DC00] =	vst v63  }
0x325: {  	s17 =	sadd.s32 $0x10500, s4;
	s18 =	sadd.s32 $0x40, s6  }
0x326: {  	[hbm4b:s18+s3] =	stream.linear.scatter [tilespmem:s17], [sflag:$0x4], $0x80, $0x38;
	[tilespmem:$0x1DC00] =	vst v63  }
0x327: {  	s17 =	sadd.s32 $0x10900, s4;
	s18 =	sadd.s32 $0x50, s6  }
0x328: {  	[hbm4b:s18+s3] =	stream.linear.scatter [tilespmem:s17], [sflag:$0x4], $0x80, $0x38;
	[tilespmem:$0x1DC00] =	vst v63  }
0x329: {  	s17 =	sadd.s32 $0x10D00, s4;
	s18 =	sadd.s32 $0x60, s6  }
0x32a: {  	[hbm4b:s18+s3] =	stream.linear.scatter [tilespmem:s17], [sflag:$0x4], $0x80, $0x38;
	[tilespmem:$0x1DC00] =	vst v63  }
0x32b: {  	s16 =	sadd.s32 $0x11100, s4;
	s17 =	sadd.s32 $0x70, s6  }
0x32c: {  	[hbm4b:s17+s3] =	stream.linear.scatter [tilespmem:s16], [sflag:$0x4], $0x80, $0x38;
	[tilespmem:$0x1DC00] =	vst v63  }
0x32d: {  	s6 =	sadd.s32 s1, s11;
	s18 =	simm.s32 $0xF580  }
0x32e: {  	[hbm4b:s6+s3] =	stream.linear.scatter [tilespmem:s18], [sflag:$0x4], $0x80, $0x38;
	[tilespmem:$0x1DC00] =	vst v63  }
0x32f: {  	s7 =	simm.s32 $0xF980;
	s16 =	sadd.s32 $0x10, s6  }
0x330: {  	[hbm4b:s16+s3] =	stream.linear.scatter [tilespmem:s7], [sflag:$0x4], $0x80, $0x38;
	[tilespmem:$0x1DC00] =	vst v63  }
0x331: {  	s17 =	simm.s32 $0xFD80;
	s18 =	sadd.s32 $0x20, s6  }
0x332: {  	[hbm4b:s18+s3] =	stream.linear.scatter [tilespmem:s17], [sflag:$0x4], $0x80, $0x38;
	[tilespmem:$0x1DC00] =	vst v63  }
0x333: {  	s7 =	simm.s32 $0x10180;
	s16 =	sadd.s32 $0x30, s6  }
0x334: {  	[hbm4b:s16+s3] =	stream.linear.scatter [tilespmem:s7], [sflag:$0x4], $0x80, $0x38;
	[tilespmem:$0x1DC00] =	vst v63  }
0x335: {  	s17 =	simm.s32 $0x10580;
	s18 =	sadd.s32 $0x40, s6  }
0x336: {  	[hbm4b:s18+s3] =	stream.linear.scatter [tilespmem:s17], [sflag:$0x4], $0x80, $0x38;
	[tilespmem:$0x1DC00] =	vst v63  }
0x337: {  	s4 =	simm.s32 $0x2000;
	s7 =	simm.s32 $0x10980;
	s16 =	sadd.s32 $0x50, s6  }
0x338: {  	[hbm4b:s16+s3] =	stream.linear.scatter [tilespmem:s7], [sflag:$0x4], $0x80, $0x38;
	[tilespmem:$0x1DC00] =	vst v63  }
0x339: {  	s17 =	simm.s32 $0x10D80;
	s18 =	sadd.s32 $0x60, s6;
	s7 =	simm.s32 $0x10000  }
0x33a: {  	[hbm4b:s18+s3] =	stream.linear.scatter [tilespmem:s17], [sflag:$0x4], $0x80, $0x38;
	[tilespmem:$0x1DC00] =	vst v63  }
0x33b: {  	s16 =	simm.s32 $0x11180;
	s17 =	sadd.s32 $0x70, s6;
	s6 =	sadd.s32 $0x400, s6  }
.LBB2_25:
0x33c: {  	[hbm4b:s17+s3] =	stream.linear.scatter [tilespmem:s16], [sflag:$0x4], $0x80, $0x38;
	[tilespmem:$0x1DC00] =	vst v63  }
0x33d: {  	s16 =	smov.u32 s4;
	s4 =	smov.u32 s7  }
0x33e: {  	s18 =	sadd.s32 $0x8000, s7;
	s4 =	sshra.s32 s4, $0x2;
	s17 =	sadd.s32 $0xF580, s16  }
0x33f: {  	[hbm4b:s6+s3] =	stream.linear.scatter [tilespmem:s17], [sflag:$0x4], $0x80, $0x38;
	[tilespmem:$0x1DC00] =	vst v63  }
0x340: {  	p1 =	sne.s32 s7, $0x30000;
	s7 =	sadd.s32 $0xF980, s16;
	s17 =	sadd.s32 $0x10, s6  }
0x341: {  	[hbm4b:s17+s3] =	stream.linear.scatter [tilespmem:s7], [sflag:$0x4], $0x80, $0x38;
	[tilespmem:$0x1DC00] =	vst v63  }
0x342: {  	s7 =	sadd.s32 $0xFD80, s16;
	s17 =	sadd.s32 $0x20, s6  }
0x343: {  	[hbm4b:s17+s3] =	stream.linear.scatter [tilespmem:s7], [sflag:$0x4], $0x80, $0x38;
	[tilespmem:$0x1DC00] =	vst v63  }
0x344: {  	s7 =	sadd.s32 $0x10180, s16;
	s17 =	sadd.s32 $0x30, s6  }
0x345: {  	[hbm4b:s17+s3] =	stream.linear.scatter [tilespmem:s7], [sflag:$0x4], $0x80, $0x38;
	[tilespmem:$0x1DC00] =	vst v63  }
0x346: {  	s7 =	sadd.s32 $0x10580, s16;
	s17 =	sadd.s32 $0x40, s6  }
0x347: {  	[hbm4b:s17+s3] =	stream.linear.scatter [tilespmem:s7], [sflag:$0x4], $0x80, $0x38;
	[tilespmem:$0x1DC00] =	vst v63  }
.Ltmp13:
0x348: {  	s7 =	sadd.s32 $0x10980, s16;
	s17 =	sadd.s32 $0x50, s6;
	(pc) =	sbr.rel @p1 .LBB2_25-.Ltmp13, $4  }
0x349: {  	[hbm4b:s17+s3] =	stream.linear.scatter [tilespmem:s7], [sflag:$0x4], $0x80, $0x38;
	[tilespmem:$0x1DC00] =	vst v63  }
0x34a: {  	s7 =	sadd.s32 $0x10D80, s16;
	s17 =	sadd.s32 $0x60, s6;
	s16 =	sadd.s32 $0x11180, s16  }
0x34b: {  	[hbm4b:s17+s3] =	stream.linear.scatter [tilespmem:s7], [sflag:$0x4], $0x80, $0x38;
	[tilespmem:$0x1DC00] =	vst v63  }
0x34c: {  	s17 =	sadd.s32 $0x70, s6;
	s6 =	sadd.s32 $0x400, s6;
	s7 =	smov.u32 s18  }
0x34d: {  	[hbm4b:s17+s3] =	stream.linear.scatter [tilespmem:s16], [sflag:$0x4], $0x80, $0x38;
	[tilespmem:$0x1DC00] =	vst v63  }
0x34e: {  	s7 =	sadd.s32 $0xF580, s4  }
0x34f: {  	[hbm4b:s6+s3] =	stream.linear.scatter [tilespmem:s7], [sflag:$0x4], $0x80, $0x38;
	[tilespmem:$0x1DC00] =	vst v63  }
0x350: {  	s17 =	sadd.s32 $0xF980, s4;
	s18 =	sadd.s32 $0x10, s6  }
0x351: {  	[hbm4b:s18+s3] =	stream.linear.scatter [tilespmem:s17], [sflag:$0x4], $0x80, $0x38;
	[tilespmem:$0x1DC00] =	vst v63  }
0x352: {  	s17 =	sadd.s32 $0xFD80, s4;
	s18 =	sadd.s32 $0x20, s6  }
0x353: {  	[hbm4b:s18+s3] =	stream.linear.scatter [tilespmem:s17], [sflag:$0x4], $0x80, $0x38;
	[tilespmem:$0x1DC00] =	vst v63  }
0x354: {  	s17 =	sadd.s32 $0x10180, s4;
	s18 =	sadd.s32 $0x30, s6  }
0x355: {  	[hbm4b:s18+s3] =	stream.linear.scatter [tilespmem:s17], [sflag:$0x4], $0x80, $0x38;
	[tilespmem:$0x1DC00] =	vst v63  }
0x356: {  	s17 =	sadd.s32 $0x10580, s4;
	s18 =	sadd.s32 $0x40, s6  }
0x357: {  	[hbm4b:s18+s3] =	stream.linear.scatter [tilespmem:s17], [sflag:$0x4], $0x80, $0x38;
	[tilespmem:$0x1DC00] =	vst v63  }
0x358: {  	s17 =	sadd.s32 $0x10980, s4;
	s18 =	sadd.s32 $0x50, s6  }
0x359: {  	[hbm4b:s18+s3] =	stream.linear.scatter [tilespmem:s17], [sflag:$0x4], $0x80, $0x38;
	[tilespmem:$0x1DC00] =	vst v63  }
0x35a: {  	s17 =	sadd.s32 $0x10D80, s4;
	s18 =	sadd.s32 $0x60, s6  }
0x35b: {  	[hbm4b:s18+s3] =	stream.linear.scatter [tilespmem:s17], [sflag:$0x4], $0x80, $0x38;
	[tilespmem:$0x1DC00] =	vst v63  }
0x35c: {  	s16 =	sadd.s32 $0x11180, s4;
	s17 =	sadd.s32 $0x70, s6  }
0x35d: {  	[hbm4b:s17+s3] =	stream.linear.scatter [tilespmem:s16], [sflag:$0x4], $0x80, $0x38;
	[tilespmem:$0x1DC00] =	vst v63  }
0x35e: {  	s6 =	sadd.s32 s1, s12;
	s18 =	simm.s32 $0xF600  }
0x35f: {  	[hbm4b:s6+s3] =	stream.linear.scatter [tilespmem:s18], [sflag:$0x4], $0x80, $0x38;
	[tilespmem:$0x1DC00] =	vst v63  }
0x360: {  	s7 =	simm.s32 $0xFA00;
	s16 =	sadd.s32 $0x10, s6  }
0x361: {  	[hbm4b:s16+s3] =	stream.linear.scatter [tilespmem:s7], [sflag:$0x4], $0x80, $0x38;
	[tilespmem:$0x1DC00] =	vst v63  }
0x362: {  	s17 =	simm.s32 $0xFE00;
	s18 =	sadd.s32 $0x20, s6  }
0x363: {  	[hbm4b:s18+s3] =	stream.linear.scatter [tilespmem:s17], [sflag:$0x4], $0x80, $0x38;
	[tilespmem:$0x1DC00] =	vst v63  }
0x364: {  	s7 =	simm.s32 $0x10200;
	s16 =	sadd.s32 $0x30, s6  }
0x365: {  	[hbm4b:s16+s3] =	stream.linear.scatter [tilespmem:s7], [sflag:$0x4], $0x80, $0x38;
	[tilespmem:$0x1DC00] =	vst v63  }
0x366: {  	s17 =	simm.s32 $0x10600;
	s18 =	sadd.s32 $0x40, s6  }
0x367: {  	[hbm4b:s18+s3] =	stream.linear.scatter [tilespmem:s17], [sflag:$0x4], $0x80, $0x38;
	[tilespmem:$0x1DC00] =	vst v63  }
0x368: {  	s4 =	simm.s32 $0x2000;
	s7 =	simm.s32 $0x10A00;
	s16 =	sadd.s32 $0x50, s6  }
0x369: {  	[hbm4b:s16+s3] =	stream.linear.scatter [tilespmem:s7], [sflag:$0x4], $0x80, $0x38;
	[tilespmem:$0x1DC00] =	vst v63  }
0x36a: {  	s17 =	simm.s32 $0x10E00;
	s18 =	sadd.s32 $0x60, s6;
	s7 =	simm.s32 $0x10000  }
0x36b: {  	[hbm4b:s18+s3] =	stream.linear.scatter [tilespmem:s17], [sflag:$0x4], $0x80, $0x38;
	[tilespmem:$0x1DC00] =	vst v63  }
0x36c: {  	s16 =	simm.s32 $0x11200;
	s17 =	sadd.s32 $0x70, s6;
	s6 =	sadd.s32 $0x400, s6  }
.LBB2_27:
0x36d: {  	[hbm4b:s17+s3] =	stream.linear.scatter [tilespmem:s16], [sflag:$0x4], $0x80, $0x38;
	[tilespmem:$0x1DC00] =	vst v63  }
0x36e: {  	s16 =	smov.u32 s4;
	s4 =	smov.u32 s7  }
0x36f: {  	s18 =	sadd.s32 $0x8000, s7;
	s4 =	sshra.s32 s4, $0x2;
	s17 =	sadd.s32 $0xF600, s16  }
0x370: {  	[hbm4b:s6+s3] =	stream.linear.scatter [tilespmem:s17], [sflag:$0x4], $0x80, $0x38;
	[tilespmem:$0x1DC00] =	vst v63  }
0x371: {  	p1 =	sne.s32 s7, $0x30000;
	s7 =	sadd.s32 $0xFA00, s16;
	s17 =	sadd.s32 $0x10, s6  }
0x372: {  	[hbm4b:s17+s3] =	stream.linear.scatter [tilespmem:s7], [sflag:$0x4], $0x80, $0x38;
	[tilespmem:$0x1DC00] =	vst v63  }
0x373: {  	s7 =	sadd.s32 $0xFE00, s16;
	s17 =	sadd.s32 $0x20, s6  }
0x374: {  	[hbm4b:s17+s3] =	stream.linear.scatter [tilespmem:s7], [sflag:$0x4], $0x80, $0x38;
	[tilespmem:$0x1DC00] =	vst v63  }
0x375: {  	s7 =	sadd.s32 $0x10200, s16;
	s17 =	sadd.s32 $0x30, s6  }
0x376: {  	[hbm4b:s17+s3] =	stream.linear.scatter [tilespmem:s7], [sflag:$0x4], $0x80, $0x38;
	[tilespmem:$0x1DC00] =	vst v63  }
0x377: {  	s7 =	sadd.s32 $0x10600, s16;
	s17 =	sadd.s32 $0x40, s6  }
0x378: {  	[hbm4b:s17+s3] =	stream.linear.scatter [tilespmem:s7], [sflag:$0x4], $0x80, $0x38;
	[tilespmem:$0x1DC00] =	vst v63  }
.Ltmp14:
0x379: {  	s7 =	sadd.s32 $0x10A00, s16;
	s17 =	sadd.s32 $0x50, s6;
	(pc) =	sbr.rel @p1 .LBB2_27-.Ltmp14, $4  }
0x37a: {  	[hbm4b:s17+s3] =	stream.linear.scatter [tilespmem:s7], [sflag:$0x4], $0x80, $0x38;
	[tilespmem:$0x1DC00] =	vst v63  }
0x37b: {  	s7 =	sadd.s32 $0x10E00, s16;
	s17 =	sadd.s32 $0x60, s6;
	s16 =	sadd.s32 $0x11200, s16  }
0x37c: {  	[hbm4b:s17+s3] =	stream.linear.scatter [tilespmem:s7], [sflag:$0x4], $0x80, $0x38;
	[tilespmem:$0x1DC00] =	vst v63  }
0x37d: {  	s17 =	sadd.s32 $0x70, s6;
	s6 =	sadd.s32 $0x400, s6;
	s7 =	smov.u32 s18  }
0x37e: {  	[hbm4b:s17+s3] =	stream.linear.scatter [tilespmem:s16], [sflag:$0x4], $0x80, $0x38;
	[tilespmem:$0x1DC00] =	vst v63  }
0x37f: {  	s7 =	sadd.s32 $0xF600, s4  }
0x380: {  	[hbm4b:s6+s3] =	stream.linear.scatter [tilespmem:s7], [sflag:$0x4], $0x80, $0x38;
	[tilespmem:$0x1DC00] =	vst v63  }
0x381: {  	s17 =	sadd.s32 $0xFA00, s4;
	s18 =	sadd.s32 $0x10, s6  }
0x382: {  	[hbm4b:s18+s3] =	stream.linear.scatter [tilespmem:s17], [sflag:$0x4], $0x80, $0x38;
	[tilespmem:$0x1DC00] =	vst v63  }
0x383: {  	s17 =	sadd.s32 $0xFE00, s4;
	s18 =	sadd.s32 $0x20, s6  }
0x384: {  	[hbm4b:s18+s3] =	stream.linear.scatter [tilespmem:s17], [sflag:$0x4], $0x80, $0x38;
	[tilespmem:$0x1DC00] =	vst v63  }
0x385: {  	s17 =	sadd.s32 $0x10200, s4;
	s18 =	sadd.s32 $0x30, s6  }
0x386: {  	[hbm4b:s18+s3] =	stream.linear.scatter [tilespmem:s17], [sflag:$0x4], $0x80, $0x38;
	[tilespmem:$0x1DC00] =	vst v63  }
0x387: {  	s17 =	sadd.s32 $0x10600, s4;
	s18 =	sadd.s32 $0x40, s6  }
0x388: {  	[hbm4b:s18+s3] =	stream.linear.scatter [tilespmem:s17], [sflag:$0x4], $0x80, $0x38;
	[tilespmem:$0x1DC00] =	vst v63  }
0x389: {  	s17 =	sadd.s32 $0x10A00, s4;
	s18 =	sadd.s32 $0x50, s6  }
0x38a: {  	[hbm4b:s18+s3] =	stream.linear.scatter [tilespmem:s17], [sflag:$0x4], $0x80, $0x38;
	[tilespmem:$0x1DC00] =	vst v63  }
0x38b: {  	s17 =	sadd.s32 $0x10E00, s4;
	s18 =	sadd.s32 $0x60, s6  }
0x38c: {  	[hbm4b:s18+s3] =	stream.linear.scatter [tilespmem:s17], [sflag:$0x4], $0x80, $0x38;
	[tilespmem:$0x1DC00] =	vst v63  }
0x38d: {  	s16 =	sadd.s32 $0x11200, s4;
	s17 =	sadd.s32 $0x70, s6  }
0x38e: {  	[hbm4b:s17+s3] =	stream.linear.scatter [tilespmem:s16], [sflag:$0x4], $0x80, $0x38;
	[tilespmem:$0x1DC00] =	vst v63  }
0x38f: {  	s6 =	sadd.s32 s1, s13;
	s18 =	simm.s32 $0xF680  }
0x390: {  	[hbm4b:s6+s3] =	stream.linear.scatter [tilespmem:s18], [sflag:$0x4], $0x80, $0x38;
	[tilespmem:$0x1DC00] =	vst v63  }
0x391: {  	s7 =	simm.s32 $0xFA80;
	s16 =	sadd.s32 $0x10, s6  }
0x392: {  	[hbm4b:s16+s3] =	stream.linear.scatter [tilespmem:s7], [sflag:$0x4], $0x80, $0x38;
	[tilespmem:$0x1DC00] =	vst v63  }
0x393: {  	s17 =	simm.s32 $0xFE80;
	s18 =	sadd.s32 $0x20, s6  }
0x394: {  	[hbm4b:s18+s3] =	stream.linear.scatter [tilespmem:s17], [sflag:$0x4], $0x80, $0x38;
	[tilespmem:$0x1DC00] =	vst v63  }
0x395: {  	s7 =	simm.s32 $0x10280;
	s16 =	sadd.s32 $0x30, s6  }
0x396: {  	[hbm4b:s16+s3] =	stream.linear.scatter [tilespmem:s7], [sflag:$0x4], $0x80, $0x38;
	[tilespmem:$0x1DC00] =	vst v63  }
0x397: {  	s17 =	simm.s32 $0x10680;
	s18 =	sadd.s32 $0x40, s6  }
0x398: {  	[hbm4b:s18+s3] =	stream.linear.scatter [tilespmem:s17], [sflag:$0x4], $0x80, $0x38;
	[tilespmem:$0x1DC00] =	vst v63  }
0x399: {  	s4 =	simm.s32 $0x2000;
	s7 =	simm.s32 $0x10A80;
	s16 =	sadd.s32 $0x50, s6  }
0x39a: {  	[hbm4b:s16+s3] =	stream.linear.scatter [tilespmem:s7], [sflag:$0x4], $0x80, $0x38;
	[tilespmem:$0x1DC00] =	vst v63  }
0x39b: {  	s17 =	simm.s32 $0x10E80;
	s18 =	sadd.s32 $0x60, s6;
	s7 =	simm.s32 $0x10000  }
0x39c: {  	[hbm4b:s18+s3] =	stream.linear.scatter [tilespmem:s17], [sflag:$0x4], $0x80, $0x38;
	[tilespmem:$0x1DC00] =	vst v63  }
0x39d: {  	s16 =	simm.s32 $0x11280;
	s17 =	sadd.s32 $0x70, s6;
	s6 =	sadd.s32 $0x400, s6  }
.LBB2_29:
0x39e: {  	[hbm4b:s17+s3] =	stream.linear.scatter [tilespmem:s16], [sflag:$0x4], $0x80, $0x38;
	[tilespmem:$0x1DC00] =	vst v63  }
0x39f: {  	s16 =	smov.u32 s4;
	s4 =	smov.u32 s7  }
0x3a0: {  	s18 =	sadd.s32 $0x8000, s7;
	s4 =	sshra.s32 s4, $0x2;
	s17 =	sadd.s32 $0xF680, s16  }
0x3a1: {  	[hbm4b:s6+s3] =	stream.linear.scatter [tilespmem:s17], [sflag:$0x4], $0x80, $0x38;
	[tilespmem:$0x1DC00] =	vst v63  }
0x3a2: {  	p1 =	sne.s32 s7, $0x30000;
	s7 =	sadd.s32 $0xFA80, s16;
	s17 =	sadd.s32 $0x10, s6  }
0x3a3: {  	[hbm4b:s17+s3] =	stream.linear.scatter [tilespmem:s7], [sflag:$0x4], $0x80, $0x38;
	[tilespmem:$0x1DC00] =	vst v63  }
0x3a4: {  	s7 =	sadd.s32 $0xFE80, s16;
	s17 =	sadd.s32 $0x20, s6  }
0x3a5: {  	[hbm4b:s17+s3] =	stream.linear.scatter [tilespmem:s7], [sflag:$0x4], $0x80, $0x38;
	[tilespmem:$0x1DC00] =	vst v63  }
0x3a6: {  	s7 =	sadd.s32 $0x10280, s16;
	s17 =	sadd.s32 $0x30, s6  }
0x3a7: {  	[hbm4b:s17+s3] =	stream.linear.scatter [tilespmem:s7], [sflag:$0x4], $0x80, $0x38;
	[tilespmem:$0x1DC00] =	vst v63  }
0x3a8: {  	s7 =	sadd.s32 $0x10680, s16;
	s17 =	sadd.s32 $0x40, s6  }
0x3a9: {  	[hbm4b:s17+s3] =	stream.linear.scatter [tilespmem:s7], [sflag:$0x4], $0x80, $0x38;
	[tilespmem:$0x1DC00] =	vst v63  }
.Ltmp15:
0x3aa: {  	s7 =	sadd.s32 $0x10A80, s16;
	s17 =	sadd.s32 $0x50, s6;
	(pc) =	sbr.rel @p1 .LBB2_29-.Ltmp15, $4  }
0x3ab: {  	[hbm4b:s17+s3] =	stream.linear.scatter [tilespmem:s7], [sflag:$0x4], $0x80, $0x38;
	[tilespmem:$0x1DC00] =	vst v63  }
0x3ac: {  	s7 =	sadd.s32 $0x10E80, s16;
	s17 =	sadd.s32 $0x60, s6;
	s16 =	sadd.s32 $0x11280, s16  }
0x3ad: {  	[hbm4b:s17+s3] =	stream.linear.scatter [tilespmem:s7], [sflag:$0x4], $0x80, $0x38;
	[tilespmem:$0x1DC00] =	vst v63  }
0x3ae: {  	s17 =	sadd.s32 $0x70, s6;
	s6 =	sadd.s32 $0x400, s6;
	s7 =	smov.u32 s18  }
0x3af: {  	[hbm4b:s17+s3] =	stream.linear.scatter [tilespmem:s16], [sflag:$0x4], $0x80, $0x38;
	[tilespmem:$0x1DC00] =	vst v63  }
0x3b0: {  	s7 =	sadd.s32 $0xF680, s4  }
0x3b1: {  	[hbm4b:s6+s3] =	stream.linear.scatter [tilespmem:s7], [sflag:$0x4], $0x80, $0x38;
	[tilespmem:$0x1DC00] =	vst v63  }
0x3b2: {  	s17 =	sadd.s32 $0xFA80, s4;
	s18 =	sadd.s32 $0x10, s6  }
0x3b3: {  	[hbm4b:s18+s3] =	stream.linear.scatter [tilespmem:s17], [sflag:$0x4], $0x80, $0x38;
	[tilespmem:$0x1DC00] =	vst v63  }
0x3b4: {  	s17 =	sadd.s32 $0xFE80, s4;
	s18 =	sadd.s32 $0x20, s6  }
0x3b5: {  	[hbm4b:s18+s3] =	stream.linear.scatter [tilespmem:s17], [sflag:$0x4], $0x80, $0x38;
	[tilespmem:$0x1DC00] =	vst v63  }
0x3b6: {  	s17 =	sadd.s32 $0x10280, s4;
	s18 =	sadd.s32 $0x30, s6  }
0x3b7: {  	[hbm4b:s18+s3] =	stream.linear.scatter [tilespmem:s17], [sflag:$0x4], $0x80, $0x38;
	[tilespmem:$0x1DC00] =	vst v63  }
0x3b8: {  	s17 =	sadd.s32 $0x10680, s4;
	s18 =	sadd.s32 $0x40, s6  }
0x3b9: {  	[hbm4b:s18+s3] =	stream.linear.scatter [tilespmem:s17], [sflag:$0x4], $0x80, $0x38;
	[tilespmem:$0x1DC00] =	vst v63  }
0x3ba: {  	s17 =	sadd.s32 $0x10A80, s4;
	s18 =	sadd.s32 $0x50, s6  }
0x3bb: {  	[hbm4b:s18+s3] =	stream.linear.scatter [tilespmem:s17], [sflag:$0x4], $0x80, $0x38;
	[tilespmem:$0x1DC00] =	vst v63  }
0x3bc: {  	s17 =	sadd.s32 $0x10E80, s4;
	s18 =	sadd.s32 $0x60, s6  }
0x3bd: {  	[hbm4b:s18+s3] =	stream.linear.scatter [tilespmem:s17], [sflag:$0x4], $0x80, $0x38;
	[tilespmem:$0x1DC00] =	vst v63  }
0x3be: {  	s16 =	sadd.s32 $0x11280, s4;
	s17 =	sadd.s32 $0x70, s6  }
0x3bf: {  	[hbm4b:s17+s3] =	stream.linear.scatter [tilespmem:s16], [sflag:$0x4], $0x80, $0x38;
	[tilespmem:$0x1DC00] =	vst v63  }
0x3c0: {  	s6 =	sadd.s32 s1, s14;
	s18 =	simm.s32 $0xF700  }
0x3c1: {  	[hbm4b:s6+s3] =	stream.linear.scatter [tilespmem:s18], [sflag:$0x4], $0x80, $0x38;
	[tilespmem:$0x1DC00] =	vst v63  }
0x3c2: {  	s7 =	simm.s32 $0xFB00;
	s16 =	sadd.s32 $0x10, s6  }
0x3c3: {  	[hbm4b:s16+s3] =	stream.linear.scatter [tilespmem:s7], [sflag:$0x4], $0x80, $0x38;
	[tilespmem:$0x1DC00] =	vst v63  }
0x3c4: {  	s17 =	simm.s32 $0xFF00;
	s18 =	sadd.s32 $0x20, s6  }
0x3c5: {  	[hbm4b:s18+s3] =	stream.linear.scatter [tilespmem:s17], [sflag:$0x4], $0x80, $0x38;
	[tilespmem:$0x1DC00] =	vst v63  }
0x3c6: {  	s7 =	simm.s32 $0x10300;
	s16 =	sadd.s32 $0x30, s6  }
0x3c7: {  	[hbm4b:s16+s3] =	stream.linear.scatter [tilespmem:s7], [sflag:$0x4], $0x80, $0x38;
	[tilespmem:$0x1DC00] =	vst v63  }
0x3c8: {  	s17 =	simm.s32 $0x10700;
	s18 =	sadd.s32 $0x40, s6  }
0x3c9: {  	[hbm4b:s18+s3] =	stream.linear.scatter [tilespmem:s17], [sflag:$0x4], $0x80, $0x38;
	[tilespmem:$0x1DC00] =	vst v63  }
0x3ca: {  	s4 =	simm.s32 $0x2000;
	s7 =	simm.s32 $0x10B00;
	s16 =	sadd.s32 $0x50, s6  }
0x3cb: {  	[hbm4b:s16+s3] =	stream.linear.scatter [tilespmem:s7], [sflag:$0x4], $0x80, $0x38;
	[tilespmem:$0x1DC00] =	vst v63  }
0x3cc: {  	s17 =	simm.s32 $0x10F00;
	s18 =	sadd.s32 $0x60, s6;
	s7 =	simm.s32 $0x10000  }
0x3cd: {  	[hbm4b:s18+s3] =	stream.linear.scatter [tilespmem:s17], [sflag:$0x4], $0x80, $0x38;
	[tilespmem:$0x1DC00] =	vst v63  }
0x3ce: {  	s16 =	simm.s32 $0x11300;
	s17 =	sadd.s32 $0x70, s6;
	s6 =	sadd.s32 $0x400, s6  }
.LBB2_31:
0x3cf: {  	[hbm4b:s17+s3] =	stream.linear.scatter [tilespmem:s16], [sflag:$0x4], $0x80, $0x38;
	[tilespmem:$0x1DC00] =	vst v63  }
0x3d0: {  	s16 =	smov.u32 s4;
	s4 =	smov.u32 s7  }
0x3d1: {  	s18 =	sadd.s32 $0x8000, s7;
	s4 =	sshra.s32 s4, $0x2;
	s17 =	sadd.s32 $0xF700, s16  }
0x3d2: {  	[hbm4b:s6+s3] =	stream.linear.scatter [tilespmem:s17], [sflag:$0x4], $0x80, $0x38;
	[tilespmem:$0x1DC00] =	vst v63  }
0x3d3: {  	p1 =	sne.s32 s7, $0x30000;
	s7 =	sadd.s32 $0xFB00, s16;
	s17 =	sadd.s32 $0x10, s6  }
0x3d4: {  	[hbm4b:s17+s3] =	stream.linear.scatter [tilespmem:s7], [sflag:$0x4], $0x80, $0x38;
	[tilespmem:$0x1DC00] =	vst v63  }
0x3d5: {  	s7 =	sadd.s32 $0xFF00, s16;
	s17 =	sadd.s32 $0x20, s6  }
0x3d6: {  	[hbm4b:s17+s3] =	stream.linear.scatter [tilespmem:s7], [sflag:$0x4], $0x80, $0x38;
	[tilespmem:$0x1DC00] =	vst v63  }
0x3d7: {  	s7 =	sadd.s32 $0x10300, s16;
	s17 =	sadd.s32 $0x30, s6  }
0x3d8: {  	[hbm4b:s17+s3] =	stream.linear.scatter [tilespmem:s7], [sflag:$0x4], $0x80, $0x38;
	[tilespmem:$0x1DC00] =	vst v63  }
0x3d9: {  	s7 =	sadd.s32 $0x10700, s16;
	s17 =	sadd.s32 $0x40, s6  }
0x3da: {  	[hbm4b:s17+s3] =	stream.linear.scatter [tilespmem:s7], [sflag:$0x4], $0x80, $0x38;
	[tilespmem:$0x1DC00] =	vst v63  }
.Ltmp16:
0x3db: {  	s7 =	sadd.s32 $0x10B00, s16;
	s17 =	sadd.s32 $0x50, s6;
	(pc) =	sbr.rel @p1 .LBB2_31-.Ltmp16, $4  }
0x3dc: {  	[hbm4b:s17+s3] =	stream.linear.scatter [tilespmem:s7], [sflag:$0x4], $0x80, $0x38;
	[tilespmem:$0x1DC00] =	vst v63  }
0x3dd: {  	s7 =	sadd.s32 $0x10F00, s16;
	s17 =	sadd.s32 $0x60, s6;
	s16 =	sadd.s32 $0x11300, s16  }
0x3de: {  	[hbm4b:s17+s3] =	stream.linear.scatter [tilespmem:s7], [sflag:$0x4], $0x80, $0x38;
	[tilespmem:$0x1DC00] =	vst v63  }
0x3df: {  	s17 =	sadd.s32 $0x70, s6;
	s6 =	sadd.s32 $0x400, s6;
	s7 =	smov.u32 s18  }
0x3e0: {  	[hbm4b:s17+s3] =	stream.linear.scatter [tilespmem:s16], [sflag:$0x4], $0x80, $0x38;
	[tilespmem:$0x1DC00] =	vst v63  }
0x3e1: {  	s7 =	sadd.s32 $0xF700, s4  }
0x3e2: {  	[hbm4b:s6+s3] =	stream.linear.scatter [tilespmem:s7], [sflag:$0x4], $0x80, $0x38;
	[tilespmem:$0x1DC00] =	vst v63  }
0x3e3: {  	s17 =	sadd.s32 $0xFB00, s4;
	s18 =	sadd.s32 $0x10, s6  }
0x3e4: {  	[hbm4b:s18+s3] =	stream.linear.scatter [tilespmem:s17], [sflag:$0x4], $0x80, $0x38;
	[tilespmem:$0x1DC00] =	vst v63  }
0x3e5: {  	s17 =	sadd.s32 $0xFF00, s4;
	s18 =	sadd.s32 $0x20, s6  }
0x3e6: {  	[hbm4b:s18+s3] =	stream.linear.scatter [tilespmem:s17], [sflag:$0x4], $0x80, $0x38;
	[tilespmem:$0x1DC00] =	vst v63  }
0x3e7: {  	s17 =	sadd.s32 $0x10300, s4;
	s18 =	sadd.s32 $0x30, s6  }
0x3e8: {  	[hbm4b:s18+s3] =	stream.linear.scatter [tilespmem:s17], [sflag:$0x4], $0x80, $0x38;
	[tilespmem:$0x1DC00] =	vst v63  }
0x3e9: {  	s17 =	sadd.s32 $0x10700, s4;
	s18 =	sadd.s32 $0x40, s6  }
0x3ea: {  	[hbm4b:s18+s3] =	stream.linear.scatter [tilespmem:s17], [sflag:$0x4], $0x80, $0x38;
	[tilespmem:$0x1DC00] =	vst v63  }
0x3eb: {  	s17 =	sadd.s32 $0x10B00, s4;
	s18 =	sadd.s32 $0x50, s6  }
0x3ec: {  	[hbm4b:s18+s3] =	stream.linear.scatter [tilespmem:s17], [sflag:$0x4], $0x80, $0x38;
	[tilespmem:$0x1DC00] =	vst v63  }
0x3ed: {  	s17 =	sadd.s32 $0x10F00, s4;
	s18 =	sadd.s32 $0x60, s6  }
0x3ee: {  	[hbm4b:s18+s3] =	stream.linear.scatter [tilespmem:s17], [sflag:$0x4], $0x80, $0x38;
	[tilespmem:$0x1DC00] =	vst v63  }
0x3ef: {  	s17 =	sadd.s32 $0x11300, s4;
	s18 =	sadd.s32 $0x70, s6  }
0x3f0: {  	[hbm4b:s18+s3] =	stream.linear.scatter [tilespmem:s17], [sflag:$0x4], $0x80, $0x38;
	[tilespmem:$0x1DC00] =	vst v63  }
0x3f1: {  	s4 =	sadd.s32 s1, s15;
	s6 =	simm.s32 $0xF780  }
0x3f2: {  	[hbm4b:s4+s3] =	stream.linear.scatter [tilespmem:s6], [sflag:$0x4], $0x80, $0x38;
	[tilespmem:$0x1DC00] =	vst v63  }
0x3f3: {  	s7 =	simm.s32 $0xFB80;
	s16 =	sadd.s32 $0x10, s4  }
0x3f4: {  	[hbm4b:s16+s3] =	stream.linear.scatter [tilespmem:s7], [sflag:$0x4], $0x80, $0x38;
	[tilespmem:$0x1DC00] =	vst v63  }
0x3f5: {  	s1 =	simm.s32 $0x2000;
	s17 =	simm.s32 $0xFF80;
	s18 =	sadd.s32 $0x20, s4  }
0x3f6: {  	[hbm4b:s18+s3] =	stream.linear.scatter [tilespmem:s17], [sflag:$0x4], $0x80, $0x38;
	[tilespmem:$0x1DC00] =	vst v63  }
0x3f7: {  	s6 =	simm.s32 $0x10000;
	s7 =	simm.s32 $0x10380;
	s16 =	sadd.s32 $0x30, s4  }
0x3f8: {  	[hbm4b:s16+s3] =	stream.linear.scatter [tilespmem:s7], [sflag:$0x4], $0x80, $0x38;
	[tilespmem:$0x1DC00] =	vst v63  }
0x3f9: {  	s17 =	simm.s32 $0x10780;
	s18 =	sadd.s32 $0x40, s4;
	s7 =	simm.s32 $0x10B80  }
0x3fa: {  	[hbm4b:s18+s3] =	stream.linear.scatter [tilespmem:s17], [sflag:$0x4], $0x80, $0x38;
	[tilespmem:$0x1DC00] =	vst v63  }
0x3fb: {  	s16 =	sadd.s32 $0x50, s4;
	s17 =	simm.s32 $0x10F80;
	s18 =	sadd.s32 $0x60, s4  }
0x3fc: {  	[hbm4b:s16+s3] =	stream.linear.scatter [tilespmem:s7], [sflag:$0x4], $0x80, $0x38;
	[tilespmem:$0x1DC00] =	vst v63  }
0x3fd: {  	s7 =	simm.s32 $0x11380;
	s16 =	sadd.s32 $0x70, s4;
	s4 =	sadd.s32 $0x400, s4  }
0x3fe: {  	[hbm4b:s18+s3] =	stream.linear.scatter [tilespmem:s17], [sflag:$0x4], $0x80, $0x38;
	[tilespmem:$0x1DC00] =	vst v63  }
.LBB2_33:
0x3ff: {  	[hbm4b:s16+s3] =	stream.linear.scatter [tilespmem:s7], [sflag:$0x4], $0x80, $0x38;
	[tilespmem:$0x1DC00] =	vst v63  }
0x400: {  	s7 =	smov.u32 s1;
	s1 =	smov.u32 s6  }
0x401: {  	s17 =	sadd.s32 $0x8000, s6;
	s1 =	sshra.s32 s1, $0x2;
	s16 =	sadd.s32 $0xF780, s7  }
0x402: {  	[hbm4b:s4+s3] =	stream.linear.scatter [tilespmem:s16], [sflag:$0x4], $0x80, $0x38;
	[tilespmem:$0x1DC00] =	vst v63  }
0x403: {  	p1 =	sne.s32 s6, $0x30000;
	s6 =	sadd.s32 $0xFB80, s7;
	s16 =	sadd.s32 $0x10, s4  }
0x404: {  	[hbm4b:s16+s3] =	stream.linear.scatter [tilespmem:s6], [sflag:$0x4], $0x80, $0x38;
	[tilespmem:$0x1DC00] =	vst v63  }
0x405: {  	s6 =	sadd.s32 $0xFF80, s7;
	s16 =	sadd.s32 $0x20, s4  }
0x406: {  	[hbm4b:s16+s3] =	stream.linear.scatter [tilespmem:s6], [sflag:$0x4], $0x80, $0x38;
	[tilespmem:$0x1DC00] =	vst v63  }
0x407: {  	s6 =	sadd.s32 $0x10380, s7;
	s16 =	sadd.s32 $0x30, s4  }
0x408: {  	[hbm4b:s16+s3] =	stream.linear.scatter [tilespmem:s6], [sflag:$0x4], $0x80, $0x38;
	[tilespmem:$0x1DC00] =	vst v63  }
0x409: {  	s6 =	sadd.s32 $0x10780, s7;
	s16 =	sadd.s32 $0x40, s4  }
0x40a: {  	[hbm4b:s16+s3] =	stream.linear.scatter [tilespmem:s6], [sflag:$0x4], $0x80, $0x38;
	[tilespmem:$0x1DC00] =	vst v63  }
.Ltmp17:
0x40b: {  	s6 =	sadd.s32 $0x10B80, s7;
	s16 =	sadd.s32 $0x50, s4;
	(pc) =	sbr.rel @p1 .LBB2_33-.Ltmp17, $4  }
0x40c: {  	[hbm4b:s16+s3] =	stream.linear.scatter [tilespmem:s6], [sflag:$0x4], $0x80, $0x38;
	[tilespmem:$0x1DC00] =	vst v63  }
0x40d: {  	s6 =	sadd.s32 $0x10F80, s7;
	s16 =	sadd.s32 $0x60, s4;
	s7 =	sadd.s32 $0x11380, s7  }
0x40e: {  	[hbm4b:s16+s3] =	stream.linear.scatter [tilespmem:s6], [sflag:$0x4], $0x80, $0x38;
	[tilespmem:$0x1DC00] =	vst v63  }
0x40f: {  	s16 =	sadd.s32 $0x70, s4;
	s4 =	sadd.s32 $0x400, s4;
	s6 =	smov.u32 s17  }
0x410: {  	[hbm4b:s16+s3] =	stream.linear.scatter [tilespmem:s7], [sflag:$0x4], $0x80, $0x38;
	[tilespmem:$0x1DC00] =	vst v63  }
0x411: {  	s6 =	sadd.s32 $0xF780, s1  }
0x412: {  	[hbm4b:s4+s3] =	stream.linear.scatter [tilespmem:s6], [sflag:$0x4], $0x80, $0x38;
	[tilespmem:$0x1DC00] =	vst v63  }
0x413: {  	s7 =	sadd.s32 $0xFB80, s1;
	s16 =	sadd.s32 $0x10, s4  }
0x414: {  	[hbm4b:s16+s3] =	stream.linear.scatter [tilespmem:s7], [sflag:$0x4], $0x80, $0x38;
	[tilespmem:$0x1DC00] =	vst v63  }
0x415: {  	s17 =	sadd.s32 $0xFF80, s1;
	s18 =	sadd.s32 $0x20, s4  }
0x416: {  	[hbm4b:s18+s3] =	stream.linear.scatter [tilespmem:s17], [sflag:$0x4], $0x80, $0x38;
	[tilespmem:$0x1DC00] =	vst v63  }
0x417: {  	s7 =	sadd.s32 $0x10380, s1;
	s16 =	sadd.s32 $0x30, s4  }
0x418: {  	[hbm4b:s16+s3] =	stream.linear.scatter [tilespmem:s7], [sflag:$0x4], $0x80, $0x38;
	[tilespmem:$0x1DC00] =	vst v63  }
0x419: {  	s17 =	sadd.s32 $0x10780, s1;
	s18 =	sadd.s32 $0x40, s4  }
0x41a: {  	[hbm4b:s18+s3] =	stream.linear.scatter [tilespmem:s17], [sflag:$0x4], $0x80, $0x38;
	[tilespmem:$0x1DC00] =	vst v63  }
0x41b: {  	s7 =	sadd.s32 $0x10B80, s1;
	s16 =	sadd.s32 $0x50, s4  }
0x41c: {  	[hbm4b:s16+s3] =	stream.linear.scatter [tilespmem:s7], [sflag:$0x4], $0x80, $0x38;
	[tilespmem:$0x1DC00] =	vst v63  }
0x41d: {  	s17 =	sadd.s32 $0x10F80, s1;
	s18 =	sadd.s32 $0x60, s4  }
0x41e: {  	[hbm4b:s18+s3] =	stream.linear.scatter [tilespmem:s17], [sflag:$0x4], $0x80, $0x38;
	[tilespmem:$0x1DC00] =	vst v63  }
0x41f: {  	s7 =	sadd.s32 $0x11380, s1;
	s16 =	sadd.s32 $0x70, s4;
	s17 =	sshll.u32 s31, $0x6  }
0x420: {  	[hbm4b:s16+s3] =	stream.linear.scatter [tilespmem:s7], [sflag:$0x4], $0x80, $0x38;
	[tilespmem:$0x1DC00] =	vst v63  }
0x421: {  	v8 =	vld [tilespmem:s17+$0x800]  }
0x422: {  	s18 =	sor.u32 $0x50, s17;
	v9 =	vld [tilespmem:s17+$0x0]  }
0x423: {  	v10 =	vld [tilespmem:s18+$0x800]  }
0x424: {  	s31 =	sor.u32 $0x60, s17;
	v11 =	vld [tilespmem:s18+$0x0]  }
0x425: {  	v12 =	vld [tilespmem:s31+$0x800]  }
0x426: {  	s1 =	sor.u32 $0x70, s17;
	v13 =	vld [tilespmem:s31+$0x0];
	vm0 =	veq.s32 v8, $0xFFFFFFFF  }
0x427: {  	v14 =	vld [tilespmem:s1+$0x800];
	vm1 =	vgt.s32 v9, $0x0;
	v8 =	vsel vm0, $0x0, v8  }
0x428: {  	v15 =	vld [tilespmem:s1+$0x0];
	vm13 =	veq.s32 v10, $0xFFFFFFFF;
	v9 =	vnsel vm1, $0x0, v9;
	v8 =	vadd.s32 v0, v8  }
0x429: {  	vm2 =	vgt.s32 v11, $0x0;
	v10 =	vsel vm13, $0x0, v10;
	v9 =	vmin.u32 v9, $0x3E7  }
0x42a: {  	vm14 =	veq.s32 v12, $0xFFFFFFFF;
	v11 =	vnsel vm2, $0x0, v11;
	v10 =	vadd.s32 v2, v10  }
0x42b: {  	vm3 =	vgt.s32 v13, $0x0;
	v12 =	vsel vm14, $0x0, v12;
	v11 =	vmin.u32 v11, $0x3E7  }
0x42c: {  	vm15 =	veq.s32 v14, $0xFFFFFFFF;
	v13 =	vnsel vm3, $0x0, v13;
	v12 =	vadd.s32 v3, v12  }
0x42d: {  	vm4 =	vgt.s32 v15, $0x0;
	v14 =	vsel vm15, $0x0, v14;
	v13 =	vmin.u32 v13, $0x3E7;
	v8 =	vld.idx.msk [tilespmem:v8+s25+$0x0], $0xffff  }
0x42e: {  	v15 =	vnsel vm4, $0x0, v15;
	v14 =	vadd.s32 v4, v14;
	v9 =	vld.idx.msk [tilespmem:v9+s21+$0x0], $0xffff  }
0x42f: {  	v15 =	vmin.u32 v15, $0x3E7;
	v10 =	vld.idx.msk [tilespmem:v10+s25+$0x0], $0xffff  }
0x430: {  	v11 =	vld.idx.msk [tilespmem:v11+s21+$0x0], $0xffff  }
0x431: {  	v12 =	vld.idx.msk [tilespmem:v12+s25+$0x0], $0xffff  }
0x432: {  	v13 =	vld.idx.msk [tilespmem:v13+s21+$0x0], $0xffff  }
0x433: {  	v57 =	vld.idx.msk [tilespmem:v14+s25+$0x0], $0xffff;
	v8 =	vsub.f32 v8, v9  }
0x434: {  	v58 =	vld.idx.msk [tilespmem:v15+s21+$0x0], $0xffff  }
0x435: {  	v59 =	vsel vm0, $0x0, v1;
	v10 =	vsub.f32 v10, v11;
	v8 =	vsel vm0, $0x0, v8  }
0x436: {  	v7 =	vadd.f32 v59, v7;
	v6 =	vadd.f32 v8, v6  }
0x437: {  	v60 =	vsel vm13, $0x0, v1;
	v61 =	vsub.f32 v12, v13;
	v8 =	vsel vm13, $0x0, v10  }
.Ltmp18:
0x438: {  	v7 =	vadd.f32 v60, v7;
	v6 =	vadd.f32 v8, v6;
	(pc) =	sbr.rel @p0 .LBB2_36-.Ltmp18, $4  }
0x439: {  	v62 =	vsel vm14, $0x0, v1;
	v9 =	vsub.f32 v57, v58;
	v8 =	vsel vm14, $0x0, v61  }
0x43a: {  	v6 =	vadd.f32 v8, v6;
	v8 =	vadd.f32 v62, v7  }
0x43b: {  	v63 =	vsel vm15, $0x0, v1;
	v7 =	vsel vm15, $0x0, v9  }
0x43c: {  	v7 =	vadd.f32 v7, v6;
	v6 =	vadd.f32 v63, v8  }
0x43d: {  	_ =	swait.ge [sflag:s30], $0x1C00  }
0x43e: {  	[sflag:s30] =	ssyncset.done $0x0  }
0x43f: {  	[sflag:s30] =	ssyncadd.s32 $0xFFFFE400  }
0x440: {  	_ =	swait.ge [sflag:s30], $0x1C00  }
0x441: {  	[sflag:s30] =	ssyncset.done $0x0  }
0x442: {  	[sflag:s30] =	ssyncadd.s32 $0xFFFFE400  }
0x443: {  	_ =	swait.ge [sflag:s30], $0x1C00  }
0x444: {  	[sflag:s30] =	ssyncset.done $0x0  }
0x445: {  	[sflag:s30] =	ssyncadd.s32 $0xFFFFE400  }
0x446: {  	_ =	swait.ge [sflag:s30], $0x1C00  }
0x447: {  	[sflag:s30] =	ssyncset.done $0x0  }
0x448: {  	[sflag:s30] =	ssyncadd.s32 $0xFFFFE400  }
0x449: {  	_ =	swait.ge [sflag:s30], $0x1C00  }
0x44a: {  	[sflag:s30] =	ssyncset.done $0x0  }
0x44b: {  	[sflag:s30] =	ssyncadd.s32 $0xFFFFE400  }
0x44c: {  	_ =	swait.ge [sflag:s30], $0x1C00  }
0x44d: {  	[sflag:s30] =	ssyncset.done $0x0  }
0x44e: {  	[sflag:s30] =	ssyncadd.s32 $0xFFFFE400  }
0x44f: {  	_ =	swait.ge [sflag:s30], $0x1C00  }
0x450: {  	[sflag:s30] =	ssyncset.done $0x0  }
.Ltmp19:
0x451: {  	[sflag:s30] =	ssyncadd.s32 $0xFFFFE400;
	(pc) =	sbr.rel .LBB2_2-.Ltmp19, $4  }
0x452: {  	_ =	swait.ge [sflag:s30], $0x1C00  }
0x453: {  	s1 =	sand.u32 $0x3FFFFF80, s24;
	[sflag:s30] =	ssyncset.done $0x0  }
0x454: {  	s20 =	sadd.s32 $0x1, s20;
	s1 =	sadd.s32 $0xC0, s1;
	[sflag:s30] =	ssyncadd.s32 $0xFFFFE400  }
0x455: {  	[tilespmem:s25], [sflag:$0x2] =	stream.indirect.gather [hbm4b:s2+s22], $0x400, s1, s22, $0xb8;
	[tilespmem:$0x1DC00] =	vst v63  }
.LBB2_37:
0x456: {  	_ =	sfence.sel $0x180000  }
0x457: {  	[bflag:$0x0] =	sbarrier.arrive $0xFFFF  }
0x458: {  	_ =	strace $0x90000047  }
0x459: {  	s0 =	stileid.u32;
	[bflag:$0x2] =	sbarrier.arrive $0xFFFF  }
0x45a: {  	p0 =	sne.s32 s0, $0x0;
	s0 =	rddreg [dreg:$0x2]  }
0x45b: {  	s0 =	sadd.s32 @!p0 $0x100000, s0  }
0x45c: {  	[sflag:s0] =	ssyncadd.tile.s32 @!p0 $0x1;
	_ =	shalt  }
.Lfunc_end2:
_tile_overlayer_lowered:
.L_overlay_start_2:
0x45d: {  	(tag) =	ssettag $0x2  }
0x45e: {  	s0 =	rddreg [dreg:$0x0];
	s2 =	stileid.u32  }
0x45f: {  	s1 =	rddreg [dreg:$0x1];
	p0 =	sne.s32 s2, $0x0  }
0x460: {  	s3 =	rddreg [dreg:$0x2];
	[bflag:$0x3] =	sbarrier.arrive $0xFFFF;
	s2 =	simm.s32 @!p0 $0x1C05  }
0x461: {  	[timem:s3], [sflag:s2] =	dma.local @!p0 [hbm:s0], s1  }
0x462: {  	s0 =	simm.s32 @!p0 $0x5  }
0x463: {  	_ =	swait.ge @!p0 [sflag:s0], s1  }
0x464: {  	s1 =	ssub.s32 @!p0 $0x0, s1;
	[sflag:s0] =	ssyncset.done @!p0 $0x0  }
0x465: {  	[sflag:s0] =	ssyncadd.s32 @!p0 s1  }
0x466: {  	[bflag:$0x3] =	sbarrier.arrive $0xFFFF  }
0x467: {  	_ =	shalt  }

// kernel: sparse-core-data-format-call.cloned.1.call-start
scs
called_computation_lowered:
.L_overlay_start_0:
0x0: {  	s2 =	sld [smem:$0x3FD9]  }
0x1: {  	s3 =	sld [smem:$0x3FFE];
	_ =	sdelay $0x1  }
0x2: {  	s1 =	srdreg.scid  }
0x3: {  	s0 =	sand.u32 $0x1, s1  }
0x4: {  	s15 =	sshll.u32 s0, $0xA;
	s2 =	sadd.s32 s3, s2  }
0x5: {  	s2 =	sadd.s32 s2, s15  }
0x6: {  	[smem:$0x3FC5] =	sst s2  }
0x7: {  	_ = 	snop  }
0x8: {  	s2 =	sld [smem:$0x3FD0];
	_ =	sdelay $0x2  }
0x9: {  	s16 =	simm.s32 $0xA;
	s4 =	simm.s32 $0x10  }
0xa: {  	[smem:s4], [sflag:s16] =	dma.local [hbm:s2], $0x1  }
0xb: {  	_ =	swait.eq [sflag:s16], $0x1  }
0xc: {  	[sflag:s16] =	ssyncset.done $0x0  }
0xd: {  	[sflag:s16] =	ssyncadd.s32 $0xFFFFFFFF  }
0xe: {  	s17 =	sld [smem:$0x10];
	(tm) =	ssettm $0x1  }
0xf: {  	s18 =	sld [smem:$0x3FFB];
	_ =	sdelay $0x3  }
0x10: {  	_ =	strace s18  }
0x11: {  	s3 =	sld [smem:$0x3FFC];
	_ =	sdelay $0x3  }
0x12: {  	_ =	strace s3  }
0x13: {  	s3 =	sld [smem:$0x3FFD];
	_ =	sdelay $0x3  }
0x14: {  	_ =	strace s3  }
0x15: {  	_ =	strace $0x8FFFFFFF  }
0x16: {  	s19 =	sld [smem:$0x3FDB];
	_ =	sdelay $0x1  }
0x17: {  	s20 =	simm.s32 $_scs_section_size  }
0x18: {  	s5 =	simm.s32 $_size__tile_overlayer_lowered;
	s6 =	simm.s32 $_tile_overlayer_lowered  }
0x19: {  	s23 =	simm.s32 $0x1BFF;
	s22 =	sshll.u32 s6, $0x1;
	s3 =	sadd.s32 s20, s19  }
0x1a: {  	s7 =	simm.s32 $0x0;
	s21 =	sshll.u32 s5, $0x1;
	s5 =	sadd.s32 s22, s3  }
0x1b: {  	[timem:s7], [sflag:s23] =	dma.local [hbm:s5], s21  }
0x1c: {  	_ =	swait.ge [sflag:s23], s21  }
0x1d: {  	s4 =	ssub.s32 $0x0, s21;
	[sflag:s23] =	ssyncset.done $0x0  }
0x1e: {  	[sflag:s23] =	ssyncadd.s32 s4;
	_ =	sdelay $0x1  }
0x1f: {  	s24 =	simm.s32 $0x1B8B  }
0x20: {  	_ =	swait.ge [sflag:s24], $0x1  }
0x21: {  	[sflag:s24] =	ssyncset.done $0x0  }
0x22: {  	s26 =	simm.s32 $0x1B8E;
	s25 =	sld [smem:$0x3FFE];
	[sflag:s24] =	ssyncadd.s32 $0xFFFFFFFF  }
0x23: {  	s27 =	simm.s32 $execute0_lowered;
	[smem:$0x3FD2] =	sst s26  }
0x24: {  	s5 =	sshll.u32 s27, $0x1;
	_ =	strace $0x80000049;
	[dreg:$0x1] =	wrdreg $0xFFFFFFFF  }
0x25: {  	s28 =	simm.s32 $_size_execute0_lowered;
	s3 =	sadd.s32 s3, s5;
	[dreg:$0x0] =	wrdreg $0x0  }
0x26: {  	s5 =	sshll.u32 s28, $0x1;
	[dreg:$0x2] =	wrdreg s3  }
0x27: {  	[dreg:$0x3] =	wrdreg s5  }
0x28: {  	[dreg:$0x4] =	wrdreg $0xC0  }
0x29: {  	_ =	task [dreg:s7], $0x5FFFF  }
0x2a: {  	[dreg:$0x1] =	wrdreg $0xFFFFFFFF  }
0x2b: {  	[dreg:$0x0] =	wrdreg $0x60  }
0x2c: {  	[dreg:$0x2] =	wrdreg s25  }
0x2d: {  	[dreg:$0x3] =	wrdreg s17  }
0x2e: {  	[dreg:$0x4] =	wrdreg $0x9  }
0x2f: {  	_ =	task.clear_ibuf [dreg:s7], $0x5FFFF;
	_ =	strace $0x90000049  }
0x30: {  	s29 =	simm.s32 $0x9;
	_ =	strace $0x8000004B  }
0x31: {  	_ =	swait.ge [sflag:s29], $0x1  }
0x32: {  	[sflag:s29] =	ssyncadd.s32 $0xFFFFFFFF  }
0x33: {  	_ =	strace $0x9000004B  }
0x34: {  	_ =	sfence  }
0x35: {  	s30 =	sld [smem:$0x0];
	_ =	sdelay $0x2  }
0x36: {  	s31 =	sshll.u32 s1, $0xD;
	s1 =	sshrl.u32 s1, $0x2  }
0x37: {  	s3 =	sand.u32 $0x4000, s31;
	s1 =	sadd.s32 s1, s30  }
0x38: {  	s0 =	sor.u32 s3, s0;
	s1 =	sshll.u32 s1, $0x11  }
0x39: {  	s0 =	sor.u32 s1, s0  }
0x3a: {  	s0 =	sadd.s32 $0x8F2B, s0  }
0x3b: {  	[sflag:s0] =	ssyncadd.remote.s32 $0x1  }
0x3c: {  	_ =	sfence.sel $0xFFFF  }
0x3d: {  	[dreg:$0x0] =	wrdreg $0xFFFFFFFF;
	(pc) =	sbr.abs _section_cstart, $3  }
0x3e: {  	[dreg:$0x1] =	wrdreg $0xFFFFFFFF  }
0x3f: {  	_ =	task.clear_ibuf [dreg:s7], $0x2FFFF;
	_ =	strace $0x9FFFFFFF  }
0x40: {  	(tm) =	ssettm $0x7FFFFFFF  }
0x41: {  	_ =	shalt  }
tec
execute0_lowered:
.L_overlay_start_1:
0x0: {  	(tag) =	ssettag $0x1  }
0x1: {  	s4 =	rddreg [dreg:$0x0]  }
0x2: {  	s0 =	stileid.u32;
	s2 =	rddreg [dreg:$0x1]  }
0x3: {  	s7 =	srdreg.scid;
	s31 =	simm.s32 $0x2;
	s17 =	simm.s32 $0x0  }
0x4: {  	s9 =	simm.s32 $0x2000;
	s19 =	simm.s32 $0x0;
	s18 =	simm.s32 $0x0  }
0x5: {  	s10 =	simm.s32 $0x0;
	s11 =	simm.s32 $0x0;
	s1 =	sshll.u32 s0, $0x7  }
0x6: {  	s12 =	simm.s32 $0x0;
	s14 =	simm.s32 $0x0;
	s3 =	sand.u32 $0x380, s1  }
0x7: {  	s16 =	simm.s32 $0x0;
	s4 =	sadd.s32 $0x7800, s4;
	s5 =	ssub.s32 $0x400, s3  }
0x8: {  	s8 =	sshll.u32 s0, $0x4;
	s7 =	sshll.u32 s7, $0x8;
	s6 =	sand.u32 $0x380, s5  }
0x9: {  	s1 =	rddreg [dreg:$0x2];
	p0 =	sne.s32 s6, $0x0;
	s6 =	simm.s32 $0x1  }
.Ltmp0:
0xa: {  	s5 =	sshrl.u32 s5, $0xA;
	s6 =	simm.s32 @!p0 $0x0;
	(pc) =	sbr.rel .LBB1_1-.Ltmp0, $4  }
0xb: {  	_ =	strace $0x8000004A;
	s7 =	sor.u32 s8, s7;
	s6 =	sadd.s32 s6, s5  }
0xc: {  	s7 =	sand.u32 $0x180, s7;
	s5 =	simm.s32 $0x1;
	s6 =	smul.u32 $0x64, s6  }
0xd: {  	s15 =	smov.u32 s3;
	s13 =	smov.u32 s7;
	[sflag:s5] =	ssyncpa.u1 $0x0  }
0xe: {  	p0 =	por $0x0, $0x0;
	[sflag:s31] =	ssyncpa.u1 $0x0;
	s8 =	sor.u32 $0x1, s6  }
.LBB1_4:
0xf: {  	s25 =	sshll.u32 s10, $0xA;
	s24 =	sshra.s32 s24, $0x2;
	s26 =	sshll.u32 s12, $0x3  }
0x10: {  	p1 =	sgt.s32 s11, $0x31;
	s27 =	smov.u32 s11;
	s28 =	sshra.s32 s11, $0x1F  }
0x11: {  	p2 =	sgt.s32 s12, $0x380;
	s31 =	sshra.s32 s12, $0x1F;
	s25 =	sand.u32 $0xFFFFE000, s25  }
0x12: {  	s26 =	sand.u32 $0xFFFFFC00, s26;
	s27 =	simm.s32 @!p1 $0x31;
	s28 =	sand.u32 s28, s11  }
0x13: {  	[tilespmem:s22+$0x2040 ss:$0x81] =	vst.msk $0xffff, v4;
	s23 =	sadd.s32 s24, s23;
	s29 =	sadd.s32 s26, s25;
	s25 =	ssub.s32 s27, s28  }
0x14: {  	[tilespmem:s22+$0x2850 ss:$0x81] =	vst.msk $0xffff, v3;
	s27 =	smov.u32 s12;
	s28 =	smov.u32 s10;
	s26 =	sand.u32 s31, s12  }
0x15: {  	[tilespmem:s22+$0x3060 ss:$0x81] =	vst.msk $0xffff, v2;
	s24 =	sshrl.u32 s29, $0xA;
	s30 =	sadd.s32 $0xFFFFFFCF, s25;
	s27 =	simm.s32 @!p2 $0x380  }
0x16: {  	v5 =	vld [tilespmem:s21+$0xFFFFFFD0];
	[tilespmem:s22+$0x0 ss:$0x81] =	vst.msk $0xffff, v1;
	p2 =	sgt.s32 s10, $0x368;
	s29 =	sshra.s32 s10, $0x1F;
	s22 =	ssub.s32 $0x32, s25  }
0x17: {  	v58 =	vld [tilespmem:s21+$0xFFFFFFE0];
	p1 =	sgt.s32 s30, $0x0;
	s28 =	simm.s32 @!p2 $0x368;
	s29 =	sand.u32 s29, s10  }
0x18: {  	v59 =	vld [tilespmem:s21+$0xFFFFFFF0];
	s26 =	ssub.s32 s27, s26;
	s27 =	smulhi.u32 $0x418938, s24;
	s28 =	ssub.s32 s28, s29  }
0x19: {  	v60 =	vld [tilespmem:s21+$0x0];
	s30 =	sadd.s32 $0xFFFFFC80, s26;
	s25 =	ssub.s32 $0x400, s26;
	s22 =	simm.s32 @p1 $0x0  }
0x1a: {  	v61 =	vld [tilespmem:s21+$0x10];
	[tilespmem:s23+$0x3870 ss:$0x81] =	vst.msk $0xffff, v0;
	s29 =	sand.u32 $0x78, s12;
	p2 =	sgt.s32 s30, $0x7F;
	s31 =	sadd.s32 $0xFFFFFC98, s28  }
0x1b: {  	v62 =	vld [tilespmem:s21+$0x20];
	[tilespmem:s23+$0x810 ss:$0x81] =	vst.msk $0xffff, v5;
	s27 =	smul.u32 $0x3E8, s27;
	s30 =	sshll.u32 s10, $0x7;
	s28 =	ssub.s32 $0x3E8, s28  }
0x1c: {  	v63 =	vld [tilespmem:s21+$0xFFFFFFC0];
	[tilespmem:s23+$0x1020 ss:$0x81] =	vst.msk $0xffff, v58;
	s25 =	simm.s32 @p2 $0x0;
	p1 =	sgt.s32 s31, $0x7F;
	s31 =	smul.u32 $0x1F400, s11  }
0x1d: {  	[tilespmem:s23+$0x1830 ss:$0x81] =	vst.msk $0xffff, v59;
	s21 =	sand.u32 $0x380, s30;
	s22 =	smul.u32 s25, s22;
	s28 =	simm.s32 @p1 $0x0  }
0x1e: {  	[tilespmem:s23+$0x2040 ss:$0x81] =	vst.msk $0xffff, v60;
	s21 =	sor.u32 s29, s21;
	s24 =	ssub.s32 s24, s27;
	s29 =	sand.u32 $0x7, s12  }
0x1f: {  	[tilespmem:s23+$0x2850 ss:$0x81] =	vst.msk $0xffff, v61;
	s21 =	sshrl.u32 s21, $0x3;
	s25 =	sadd.s32 s2, s31;
	s22 =	smul.u32 s28, s22  }
0x20: {  	[tilespmem:s23+$0x3060 ss:$0x81] =	vst.msk $0xffff, v62;
	s24 =	sshll.u32 s24, $0x7;
	s30 =	sshll.u32 s29, $0x12;
	s21 =	sadd.s32 s21, s25  }
0x21: {  	[tilespmem:s23+$0x0 ss:$0x81] =	vst.msk $0xffff, v63;
	s31 =	sor.u32 $0x400, s30;
	s21 =	sadd.s32 s24, s21;
	s22 =	sand.u32 $0x3FFFFFFF, s22  }
0x22: {  	[hbm4b:s21+s31] =	stream.strided.scatter [tilespmem:s20], [sflag:$0x2], s22, s9, s31, $0x20;
	[tilespmem:$0x10100] =	vst v63  }
.LBB1_5:
0x23: {  	p1 =	slt.u32 s16, $0x2  }
0x24: {  	p2 =	sgt.s32 @!p1 s19, $0x31  }
0x25: {  	s20 =	smov.u32 s19;
	s21 =	sshra.s32 @!p1 s19, $0x1F;
	p2 =	por !p2, p1  }
0x26: {  	s19 =	sand.u32 @!p1 s21, s19;
	s20 =	simm.s32 @p2 $0x31  }
0x27: {  	p3 =	sgt.s32 @!p1 s17, $0x368;
	s19 =	ssub.s32 @!p1 s20, s19  }
0x28: {  	p4 =	sgt.s32 @!p1 s18, $0x380;
	s22 =	sshra.s32 @!p1 s18, $0x1F;
	s20 =	sadd.s32 @!p1 $0xFFFFFFCF, s19  }
0x29: {  	s21 =	smov.u32 s17;
	p2 =	sgt.s32 @!p1 s20, $0x0;
	s20 =	sshra.s32 @!p1 s17, $0x1F  }
0x2a: {  	p4 =	por !p4, p1;
	s17 =	sand.u32 @!p1 s20, s17;
	s20 =	smov.u32 s18  }
0x2b: {  	p3 =	por !p3, p1;
	s18 =	sand.u32 @!p1 s22, s18;
	s20 =	simm.s32 @p4 $0x380  }
0x2c: {  	s21 =	simm.s32 @p3 $0x368;
	s19 =	ssub.s32 @!p1 $0x32, s19;
	s18 =	ssub.s32 @!p1 s20, s18  }
0x2d: {  	p2 =	por !p2, p1;
	s17 =	ssub.s32 @!p1 s21, s17;
	s21 =	sadd.s32 @!p1 $0xFFFFFC80, s18  }
0x2e: {  	s19 =	simm.s32 @!p2 $0x0;
	p3 =	sgt.s32 @!p1 s21, $0x7F  }
0x2f: {  	s20 =	sadd.s32 @!p1 $0xFFFFFC98, s17;
	s18 =	ssub.s32 @!p1 $0x400, s18;
	p3 =	por !p3, p1  }
0x30: {  	p2 =	sgt.s32 @!p1 s20, $0x7F;
	s20 =	sadd.s32 $0x200, s13;
	s18 =	simm.s32 @!p3 $0x0  }
0x31: {  	p3 =	sgt.s32 s20, $0x3E7;
	s18 =	smul.u32 @!p1 s18, s19;
	s19 =	simm.s32 $0x1  }
0x32: {  	s17 =	ssub.s32 @!p1 $0x3E8, s17;
	p2 =	por !p2, p1;
	s19 =	simm.s32 @!p3 $0x0  }
0x33: {  	s22 =	smov.u32 s15;
	s17 =	simm.s32 @!p2 $0x0;
	s21 =	sadd.s32 s19, s14  }
0x34: {  	s17 =	smul.u32 @!p1 s17, s18;
	s18 =	sadd.s32 $0x400, s15;
	p2 =	sgt.s32 s21, $0x31  }
0x35: {  	p0 =	por !p0, !p0;
	s23 =	simm.s32 @!p1 $0x2;
	s22 =	smov.u32 @p2 s18  }
0x36: {  	s20 =	smov.u32 @p3 s7;
	s21 =	simm.s32 @p2 $0x0;
	p2 =	sgt.s32 s22, $0x3FF  }
0x37: {  	s19 =	smov.u32 s11;
	s22 =	smov.u32 @p2 s3;
	p2 =	sne.s32 s16, s8  }
.Ltmp1:
0x38: {  	s11 =	smov.u32 s14;
	s17 =	sand.u32 @!p1 $0x3FFFFFFF, s17;
	(pc) =	sbr.rel @!p2 .LBB1_6-.Ltmp1, $4  }
0x39: {  	s18 =	smov.u32 s12;
	s12 =	smov.u32 s15;
	_ =	swait.ge @!p1 [sflag:s23], s17  }
0x3a: {  	s24 =	ssub.s32 @!p1 $0x0, s17;
	s17 =	smov.u32 s10;
	s10 =	smov.u32 s13  }
0x3b: {  	s13 =	smov.u32 s20;
	s14 =	smov.u32 s21;
	[sflag:s23] =	ssyncset.done @!p1 $0x0  }
0x3c: {  	s16 =	sadd.s32 $0x1, s16;
	[sflag:s23] =	ssyncadd.s32 @!p1 s24;
	s15 =	smov.u32 s22  }
.LBB1_1:
0x3d: {  	p1 =	sge.u32 s16, s6  }
0x3e: {  	s20 =	sshll.u32 @!p1 s14, $0xA  }
0x3f: {  	s21 =	sshll.u32 @!p1 s13, $0x3;
	s20 =	sand.u32 @!p1 $0xFFFFE000, s20  }
0x40: {  	s20 =	sadd.s32 @!p1 s20, s21  }
0x41: {  	s20 =	sshrl.u32 @!p1 s20, $0xA  }
0x42: {  	s21 =	smulhi.u32 @!p1 $0x4924925, s20  }
0x43: {  	s22 =	sshll.u32 @!p1 s14, $0x7;
	s24 =	smul.u32 @!p1 $0x1C00, s15  }
0x44: {  	s23 =	sand.u32 @!p1 $0x78, s13;
	s22 =	sand.u32 @!p1 $0x380, s22;
	s21 =	smul.u32 @!p1 $0x38, s21  }
0x45: {  	s31 =	sadd.s32 $0xFFFFFFFF, s16;
	s22 =	sor.u32 @!p1 s23, s22;
	s23 =	sadd.s32 @!p1 s4, s24  }
0x46: {  	s22 =	sshrl.u32 @!p1 s22, $0x3;
	s20 =	ssub.s32 @!p1 s20, s21;
	s21 =	sxor.u32 @!p1 $0xFFFFFFFF, s16  }
0x47: {  	s22 =	sadd.s32 @!p1 s22, s23;
	s23 =	sand.u32 @!p1 $0x7, s13;
	s21 =	sshll.u32 @!p1 s21, $0xE  }
0x48: {  	s23 =	sshll.u32 @!p1 s23, $0x12;
	s20 =	sshll.u32 @!p1 s20, $0x7;
	s21 =	sand.u32 @!p1 $0x4000, s21  }
0x49: {  	s20 =	sadd.s32 @!p1 s20, s22;
	s22 =	sor.u32 @!p1 $0x80, s23;
	s23 =	simm.s32 @!p1 $0xE000  }
0x4a: {  	[tilespmem:s21], [sflag:$0x1] =	stream.strided.gather @!p1 [hbm4b:s20+s22], $0x4000, s23, s22, $0x38;
	[tilespmem:$0x10100] =	vst v63  }
0x4b: {  	p1 =	sge.u32 s31, s6  }
.Ltmp2:
0x4c: {  	_ = 	snop;
	(pc) =	sbr.rel @p1 .LBB1_5-.Ltmp2, $1  }
0x4d: {  	_ =	sdelay $0x3  }
0x4e: {  	s20 =	simm.s32 $0x1  }
0x4f: {  	_ =	swait.ge [sflag:s5], $0x4000;
	s20 =	simm.s32 @!p0 $0x0  }
0x50: {  	[sflag:s5] =	ssyncset.done $0x0;
	s21 =	sshll.u32 s20, $0xE  }
0x51: {  	[sflag:s5] =	ssyncadd.s32 $0xFFFFC000;
	s21 =	sor.u32 $0x40, s21  }
0x52: {  	s20 =	smul.u32 $0x10200, s20;
	v0 =	vld [tilespmem:s21+$0x30]  }
0x53: {  	v1 =	vld [tilespmem:s21+$0xFFFFFFD0]  }
0x54: {  	s20 =	sshrl.u32 s20, $0x2;
	v5 =	vld [tilespmem:s21+$0xFFFFFFE0]  }
0x55: {  	v6 =	vld [tilespmem:s21+$0xFFFFFFF0];
	s23 =	sor.u32 $0x8000, s20  }
0x56: {  	s31 =	sand.u32 $0x1, s16;
	v4 =	vld [tilespmem:s21+$0x0];
	s22 =	sadd.s32 $0x0, s23  }
0x57: {  	v3 =	vld [tilespmem:s21+$0x10];
	s20 =	smul.u32 $0x10200, s31;
	[tilespmem:s22+$0x3870 ss:$0x81] =	vst.msk $0xffff, v0  }
0x58: {  	v2 =	vld [tilespmem:s21+$0x20];
	[tilespmem:s22+$0x810 ss:$0x81] =	vst.msk $0xffff, v1  }
0x59: {  	s20 =	sshrl.u32 s20, $0x2;
	v1 =	vld [tilespmem:s21+$0xFFFFFFC0];
	[tilespmem:s22+$0x1020 ss:$0x81] =	vst.msk $0xffff, v5;
	s21 =	sadd.s32 $0x80, s21  }
0x5a: {  	s24 =	simm.s32 $0x4;
	s25 =	simm.s32 $0x8;
	s20 =	sor.u32 $0x8000, s20;
	[tilespmem:s22+$0x1830 ss:$0x81] =	vst.msk $0xffff, v6;
	v0 =	vld [tilespmem:s21+$0x30]  }
.LBB1_3:
0x5b: {  	p1 =	sne.s32 s25, $0x1FC;
	v5 =	vld [tilespmem:s21+$0xFFFFFFD0];
	[tilespmem:s22+$0x2040 ss:$0x81] =	vst.msk $0xffff, v4  }
0x5c: {  	v6 =	vld [tilespmem:s21+$0xFFFFFFE0];
	[tilespmem:s22+$0x2850 ss:$0x81] =	vst.msk $0xffff, v3  }
0x5d: {  	s26 =	sshra.s32 s24, $0x2;
	s24 =	smov.u32 s25;
	v7 =	vld [tilespmem:s21+$0xFFFFFFF0];
	[tilespmem:s22+$0x3060 ss:$0x81] =	vst.msk $0xffff, v2  }
.Ltmp3:
0x5e: {  	v4 =	vld [tilespmem:s21+$0x0];
	[tilespmem:s22+$0x0 ss:$0x81] =	vst.msk $0xffff, v1;
	s22 =	sadd.s32 s26, s23;
	(pc) =	sbr.rel @p1 .LBB1_3-.Ltmp3, $4  }
0x5f: {  	v3 =	vld [tilespmem:s21+$0x10];
	[tilespmem:s22+$0x3870 ss:$0x81] =	vst.msk $0xffff, v0  }
0x60: {  	[tilespmem:s22+$0x810 ss:$0x81] =	vst.msk $0xffff, v5;
	v2 =	vld [tilespmem:s21+$0x20]  }
0x61: {  	v1 =	vld [tilespmem:s21+$0xFFFFFFC0];
	[tilespmem:s22+$0x1020 ss:$0x81] =	vst.msk $0xffff, v6;
	s21 =	sadd.s32 $0x80, s21  }
0x62: {  	s25 =	sadd.s32 $0x4, s25;
	v0 =	vld [tilespmem:s21+$0x30];
	[tilespmem:s22+$0x1830 ss:$0x81] =	vst.msk $0xffff, v7  }
.Ltmp4:
0x63: {  	_ = 	snop;
	(pc) =	sbr.rel .LBB1_4-.Ltmp4, $1  }
0x64: {  	_ =	sdelay $0x3  }
.LBB1_6:
0x65: {  	_ =	sfence.sel $0x180000  }
0x66: {  	s2 =	simm.s32 $0x1;
	[bflag:$0x0] =	sbarrier.arrive $0xFFFF  }
0x67: {  	s31 =	simm.s32 $0x2;
	[sflag:s2] =	ssyncpa.u1 $0x1  }
0x68: {  	[sflag:s31] =	ssyncpa.u1 $0x1  }
0x69: {  	p0 =	sne.s32 s0, $0x0;
	_ =	strace $0x9000004A  }
0x6a: {  	s0 =	sadd.s32 @!p0 $0x100000, s1;
	[bflag:$0x2] =	sbarrier.arrive $0xFFFF  }
0x6b: {  	[sflag:s0] =	ssyncadd.tile.s32 @!p0 $0x1;
	_ =	shalt  }
.Lfunc_end1:
_tile_overlayer_lowered:
.L_overlay_start_2:
0x6c: {  	(tag) =	ssettag $0x2  }
0x6d: {  	s0 =	rddreg [dreg:$0x0];
	s2 =	stileid.u32  }
0x6e: {  	s1 =	rddreg [dreg:$0x1];
	p0 =	sne.s32 s2, $0x0  }
0x6f: {  	s3 =	rddreg [dreg:$0x2];
	[bflag:$0x3] =	sbarrier.arrive $0xFFFF;
	s2 =	simm.s32 @!p0 $0x1C01  }
0x70: {  	[timem:s3], [sflag:s2] =	dma.local @!p0 [hbm:s0], s1  }
0x71: {  	s0 =	simm.s32 @!p0 $0x1  }
0x72: {  	_ =	swait.ge @!p0 [sflag:s0], s1  }
0x73: {  	s1 =	ssub.s32 @!p0 $0x0, s1;
	[sflag:s0] =	ssyncset.done @!p0 $0x0  }
0x74: {  	[sflag:s0] =	ssyncadd.s32 @!p0 s1  }
0x75: {  	[bflag:$0x3] =	sbarrier.arrive $0xFFFF  }
0x76: {  	_ =	shalt  }

</sc_bundles>
